<compile_context>
chip_gen: v7x
topology: tpu7x:2x2x1
jax: 0.10.2.dev20260603
libtpu: 0.0.44.dev20260713+nightly
codegen_flags: <defaults>
</compile_context>

<pallas_src>
import functools
import math

import jax
import jax.numpy as jnp
from jax import lax
from jax.experimental import pallas as pl
from jax.experimental.pallas import tpu as pltpu
from jax.experimental.pallas import tpu_sc as plsc

N = 10000
M = 5000
NNZ = 320000
F = 128
NCLASS = 40
NLAYER = 2

NC = 2
NS = 16
NW = NC * NS
BATCH = 128
NB = -(-NNZ // (NW * BATCH))
NNZ_PAD = NW * NB * BATCH
PAD = NNZ_PAD - NNZ

N_PAD = 10240
M_PAD = 5120
ME16 = M_PAD // NS
NV16 = N_PAD // NS

_mesh = plsc.VectorSubcoreMesh(core_axis_name="c", subcore_axis_name="s")


def _fill(ref, width, value):
    def row(r, carry):
        for k in range(width // 16):
            ref[r, pl.ds(k * 16, 16)] = jnp.full((16,), value, jnp.float32)
        return carry
    lax.fori_loop(0, BATCH, row, 0)


def _chunks(total):
    out, off = [], 0
    while off < total:
        sz = min(BATCH, total - off)
        out.append((off, sz))
        off += sz
    return out


DEPTH = 4


def _pipelined_gather_scatter(src_hbm, gix, six, acc_sh, rows, gsem, ssem):
    for r in range(DEPTH):
        pltpu.make_async_copy(src_hbm.at[gix.at[r]], rows[r], gsem[r]).start()

    def outer(g, carry):
        for r in range(DEPTH):
            b = g * DEPTH + r

            @pl.when(b < NB)
            def _():
                pltpu.make_async_copy(
                    src_hbm.at[gix.at[b]], rows[r], gsem[r]).wait()
                sc = pltpu.make_async_copy(
                    rows[r], acc_sh.at[six.at[b]], ssem[r])
                sc.start(add=True)
                sc.wait()

                @pl.when(b + DEPTH < NB)
                def _():
                    pltpu.make_async_copy(
                        src_hbm.at[gix.at[b + DEPTH]], rows[r], gsem[r]
                    ).start()
        return carry

    lax.fori_loop(0, -(-NB // DEPTH), outer, 0)


@functools.partial(
    pl.kernel,
    out_type=jax.ShapeDtypeStruct((NC, M_PAD, F), jnp.float32),
    mesh=_mesh,
    scratch_types=[
        pltpu.VMEM((NB, BATCH), jnp.int32),
        pltpu.VMEM((NB, BATCH), jnp.int32),
    ] + [pltpu.VMEM((BATCH, F), jnp.float32)] * DEPTH
      + [pltpu.SemaphoreType.DMA] * (2 * DEPTH)
      + [pltpu.VMEM_SHARED((M_PAD, F), jnp.float32)],
)
def _sc_phase1(h_hbm, vix_hbm, eix_hbm, xep_out, vix, eix, *rest):
    rows, rest = rest[:DEPTH], rest[DEPTH:]
    gsem, rest = rest[:DEPTH], rest[DEPTH:]
    ssem, (xe_sh,) = rest[:DEPTH], rest[DEPTH:]
    c = lax.axis_index("c")
    s = lax.axis_index("s")
    w = c * NS + s
    _fill(rows[0], F, 0.0)
    for off, sz in _chunks(ME16):
        pltpu.sync_copy(rows[0].at[pl.ds(0, sz), :],
                        xe_sh.at[pl.ds(s * ME16 + off, sz), :])
    pltpu.sync_copy(vix_hbm.at[w], vix)
    pltpu.sync_copy(eix_hbm.at[w], eix)
    plsc.subcore_barrier()
    _pipelined_gather_scatter(h_hbm, vix, eix, xe_sh, rows, gsem, ssem)
    plsc.subcore_barrier()
    for off, sz in _chunks(ME16):
        pltpu.sync_copy(xe_sh.at[pl.ds(s * ME16 + off, sz), :],
                        rows[0].at[pl.ds(0, sz), :])
        pltpu.sync_copy(rows[0].at[pl.ds(0, sz), :],
                        xep_out.at[c, pl.ds(s * ME16 + off, sz), :])


@functools.partial(
    pl.kernel,
    out_type=jax.ShapeDtypeStruct((NC, M_PAD, F), jnp.float32),
    mesh=_mesh,
    scratch_types=[
        pltpu.VMEM((NB, BATCH), jnp.int32),
        pltpu.VMEM((BATCH, F), jnp.float32),
        pltpu.VMEM_SHARED((M_PAD, F), jnp.float32),
    ],
)
def _sc_cnt(eix_hbm, cnt_out, eix, ones_v, cnt_sh):
    c = lax.axis_index("c")
    s = lax.axis_index("s")
    w = c * NS + s
    _fill(ones_v, F, 0.0)
    for off, sz in _chunks(ME16):
        pltpu.sync_copy(ones_v.at[pl.ds(0, sz), :],
                        cnt_sh.at[pl.ds(s * ME16 + off, sz), :])
    _fill(ones_v, F, 1.0)
    pltpu.sync_copy(eix_hbm.at[w], eix)
    plsc.subcore_barrier()

    def body(b, carry):
        pltpu.sync_copy(ones_v, cnt_sh.at[eix.at[b]], add=True)
        return carry

    lax.fori_loop(0, NB, body, 0)
    plsc.subcore_barrier()
    for off, sz in _chunks(ME16):
        pltpu.sync_copy(cnt_sh.at[pl.ds(s * ME16 + off, sz), :],
                        ones_v.at[pl.ds(0, sz), :])
        pltpu.sync_copy(ones_v.at[pl.ds(0, sz), :],
                        cnt_out.at[c, pl.ds(s * ME16 + off, sz), :])


@functools.partial(
    pl.kernel,
    out_type=jax.ShapeDtypeStruct((NC, N_PAD, F), jnp.float32),
    mesh=_mesh,
    scratch_types=[
        pltpu.VMEM((NB, BATCH), jnp.int32),
        pltpu.VMEM((NB, BATCH), jnp.int32),
        pltpu.VMEM((BATCH, F), jnp.float32),
        pltpu.SemaphoreType.DMA,
        pltpu.VMEM_SHARED((N_PAD, F), jnp.float32),
    ],
)
def _sc_phase2(xe_hbm, vix_hbm, eix_hbm, xvp_out, vix, eix, rows, sem, xv_sh):
    c = lax.axis_index("c")
    s = lax.axis_index("s")
    w = c * NS + s
    _fill(rows, F, 0.0)
    for off, sz in _chunks(NV16):
        pltpu.sync_copy(rows.at[pl.ds(0, sz), :],
                        xv_sh.at[pl.ds(s * NV16 + off, sz), :])
    pltpu.sync_copy(vix_hbm.at[w], vix)
    pltpu.sync_copy(eix_hbm.at[w], eix)
    plsc.subcore_barrier()

    def body(b, carry):
        pltpu.async_copy(xe_hbm.at[eix.at[b]], rows, sem).wait()
        pltpu.sync_copy(rows, xv_sh.at[vix.at[b]], add=True)
        return carry

    lax.fori_loop(0, NB, body, 0)
    plsc.subcore_barrier()
    for off, sz in _chunks(NV16):
        pltpu.sync_copy(xv_sh.at[pl.ds(s * NV16 + off, sz), :],
                        rows.at[pl.ds(0, sz), :])
        pltpu.sync_copy(rows.at[pl.ds(0, sz), :],
                        xvp_out.at[c, pl.ds(s * NV16 + off, sz), :])


RB = 512


def _init_body(x_ref, w_ref, b_ref, o_ref):
    o_ref[...] = jax.nn.relu(
        jnp.dot(x_ref[...], w_ref[...], preferred_element_type=jnp.float32)
        + b_ref[...])


_tc_init = pl.pallas_call(
    _init_body,
    grid=(N_PAD // RB,),
    in_specs=[pl.BlockSpec((RB, F), lambda i: (i, 0)),
              pl.BlockSpec((F, F), lambda i: (0, 0)),
              pl.BlockSpec((1, F), lambda i: (0, 0))],
    out_specs=pl.BlockSpec((RB, F), lambda i: (i, 0)),
    out_shape=jax.ShapeDtypeStruct((N_PAD, F), jnp.float32),
)


def _combine_body(p_ref, c_ref, de_ref, o_ref):
    p = p_ref[0] + p_ref[1]
    cnt = c_ref[0, :, 0:1] + c_ref[1, :, 0:1]
    o_ref[...] = p * (de_ref[...] / jnp.maximum(cnt, 1.0))


_tc_combine = pl.pallas_call(
    _combine_body,
    grid=(M_PAD // RB,),
    in_specs=[pl.BlockSpec((NC, RB, F), lambda i: (0, i, 0)),
              pl.BlockSpec((NC, RB, F), lambda i: (0, i, 0)),
              pl.BlockSpec((RB, 1), lambda i: (i, 0))],
    out_specs=pl.BlockSpec((RB, F), lambda i: (i, 0)),
    out_shape=jax.ShapeDtypeStruct((M_PAD, F), jnp.float32),
)


def _update_body(p_ref, x0_ref, dv_ref, w_ref, o_ref, *, beta):
    xv = (p_ref[0] + p_ref[1]) * dv_ref[...]
    xi = 0.9 * xv + 0.1 * x0_ref[...]
    o_ref[...] = jax.nn.relu(
        (1.0 - beta) * xi
        + beta * jnp.dot(xi, w_ref[...], preferred_element_type=jnp.float32))


def _tc_update(beta):
    return pl.pallas_call(
        functools.partial(_update_body, beta=beta),
        grid=(N_PAD // RB,),
        in_specs=[pl.BlockSpec((NC, RB, F), lambda i: (0, i, 0)),
                  pl.BlockSpec((RB, F), lambda i: (i, 0)),
                  pl.BlockSpec((RB, 1), lambda i: (i, 0)),
                  pl.BlockSpec((F, F), lambda i: (0, 0))],
        out_specs=pl.BlockSpec((RB, F), lambda i: (i, 0)),
        out_shape=jax.ShapeDtypeStruct((N_PAD, F), jnp.float32),
    )


RO = 400


def _final_body(h_ref, w_ref, b_ref, o_ref):
    z = (jnp.dot(h_ref[...], w_ref[...], preferred_element_type=jnp.float32)
         + b_ref[...])
    m = jnp.max(z, axis=1, keepdims=True)
    lse = jnp.log(jnp.sum(jnp.exp(z - m), axis=1, keepdims=True))
    o_ref[...] = z - m - lse


_tc_final = pl.pallas_call(
    _final_body,
    grid=(N // RO,),
    in_specs=[pl.BlockSpec((RO, F), lambda i: (i, 0)),
              pl.BlockSpec((F, NCLASS), lambda i: (0, 0)),
              pl.BlockSpec((1, NCLASS), lambda i: (0, 0))],
    out_specs=pl.BlockSpec((RO, NCLASS), lambda i: (i, 0)),
    out_shape=jax.ShapeDtypeStruct((N, NCLASS), jnp.float32),
)


def kernel(x, V, E, degV, degE, W0, b0, Wc, Wout, bout):
    V32 = V.astype(jnp.int32)
    E32 = E.astype(jnp.int32)
    vp = jnp.concatenate([V32, jnp.full((PAD,), N, jnp.int32)]).reshape(NW, NB, BATCH)
    ep = jnp.concatenate([E32, jnp.full((PAD,), M, jnp.int32)]).reshape(NW, NB, BATCH)
    xp = jnp.pad(x, ((0, N_PAD - N), (0, 0)))
    degVp = jnp.pad(degV.astype(jnp.float32), ((0, N_PAD - N), (0, 0)))
    degEp = jnp.pad(degE.astype(jnp.float32), ((0, M_PAD - M), (0, 0)))
    h = _tc_init(xp, W0, b0.reshape(1, F))
    x0 = h
    cntp = _sc_cnt(ep)
    for i in range(NLAYER):
        beta = math.log(0.5 / (i + 1) + 1.0)
        xep = _sc_phase1(h, vp, ep)
        xe = _tc_combine(xep, cntp, degEp)
        xvp = _sc_phase2(xe, vp, ep)
        h = _tc_update(beta)(xvp, x0, degVp, Wc[i])
    return _tc_final(h[:N], Wout, bout.reshape(1, NCLASS))

# --- scband reference (transcript-rebuilt; emitter-appended) ---
"""Pipeline reference for scband-uni-gcnii-4088808866004 (READ-ONLY COPY).

The authoritative reference and input builder live on the scoring server;
editing this copy changes nothing except your own understanding.
"""

import jax, jax.numpy as jnp
import numpy as np
import math

N = 10000       # nodes
M = 5000        # hyperedges
NNZ = 320000    # incidence nnz (|V| index pairs)
NFEAT = 128
NHID = 128      # nhid(64) * nhead(2)
NCLASS = 40
NLAYER = 2


def setup_inputs(seed: int = 0) -> dict:
    key = jax.random.key(seed)
    ks = jax.random.split(key, 10)
    x = jax.random.normal(ks[0], (N, NFEAT), dtype=jnp.float32)
    V = jax.random.randint(ks[1], (NNZ,), 0, N, dtype=jnp.int64)
    E = jnp.sort(jax.random.randint(ks[2], (NNZ,), 0, M, dtype=jnp.int64))
    # UniGNN degree buffers (args.degV, args.degE)
    dv = jax.ops.segment_sum(jnp.ones((NNZ,), jnp.float32), V, num_segments=N)
    cntE = jax.ops.segment_sum(jnp.ones((NNZ,), jnp.float32), E, num_segments=M)
    de = jax.ops.segment_sum(dv[V], E, num_segments=M) / jnp.maximum(cntE, 1.0)
    degV = dv ** -0.5
    degE = de ** -0.5
    degV = jnp.where(jnp.isinf(degV), 1.0, degV)[:, None]
    degE = jnp.where(jnp.isinf(degE), 1.0, degE)[:, None]
    # learned parameters
    s0 = 1.0 / math.sqrt(NFEAT)
    sh = 1.0 / math.sqrt(NHID)
    W0 = jax.random.uniform(ks[3], (NFEAT, NHID), jnp.float32, -s0, s0)
    b0 = jax.random.uniform(ks[4], (NHID,), jnp.float32, -s0, s0)
    Wc = jax.random.uniform(ks[5], (NLAYER, NHID, NHID), jnp.float32, -sh, sh)
    Wout = jax.random.uniform(ks[6], (NHID, NCLASS), jnp.float32, -sh, sh)
    bout = jax.random.uniform(ks[7], (NCLASS,), jnp.float32, -sh, sh)
    return {"x": x, "V": V, "E": E, "degV": degV, "degE": degE,
            "W0": W0, "b0": b0, "Wc": Wc, "Wout": Wout, "bout": bout}


def reference(x, V, E, degV, degE, W0, b0, Wc, Wout, bout):
    lamda, alpha = 0.5, 0.1
    cntE = jnp.maximum(
        jax.ops.segment_sum(jnp.ones((NNZ, 1), jnp.float32), E, num_segments=M), 1.0)
    # dropout layers are identity in eval mode
    h = jax.nn.relu(x @ W0 + b0)
    x0 = h
    for i in range(NLAYER):
        beta = math.log(lamda / (i + 1) + 1)
        Xve = h[V]                                              # gather [NNZ, NHID]
        Xe = jax.ops.segment_sum(Xve, E, num_segments=M) / cntE  # 'mean' first_aggregate
        Xe = Xe * degE
        Xev = Xe[E]                                             # gather [NNZ, NHID]
        Xv = jax.ops.segment_sum(Xev, V, num_segments=N)        # scatter-add
        Xv = Xv * degV
        Xi = (1 - alpha) * Xv + alpha * x0
        h = jax.nn.relu((1 - beta) * Xi + beta * (Xi @ Wc[i]))
    out = h @ Wout + bout
    return jax.nn.log_softmax(out, axis=1)

if __name__ == "__main__":
    import jax
    _d = setup_inputs()
    print(jax.jit(kernel)(*tuple(_d.values())))

</pallas_src>

<mosaic_0001>
#map = affine_map<(d0, d1) -> (0, 0)>
#map1 = affine_map<(d0, d1) -> (0, 0, 0)>
module attributes {stable_mosaic.version = 14 : i64} {
  func.func @_sc_phase1(%arg0: i32, %arg1: i32, %arg2: memref<10240x128xf32, #tpu.memory_space<hbm>>, %arg3: memref<32x79x128xi32, #tpu.memory_space<hbm>>, %arg4: memref<32x79x128xi32, #tpu.memory_space<hbm>>, %arg5: memref<2x5120x128xf32, #tpu.memory_space<hbm>>, %arg6: memref<79x128xi32, #tpu.memory_space<vmem>>, %arg7: memref<79x128xi32, #tpu.memory_space<vmem>>, %arg8: memref<128x128xf32, #tpu.memory_space<vmem>>, %arg9: memref<128x128xf32, #tpu.memory_space<vmem>>, %arg10: memref<128x128xf32, #tpu.memory_space<vmem>>, %arg11: memref<128x128xf32, #tpu.memory_space<vmem>>, %arg12: memref<!tpu.dma_semaphore, #tpu.memory_space<semaphore_mem>>, %arg13: memref<!tpu.dma_semaphore, #tpu.memory_space<semaphore_mem>>, %arg14: memref<!tpu.dma_semaphore, #tpu.memory_space<semaphore_mem>>, %arg15: memref<!tpu.dma_semaphore, #tpu.memory_space<semaphore_mem>>, %arg16: memref<!tpu.dma_semaphore, #tpu.memory_space<semaphore_mem>>, %arg17: memref<!tpu.dma_semaphore, #tpu.memory_space<semaphore_mem>>, %arg18: memref<!tpu.dma_semaphore, #tpu.memory_space<semaphore_mem>>, %arg19: memref<!tpu.dma_semaphore, #tpu.memory_space<semaphore_mem>>, %arg20: memref<5120x128xf32, #tpu.memory_space<vmem_shared>>) attributes {dimension_semantics = [#tpu.dimension_semantics<core_parallel>, #tpu.dimension_semantics<subcore_parallel>], iteration_bounds = array<i64: 2, 16>, scalar_prefetch = 0 : i64, scratch_operands = 15 : i64, tpu.core_type = #tpu.core_type<sc_vector_subcore>, window_params = [{transform_indices = #map}, {transform_indices = #map1}, {transform_indices = #map1}, {transform_indices = #map1}]} {
    %mul3A = arith.constant 16 : i32
    %mul3A_0 = arith.muli %arg0, %mul3A : i32
    %add3A = arith.addi %mul3A_0, %arg1 : i32
    %scan3A = arith.constant 0 : i32
    %scan3A_1 = arith.constant 0 : i32
    %scan3A_2 = arith.constant 128 : i32
    %scan3A_3 = arith.addi %scan3A_1, %scan3A_2 : i32
    %scan3A_4 = arith.constant 1 : i32
    scf.for %scan3A_76 = %scan3A_1 to %scan3A_3 step %scan3A_4  : i32 {
      %broadcast_in_dim3A = arith.constant 0.000000e+00 : f32
      %broadcast_in_dim3A_77 = vector.broadcast %broadcast_in_dim3A : f32 to vector<16xf32>
      %swap3A = arith.index_cast %scan3A_76 : i32 to index
      %swap3A_78 = arith.constant 0 : index
      %swap3A_79 = tpu.vector_load %arg8[%swap3A, %swap3A_78] {strides = array<i32>} : memref<128x128xf32, #tpu.memory_space<vmem>>, vector<1x16xf32>,
      %swap3A_80 = vector.shape_cast %swap3A_79 : vector<1x16xf32> to vector<16xf32>
      %swap3A_81 = vector.shape_cast %broadcast_in_dim3A_77 : vector<16xf32> to vector<1x16xf32>
      tpu.vector_store %arg8[%swap3A, %swap3A_78], %swap3A_81 {strides = array<i32>} : memref<128x128xf32, #tpu.memory_space<vmem>>, vector<1x16xf32>,
      %broadcast_in_dim3A_82 = arith.constant 0.000000e+00 : f32
      %broadcast_in_dim3A_83 = vector.broadcast %broadcast_in_dim3A_82 : f32 to vector<16xf32>
      %swap3A_84 = arith.index_cast %scan3A_76 : i32 to index
      %swap3A_85 = arith.constant 16 : index
      %swap3A_86 = tpu.vector_load %arg8[%swap3A_84, %swap3A_85] {strides = array<i32>} : memref<128x128xf32, #tpu.memory_space<vmem>>, vector<1x16xf32>,
      %swap3A_87 = vector.shape_cast %swap3A_86 : vector<1x16xf32> to vector<16xf32>
      %swap3A_88 = vector.shape_cast %broadcast_in_dim3A_83 : vector<16xf32> to vector<1x16xf32>
      tpu.vector_store %arg8[%swap3A_84, %swap3A_85], %swap3A_88 {strides = array<i32>} : memref<128x128xf32, #tpu.memory_space<vmem>>, vector<1x16xf32>,
      %broadcast_in_dim3A_89 = arith.constant 0.000000e+00 : f32
      %broadcast_in_dim3A_90 = vector.broadcast %broadcast_in_dim3A_89 : f32 to vector<16xf32>
      %swap3A_91 = arith.index_cast %scan3A_76 : i32 to index
      %swap3A_92 = arith.constant 32 : index
      %swap3A_93 = tpu.vector_load %arg8[%swap3A_91, %swap3A_92] {strides = array<i32>} : memref<128x128xf32, #tpu.memory_space<vmem>>, vector<1x16xf32>,
      %swap3A_94 = vector.shape_cast %swap3A_93 : vector<1x16xf32> to vector<16xf32>
      %swap3A_95 = vector.shape_cast %broadcast_in_dim3A_90 : vector<16xf32> to vector<1x16xf32>
      tpu.vector_store %arg8[%swap3A_91, %swap3A_92], %swap3A_95 {strides = array<i32>} : memref<128x128xf32, #tpu.memory_space<vmem>>, vector<1x16xf32>,
      %broadcast_in_dim3A_96 = arith.constant 0.000000e+00 : f32
      %broadcast_in_dim3A_97 = vector.broadcast %broadcast_in_dim3A_96 : f32 to vector<16xf32>
      %swap3A_98 = arith.index_cast %scan3A_76 : i32 to index
      %swap3A_99 = arith.constant 48 : index
      %swap3A_100 = tpu.vector_load %arg8[%swap3A_98, %swap3A_99] {strides = array<i32>} : memref<128x128xf32, #tpu.memory_space<vmem>>, vector<1x16xf32>,
      %swap3A_101 = vector.shape_cast %swap3A_100 : vector<1x16xf32> to vector<16xf32>
      %swap3A_102 = vector.shape_cast %broadcast_in_dim3A_97 : vector<16xf32> to vector<1x16xf32>
      tpu.vector_store %arg8[%swap3A_98, %swap3A_99], %swap3A_102 {strides = array<i32>} : memref<128x128xf32, #tpu.memory_space<vmem>>, vector<1x16xf32>,
      %broadcast_in_dim3A_103 = arith.constant 0.000000e+00 : f32
      %broadcast_in_dim3A_104 = vector.broadcast %broadcast_in_dim3A_103 : f32 to vector<16xf32>
      %swap3A_105 = arith.index_cast %scan3A_76 : i32 to index
      %swap3A_106 = arith.constant 64 : index
      %swap3A_107 = tpu.vector_load %arg8[%swap3A_105, %swap3A_106] {strides = array<i32>} : memref<128x128xf32, #tpu.memory_space<vmem>>, vector<1x16xf32>,
      %swap3A_108 = vector.shape_cast %swap3A_107 : vector<1x16xf32> to vector<16xf32>
      %swap3A_109 = vector.shape_cast %broadcast_in_dim3A_104 : vector<16xf32> to vector<1x16xf32>
      tpu.vector_store %arg8[%swap3A_105, %swap3A_106], %swap3A_109 {strides = array<i32>} : memref<128x128xf32, #tpu.memory_space<vmem>>, vector<1x16xf32>,
      %broadcast_in_dim3A_110 = arith.constant 0.000000e+00 : f32
      %broadcast_in_dim3A_111 = vector.broadcast %broadcast_in_dim3A_110 : f32 to vector<16xf32>
      %swap3A_112 = arith.index_cast %scan3A_76 : i32 to index
      %swap3A_113 = arith.constant 80 : index
      %swap3A_114 = tpu.vector_load %arg8[%swap3A_112, %swap3A_113] {strides = array<i32>} : memref<128x128xf32, #tpu.memory_space<vmem>>, vector<1x16xf32>,
      %swap3A_115 = vector.shape_cast %swap3A_114 : vector<1x16xf32> to vector<16xf32>
      %swap3A_116 = vector.shape_cast %broadcast_in_dim3A_111 : vector<16xf32> to vector<1x16xf32>
      tpu.vector_store %arg8[%swap3A_112, %swap3A_113], %swap3A_116 {strides = array<i32>} : memref<128x128xf32, #tpu.memory_space<vmem>>, vector<1x16xf32>,
      %broadcast_in_dim3A_117 = arith.constant 0.000000e+00 : f32
      %broadcast_in_dim3A_118 = vector.broadcast %broadcast_in_dim3A_117 : f32 to vector<16xf32>
      %swap3A_119 = arith.index_cast %scan3A_76 : i32 to index
      %swap3A_120 = arith.constant 96 : index
      %swap3A_121 = tpu.vector_load %arg8[%swap3A_119, %swap3A_120] {strides = array<i32>} : memref<128x128xf32, #tpu.memory_space<vmem>>, vector<1x16xf32>,
      %swap3A_122 = vector.shape_cast %swap3A_121 : vector<1x16xf32> to vector<16xf32>
      %swap3A_123 = vector.shape_cast %broadcast_in_dim3A_118 : vector<16xf32> to vector<1x16xf32>
      tpu.vector_store %arg8[%swap3A_119, %swap3A_120], %swap3A_123 {strides = array<i32>} : memref<128x128xf32, #tpu.memory_space<vmem>>, vector<1x16xf32>,
      %broadcast_in_dim3A_124 = arith.constant 0.000000e+00 : f32
      %broadcast_in_dim3A_125 = vector.broadcast %broadcast_in_dim3A_124 : f32 to vector<16xf32>
      %swap3A_126 = arith.index_cast %scan3A_76 : i32 to index
      %swap3A_127 = arith.constant 112 : index
      %swap3A_128 = tpu.vector_load %arg8[%swap3A_126, %swap3A_127] {strides = array<i32>} : memref<128x128xf32, #tpu.memory_space<vmem>>, vector<1x16xf32>,
      %swap3A_129 = vector.shape_cast %swap3A_128 : vector<1x16xf32> to vector<16xf32>
      %swap3A_130 = vector.shape_cast %broadcast_in_dim3A_125 : vector<16xf32> to vector<1x16xf32>
      tpu.vector_store %arg8[%swap3A_126, %swap3A_127], %swap3A_130 {strides = array<i32>} : memref<128x128xf32, #tpu.memory_space<vmem>>, vector<1x16xf32>,
    }
    %scan3A_5 = arith.constant 128 : i32
    %mul3A_6 = arith.constant 320 : i32
    %mul3A_7 = arith.muli %arg1, %mul3A_6 : i32
    %add3A_8 = arith.constant 0 : i32
    %add3A_9 = arith.addi %mul3A_7, %add3A_8 : i32
    "tpu.region"() ({
      %run_scoped3A = tpu.sem_alloc : memref<!tpu.dma_semaphore, #tpu.memory_space<semaphore_mem>>
      %dma_start3A_76 = arith.constant 0 : i32
      %dma_start3A_77 = arith.constant 0 : i32
      %dma_start3A_78 = tpu.memref_slice %arg8[%dma_start3A_76, %dma_start3A_77] : memref<128x128xf32, #tpu.memory_space<vmem>> -> memref<128x128xf32, #tpu.memory_space<vmem>>
      %dma_start3A_79 = arith.constant 0 : i32
      %dma_start3A_80 = tpu.memref_slice %arg20[%add3A_9, %dma_start3A_79] : memref<5120x128xf32, #tpu.memory_space<vmem_shared>> -> memref<128x128xf32, #tpu.memory_space<vmem_shared>>
      %dma_start3A_81 = arith.constant 0 : i32
      %dma_start3A_82 = tpu.memref_slice %arg20[%add3A_9, %dma_start3A_81] : memref<5120x128xf32, #tpu.memory_space<vmem_shared>> -> memref<128x128xf32, #tpu.memory_space<vmem_shared>>
      %dma_start3A_83 = arith.constant 0 : i32
      %dma_start3A_84 = arith.constant 0 : i32
      %dma_start3A_85 = tpu.memref_slice %arg8[%dma_start3A_83, %dma_start3A_84] : memref<128x128xf32, #tpu.memory_space<vmem>> -> memref<128x128xf32, #tpu.memory_space<vmem>>
      tpu.enqueue_dma source(%dma_start3A_85 : memref<128x128xf32, #tpu.memory_space<vmem>>) target(%dma_start3A_82 : memref<128x128xf32, #tpu.memory_space<vmem_shared>>) target_semaphore(%run_scoped3A : memref<!tpu.dma_semaphore, #tpu.memory_space<semaphore_mem>>)
      %dma_wait3A = arith.constant 0 : i32
      %dma_wait3A_86 = arith.constant 0 : i32
      %dma_wait3A_87 = tpu.memref_slice %arg8[%dma_wait3A, %dma_wait3A_86] : memref<128x128xf32, #tpu.memory_space<vmem>> -> memref<128x128xf32, #tpu.memory_space<vmem>>
      %dma_wait3A_88 = arith.constant 0 : i32
      %dma_wait3A_89 = tpu.memref_slice %arg20[%add3A_9, %dma_wait3A_88] : memref<5120x128xf32, #tpu.memory_space<vmem_shared>> -> memref<128x128xf32, #tpu.memory_space<vmem_shared>>
      %dma_wait3A_90 = arith.constant 0 : i32
      %dma_wait3A_91 = tpu.memref_slice %arg20[%add3A_9, %dma_wait3A_90] : memref<5120x128xf32, #tpu.memory_space<vmem_shared>> -> memref<128x128xf32, #tpu.memory_space<vmem_shared>>
      %dma_wait3A_92 = arith.constant 0 : i32
      %dma_wait3A_93 = arith.constant 0 : i32
      %dma_wait3A_94 = tpu.memref_slice %arg8[%dma_wait3A_92, %dma_wait3A_93] : memref<128x128xf32, #tpu.memory_space<vmem>> -> memref<128x128xf32, #tpu.memory_space<vmem>>
      tpu.wait_dma2 semaphore(%run_scoped3A : memref<!tpu.dma_semaphore, #tpu.memory_space<semaphore_mem>>) src(%dma_wait3A_94 : memref<128x128xf32, #tpu.memory_space<vmem>>) dst(%dma_wait3A_91 : memref<128x128xf32, #tpu.memory_space<vmem_shared>>)
      tpu.yield
    }) : () -> ()
    %mul3A_10 = arith.constant 320 : i32
    %mul3A_11 = arith.muli %arg1, %mul3A_10 : i32
    %add3A_12 = arith.constant 128 : i32
    %add3A_13 = arith.addi %mul3A_11, %add3A_12 : i32
    "tpu.region"() ({
      %run_scoped3A = tpu.sem_alloc : memref<!tpu.dma_semaphore, #tpu.memory_space<semaphore_mem>>
      %dma_start3A_76 = arith.constant 0 : i32
      %dma_start3A_77 = arith.constant 0 : i32
      %dma_start3A_78 = tpu.memref_slice %arg8[%dma_start3A_76, %dma_start3A_77] : memref<128x128xf32, #tpu.memory_space<vmem>> -> memref<128x128xf32, #tpu.memory_space<vmem>>
      %dma_start3A_79 = arith.constant 0 : i32
      %dma_start3A_80 = tpu.memref_slice %arg20[%add3A_13, %dma_start3A_79] : memref<5120x128xf32, #tpu.memory_space<vmem_shared>> -> memref<128x128xf32, #tpu.memory_space<vmem_shared>>
      %dma_start3A_81 = arith.constant 0 : i32
      %dma_start3A_82 = tpu.memref_slice %arg20[%add3A_13, %dma_start3A_81] : memref<5120x128xf32, #tpu.memory_space<vmem_shared>> -> memref<128x128xf32, #tpu.memory_space<vmem_shared>>
      %dma_start3A_83 = arith.constant 0 : i32
      %dma_start3A_84 = arith.constant 0 : i32
      %dma_start3A_85 = tpu.memref_slice %arg8[%dma_start3A_83, %dma_start3A_84] : memref<128x128xf32, #tpu.memory_space<vmem>> -> memref<128x128xf32, #tpu.memory_space<vmem>>
      tpu.enqueue_dma source(%dma_start3A_85 : memref<128x128xf32, #tpu.memory_space<vmem>>) target(%dma_start3A_82 : memref<128x128xf32, #tpu.memory_space<vmem_shared>>) target_semaphore(%run_scoped3A : memref<!tpu.dma_semaphore, #tpu.memory_space<semaphore_mem>>)
      %dma_wait3A = arith.constant 0 : i32
      %dma_wait3A_86 = arith.constant 0 : i32
      %dma_wait3A_87 = tpu.memref_slice %arg8[%dma_wait3A, %dma_wait3A_86] : memref<128x128xf32, #tpu.memory_space<vmem>> -> memref<128x128xf32, #tpu.memory_space<vmem>>
      %dma_wait3A_88 = arith.constant 0 : i32
      %dma_wait3A_89 = tpu.memref_slice %arg20[%add3A_13, %dma_wait3A_88] : memref<5120x128xf32, #tpu.memory_space<vmem_shared>> -> memref<128x128xf32, #tpu.memory_space<vmem_shared>>
      %dma_wait3A_90 = arith.constant 0 : i32
      %dma_wait3A_91 = tpu.memref_slice %arg20[%add3A_13, %dma_wait3A_90] : memref<5120x128xf32, #tpu.memory_space<vmem_shared>> -> memref<128x128xf32, #tpu.memory_space<vmem_shared>>
      %dma_wait3A_92 = arith.constant 0 : i32
      %dma_wait3A_93 = arith.constant 0 : i32
      %dma_wait3A_94 = tpu.memref_slice %arg8[%dma_wait3A_92, %dma_wait3A_93] : memref<128x128xf32, #tpu.memory_space<vmem>> -> memref<128x128xf32, #tpu.memory_space<vmem>>
      tpu.wait_dma2 semaphore(%run_scoped3A : memref<!tpu.dma_semaphore, #tpu.memory_space<semaphore_mem>>) src(%dma_wait3A_94 : memref<128x128xf32, #tpu.memory_space<vmem>>) dst(%dma_wait3A_91 : memref<128x128xf32, #tpu.memory_space<vmem_shared>>)
      tpu.yield
    }) : () -> ()
    %mul3A_14 = arith.constant 320 : i32
    %mul3A_15 = arith.muli %arg1, %mul3A_14 : i32
    %add3A_16 = arith.constant 256 : i32
    %add3A_17 = arith.addi %mul3A_15, %add3A_16 : i32
    "tpu.region"() ({
      %run_scoped3A = tpu.sem_alloc : memref<!tpu.dma_semaphore, #tpu.memory_space<semaphore_mem>>
      %dma_start3A_76 = arith.constant 0 : i32
      %dma_start3A_77 = arith.constant 0 : i32
      %dma_start3A_78 = tpu.memref_slice %arg8[%dma_start3A_76, %dma_start3A_77] : memref<128x128xf32, #tpu.memory_space<vmem>> -> memref<64x128xf32, #tpu.memory_space<vmem>>
      %dma_start3A_79 = arith.constant 0 : i32
      %dma_start3A_80 = tpu.memref_slice %arg20[%add3A_17, %dma_start3A_79] : memref<5120x128xf32, #tpu.memory_space<vmem_shared>> -> memref<64x128xf32, #tpu.memory_space<vmem_shared>>
      %dma_start3A_81 = arith.constant 0 : i32
      %dma_start3A_82 = tpu.memref_slice %arg20[%add3A_17, %dma_start3A_81] : memref<5120x128xf32, #tpu.memory_space<vmem_shared>> -> memref<64x128xf32, #tpu.memory_space<vmem_shared>>
      %dma_start3A_83 = arith.constant 0 : i32
      %dma_start3A_84 = arith.constant 0 : i32
      %dma_start3A_85 = tpu.memref_slice %arg8[%dma_start3A_83, %dma_start3A_84] : memref<128x128xf32, #tpu.memory_space<vmem>> -> memref<64x128xf32, #tpu.memory_space<vmem>>
      tpu.enqueue_dma source(%dma_start3A_85 : memref<64x128xf32, #tpu.memory_space<vmem>>) target(%dma_start3A_82 : memref<64x128xf32, #tpu.memory_space<vmem_shared>>) target_semaphore(%run_scoped3A : memref<!tpu.dma_semaphore, #tpu.memory_space<semaphore_mem>>)
      %dma_wait3A = arith.constant 0 : i32
      %dma_wait3A_86 = arith.constant 0 : i32
      %dma_wait3A_87 = tpu.memref_slice %arg8[%dma_wait3A, %dma_wait3A_86] : memref<128x128xf32, #tpu.memory_space<vmem>> -> memref<64x128xf32, #tpu.memory_space<vmem>>
      %dma_wait3A_88 = arith.constant 0 : i32
      %dma_wait3A_89 = tpu.memref_slice %arg20[%add3A_17, %dma_wait3A_88] : memref<5120x128xf32, #tpu.memory_space<vmem_shared>> -> memref<64x128xf32, #tpu.memory_space<vmem_shared>>
      %dma_wait3A_90 = arith.constant 0 : i32
      %dma_wait3A_91 = tpu.memref_slice %arg20[%add3A_17, %dma_wait3A_90] : memref<5120x128xf32, #tpu.memory_space<vmem_shared>> -> memref<64x128xf32, #tpu.memory_space<vmem_shared>>
      %dma_wait3A_92 = arith.constant 0 : i32
      %dma_wait3A_93 = arith.constant 0 : i32
      %dma_wait3A_94 = tpu.memref_slice %arg8[%dma_wait3A_92, %dma_wait3A_93] : memref<128x128xf32, #tpu.memory_space<vmem>> -> memref<64x128xf32, #tpu.memory_space<vmem>>
      tpu.wait_dma2 semaphore(%run_scoped3A : memref<!tpu.dma_semaphore, #tpu.memory_space<semaphore_mem>>) src(%dma_wait3A_94 : memref<64x128xf32, #tpu.memory_space<vmem>>) dst(%dma_wait3A_91 : memref<64x128xf32, #tpu.memory_space<vmem_shared>>)
      tpu.yield
    }) : () -> ()
    "tpu.region"() ({
      %run_scoped3A = tpu.sem_alloc : memref<!tpu.dma_semaphore, #tpu.memory_space<semaphore_mem>>
      %dma_start3A_76 = arith.constant 0 : i32
      %dma_start3A_77 = arith.constant 0 : i32
      %dma_start3A_78 = tpu.memref_slice %arg3[%add3A, %dma_start3A_76, %dma_start3A_77] : memref<32x79x128xi32, #tpu.memory_space<hbm>> -> memref<1x79x128xi32, #tpu.memory_space<hbm>>
      %dma_start3A_79 = tpu.memref_squeeze %dma_start3A_78 : memref<1x79x128xi32, #tpu.memory_space<hbm>> -> memref<79x128xi32, #tpu.memory_space<hbm>>
      %dma_start3A_80 = arith.constant 0 : i32
      %dma_start3A_81 = arith.constant 0 : i32
      %dma_start3A_82 = tpu.memref_slice %arg3[%add3A, %dma_start3A_80, %dma_start3A_81] : memref<32x79x128xi32, #tpu.memory_space<hbm>> -> memref<1x79x128xi32, #tpu.memory_space<hbm>>
      %dma_start3A_83 = tpu.memref_squeeze %dma_start3A_82 : memref<1x79x128xi32, #tpu.memory_space<hbm>> -> memref<79x128xi32, #tpu.memory_space<hbm>>
      tpu.enqueue_dma source(%dma_start3A_83 : memref<79x128xi32, #tpu.memory_space<hbm>>) target(%arg6 : memref<79x128xi32, #tpu.memory_space<vmem>>) target_semaphore(%run_scoped3A : memref<!tpu.dma_semaphore, #tpu.memory_space<semaphore_mem>>)
      %dma_wait3A = arith.constant 0 : i32
      %dma_wait3A_84 = arith.constant 0 : i32
      %dma_wait3A_85 = tpu.memref_slice %arg3[%add3A, %dma_wait3A, %dma_wait3A_84] : memref<32x79x128xi32, #tpu.memory_space<hbm>> -> memref<1x79x128xi32, #tpu.memory_space<hbm>>
      %dma_wait3A_86 = tpu.memref_squeeze %dma_wait3A_85 : memref<1x79x128xi32, #tpu.memory_space<hbm>> -> memref<79x128xi32, #tpu.memory_space<hbm>>
      %dma_wait3A_87 = arith.constant 0 : i32
      %dma_wait3A_88 = arith.constant 0 : i32
      %dma_wait3A_89 = tpu.memref_slice %arg3[%add3A, %dma_wait3A_87, %dma_wait3A_88] : memref<32x79x128xi32, #tpu.memory_space<hbm>> -> memref<1x79x128xi32, #tpu.memory_space<hbm>>
      %dma_wait3A_90 = tpu.memref_squeeze %dma_wait3A_89 : memref<1x79x128xi32, #tpu.memory_space<hbm>> -> memref<79x128xi32, #tpu.memory_space<hbm>>
      tpu.wait_dma2 semaphore(%run_scoped3A : memref<!tpu.dma_semaphore, #tpu.memory_space<semaphore_mem>>) src(%dma_wait3A_90 : memref<79x128xi32, #tpu.memory_space<hbm>>) dst(%arg6 : memref<79x128xi32, #tpu.memory_space<vmem>>)
      tpu.yield
    }) : () -> ()
    "tpu.region"() ({
      %run_scoped3A = tpu.sem_alloc : memref<!tpu.dma_semaphore, #tpu.memory_space<semaphore_mem>>
      %dma_start3A_76 = arith.constant 0 : i32
      %dma_start3A_77 = arith.constant 0 : i32
      %dma_start3A_78 = tpu.memref_slice %arg4[%add3A, %dma_start3A_76, %dma_start3A_77] : memref<32x79x128xi32, #tpu.memory_space<hbm>> -> memref<1x79x128xi32, #tpu.memory_space<hbm>>
      %dma_start3A_79 = tpu.memref_squeeze %dma_start3A_78 : memref<1x79x128xi32, #tpu.memory_space<hbm>> -> memref<79x128xi32, #tpu.memory_space<hbm>>
      %dma_start3A_80 = arith.constant 0 : i32
      %dma_start3A_81 = arith.constant 0 : i32
      %dma_start3A_82 = tpu.memref_slice %arg4[%add3A, %dma_start3A_80, %dma_start3A_81] : memref<32x79x128xi32, #tpu.memory_space<hbm>> -> memref<1x79x128xi32, #tpu.memory_space<hbm>>
      %dma_start3A_83 = tpu.memref_squeeze %dma_start3A_82 : memref<1x79x128xi32, #tpu.memory_space<hbm>> -> memref<79x128xi32, #tpu.memory_space<hbm>>
      tpu.enqueue_dma source(%dma_start3A_83 : memref<79x128xi32, #tpu.memory_space<hbm>>) target(%arg7 : memref<79x128xi32, #tpu.memory_space<vmem>>) target_semaphore(%run_scoped3A : memref<!tpu.dma_semaphore, #tpu.memory_space<semaphore_mem>>)
      %dma_wait3A = arith.constant 0 : i32
      %dma_wait3A_84 = arith.constant 0 : i32
      %dma_wait3A_85 = tpu.memref_slice %arg4[%add3A, %dma_wait3A, %dma_wait3A_84] : memref<32x79x128xi32, #tpu.memory_space<hbm>> -> memref<1x79x128xi32, #tpu.memory_space<hbm>>
      %dma_wait3A_86 = tpu.memref_squeeze %dma_wait3A_85 : memref<1x79x128xi32, #tpu.memory_space<hbm>> -> memref<79x128xi32, #tpu.memory_space<hbm>>
      %dma_wait3A_87 = arith.constant 0 : i32
      %dma_wait3A_88 = arith.constant 0 : i32
      %dma_wait3A_89 = tpu.memref_slice %arg4[%add3A, %dma_wait3A_87, %dma_wait3A_88] : memref<32x79x128xi32, #tpu.memory_space<hbm>> -> memref<1x79x128xi32, #tpu.memory_space<hbm>>
      %dma_wait3A_90 = tpu.memref_squeeze %dma_wait3A_89 : memref<1x79x128xi32, #tpu.memory_space<hbm>> -> memref<79x128xi32, #tpu.memory_space<hbm>>
      tpu.wait_dma2 semaphore(%run_scoped3A : memref<!tpu.dma_semaphore, #tpu.memory_space<semaphore_mem>>) src(%dma_wait3A_90 : memref<79x128xi32, #tpu.memory_space<hbm>>) dst(%arg7 : memref<79x128xi32, #tpu.memory_space<vmem>>)
      tpu.yield
    }) : () -> ()
    %barrier3A = arith.constant 0 : index
    tpu.barrier barrier_id(%barrier3A)
    %dma_start3A = arith.constant 0 : i32
    %dma_start3A_18 = arith.constant 0 : i32
    %dma_start3A_19 = tpu.memref_slice %arg6[%dma_start3A, %dma_start3A_18] : memref<79x128xi32, #tpu.memory_space<vmem>> -> memref<1x128xi32, #tpu.memory_space<vmem>>
    %dma_start3A_20 = tpu.memref_squeeze %dma_start3A_19 : memref<1x128xi32, #tpu.memory_space<vmem>> -> memref<128xi32, #tpu.memory_space<vmem>>
    %dma_start3A_21 = arith.constant 0 : i32
    %dma_start3A_22 = arith.constant 0 : i32
    %dma_start3A_23 = tpu.memref_slice %arg2[%dma_start3A_21, %dma_start3A_22] : memref<10240x128xf32, #tpu.memory_space<hbm>> -> memref<10240x128xf32, #tpu.memory_space<hbm>>
    tpu.enqueue_indirect_dma source(%dma_start3A_23 : memref<10240x128xf32, #tpu.memory_space<hbm>>) target(%arg8 : memref<128x128xf32, #tpu.memory_space<vmem>>) offsets(%dma_start3A_20 : memref<128xi32, #tpu.memory_space<vmem>>) semaphore(%arg12 : memref<!tpu.dma_semaphore, #tpu.memory_space<semaphore_mem>>)
    %dma_start3A_24 = arith.constant 1 : i32
    %dma_start3A_25 = arith.constant 0 : i32
    %dma_start3A_26 = tpu.memref_slice %arg6[%dma_start3A_24, %dma_start3A_25] : memref<79x128xi32, #tpu.memory_space<vmem>> -> memref<1x128xi32, #tpu.memory_space<vmem>>
    %dma_start3A_27 = tpu.memref_squeeze %dma_start3A_26 : memref<1x128xi32, #tpu.memory_space<vmem>> -> memref<128xi32, #tpu.memory_space<vmem>>
    %dma_start3A_28 = arith.constant 0 : i32
    %dma_start3A_29 = arith.constant 0 : i32
    %dma_start3A_30 = tpu.memref_slice %arg2[%dma_start3A_28, %dma_start3A_29] : memref<10240x128xf32, #tpu.memory_space<hbm>> -> memref<10240x128xf32, #tpu.memory_space<hbm>>
    tpu.enqueue_indirect_dma source(%dma_start3A_30 : memref<10240x128xf32, #tpu.memory_space<hbm>>) target(%arg9 : memref<128x128xf32, #tpu.memory_space<vmem>>) offsets(%dma_start3A_27 : memref<128xi32, #tpu.memory_space<vmem>>) semaphore(%arg13 : memref<!tpu.dma_semaphore, #tpu.memory_space<semaphore_mem>>)
    %dma_start3A_31 = arith.constant 2 : i32
    %dma_start3A_32 = arith.constant 0 : i32
    %dma_start3A_33 = tpu.memref_slice %arg6[%dma_start3A_31, %dma_start3A_32] : memref<79x128xi32, #tpu.memory_space<vmem>> -> memref<1x128xi32, #tpu.memory_space<vmem>>
    %dma_start3A_34 = tpu.memref_squeeze %dma_start3A_33 : memref<1x128xi32, #tpu.memory_space<vmem>> -> memref<128xi32, #tpu.memory_space<vmem>>
    %dma_start3A_35 = arith.constant 0 : i32
    %dma_start3A_36 = arith.constant 0 : i32
    %dma_start3A_37 = tpu.memref_slice %arg2[%dma_start3A_35, %dma_start3A_36] : memref<10240x128xf32, #tpu.memory_space<hbm>> -> memref<10240x128xf32, #tpu.memory_space<hbm>>
    tpu.enqueue_indirect_dma source(%dma_start3A_37 : memref<10240x128xf32, #tpu.memory_space<hbm>>) target(%arg10 : memref<128x128xf32, #tpu.memory_space<vmem>>) offsets(%dma_start3A_34 : memref<128xi32, #tpu.memory_space<vmem>>) semaphore(%arg14 : memref<!tpu.dma_semaphore, #tpu.memory_space<semaphore_mem>>)
    %dma_start3A_38 = arith.constant 3 : i32
    %dma_start3A_39 = arith.constant 0 : i32
    %dma_start3A_40 = tpu.memref_slice %arg6[%dma_start3A_38, %dma_start3A_39] : memref<79x128xi32, #tpu.memory_space<vmem>> -> memref<1x128xi32, #tpu.memory_space<vmem>>
    %dma_start3A_41 = tpu.memref_squeeze %dma_start3A_40 : memref<1x128xi32, #tpu.memory_space<vmem>> -> memref<128xi32, #tpu.memory_space<vmem>>
    %dma_start3A_42 = arith.constant 0 : i32
    %dma_start3A_43 = arith.constant 0 : i32
    %dma_start3A_44 = tpu.memref_slice %arg2[%dma_start3A_42, %dma_start3A_43] : memref<10240x128xf32, #tpu.memory_space<hbm>> -> memref<10240x128xf32, #tpu.memory_space<hbm>>
    tpu.enqueue_indirect_dma source(%dma_start3A_44 : memref<10240x128xf32, #tpu.memory_space<hbm>>) target(%arg11 : memref<128x128xf32, #tpu.memory_space<vmem>>) offsets(%dma_start3A_41 : memref<128xi32, #tpu.memory_space<vmem>>) semaphore(%arg15 : memref<!tpu.dma_semaphore, #tpu.memory_space<semaphore_mem>>)
    %scan3A_45 = arith.constant 0 : i32
    %scan3A_46 = arith.constant 0 : i32
    %scan3A_47 = arith.constant 20 : i32
    %scan3A_48 = arith.addi %scan3A_46, %scan3A_47 : i32
    %scan3A_49 = arith.constant 1 : i32
    scf.for %scan3A_76 = %scan3A_46 to %scan3A_48 step %scan3A_49  : i32 {
      %mul3A_77 = arith.constant 4 : i32
      %mul3A_78 = arith.muli %scan3A_76, %mul3A_77 : i32
      %add3A_79 = arith.constant 0 : i32
      %add3A_80 = arith.addi %mul3A_78, %add3A_79 : i32
      %lt3A = arith.constant 79 : i32
      %lt3A_81 = arith.cmpi slt, %add3A_80, %lt3A : i32
      %convert_element_type3A = arith.extui %lt3A_81 : i1 to i32
      %cond3A = arith.constant 0 : i32
      %cond3A_82 = arith.cmpi ne, %convert_element_type3A, %cond3A : i32
      scf.if %cond3A_82 {
        %dma_wait3A = arith.constant 0 : i32
        %dma_wait3A_110 = tpu.memref_slice %arg6[%add3A_80, %dma_wait3A] : memref<79x128xi32, #tpu.memory_space<vmem>> -> memref<1x128xi32, #tpu.memory_space<vmem>>
        %dma_wait3A_111 = tpu.memref_squeeze %dma_wait3A_110 : memref<1x128xi32, #tpu.memory_space<vmem>> -> memref<128xi32, #tpu.memory_space<vmem>>
        %dma_wait3A_112 = arith.constant 0 : i32
        %dma_wait3A_113 = arith.constant 0 : i32
        %dma_wait3A_114 = tpu.memref_slice %arg2[%dma_wait3A_112, %dma_wait3A_113] : memref<10240x128xf32, #tpu.memory_space<hbm>> -> memref<10240x128xf32, #tpu.memory_space<hbm>>
        tpu.wait_indirect_dma semaphore(%arg12 : memref<!tpu.dma_semaphore, #tpu.memory_space<semaphore_mem>>) src(%dma_wait3A_114 : memref<10240x128xf32, #tpu.memory_space<hbm>>) dst(%arg8 : memref<128x128xf32, #tpu.memory_space<vmem>>)
        %dma_start3A_115 = arith.constant 0 : i32
        %dma_start3A_116 = tpu.memref_slice %arg7[%add3A_80, %dma_start3A_115] : memref<79x128xi32, #tpu.memory_space<vmem>> -> memref<1x128xi32, #tpu.memory_space<vmem>>
        %dma_start3A_117 = tpu.memref_squeeze %dma_start3A_116 : memref<1x128xi32, #tpu.memory_space<vmem>> -> memref<128xi32, #tpu.memory_space<vmem>>
        %dma_start3A_118 = arith.constant 0 : i32
        %dma_start3A_119 = arith.constant 0 : i32
        %dma_start3A_120 = tpu.memref_slice %arg20[%dma_start3A_118, %dma_start3A_119] : memref<5120x128xf32, #tpu.memory_space<vmem_shared>> -> memref<5120x128xf32, #tpu.memory_space<vmem_shared>>
        tpu.enqueue_indirect_dma source(%arg8 : memref<128x128xf32, #tpu.memory_space<vmem>>) target(%dma_start3A_120 : memref<5120x128xf32, #tpu.memory_space<vmem_shared>>) offsets(%dma_start3A_117 : memref<128xi32, #tpu.memory_space<vmem>>) semaphore(%arg16 : memref<!tpu.dma_semaphore, #tpu.memory_space<semaphore_mem>>) {add = true}
        %dma_wait3A_121 = arith.constant 0 : i32
        %dma_wait3A_122 = tpu.memref_slice %arg7[%add3A_80, %dma_wait3A_121] : memref<79x128xi32, #tpu.memory_space<vmem>> -> memref<1x128xi32, #tpu.memory_space<vmem>>
        %dma_wait3A_123 = tpu.memref_squeeze %dma_wait3A_122 : memref<1x128xi32, #tpu.memory_space<vmem>> -> memref<128xi32, #tpu.memory_space<vmem>>
        %dma_wait3A_124 = arith.constant 0 : i32
        %dma_wait3A_125 = arith.constant 0 : i32
        %dma_wait3A_126 = tpu.memref_slice %arg20[%dma_wait3A_124, %dma_wait3A_125] : memref<5120x128xf32, #tpu.memory_space<vmem_shared>> -> memref<5120x128xf32, #tpu.memory_space<vmem_shared>>
        tpu.wait_indirect_dma semaphore(%arg16 : memref<!tpu.dma_semaphore, #tpu.memory_space<semaphore_mem>>) src(%arg8 : memref<128x128xf32, #tpu.memory_space<vmem>>) dst(%dma_wait3A_126 : memref<5120x128xf32, #tpu.memory_space<vmem_shared>>)
        %add3A_127 = arith.constant 4 : i32
        %add3A_128 = arith.addi %add3A_80, %add3A_127 : i32
        %lt3A_129 = arith.constant 79 : i32
        %lt3A_130 = arith.cmpi slt, %add3A_128, %lt3A_129 : i32
        %convert_element_type3A_131 = arith.extui %lt3A_130 : i1 to i32
        %cond3A_132 = arith.constant 0 : i32
        %cond3A_133 = arith.cmpi ne, %convert_element_type3A_131, %cond3A_132 : i32
        scf.if %cond3A_133 {
          %add3A_134 = arith.constant 4 : i32
          %add3A_135 = arith.addi %add3A_80, %add3A_134 : i32
          %dma_start3A_136 = arith.constant 0 : i32
          %dma_start3A_137 = tpu.memref_slice %arg6[%add3A_135, %dma_start3A_136] : memref<79x128xi32, #tpu.memory_space<vmem>> -> memref<1x128xi32, #tpu.memory_space<vmem>>
          %dma_start3A_138 = tpu.memref_squeeze %dma_start3A_137 : memref<1x128xi32, #tpu.memory_space<vmem>> -> memref<128xi32, #tpu.memory_space<vmem>>
          %dma_start3A_139 = arith.constant 0 : i32
          %dma_start3A_140 = arith.constant 0 : i32
          %dma_start3A_141 = tpu.memref_slice %arg2[%dma_start3A_139, %dma_start3A_140] : memref<10240x128xf32, #tpu.memory_space<hbm>> -> memref<10240x128xf32, #tpu.memory_space<hbm>>
          tpu.enqueue_indirect_dma source(%dma_start3A_141 : memref<10240x128xf32, #tpu.memory_space<hbm>>) target(%arg8 : memref<128x128xf32, #tpu.memory_space<vmem>>) offsets(%dma_start3A_138 : memref<128xi32, #tpu.memory_space<vmem>>) semaphore(%arg12 : memref<!tpu.dma_semaphore, #tpu.memory_space<semaphore_mem>>)
        } else {
        }
      } else {
      }
      %mul3A_83 = arith.constant 4 : i32
      %mul3A_84 = arith.muli %scan3A_76, %mul3A_83 : i32
      %add3A_85 = arith.constant 1 : i32
      %add3A_86 = arith.addi %mul3A_84, %add3A_85 : i32
      %lt3A_87 = arith.constant 79 : i32
      %lt3A_88 = arith.cmpi slt, %add3A_86, %lt3A_87 : i32
      %convert_element_type3A_89 = arith.extui %lt3A_88 : i1 to i32
      %cond3A_90 = arith.constant 0 : i32
      %cond3A_91 = arith.cmpi ne, %convert_element_type3A_89, %cond3A_90 : i32
      scf.if %cond3A_91 {
        %dma_wait3A = arith.constant 0 : i32
        %dma_wait3A_110 = tpu.memref_slice %arg6[%add3A_86, %dma_wait3A] : memref<79x128xi32, #tpu.memory_space<vmem>> -> memref<1x128xi32, #tpu.memory_space<vmem>>
        %dma_wait3A_111 = tpu.memref_squeeze %dma_wait3A_110 : memref<1x128xi32, #tpu.memory_space<vmem>> -> memref<128xi32, #tpu.memory_space<vmem>>
        %dma_wait3A_112 = arith.constant 0 : i32
        %dma_wait3A_113 = arith.constant 0 : i32
        %dma_wait3A_114 = tpu.memref_slice %arg2[%dma_wait3A_112, %dma_wait3A_113] : memref<10240x128xf32, #tpu.memory_space<hbm>> -> memref<10240x128xf32, #tpu.memory_space<hbm>>
        tpu.wait_indirect_dma semaphore(%arg13 : memref<!tpu.dma_semaphore, #tpu.memory_space<semaphore_mem>>) src(%dma_wait3A_114 : memref<10240x128xf32, #tpu.memory_space<hbm>>) dst(%arg9 : memref<128x128xf32, #tpu.memory_space<vmem>>)
        %dma_start3A_115 = arith.constant 0 : i32
        %dma_start3A_116 = tpu.memref_slice %arg7[%add3A_86, %dma_start3A_115] : memref<79x128xi32, #tpu.memory_space<vmem>> -> memref<1x128xi32, #tpu.memory_space<vmem>>
        %dma_start3A_117 = tpu.memref_squeeze %dma_start3A_116 : memref<1x128xi32, #tpu.memory_space<vmem>> -> memref<128xi32, #tpu.memory_space<vmem>>
        %dma_start3A_118 = arith.constant 0 : i32
        %dma_start3A_119 = arith.constant 0 : i32
        %dma_start3A_120 = tpu.memref_slice %arg20[%dma_start3A_118, %dma_start3A_119] : memref<5120x128xf32, #tpu.memory_space<vmem_shared>> -> memref<5120x128xf32, #tpu.memory_space<vmem_shared>>
        tpu.enqueue_indirect_dma source(%arg9 : memref<128x128xf32, #tpu.memory_space<vmem>>) target(%dma_start3A_120 : memref<5120x128xf32, #tpu.memory_space<vmem_shared>>) offsets(%dma_start3A_117 : memref<128xi32, #tpu.memory_space<vmem>>) semaphore(%arg17 : memref<!tpu.dma_semaphore, #tpu.memory_space<semaphore_mem>>) {add = true}
        %dma_wait3A_121 = arith.constant 0 : i32
        %dma_wait3A_122 = tpu.memref_slice %arg7[%add3A_86, %dma_wait3A_121] : memref<79x128xi32, #tpu.memory_space<vmem>> -> memref<1x128xi32, #tpu.memory_space<vmem>>
        %dma_wait3A_123 = tpu.memref_squeeze %dma_wait3A_122 : memref<1x128xi32, #tpu.memory_space<vmem>> -> memref<128xi32, #tpu.memory_space<vmem>>
        %dma_wait3A_124 = arith.constant 0 : i32
        %dma_wait3A_125 = arith.constant 0 : i32
        %dma_wait3A_126 = tpu.memref_slice %arg20[%dma_wait3A_124, %dma_wait3A_125] : memref<5120x128xf32, #tpu.memory_space<vmem_shared>> -> memref<5120x128xf32, #tpu.memory_space<vmem_shared>>
        tpu.wait_indirect_dma semaphore(%arg17 : memref<!tpu.dma_semaphore, #tpu.memory_space<semaphore_mem>>) src(%arg9 : memref<128x128xf32, #tpu.memory_space<vmem>>) dst(%dma_wait3A_126 : memref<5120x128xf32, #tpu.memory_space<vmem_shared>>)
        %add3A_127 = arith.constant 4 : i32
        %add3A_128 = arith.addi %add3A_86, %add3A_127 : i32
        %lt3A_129 = arith.constant 79 : i32
        %lt3A_130 = arith.cmpi slt, %add3A_128, %lt3A_129 : i32
        %convert_element_type3A_131 = arith.extui %lt3A_130 : i1 to i32
        %cond3A_132 = arith.constant 0 : i32
        %cond3A_133 = arith.cmpi ne, %convert_element_type3A_131, %cond3A_132 : i32
        scf.if %cond3A_133 {
          %add3A_134 = arith.constant 4 : i32
          %add3A_135 = arith.addi %add3A_86, %add3A_134 : i32
          %dma_start3A_136 = arith.constant 0 : i32
          %dma_start3A_137 = tpu.memref_slice %arg6[%add3A_135, %dma_start3A_136] : memref<79x128xi32, #tpu.memory_space<vmem>> -> memref<1x128xi32, #tpu.memory_space<vmem>>
          %dma_start3A_138 = tpu.memref_squeeze %dma_start3A_137 : memref<1x128xi32, #tpu.memory_space<vmem>> -> memref<128xi32, #tpu.memory_space<vmem>>
          %dma_start3A_139 = arith.constant 0 : i32
          %dma_start3A_140 = arith.constant 0 : i32
          %dma_start3A_141 = tpu.memref_slice %arg2[%dma_start3A_139, %dma_start3A_140] : memref<10240x128xf32, #tpu.memory_space<hbm>> -> memref<10240x128xf32, #tpu.memory_space<hbm>>
          tpu.enqueue_indirect_dma source(%dma_start3A_141 : memref<10240x128xf32, #tpu.memory_space<hbm>>) target(%arg9 : memref<128x128xf32, #tpu.memory_space<vmem>>) offsets(%dma_start3A_138 : memref<128xi32, #tpu.memory_space<vmem>>) semaphore(%arg13 : memref<!tpu.dma_semaphore, #tpu.memory_space<semaphore_mem>>)
        } else {
        }
      } else {
      }
      %mul3A_92 = arith.constant 4 : i32
      %mul3A_93 = arith.muli %scan3A_76, %mul3A_92 : i32
      %add3A_94 = arith.constant 2 : i32
      %add3A_95 = arith.addi %mul3A_93, %add3A_94 : i32
      %lt3A_96 = arith.constant 79 : i32
      %lt3A_97 = arith.cmpi slt, %add3A_95, %lt3A_96 : i32
      %convert_element_type3A_98 = arith.extui %lt3A_97 : i1 to i32
      %cond3A_99 = arith.constant 0 : i32
      %cond3A_100 = arith.cmpi ne, %convert_element_type3A_98, %cond3A_99 : i32
      scf.if %cond3A_100 {
        %dma_wait3A = arith.constant 0 : i32
        %dma_wait3A_110 = tpu.memref_slice %arg6[%add3A_95, %dma_wait3A] : memref<79x128xi32, #tpu.memory_space<vmem>> -> memref<1x128xi32, #tpu.memory_space<vmem>>
        %dma_wait3A_111 = tpu.memref_squeeze %dma_wait3A_110 : memref<1x128xi32, #tpu.memory_space<vmem>> -> memref<128xi32, #tpu.memory_space<vmem>>
        %dma_wait3A_112 = arith.constant 0 : i32
        %dma_wait3A_113 = arith.constant 0 : i32
        %dma_wait3A_114 = tpu.memref_slice %arg2[%dma_wait3A_112, %dma_wait3A_113] : memref<10240x128xf32, #tpu.memory_space<hbm>> -> memref<10240x128xf32, #tpu.memory_space<hbm>>
        tpu.wait_indirect_dma semaphore(%arg14 : memref<!tpu.dma_semaphore, #tpu.memory_space<semaphore_mem>>) src(%dma_wait3A_114 : memref<10240x128xf32, #tpu.memory_space<hbm>>) dst(%arg10 : memref<128x128xf32, #tpu.memory_space<vmem>>)
        %dma_start3A_115 = arith.constant 0 : i32
        %dma_start3A_116 = tpu.memref_slice %arg7[%add3A_95, %dma_start3A_115] : memref<79x128xi32, #tpu.memory_space<vmem>> -> memref<1x128xi32, #tpu.memory_space<vmem>>
        %dma_start3A_117 = tpu.memref_squeeze %dma_start3A_116 : memref<1x128xi32, #tpu.memory_space<vmem>> -> memref<128xi32, #tpu.memory_space<vmem>>
        %dma_start3A_118 = arith.constant 0 : i32
        %dma_start3A_119 = arith.constant 0 : i32
        %dma_start3A_120 = tpu.memref_slice %arg20[%dma_start3A_118, %dma_start3A_119] : memref<5120x128xf32, #tpu.memory_space<vmem_shared>> -> memref<5120x128xf32, #tpu.memory_space<vmem_shared>>
        tpu.enqueue_indirect_dma source(%arg10 : memref<128x128xf32, #tpu.memory_space<vmem>>) target(%dma_start3A_120 : memref<5120x128xf32, #tpu.memory_space<vmem_shared>>) offsets(%dma_start3A_117 : memref<128xi32, #tpu.memory_space<vmem>>) semaphore(%arg18 : memref<!tpu.dma_semaphore, #tpu.memory_space<semaphore_mem>>) {add = true}
        %dma_wait3A_121 = arith.constant 0 : i32
        %dma_wait3A_122 = tpu.memref_slice %arg7[%add3A_95, %dma_wait3A_121] : memref<79x128xi32, #tpu.memory_space<vmem>> -> memref<1x128xi32, #tpu.memory_space<vmem>>
        %dma_wait3A_123 = tpu.memref_squeeze %dma_wait3A_122 : memref<1x128xi32, #tpu.memory_space<vmem>> -> memref<128xi32, #tpu.memory_space<vmem>>
        %dma_wait3A_124 = arith.constant 0 : i32
        %dma_wait3A_125 = arith.constant 0 : i32
        %dma_wait3A_126 = tpu.memref_slice %arg20[%dma_wait3A_124, %dma_wait3A_125] : memref<5120x128xf32, #tpu.memory_space<vmem_shared>> -> memref<5120x128xf32, #tpu.memory_space<vmem_shared>>
        tpu.wait_indirect_dma semaphore(%arg18 : memref<!tpu.dma_semaphore, #tpu.memory_space<semaphore_mem>>) src(%arg10 : memref<128x128xf32, #tpu.memory_space<vmem>>) dst(%dma_wait3A_126 : memref<5120x128xf32, #tpu.memory_space<vmem_shared>>)
        %add3A_127 = arith.constant 4 : i32
        %add3A_128 = arith.addi %add3A_95, %add3A_127 : i32
        %lt3A_129 = arith.constant 79 : i32
        %lt3A_130 = arith.cmpi slt, %add3A_128, %lt3A_129 : i32
        %convert_element_type3A_131 = arith.extui %lt3A_130 : i1 to i32
        %cond3A_132 = arith.constant 0 : i32
        %cond3A_133 = arith.cmpi ne, %convert_element_type3A_131, %cond3A_132 : i32
        scf.if %cond3A_133 {
          %add3A_134 = arith.constant 4 : i32
          %add3A_135 = arith.addi %add3A_95, %add3A_134 : i32
          %dma_start3A_136 = arith.constant 0 : i32
          %dma_start3A_137 = tpu.memref_slice %arg6[%add3A_135, %dma_start3A_136] : memref<79x128xi32, #tpu.memory_space<vmem>> -> memref<1x128xi32, #tpu.memory_space<vmem>>
          %dma_start3A_138 = tpu.memref_squeeze %dma_start3A_137 : memref<1x128xi32, #tpu.memory_space<vmem>> -> memref<128xi32, #tpu.memory_space<vmem>>
          %dma_start3A_139 = arith.constant 0 : i32
          %dma_start3A_140 = arith.constant 0 : i32
          %dma_start3A_141 = tpu.memref_slice %arg2[%dma_start3A_139, %dma_start3A_140] : memref<10240x128xf32, #tpu.memory_space<hbm>> -> memref<10240x128xf32, #tpu.memory_space<hbm>>
          tpu.enqueue_indirect_dma source(%dma_start3A_141 : memref<10240x128xf32, #tpu.memory_space<hbm>>) target(%arg10 : memref<128x128xf32, #tpu.memory_space<vmem>>) offsets(%dma_start3A_138 : memref<128xi32, #tpu.memory_space<vmem>>) semaphore(%arg14 : memref<!tpu.dma_semaphore, #tpu.memory_space<semaphore_mem>>)
        } else {
        }
      } else {
      }
      %mul3A_101 = arith.constant 4 : i32
      %mul3A_102 = arith.muli %scan3A_76, %mul3A_101 : i32
      %add3A_103 = arith.constant 3 : i32
      %add3A_104 = arith.addi %mul3A_102, %add3A_103 : i32
      %lt3A_105 = arith.constant 79 : i32
      %lt3A_106 = arith.cmpi slt, %add3A_104, %lt3A_105 : i32
      %convert_element_type3A_107 = arith.extui %lt3A_106 : i1 to i32
      %cond3A_108 = arith.constant 0 : i32
      %cond3A_109 = arith.cmpi ne, %convert_element_type3A_107, %cond3A_108 : i32
      scf.if %cond3A_109 {
        %dma_wait3A = arith.constant 0 : i32
        %dma_wait3A_110 = tpu.memref_slice %arg6[%add3A_104, %dma_wait3A] : memref<79x128xi32, #tpu.memory_space<vmem>> -> memref<1x128xi32, #tpu.memory_space<vmem>>
        %dma_wait3A_111 = tpu.memref_squeeze %dma_wait3A_110 : memref<1x128xi32, #tpu.memory_space<vmem>> -> memref<128xi32, #tpu.memory_space<vmem>>
        %dma_wait3A_112 = arith.constant 0 : i32
        %dma_wait3A_113 = arith.constant 0 : i32
        %dma_wait3A_114 = tpu.memref_slice %arg2[%dma_wait3A_112, %dma_wait3A_113] : memref<10240x128xf32, #tpu.memory_space<hbm>> -> memref<10240x128xf32, #tpu.memory_space<hbm>>
        tpu.wait_indirect_dma semaphore(%arg15 : memref<!tpu.dma_semaphore, #tpu.memory_space<semaphore_mem>>) src(%dma_wait3A_114 : memref<10240x128xf32, #tpu.memory_space<hbm>>) dst(%arg11 : memref<128x128xf32, #tpu.memory_space<vmem>>)
        %dma_start3A_115 = arith.constant 0 : i32
        %dma_start3A_116 = tpu.memref_slice %arg7[%add3A_104, %dma_start3A_115] : memref<79x128xi32, #tpu.memory_space<vmem>> -> memref<1x128xi32, #tpu.memory_space<vmem>>
        %dma_start3A_117 = tpu.memref_squeeze %dma_start3A_116 : memref<1x128xi32, #tpu.memory_space<vmem>> -> memref<128xi32, #tpu.memory_space<vmem>>
        %dma_start3A_118 = arith.constant 0 : i32
        %dma_start3A_119 = arith.constant 0 : i32
        %dma_start3A_120 = tpu.memref_slice %arg20[%dma_start3A_118, %dma_start3A_119] : memref<5120x128xf32, #tpu.memory_space<vmem_shared>> -> memref<5120x128xf32, #tpu.memory_space<vmem_shared>>
        tpu.enqueue_indirect_dma source(%arg11 : memref<128x128xf32, #tpu.memory_space<vmem>>) target(%dma_start3A_120 : memref<5120x128xf32, #tpu.memory_space<vmem_shared>>) offsets(%dma_start3A_117 : memref<128xi32, #tpu.memory_space<vmem>>) semaphore(%arg19 : memref<!tpu.dma_semaphore, #tpu.memory_space<semaphore_mem>>) {add = true}
        %dma_wait3A_121 = arith.constant 0 : i32
        %dma_wait3A_122 = tpu.memref_slice %arg7[%add3A_104, %dma_wait3A_121] : memref<79x128xi32, #tpu.memory_space<vmem>> -> memref<1x128xi32, #tpu.memory_space<vmem>>
        %dma_wait3A_123 = tpu.memref_squeeze %dma_wait3A_122 : memref<1x128xi32, #tpu.memory_space<vmem>> -> memref<128xi32, #tpu.memory_space<vmem>>
        %dma_wait3A_124 = arith.constant 0 : i32
        %dma_wait3A_125 = arith.constant 0 : i32
        %dma_wait3A_126 = tpu.memref_slice %arg20[%dma_wait3A_124, %dma_wait3A_125] : memref<5120x128xf32, #tpu.memory_space<vmem_shared>> -> memref<5120x128xf32, #tpu.memory_space<vmem_shared>>
        tpu.wait_indirect_dma semaphore(%arg19 : memref<!tpu.dma_semaphore, #tpu.memory_space<semaphore_mem>>) src(%arg11 : memref<128x128xf32, #tpu.memory_space<vmem>>) dst(%dma_wait3A_126 : memref<5120x128xf32, #tpu.memory_space<vmem_shared>>)
        %add3A_127 = arith.constant 4 : i32
        %add3A_128 = arith.addi %add3A_104, %add3A_127 : i32
        %lt3A_129 = arith.constant 79 : i32
        %lt3A_130 = arith.cmpi slt, %add3A_128, %lt3A_129 : i32
        %convert_element_type3A_131 = arith.extui %lt3A_130 : i1 to i32
        %cond3A_132 = arith.constant 0 : i32
        %cond3A_133 = arith.cmpi ne, %convert_element_type3A_131, %cond3A_132 : i32
        scf.if %cond3A_133 {
          %add3A_134 = arith.constant 4 : i32
          %add3A_135 = arith.addi %add3A_104, %add3A_134 : i32
          %dma_start3A_136 = arith.constant 0 : i32
          %dma_start3A_137 = tpu.memref_slice %arg6[%add3A_135, %dma_start3A_136] : memref<79x128xi32, #tpu.memory_space<vmem>> -> memref<1x128xi32, #tpu.memory_space<vmem>>
          %dma_start3A_138 = tpu.memref_squeeze %dma_start3A_137 : memref<1x128xi32, #tpu.memory_space<vmem>> -> memref<128xi32, #tpu.memory_space<vmem>>
          %dma_start3A_139 = arith.constant 0 : i32
          %dma_start3A_140 = arith.constant 0 : i32
          %dma_start3A_141 = tpu.memref_slice %arg2[%dma_start3A_139, %dma_start3A_140] : memref<10240x128xf32, #tpu.memory_space<hbm>> -> memref<10240x128xf32, #tpu.memory_space<hbm>>
          tpu.enqueue_indirect_dma source(%dma_start3A_141 : memref<10240x128xf32, #tpu.memory_space<hbm>>) target(%arg11 : memref<128x128xf32, #tpu.memory_space<vmem>>) offsets(%dma_start3A_138 : memref<128xi32, #tpu.memory_space<vmem>>) semaphore(%arg15 : memref<!tpu.dma_semaphore, #tpu.memory_space<semaphore_mem>>)
        } else {
        }
      } else {
      }
    }
    %scan3A_50 = arith.constant 20 : i32
    %barrier3A_51 = arith.constant 0 : index
    tpu.barrier barrier_id(%barrier3A_51)
    %mul3A_52 = arith.constant 320 : i32
    %mul3A_53 = arith.muli %arg1, %mul3A_52 : i32
    %add3A_54 = arith.constant 0 : i32
    %add3A_55 = arith.addi %mul3A_53, %add3A_54 : i32
    "tpu.region"() ({
      %run_scoped3A = tpu.sem_alloc : memref<!tpu.dma_semaphore, #tpu.memory_space<semaphore_mem>>
      %dma_start3A_76 = arith.constant 0 : i32
      %dma_start3A_77 = arith.constant 0 : i32
      %dma_start3A_78 = tpu.memref_slice %arg8[%dma_start3A_76, %dma_start3A_77] : memref<128x128xf32, #tpu.memory_space<vmem>> -> memref<128x128xf32, #tpu.memory_space<vmem>>
      %dma_start3A_79 = arith.constant 0 : i32
      %dma_start3A_80 = tpu.memref_slice %arg20[%add3A_55, %dma_start3A_79] : memref<5120x128xf32, #tpu.memory_space<vmem_shared>> -> memref<128x128xf32, #tpu.memory_space<vmem_shared>>
      %dma_start3A_81 = arith.constant 0 : i32
      %dma_start3A_82 = arith.constant 0 : i32
      %dma_start3A_83 = tpu.memref_slice %arg8[%dma_start3A_81, %dma_start3A_82] : memref<128x128xf32, #tpu.memory_space<vmem>> -> memref<128x128xf32, #tpu.memory_space<vmem>>
      %dma_start3A_84 = arith.constant 0 : i32
      %dma_start3A_85 = tpu.memref_slice %arg20[%add3A_55, %dma_start3A_84] : memref<5120x128xf32, #tpu.memory_space<vmem_shared>> -> memref<128x128xf32, #tpu.memory_space<vmem_shared>>
      tpu.enqueue_dma source(%dma_start3A_85 : memref<128x128xf32, #tpu.memory_space<vmem_shared>>) target(%dma_start3A_83 : memref<128x128xf32, #tpu.memory_space<vmem>>) target_semaphore(%run_scoped3A : memref<!tpu.dma_semaphore, #tpu.memory_space<semaphore_mem>>)
      %dma_wait3A = arith.constant 0 : i32
      %dma_wait3A_86 = arith.constant 0 : i32
      %dma_wait3A_87 = tpu.memref_slice %arg8[%dma_wait3A, %dma_wait3A_86] : memref<128x128xf32, #tpu.memory_space<vmem>> -> memref<128x128xf32, #tpu.memory_space<vmem>>
      %dma_wait3A_88 = arith.constant 0 : i32
      %dma_wait3A_89 = tpu.memref_slice %arg20[%add3A_55, %dma_wait3A_88] : memref<5120x128xf32, #tpu.memory_space<vmem_shared>> -> memref<128x128xf32, #tpu.memory_space<vmem_shared>>
      %dma_wait3A_90 = arith.constant 0 : i32
      %dma_wait3A_91 = arith.constant 0 : i32
      %dma_wait3A_92 = tpu.memref_slice %arg8[%dma_wait3A_90, %dma_wait3A_91] : memref<128x128xf32, #tpu.memory_space<vmem>> -> memref<128x128xf32, #tpu.memory_space<vmem>>
      %dma_wait3A_93 = arith.constant 0 : i32
      %dma_wait3A_94 = tpu.memref_slice %arg20[%add3A_55, %dma_wait3A_93] : memref<5120x128xf32, #tpu.memory_space<vmem_shared>> -> memref<128x128xf32, #tpu.memory_space<vmem_shared>>
      tpu.wait_dma2 semaphore(%run_scoped3A : memref<!tpu.dma_semaphore, #tpu.memory_space<semaphore_mem>>) src(%dma_wait3A_94 : memref<128x128xf32, #tpu.memory_space<vmem_shared>>) dst(%dma_wait3A_92 : memref<128x128xf32, #tpu.memory_space<vmem>>)
      tpu.yield
    }) : () -> ()
    %mul3A_56 = arith.constant 320 : i32
    %mul3A_57 = arith.muli %arg1, %mul3A_56 : i32
    %add3A_58 = arith.constant 0 : i32
    %add3A_59 = arith.addi %mul3A_57, %add3A_58 : i32
    "tpu.region"() ({
      %run_scoped3A = tpu.sem_alloc : memref<!tpu.dma_semaphore, #tpu.memory_space<semaphore_mem>>
      %dma_start3A_76 = arith.constant 0 : i32
      %dma_start3A_77 = arith.constant 0 : i32
      %dma_start3A_78 = tpu.memref_slice %arg8[%dma_start3A_76, %dma_start3A_77] : memref<128x128xf32, #tpu.memory_space<vmem>> -> memref<128x128xf32, #tpu.memory_space<vmem>>
      %dma_start3A_79 = arith.constant 0 : i32
      %dma_start3A_80 = tpu.memref_slice %arg5[%arg0, %add3A_59, %dma_start3A_79] : memref<2x5120x128xf32, #tpu.memory_space<hbm>> -> memref<1x128x128xf32, #tpu.memory_space<hbm>>
      %dma_start3A_81 = tpu.memref_squeeze %dma_start3A_80 : memref<1x128x128xf32, #tpu.memory_space<hbm>> -> memref<128x128xf32, #tpu.memory_space<hbm>>
      %dma_start3A_82 = arith.constant 0 : i32
      %dma_start3A_83 = tpu.memref_slice %arg5[%arg0, %add3A_59, %dma_start3A_82] : memref<2x5120x128xf32, #tpu.memory_space<hbm>> -> memref<1x128x128xf32, #tpu.memory_space<hbm>>
      %dma_start3A_84 = tpu.memref_squeeze %dma_start3A_83 : memref<1x128x128xf32, #tpu.memory_space<hbm>> -> memref<128x128xf32, #tpu.memory_space<hbm>>
      %dma_start3A_85 = arith.constant 0 : i32
      %dma_start3A_86 = arith.constant 0 : i32
      %dma_start3A_87 = tpu.memref_slice %arg8[%dma_start3A_85, %dma_start3A_86] : memref<128x128xf32, #tpu.memory_space<vmem>> -> memref<128x128xf32, #tpu.memory_space<vmem>>
      tpu.enqueue_dma source(%dma_start3A_87 : memref<128x128xf32, #tpu.memory_space<vmem>>) target(%dma_start3A_84 : memref<128x128xf32, #tpu.memory_space<hbm>>) target_semaphore(%run_scoped3A : memref<!tpu.dma_semaphore, #tpu.memory_space<semaphore_mem>>)
      %dma_wait3A = arith.constant 0 : i32
      %dma_wait3A_88 = arith.constant 0 : i32
      %dma_wait3A_89 = tpu.memref_slice %arg8[%dma_wait3A, %dma_wait3A_88] : memref<128x128xf32, #tpu.memory_space<vmem>> -> memref<128x128xf32, #tpu.memory_space<vmem>>
      %dma_wait3A_90 = arith.constant 0 : i32
      %dma_wait3A_91 = tpu.memref_slice %arg5[%arg0, %add3A_59, %dma_wait3A_90] : memref<2x5120x128xf32, #tpu.memory_space<hbm>> -> memref<1x128x128xf32, #tpu.memory_space<hbm>>
      %dma_wait3A_92 = tpu.memref_squeeze %dma_wait3A_91 : memref<1x128x128xf32, #tpu.memory_space<hbm>> -> memref<128x128xf32, #tpu.memory_space<hbm>>
      %dma_wait3A_93 = arith.constant 0 : i32
      %dma_wait3A_94 = tpu.memref_slice %arg5[%arg0, %add3A_59, %dma_wait3A_93] : memref<2x5120x128xf32, #tpu.memory_space<hbm>> -> memref<1x128x128xf32, #tpu.memory_space<hbm>>
      %dma_wait3A_95 = tpu.memref_squeeze %dma_wait3A_94 : memref<1x128x128xf32, #tpu.memory_space<hbm>> -> memref<128x128xf32, #tpu.memory_space<hbm>>
      %dma_wait3A_96 = arith.constant 0 : i32
      %dma_wait3A_97 = arith.constant 0 : i32
      %dma_wait3A_98 = tpu.memref_slice %arg8[%dma_wait3A_96, %dma_wait3A_97] : memref<128x128xf32, #tpu.memory_space<vmem>> -> memref<128x128xf32, #tpu.memory_space<vmem>>
      tpu.wait_dma2 semaphore(%run_scoped3A : memref<!tpu.dma_semaphore, #tpu.memory_space<semaphore_mem>>) src(%dma_wait3A_98 : memref<128x128xf32, #tpu.memory_space<vmem>>) dst(%dma_wait3A_95 : memref<128x128xf32, #tpu.memory_space<hbm>>)
      tpu.yield
    }) : () -> ()
    %mul3A_60 = arith.constant 320 : i32
    %mul3A_61 = arith.muli %arg1, %mul3A_60 : i32
    %add3A_62 = arith.constant 128 : i32
    %add3A_63 = arith.addi %mul3A_61, %add3A_62 : i32
    "tpu.region"() ({
      %run_scoped3A = tpu.sem_alloc : memref<!tpu.dma_semaphore, #tpu.memory_space<semaphore_mem>>
      %dma_start3A_76 = arith.constant 0 : i32
      %dma_start3A_77 = arith.constant 0 : i32
      %dma_start3A_78 = tpu.memref_slice %arg8[%dma_start3A_76, %dma_start3A_77] : memref<128x128xf32, #tpu.memory_space<vmem>> -> memref<128x128xf32, #tpu.memory_space<vmem>>
      %dma_start3A_79 = arith.constant 0 : i32
      %dma_start3A_80 = tpu.memref_slice %arg20[%add3A_63, %dma_start3A_79] : memref<5120x128xf32, #tpu.memory_space<vmem_shared>> -> memref<128x128xf32, #tpu.memory_space<vmem_shared>>
      %dma_start3A_81 = arith.constant 0 : i32
      %dma_start3A_82 = arith.constant 0 : i32
      %dma_start3A_83 = tpu.memref_slice %arg8[%dma_start3A_81, %dma_start3A_82] : memref<128x128xf32, #tpu.memory_space<vmem>> -> memref<128x128xf32, #tpu.memory_space<vmem>>
      %dma_start3A_84 = arith.constant 0 : i32
      %dma_start3A_85 = tpu.memref_slice %arg20[%add3A_63, %dma_start3A_84] : memref<5120x128xf32, #tpu.memory_space<vmem_shared>> -> memref<128x128xf32, #tpu.memory_space<vmem_shared>>
      tpu.enqueue_dma source(%dma_start3A_85 : memref<128x128xf32, #tpu.memory_space<vmem_shared>>) target(%dma_start3A_83 : memref<128x128xf32, #tpu.memory_space<vmem>>) target_semaphore(%run_scoped3A : memref<!tpu.dma_semaphore, #tpu.memory_space<semaphore_mem>>)
      %dma_wait3A = arith.constant 0 : i32
      %dma_wait3A_86 = arith.constant 0 : i32
      %dma_wait3A_87 = tpu.memref_slice %arg8[%dma_wait3A, %dma_wait3A_86] : memref<128x128xf32, #tpu.memory_space<vmem>> -> memref<128x128xf32, #tpu.memory_space<vmem>>
      %dma_wait3A_88 = arith.constant 0 : i32
      %dma_wait3A_89 = tpu.memref_slice %arg20[%add3A_63, %dma_wait3A_88] : memref<5120x128xf32, #tpu.memory_space<vmem_shared>> -> memref<128x128xf32, #tpu.memory_space<vmem_shared>>
      %dma_wait3A_90 = arith.constant 0 : i32
      %dma_wait3A_91 = arith.constant 0 : i32
      %dma_wait3A_92 = tpu.memref_slice %arg8[%dma_wait3A_90, %dma_wait3A_91] : memref<128x128xf32, #tpu.memory_space<vmem>> -> memref<128x128xf32, #tpu.memory_space<vmem>>
      %dma_wait3A_93 = arith.constant 0 : i32
      %dma_wait3A_94 = tpu.memref_slice %arg20[%add3A_63, %dma_wait3A_93] : memref<5120x128xf32, #tpu.memory_space<vmem_shared>> -> memref<128x128xf32, #tpu.memory_space<vmem_shared>>
      tpu.wait_dma2 semaphore(%run_scoped3A : memref<!tpu.dma_semaphore, #tpu.memory_space<semaphore_mem>>) src(%dma_wait3A_94 : memref<128x128xf32, #tpu.memory_space<vmem_shared>>) dst(%dma_wait3A_92 : memref<128x128xf32, #tpu.memory_space<vmem>>)
      tpu.yield
    }) : () -> ()
    %mul3A_64 = arith.constant 320 : i32
    %mul3A_65 = arith.muli %arg1, %mul3A_64 : i32
    %add3A_66 = arith.constant 128 : i32
    %add3A_67 = arith.addi %mul3A_65, %add3A_66 : i32
    "tpu.region"() ({
      %run_scoped3A = tpu.sem_alloc : memref<!tpu.dma_semaphore, #tpu.memory_space<semaphore_mem>>
      %dma_start3A_76 = arith.constant 0 : i32
      %dma_start3A_77 = arith.constant 0 : i32
      %dma_start3A_78 = tpu.memref_slice %arg8[%dma_start3A_76, %dma_start3A_77] : memref<128x128xf32, #tpu.memory_space<vmem>> -> memref<128x128xf32, #tpu.memory_space<vmem>>
      %dma_start3A_79 = arith.constant 0 : i32
      %dma_start3A_80 = tpu.memref_slice %arg5[%arg0, %add3A_67, %dma_start3A_79] : memref<2x5120x128xf32, #tpu.memory_space<hbm>> -> memref<1x128x128xf32, #tpu.memory_space<hbm>>
      %dma_start3A_81 = tpu.memref_squeeze %dma_start3A_80 : memref<1x128x128xf32, #tpu.memory_space<hbm>> -> memref<128x128xf32, #tpu.memory_space<hbm>>
      %dma_start3A_82 = arith.constant 0 : i32
      %dma_start3A_83 = tpu.memref_slice %arg5[%arg0, %add3A_67, %dma_start3A_82] : memref<2x5120x128xf32, #tpu.memory_space<hbm>> -> memref<1x128x128xf32, #tpu.memory_space<hbm>>
      %dma_start3A_84 = tpu.memref_squeeze %dma_start3A_83 : memref<1x128x128xf32, #tpu.memory_space<hbm>> -> memref<128x128xf32, #tpu.memory_space<hbm>>
      %dma_start3A_85 = arith.constant 0 : i32
      %dma_start3A_86 = arith.constant 0 : i32
      %dma_start3A_87 = tpu.memref_slice %arg8[%dma_start3A_85, %dma_start3A_86] : memref<128x128xf32, #tpu.memory_space<vmem>> -> memref<128x128xf32, #tpu.memory_space<vmem>>
      tpu.enqueue_dma source(%dma_start3A_87 : memref<128x128xf32, #tpu.memory_space<vmem>>) target(%dma_start3A_84 : memref<128x128xf32, #tpu.memory_space<hbm>>) target_semaphore(%run_scoped3A : memref<!tpu.dma_semaphore, #tpu.memory_space<semaphore_mem>>)
      %dma_wait3A = arith.constant 0 : i32
      %dma_wait3A_88 = arith.constant 0 : i32
      %dma_wait3A_89 = tpu.memref_slice %arg8[%dma_wait3A, %dma_wait3A_88] : memref<128x128xf32, #tpu.memory_space<vmem>> -> memref<128x128xf32, #tpu.memory_space<vmem>>
      %dma_wait3A_90 = arith.constant 0 : i32
      %dma_wait3A_91 = tpu.memref_slice %arg5[%arg0, %add3A_67, %dma_wait3A_90] : memref<2x5120x128xf32, #tpu.memory_space<hbm>> -> memref<1x128x128xf32, #tpu.memory_space<hbm>>
      %dma_wait3A_92 = tpu.memref_squeeze %dma_wait3A_91 : memref<1x128x128xf32, #tpu.memory_space<hbm>> -> memref<128x128xf32, #tpu.memory_space<hbm>>
      %dma_wait3A_93 = arith.constant 0 : i32
      %dma_wait3A_94 = tpu.memref_slice %arg5[%arg0, %add3A_67, %dma_wait3A_93] : memref<2x5120x128xf32, #tpu.memory_space<hbm>> -> memref<1x128x128xf32, #tpu.memory_space<hbm>>
      %dma_wait3A_95 = tpu.memref_squeeze %dma_wait3A_94 : memref<1x128x128xf32, #tpu.memory_space<hbm>> -> memref<128x128xf32, #tpu.memory_space<hbm>>
      %dma_wait3A_96 = arith.constant 0 : i32
      %dma_wait3A_97 = arith.constant 0 : i32
      %dma_wait3A_98 = tpu.memref_slice %arg8[%dma_wait3A_96, %dma_wait3A_97] : memref<128x128xf32, #tpu.memory_space<vmem>> -> memref<128x128xf32, #tpu.memory_space<vmem>>
      tpu.wait_dma2 semaphore(%run_scoped3A : memref<!tpu.dma_semaphore, #tpu.memory_space<semaphore_mem>>) src(%dma_wait3A_98 : memref<128x128xf32, #tpu.memory_space<vmem>>) dst(%dma_wait3A_95 : memref<128x128xf32, #tpu.memory_space<hbm>>)
      tpu.yield
    }) : () -> ()
    %mul3A_68 = arith.constant 320 : i32
    %mul3A_69 = arith.muli %arg1, %mul3A_68 : i32
    %add3A_70 = arith.constant 256 : i32
    %add3A_71 = arith.addi %mul3A_69, %add3A_70 : i32
    "tpu.region"() ({
      %run_scoped3A = tpu.sem_alloc : memref<!tpu.dma_semaphore, #tpu.memory_space<semaphore_mem>>
      %dma_start3A_76 = arith.constant 0 : i32
      %dma_start3A_77 = arith.constant 0 : i32
      %dma_start3A_78 = tpu.memref_slice %arg8[%dma_start3A_76, %dma_start3A_77] : memref<128x128xf32, #tpu.memory_space<vmem>> -> memref<64x128xf32, #tpu.memory_space<vmem>>
      %dma_start3A_79 = arith.constant 0 : i32
      %dma_start3A_80 = tpu.memref_slice %arg20[%add3A_71, %dma_start3A_79] : memref<5120x128xf32, #tpu.memory_space<vmem_shared>> -> memref<64x128xf32, #tpu.memory_space<vmem_shared>>
      %dma_start3A_81 = arith.constant 0 : i32
      %dma_start3A_82 = arith.constant 0 : i32
      %dma_start3A_83 = tpu.memref_slice %arg8[%dma_start3A_81, %dma_start3A_82] : memref<128x128xf32, #tpu.memory_space<vmem>> -> memref<64x128xf32, #tpu.memory_space<vmem>>
      %dma_start3A_84 = arith.constant 0 : i32
      %dma_start3A_85 = tpu.memref_slice %arg20[%add3A_71, %dma_start3A_84] : memref<5120x128xf32, #tpu.memory_space<vmem_shared>> -> memref<64x128xf32, #tpu.memory_space<vmem_shared>>
      tpu.enqueue_dma source(%dma_start3A_85 : memref<64x128xf32, #tpu.memory_space<vmem_shared>>) target(%dma_start3A_83 : memref<64x128xf32, #tpu.memory_space<vmem>>) target_semaphore(%run_scoped3A : memref<!tpu.dma_semaphore, #tpu.memory_space<semaphore_mem>>)
      %dma_wait3A = arith.constant 0 : i32
      %dma_wait3A_86 = arith.constant 0 : i32
      %dma_wait3A_87 = tpu.memref_slice %arg8[%dma_wait3A, %dma_wait3A_86] : memref<128x128xf32, #tpu.memory_space<vmem>> -> memref<64x128xf32, #tpu.memory_space<vmem>>
      %dma_wait3A_88 = arith.constant 0 : i32
      %dma_wait3A_89 = tpu.memref_slice %arg20[%add3A_71, %dma_wait3A_88] : memref<5120x128xf32, #tpu.memory_space<vmem_shared>> -> memref<64x128xf32, #tpu.memory_space<vmem_shared>>
      %dma_wait3A_90 = arith.constant 0 : i32
      %dma_wait3A_91 = arith.constant 0 : i32
      %dma_wait3A_92 = tpu.memref_slice %arg8[%dma_wait3A_90, %dma_wait3A_91] : memref<128x128xf32, #tpu.memory_space<vmem>> -> memref<64x128xf32, #tpu.memory_space<vmem>>
      %dma_wait3A_93 = arith.constant 0 : i32
      %dma_wait3A_94 = tpu.memref_slice %arg20[%add3A_71, %dma_wait3A_93] : memref<5120x128xf32, #tpu.memory_space<vmem_shared>> -> memref<64x128xf32, #tpu.memory_space<vmem_shared>>
      tpu.wait_dma2 semaphore(%run_scoped3A : memref<!tpu.dma_semaphore, #tpu.memory_space<semaphore_mem>>) src(%dma_wait3A_94 : memref<64x128xf32, #tpu.memory_space<vmem_shared>>) dst(%dma_wait3A_92 : memref<64x128xf32, #tpu.memory_space<vmem>>)
      tpu.yield
    }) : () -> ()
    %mul3A_72 = arith.constant 320 : i32
    %mul3A_73 = arith.muli %arg1, %mul3A_72 : i32
    %add3A_74 = arith.constant 256 : i32
    %add3A_75 = arith.addi %mul3A_73, %add3A_74 : i32
    "tpu.region"() ({
      %run_scoped3A = tpu.sem_alloc : memref<!tpu.dma_semaphore, #tpu.memory_space<semaphore_mem>>
      %dma_start3A_76 = arith.constant 0 : i32
      %dma_start3A_77 = arith.constant 0 : i32
      %dma_start3A_78 = tpu.memref_slice %arg8[%dma_start3A_76, %dma_start3A_77] : memref<128x128xf32, #tpu.memory_space<vmem>> -> memref<64x128xf32, #tpu.memory_space<vmem>>
      %dma_start3A_79 = arith.constant 0 : i32
      %dma_start3A_80 = tpu.memref_slice %arg5[%arg0, %add3A_75, %dma_start3A_79] : memref<2x5120x128xf32, #tpu.memory_space<hbm>> -> memref<1x64x128xf32, #tpu.memory_space<hbm>>
      %dma_start3A_81 = tpu.memref_squeeze %dma_start3A_80 : memref<1x64x128xf32, #tpu.memory_space<hbm>> -> memref<64x128xf32, #tpu.memory_space<hbm>>
      %dma_start3A_82 = arith.constant 0 : i32
      %dma_start3A_83 = tpu.memref_slice %arg5[%arg0, %add3A_75, %dma_start3A_82] : memref<2x5120x128xf32, #tpu.memory_space<hbm>> -> memref<1x64x128xf32, #tpu.memory_space<hbm>>
      %dma_start3A_84 = tpu.memref_squeeze %dma_start3A_83 : memref<1x64x128xf32, #tpu.memory_space<hbm>> -> memref<64x128xf32, #tpu.memory_space<hbm>>
      %dma_start3A_85 = arith.constant 0 : i32
      %dma_start3A_86 = arith.constant 0 : i32
      %dma_start3A_87 = tpu.memref_slice %arg8[%dma_start3A_85, %dma_start3A_86] : memref<128x128xf32, #tpu.memory_space<vmem>> -> memref<64x128xf32, #tpu.memory_space<vmem>>
      tpu.enqueue_dma source(%dma_start3A_87 : memref<64x128xf32, #tpu.memory_space<vmem>>) target(%dma_start3A_84 : memref<64x128xf32, #tpu.memory_space<hbm>>) target_semaphore(%run_scoped3A : memref<!tpu.dma_semaphore, #tpu.memory_space<semaphore_mem>>)
      %dma_wait3A = arith.constant 0 : i32
      %dma_wait3A_88 = arith.constant 0 : i32
      %dma_wait3A_89 = tpu.memref_slice %arg8[%dma_wait3A, %dma_wait3A_88] : memref<128x128xf32, #tpu.memory_space<vmem>> -> memref<64x128xf32, #tpu.memory_space<vmem>>
      %dma_wait3A_90 = arith.constant 0 : i32
      %dma_wait3A_91 = tpu.memref_slice %arg5[%arg0, %add3A_75, %dma_wait3A_90] : memref<2x5120x128xf32, #tpu.memory_space<hbm>> -> memref<1x64x128xf32, #tpu.memory_space<hbm>>
      %dma_wait3A_92 = tpu.memref_squeeze %dma_wait3A_91 : memref<1x64x128xf32, #tpu.memory_space<hbm>> -> memref<64x128xf32, #tpu.memory_space<hbm>>
      %dma_wait3A_93 = arith.constant 0 : i32
      %dma_wait3A_94 = tpu.memref_slice %arg5[%arg0, %add3A_75, %dma_wait3A_93] : memref<2x5120x128xf32, #tpu.memory_space<hbm>> -> memref<1x64x128xf32, #tpu.memory_space<hbm>>
      %dma_wait3A_95 = tpu.memref_squeeze %dma_wait3A_94 : memref<1x64x128xf32, #tpu.memory_space<hbm>> -> memref<64x128xf32, #tpu.memory_space<hbm>>
      %dma_wait3A_96 = arith.constant 0 : i32
      %dma_wait3A_97 = arith.constant 0 : i32
      %dma_wait3A_98 = tpu.memref_slice %arg8[%dma_wait3A_96, %dma_wait3A_97] : memref<128x128xf32, #tpu.memory_space<vmem>> -> memref<64x128xf32, #tpu.memory_space<vmem>>
      tpu.wait_dma2 semaphore(%run_scoped3A : memref<!tpu.dma_semaphore, #tpu.memory_space<semaphore_mem>>) src(%dma_wait3A_98 : memref<64x128xf32, #tpu.memory_space<vmem>>) dst(%dma_wait3A_95 : memref<64x128xf32, #tpu.memory_space<hbm>>)
      tpu.yield
    }) : () -> ()
    return
  }
}

#map = affine_map<(d0, d1) -> (0, 0)>
#map1 = affine_map<(d0, d1) -> (0, 0, 0)>
module attributes {stable_mosaic.version = 14 : i64} {
  func.func @_sc_phase1(%arg0: i32, %arg1: i32, %arg2: memref<10240x128xf32, #tpu.memory_space<hbm>>, %arg3: memref<32x79x128xi32, #tpu.memory_space<hbm>>, %arg4: memref<32x79x128xi32, #tpu.memory_space<hbm>>, %arg5: memref<2x5120x128xf32, #tpu.memory_space<hbm>>, %arg6: memref<79x128xi32, #tpu.memory_space<vmem>>, %arg7: memref<79x128xi32, #tpu.memory_space<vmem>>, %arg8: memref<128x128xf32, #tpu.memory_space<vmem>>, %arg9: memref<128x128xf32, #tpu.memory_space<vmem>>, %arg10: memref<128x128xf32, #tpu.memory_space<vmem>>, %arg11: memref<128x128xf32, #tpu.memory_space<vmem>>, %arg12: memref<!tpu.dma_semaphore, #tpu.memory_space<semaphore_mem>>, %arg13: memref<!tpu.dma_semaphore, #tpu.memory_space<semaphore_mem>>, %arg14: memref<!tpu.dma_semaphore, #tpu.memory_space<semaphore_mem>>, %arg15: memref<!tpu.dma_semaphore, #tpu.memory_space<semaphore_mem>>, %arg16: memref<!tpu.dma_semaphore, #tpu.memory_space<semaphore_mem>>, %arg17: memref<!tpu.dma_semaphore, #tpu.memory_space<semaphore_mem>>, %arg18: memref<!tpu.dma_semaphore, #tpu.memory_space<semaphore_mem>>, %arg19: memref<!tpu.dma_semaphore, #tpu.memory_space<semaphore_mem>>, %arg20: memref<5120x128xf32, #tpu.memory_space<vmem_shared>>) attributes {dimension_semantics = [#tpu.dimension_semantics<core_parallel>, #tpu.dimension_semantics<subcore_parallel>], iteration_bounds = array<i64: 2, 16>, scalar_prefetch = 0 : i64, scratch_operands = 15 : i64, tpu.core_type = #tpu.core_type<sc_vector_subcore>, window_params = [{transform_indices = #map}, {transform_indices = #map1}, {transform_indices = #map1}, {transform_indices = #map1}]} {
    %mul3A = arith.constant 16 : i32
    %mul3A_0 = arith.muli %arg0, %mul3A : i32
    %add3A = arith.addi %mul3A_0, %arg1 : i32
    %scan3A = arith.constant 0 : i32
    %scan3A_1 = arith.constant 0 : i32
    %scan3A_2 = arith.constant 128 : i32
    %scan3A_3 = arith.addi %scan3A_1, %scan3A_2 : i32
    %scan3A_4 = arith.constant 1 : i32
    scf.for %scan3A_76 = %scan3A_1 to %scan3A_3 step %scan3A_4  : i32 {
      %broadcast_in_dim3A = arith.constant 0.000000e+00 : f32
      %broadcast_in_dim3A_77 = vector.broadcast %broadcast_in_dim3A : f32 to vector<16xf32>
      %swap3A = arith.index_cast %scan3A_76 : i32 to index
      %swap3A_78 = arith.constant 0 : index
      %swap3A_79 = tpu.vector_load %arg8[%swap3A, %swap3A_78] {strides = array<i32>} : memref<128x128xf32, #tpu.memory_space<vmem>>, vector<1x16xf32>,
      %swap3A_80 = vector.shape_cast %swap3A_79 : vector<1x16xf32> to vector<16xf32>
      %swap3A_81 = vector.shape_cast %broadcast_in_dim3A_77 : vector<16xf32> to vector<1x16xf32>
      tpu.vector_store %arg8[%swap3A, %swap3A_78], %swap3A_81 {strides = array<i32>} : memref<128x128xf32, #tpu.memory_space<vmem>>, vector<1x16xf32>,
      %broadcast_in_dim3A_82 = arith.constant 0.000000e+00 : f32
      %broadcast_in_dim3A_83 = vector.broadcast %broadcast_in_dim3A_82 : f32 to vector<16xf32>
      %swap3A_84 = arith.index_cast %scan3A_76 : i32 to index
      %swap3A_85 = arith.constant 16 : index
      %swap3A_86 = tpu.vector_load %arg8[%swap3A_84, %swap3A_85] {strides = array<i32>} : memref<128x128xf32, #tpu.memory_space<vmem>>, vector<1x16xf32>,
      %swap3A_87 = vector.shape_cast %swap3A_86 : vector<1x16xf32> to vector<16xf32>
      %swap3A_88 = vector.shape_cast %broadcast_in_dim3A_83 : vector<16xf32> to vector<1x16xf32>
      tpu.vector_store %arg8[%swap3A_84, %swap3A_85], %swap3A_88 {strides = array<i32>} : memref<128x128xf32, #tpu.memory_space<vmem>>, vector<1x16xf32>,
      %broadcast_in_dim3A_89 = arith.constant 0.000000e+00 : f32
      %broadcast_in_dim3A_90 = vector.broadcast %broadcast_in_dim3A_89 : f32 to vector<16xf32>
      %swap3A_91 = arith.index_cast %scan3A_76 : i32 to index
      %swap3A_92 = arith.constant 32 : index
      %swap3A_93 = tpu.vector_load %arg8[%swap3A_91, %swap3A_92] {strides = array<i32>} : memref<128x128xf32, #tpu.memory_space<vmem>>, vector<1x16xf32>,
      %swap3A_94 = vector.shape_cast %swap3A_93 : vector<1x16xf32> to vector<16xf32>
      %swap3A_95 = vector.shape_cast %broadcast_in_dim3A_90 : vector<16xf32> to vector<1x16xf32>
      tpu.vector_store %arg8[%swap3A_91, %swap3A_92], %swap3A_95 {strides = array<i32>} : memref<128x128xf32, #tpu.memory_space<vmem>>, vector<1x16xf32>,
      %broadcast_in_dim3A_96 = arith.constant 0.000000e+00 : f32
      %broadcast_in_dim3A_97 = vector.broadcast %broadcast_in_dim3A_96 : f32 to vector<16xf32>
      %swap3A_98 = arith.index_cast %scan3A_76 : i32 to index
      %swap3A_99 = arith.constant 48 : index
      %swap3A_100 = tpu.vector_load %arg8[%swap3A_98, %swap3A_99] {strides = array<i32>} : memref<128x128xf32, #tpu.memory_space<vmem>>, vector<1x16xf32>,
      %swap3A_101 = vector.shape_cast %swap3A_100 : vector<1x16xf32> to vector<16xf32>
      %swap3A_102 = vector.shape_cast %broadcast_in_dim3A_97 : vector<16xf32> to vector<1x16xf32>
      tpu.vector_store %arg8[%swap3A_98, %swap3A_99], %swap3A_102 {strides = array<i32>} : memref<128x128xf32, #tpu.memory_space<vmem>>, vector<1x16xf32>,
      %broadcast_in_dim3A_103 = arith.constant 0.000000e+00 : f32
      %broadcast_in_dim3A_104 = vector.broadcast %broadcast_in_dim3A_103 : f32 to vector<16xf32>
      %swap3A_105 = arith.index_cast %scan3A_76 : i32 to index
      %swap3A_106 = arith.constant 64 : index
      %swap3A_107 = tpu.vector_load %arg8[%swap3A_105, %swap3A_106] {strides = array<i32>} : memref<128x128xf32, #tpu.memory_space<vmem>>, vector<1x16xf32>,
      %swap3A_108 = vector.shape_cast %swap3A_107 : vector<1x16xf32> to vector<16xf32>
      %swap3A_109 = vector.shape_cast %broadcast_in_dim3A_104 : vector<16xf32> to vector<1x16xf32>
      tpu.vector_store %arg8[%swap3A_105, %swap3A_106], %swap3A_109 {strides = array<i32>} : memref<128x128xf32, #tpu.memory_space<vmem>>, vector<1x16xf32>,
      %broadcast_in_dim3A_110 = arith.constant 0.000000e+00 : f32
      %broadcast_in_dim3A_111 = vector.broadcast %broadcast_in_dim3A_110 : f32 to vector<16xf32>
      %swap3A_112 = arith.index_cast %scan3A_76 : i32 to index
      %swap3A_113 = arith.constant 80 : index
      %swap3A_114 = tpu.vector_load %arg8[%swap3A_112, %swap3A_113] {strides = array<i32>} : memref<128x128xf32, #tpu.memory_space<vmem>>, vector<1x16xf32>,
      %swap3A_115 = vector.shape_cast %swap3A_114 : vector<1x16xf32> to vector<16xf32>
      %swap3A_116 = vector.shape_cast %broadcast_in_dim3A_111 : vector<16xf32> to vector<1x16xf32>
      tpu.vector_store %arg8[%swap3A_112, %swap3A_113], %swap3A_116 {strides = array<i32>} : memref<128x128xf32, #tpu.memory_space<vmem>>, vector<1x16xf32>,
      %broadcast_in_dim3A_117 = arith.constant 0.000000e+00 : f32
      %broadcast_in_dim3A_118 = vector.broadcast %broadcast_in_dim3A_117 : f32 to vector<16xf32>
      %swap3A_119 = arith.index_cast %scan3A_76 : i32 to index
      %swap3A_120 = arith.constant 96 : index
      %swap3A_121 = tpu.vector_load %arg8[%swap3A_119, %swap3A_120] {strides = array<i32>} : memref<128x128xf32, #tpu.memory_space<vmem>>, vector<1x16xf32>,
      %swap3A_122 = vector.shape_cast %swap3A_121 : vector<1x16xf32> to vector<16xf32>
      %swap3A_123 = vector.shape_cast %broadcast_in_dim3A_118 : vector<16xf32> to vector<1x16xf32>
      tpu.vector_store %arg8[%swap3A_119, %swap3A_120], %swap3A_123 {strides = array<i32>} : memref<128x128xf32, #tpu.memory_space<vmem>>, vector<1x16xf32>,
      %broadcast_in_dim3A_124 = arith.constant 0.000000e+00 : f32
      %broadcast_in_dim3A_125 = vector.broadcast %broadcast_in_dim3A_124 : f32 to vector<16xf32>
      %swap3A_126 = arith.index_cast %scan3A_76 : i32 to index
      %swap3A_127 = arith.constant 112 : index
      %swap3A_128 = tpu.vector_load %arg8[%swap3A_126, %swap3A_127] {strides = array<i32>} : memref<128x128xf32, #tpu.memory_space<vmem>>, vector<1x16xf32>,
      %swap3A_129 = vector.shape_cast %swap3A_128 : vector<1x16xf32> to vector<16xf32>
      %swap3A_130 = vector.shape_cast %broadcast_in_dim3A_125 : vector<16xf32> to vector<1x16xf32>
      tpu.vector_store %arg8[%swap3A_126, %swap3A_127], %swap3A_130 {strides = array<i32>} : memref<128x128xf32, #tpu.memory_space<vmem>>, vector<1x16xf32>,
    }
    %scan3A_5 = arith.constant 128 : i32
    %mul3A_6 = arith.constant 320 : i32
    %mul3A_7 = arith.muli %arg1, %mul3A_6 : i32
    %add3A_8 = arith.constant 0 : i32
    %add3A_9 = arith.addi %mul3A_7, %add3A_8 : i32
    "tpu.region"() ({
      %run_scoped3A = tpu.sem_alloc : memref<!tpu.dma_semaphore, #tpu.memory_space<semaphore_mem>>
      %dma_start3A_76 = arith.constant 0 : i32
      %dma_start3A_77 = arith.constant 0 : i32
      %dma_start3A_78 = tpu.memref_slice %arg8[%dma_start3A_76, %dma_start3A_77] : memref<128x128xf32, #tpu.memory_space<vmem>> -> memref<128x128xf32, #tpu.memory_space<vmem>>
      %dma_start3A_79 = arith.constant 0 : i32
      %dma_start3A_80 = tpu.memref_slice %arg20[%add3A_9, %dma_start3A_79] : memref<5120x128xf32, #tpu.memory_space<vmem_shared>> -> memref<128x128xf32, #tpu.memory_space<vmem_shared>>
      %dma_start3A_81 = arith.constant 0 : i32
      %dma_start3A_82 = tpu.memref_slice %arg20[%add3A_9, %dma_start3A_81] : memref<5120x128xf32, #tpu.memory_space<vmem_shared>> -> memref<128x128xf32, #tpu.memory_space<vmem_shared>>
      %dma_start3A_83 = arith.constant 0 : i32
      %dma_start3A_84 = arith.constant 0 : i32
      %dma_start3A_85 = tpu.memref_slice %arg8[%dma_start3A_83, %dma_start3A_84] : memref<128x128xf32, #tpu.memory_space<vmem>> -> memref<128x128xf32, #tpu.memory_space<vmem>>
      tpu.enqueue_dma source(%dma_start3A_85 : memref<128x128xf32, #tpu.memory_space<vmem>>) target(%dma_start3A_82 : memref<128x128xf32, #tpu.memory_space<vmem_shared>>) target_semaphore(%run_scoped3A : memref<!tpu.dma_semaphore, #tpu.memory_space<semaphore_mem>>)
      %dma_wait3A = arith.constant 0 : i32
      %dma_wait3A_86 = arith.constant 0 : i32
      %dma_wait3A_87 = tpu.memref_slice %arg8[%dma_wait3A, %dma_wait3A_86] : memref<128x128xf32, #tpu.memory_space<vmem>> -> memref<128x128xf32, #tpu.memory_space<vmem>>
      %dma_wait3A_88 = arith.constant 0 : i32
      %dma_wait3A_89 = tpu.memref_slice %arg20[%add3A_9, %dma_wait3A_88] : memref<5120x128xf32, #tpu.memory_space<vmem_shared>> -> memref<128x128xf32, #tpu.memory_space<vmem_shared>>
      %dma_wait3A_90 = arith.constant 0 : i32
      %dma_wait3A_91 = tpu.memref_slice %arg20[%add3A_9, %dma_wait3A_90] : memref<5120x128xf32, #tpu.memory_space<vmem_shared>> -> memref<128x128xf32, #tpu.memory_space<vmem_shared>>
      %dma_wait3A_92 = arith.constant 0 : i32
      %dma_wait3A_93 = arith.constant 0 : i32
      %dma_wait3A_94 = tpu.memref_slice %arg8[%dma_wait3A_92, %dma_wait3A_93] : memref<128x128xf32, #tpu.memory_space<vmem>> -> memref<128x128xf32, #tpu.memory_space<vmem>>
      tpu.wait_dma2 semaphore(%run_scoped3A : memref<!tpu.dma_semaphore, #tpu.memory_space<semaphore_mem>>) src(%dma_wait3A_94 : memref<128x128xf32, #tpu.memory_space<vmem>>) dst(%dma_wait3A_91 : memref<128x128xf32, #tpu.memory_space<vmem_shared>>)
      tpu.yield
    }) : () -> ()
    %mul3A_10 = arith.constant 320 : i32
    %mul3A_11 = arith.muli %arg1, %mul3A_10 : i32
    %add3A_12 = arith.constant 128 : i32
    %add3A_13 = arith.addi %mul3A_11, %add3A_12 : i32
    "tpu.region"() ({
      %run_scoped3A = tpu.sem_alloc : memref<!tpu.dma_semaphore, #tpu.memory_space<semaphore_mem>>
      %dma_start3A_76 = arith.constant 0 : i32
      %dma_start3A_77 = arith.constant 0 : i32
      %dma_start3A_78 = tpu.memref_slice %arg8[%dma_start3A_76, %dma_start3A_77] : memref<128x128xf32, #tpu.memory_space<vmem>> -> memref<128x128xf32, #tpu.memory_space<vmem>>
      %dma_start3A_79 = arith.constant 0 : i32
      %dma_start3A_80 = tpu.memref_slice %arg20[%add3A_13, %dma_start3A_79] : memref<5120x128xf32, #tpu.memory_space<vmem_shared>> -> memref<128x128xf32, #tpu.memory_space<vmem_shared>>
      %dma_start3A_81 = arith.constant 0 : i32
      %dma_start3A_82 = tpu.memref_slice %arg20[%add3A_13, %dma_start3A_81] : memref<5120x128xf32, #tpu.memory_space<vmem_shared>> -> memref<128x128xf32, #tpu.memory_space<vmem_shared>>
      %dma_start3A_83 = arith.constant 0 : i32
      %dma_start3A_84 = arith.constant 0 : i32
      %dma_start3A_85 = tpu.memref_slice %arg8[%dma_start3A_83, %dma_start3A_84] : memref<128x128xf32, #tpu.memory_space<vmem>> -> memref<128x128xf32, #tpu.memory_space<vmem>>
      tpu.enqueue_dma source(%dma_start3A_85 : memref<128x128xf32, #tpu.memory_space<vmem>>) target(%dma_start3A_82 : memref<128x128xf32, #tpu.memory_space<vmem_shared>>) target_semaphore(%run_scoped3A : memref<!tpu.dma_semaphore, #tpu.memory_space<semaphore_mem>>)
      %dma_wait3A = arith.constant 0 : i32
      %dma_wait3A_86 = arith.constant 0 : i32
      %dma_wait3A_87 = tpu.memref_slice %arg8[%dma_wait3A, %dma_wait3A_86] : memref<128x128xf32, #tpu.memory_space<vmem>> -> memref<128x128xf32, #tpu.memory_space<vmem>>
      %dma_wait3A_88 = arith.constant 0 : i32
      %dma_wait3A_89 = tpu.memref_slice %arg20[%add3A_13, %dma_wait3A_88] : memref<5120x128xf32, #tpu.memory_space<vmem_shared>> -> memref<128x128xf32, #tpu.memory_space<vmem_shared>>
      %dma_wait3A_90 = arith.constant 0 : i32
      %dma_wait3A_91 = tpu.memref_slice %arg20[%add3A_13, %dma_wait3A_90] : memref<5120x128xf32, #tpu.memory_space<vmem_shared>> -> memref<128x128xf32, #tpu.memory_space<vmem_shared>>
      %dma_wait3A_92 = arith.constant 0 : i32
      %dma_wait3A_93 = arith.constant 0 : i32
      %dma_wait3A_94 = tpu.memref_slice %arg8[%dma_wait3A_92, %dma_wait3A_93] : memref<128x128xf32, #tpu.memory_space<vmem>> -> memref<128x128xf32, #tpu.memory_space<vmem>>
      tpu.wait_dma2 semaphore(%run_scoped3A : memref<!tpu.dma_semaphore, #tpu.memory_space<semaphore_mem>>) src(%dma_wait3A_94 : memref<128x128xf32, #tpu.memory_space<vmem>>) dst(%dma_wait3A_91 : memref<128x128xf32, #tpu.memory_space<vmem_shared>>)
      tpu.yield
    }) : () -> ()
    %mul3A_14 = arith.constant 320 : i32
    %mul3A_15 = arith.muli %arg1, %mul3A_14 : i32
    %add3A_16 = arith.constant 256 : i32
    %add3A_17 = arith.addi %mul3A_15, %add3A_16 : i32
    "tpu.region"() ({
      %run_scoped3A = tpu.sem_alloc : memref<!tpu.dma_semaphore, #tpu.memory_space<semaphore_mem>>
      %dma_start3A_76 = arith.constant 0 : i32
      %dma_start3A_77 = arith.constant 0 : i32
      %dma_start3A_78 = tpu.memref_slice %arg8[%dma_start3A_76, %dma_start3A_77] : memref<128x128xf32, #tpu.memory_space<vmem>> -> memref<64x128xf32, #tpu.memory_space<vmem>>
      %dma_start3A_79 = arith.constant 0 : i32
      %dma_start3A_80 = tpu.memref_slice %arg20[%add3A_17, %dma_start3A_79] : memref<5120x128xf32, #tpu.memory_space<vmem_shared>> -> memref<64x128xf32, #tpu.memory_space<vmem_shared>>
      %dma_start3A_81 = arith.constant 0 : i32
      %dma_start3A_82 = tpu.memref_slice %arg20[%add3A_17, %dma_start3A_81] : memref<5120x128xf32, #tpu.memory_space<vmem_shared>> -> memref<64x128xf32, #tpu.memory_space<vmem_shared>>
      %dma_start3A_83 = arith.constant 0 : i32
      %dma_start3A_84 = arith.constant 0 : i32
      %dma_start3A_85 = tpu.memref_slice %arg8[%dma_start3A_83, %dma_start3A_84] : memref<128x128xf32, #tpu.memory_space<vmem>> -> memref<64x128xf32, #tpu.memory_space<vmem>>
      tpu.enqueue_dma source(%dma_start3A_85 : memref<64x128xf32, #tpu.memory_space<vmem>>) target(%dma_start3A_82 : memref<64x128xf32, #tpu.memory_space<vmem_shared>>) target_semaphore(%run_scoped3A : memref<!tpu.dma_semaphore, #tpu.memory_space<semaphore_mem>>)
      %dma_wait3A = arith.constant 0 : i32
      %dma_wait3A_86 = arith.constant 0 : i32
      %dma_wait3A_87 = tpu.memref_slice %arg8[%dma_wait3A, %dma_wait3A_86] : memref<128x128xf32, #tpu.memory_space<vmem>> -> memref<64x128xf32, #tpu.memory_space<vmem>>
      %dma_wait3A_88 = arith.constant 0 : i32
      %dma_wait3A_89 = tpu.memref_slice %arg20[%add3A_17, %dma_wait3A_88] : memref<5120x128xf32, #tpu.memory_space<vmem_shared>> -> memref<64x128xf32, #tpu.memory_space<vmem_shared>>
      %dma_wait3A_90 = arith.constant 0 : i32
      %dma_wait3A_91 = tpu.memref_slice %arg20[%add3A_17, %dma_wait3A_90] : memref<5120x128xf32, #tpu.memory_space<vmem_shared>> -> memref<64x128xf32, #tpu.memory_space<vmem_shared>>
      %dma_wait3A_92 = arith.constant 0 : i32
      %dma_wait3A_93 = arith.constant 0 : i32
      %dma_wait3A_94 = tpu.memref_slice %arg8[%dma_wait3A_92, %dma_wait3A_93] : memref<128x128xf32, #tpu.memory_space<vmem>> -> memref<64x128xf32, #tpu.memory_space<vmem>>
      tpu.wait_dma2 semaphore(%run_scoped3A : memref<!tpu.dma_semaphore, #tpu.memory_space<semaphore_mem>>) src(%dma_wait3A_94 : memref<64x128xf32, #tpu.memory_space<vmem>>) dst(%dma_wait3A_91 : memref<64x128xf32, #tpu.memory_space<vmem_shared>>)
      tpu.yield
    }) : () -> ()
    "tpu.region"() ({
      %run_scoped3A = tpu.sem_alloc : memref<!tpu.dma_semaphore, #tpu.memory_space<semaphore_mem>>
      %dma_start3A_76 = arith.constant 0 : i32
      %dma_start3A_77 = arith.constant 0 : i32
      %dma_start3A_78 = tpu.memref_slice %arg3[%add3A, %dma_start3A_76, %dma_start3A_77] : memref<32x79x128xi32, #tpu.memory_space<hbm>> -> memref<1x79x128xi32, #tpu.memory_space<hbm>>
      %dma_start3A_79 = tpu.memref_squeeze %dma_start3A_78 : memref<1x79x128xi32, #tpu.memory_space<hbm>> -> memref<79x128xi32, #tpu.memory_space<hbm>>
      %dma_start3A_80 = arith.constant 0 : i32
      %dma_start3A_81 = arith.constant 0 : i32
      %dma_start3A_82 = tpu.memref_slice %arg3[%add3A, %dma_start3A_80, %dma_start3A_81] : memref<32x79x128xi32, #tpu.memory_space<hbm>> -> memref<1x79x128xi32, #tpu.memory_space<hbm>>
      %dma_start3A_83 = tpu.memref_squeeze %dma_start3A_82 : memref<1x79x128xi32, #tpu.memory_space<hbm>> -> memref<79x128xi32, #tpu.memory_space<hbm>>
      tpu.enqueue_dma source(%dma_start3A_83 : memref<79x128xi32, #tpu.memory_space<hbm>>) target(%arg6 : memref<79x128xi32, #tpu.memory_space<vmem>>) target_semaphore(%run_scoped3A : memref<!tpu.dma_semaphore, #tpu.memory_space<semaphore_mem>>)
      %dma_wait3A = arith.constant 0 : i32
      %dma_wait3A_84 = arith.constant 0 : i32
      %dma_wait3A_85 = tpu.memref_slice %arg3[%add3A, %dma_wait3A, %dma_wait3A_84] : memref<32x79x128xi32, #tpu.memory_space<hbm>> -> memref<1x79x128xi32, #tpu.memory_space<hbm>>
      %dma_wait3A_86 = tpu.memref_squeeze %dma_wait3A_85 : memref<1x79x128xi32, #tpu.memory_space<hbm>> -> memref<79x128xi32, #tpu.memory_space<hbm>>
      %dma_wait3A_87 = arith.constant 0 : i32
      %dma_wait3A_88 = arith.constant 0 : i32
      %dma_wait3A_89 = tpu.memref_slice %arg3[%add3A, %dma_wait3A_87, %dma_wait3A_88] : memref<32x79x128xi32, #tpu.memory_space<hbm>> -> memref<1x79x128xi32, #tpu.memory_space<hbm>>
      %dma_wait3A_90 = tpu.memref_squeeze %dma_wait3A_89 : memref<1x79x128xi32, #tpu.memory_space<hbm>> -> memref<79x128xi32, #tpu.memory_space<hbm>>
      tpu.wait_dma2 semaphore(%run_scoped3A : memref<!tpu.dma_semaphore, #tpu.memory_space<semaphore_mem>>) src(%dma_wait3A_90 : memref<79x128xi32, #tpu.memory_space<hbm>>) dst(%arg6 : memref<79x128xi32, #tpu.memory_space<vmem>>)
      tpu.yield
    }) : () -> ()
    "tpu.region"() ({
      %run_scoped3A = tpu.sem_alloc : memref<!tpu.dma_semaphore, #tpu.memory_space<semaphore_mem>>
      %dma_start3A_76 = arith.constant 0 : i32
      %dma_start3A_77 = arith.constant 0 : i32
      %dma_start3A_78 = tpu.memref_slice %arg4[%add3A, %dma_start3A_76, %dma_start3A_77] : memref<32x79x128xi32, #tpu.memory_space<hbm>> -> memref<1x79x128xi32, #tpu.memory_space<hbm>>
      %dma_start3A_79 = tpu.memref_squeeze %dma_start3A_78 : memref<1x79x128xi32, #tpu.memory_space<hbm>> -> memref<79x128xi32, #tpu.memory_space<hbm>>
      %dma_start3A_80 = arith.constant 0 : i32
      %dma_start3A_81 = arith.constant 0 : i32
      %dma_start3A_82 = tpu.memref_slice %arg4[%add3A, %dma_start3A_80, %dma_start3A_81] : memref<32x79x128xi32, #tpu.memory_space<hbm>> -> memref<1x79x128xi32, #tpu.memory_space<hbm>>
      %dma_start3A_83 = tpu.memref_squeeze %dma_start3A_82 : memref<1x79x128xi32, #tpu.memory_space<hbm>> -> memref<79x128xi32, #tpu.memory_space<hbm>>
      tpu.enqueue_dma source(%dma_start3A_83 : memref<79x128xi32, #tpu.memory_space<hbm>>) target(%arg7 : memref<79x128xi32, #tpu.memory_space<vmem>>) target_semaphore(%run_scoped3A : memref<!tpu.dma_semaphore, #tpu.memory_space<semaphore_mem>>)
      %dma_wait3A = arith.constant 0 : i32
      %dma_wait3A_84 = arith.constant 0 : i32
      %dma_wait3A_85 = tpu.memref_slice %arg4[%add3A, %dma_wait3A, %dma_wait3A_84] : memref<32x79x128xi32, #tpu.memory_space<hbm>> -> memref<1x79x128xi32, #tpu.memory_space<hbm>>
      %dma_wait3A_86 = tpu.memref_squeeze %dma_wait3A_85 : memref<1x79x128xi32, #tpu.memory_space<hbm>> -> memref<79x128xi32, #tpu.memory_space<hbm>>
      %dma_wait3A_87 = arith.constant 0 : i32
      %dma_wait3A_88 = arith.constant 0 : i32
      %dma_wait3A_89 = tpu.memref_slice %arg4[%add3A, %dma_wait3A_87, %dma_wait3A_88] : memref<32x79x128xi32, #tpu.memory_space<hbm>> -> memref<1x79x128xi32, #tpu.memory_space<hbm>>
      %dma_wait3A_90 = tpu.memref_squeeze %dma_wait3A_89 : memref<1x79x128xi32, #tpu.memory_space<hbm>> -> memref<79x128xi32, #tpu.memory_space<hbm>>
      tpu.wait_dma2 semaphore(%run_scoped3A : memref<!tpu.dma_semaphore, #tpu.memory_space<semaphore_mem>>) src(%dma_wait3A_90 : memref<79x128xi32, #tpu.memory_space<hbm>>) dst(%arg7 : memref<79x128xi32, #tpu.memory_space<vmem>>)
      tpu.yield
    }) : () -> ()
    %barrier3A = arith.constant 0 : index
    tpu.barrier barrier_id(%barrier3A)
    %dma_start3A = arith.constant 0 : i32
    %dma_start3A_18 = arith.constant 0 : i32
    %dma_start3A_19 = tpu.memref_slice %arg6[%dma_start3A, %dma_start3A_18] : memref<79x128xi32, #tpu.memory_space<vmem>> -> memref<1x128xi32, #tpu.memory_space<vmem>>
    %dma_start3A_20 = tpu.memref_squeeze %dma_start3A_19 : memref<1x128xi32, #tpu.memory_space<vmem>> -> memref<128xi32, #tpu.memory_space<vmem>>
    %dma_start3A_21 = arith.constant 0 : i32
    %dma_start3A_22 = arith.constant 0 : i32
    %dma_start3A_23 = tpu.memref_slice %arg2[%dma_start3A_21, %dma_start3A_22] : memref<10240x128xf32, #tpu.memory_space<hbm>> -> memref<10240x128xf32, #tpu.memory_space<hbm>>
    tpu.enqueue_indirect_dma source(%dma_start3A_23 : memref<10240x128xf32, #tpu.memory_space<hbm>>) target(%arg8 : memref<128x128xf32, #tpu.memory_space<vmem>>) offsets(%dma_start3A_20 : memref<128xi32, #tpu.memory_space<vmem>>) semaphore(%arg12 : memref<!tpu.dma_semaphore, #tpu.memory_space<semaphore_mem>>)
    %dma_start3A_24 = arith.constant 1 : i32
    %dma_start3A_25 = arith.constant 0 : i32
    %dma_start3A_26 = tpu.memref_slice %arg6[%dma_start3A_24, %dma_start3A_25] : memref<79x128xi32, #tpu.memory_space<vmem>> -> memref<1x128xi32, #tpu.memory_space<vmem>>
    %dma_start3A_27 = tpu.memref_squeeze %dma_start3A_26 : memref<1x128xi32, #tpu.memory_space<vmem>> -> memref<128xi32, #tpu.memory_space<vmem>>
    %dma_start3A_28 = arith.constant 0 : i32
    %dma_start3A_29 = arith.constant 0 : i32
    %dma_start3A_30 = tpu.memref_slice %arg2[%dma_start3A_28, %dma_start3A_29] : memref<10240x128xf32, #tpu.memory_space<hbm>> -> memref<10240x128xf32, #tpu.memory_space<hbm>>
    tpu.enqueue_indirect_dma source(%dma_start3A_30 : memref<10240x128xf32, #tpu.memory_space<hbm>>) target(%arg9 : memref<128x128xf32, #tpu.memory_space<vmem>>) offsets(%dma_start3A_27 : memref<128xi32, #tpu.memory_space<vmem>>) semaphore(%arg13 : memref<!tpu.dma_semaphore, #tpu.memory_space<semaphore_mem>>)
    %dma_start3A_31 = arith.constant 2 : i32
    %dma_start3A_32 = arith.constant 0 : i32
    %dma_start3A_33 = tpu.memref_slice %arg6[%dma_start3A_31, %dma_start3A_32] : memref<79x128xi32, #tpu.memory_space<vmem>> -> memref<1x128xi32, #tpu.memory_space<vmem>>
    %dma_start3A_34 = tpu.memref_squeeze %dma_start3A_33 : memref<1x128xi32, #tpu.memory_space<vmem>> -> memref<128xi32, #tpu.memory_space<vmem>>
    %dma_start3A_35 = arith.constant 0 : i32
    %dma_start3A_36 = arith.constant 0 : i32
    %dma_start3A_37 = tpu.memref_slice %arg2[%dma_start3A_35, %dma_start3A_36] : memref<10240x128xf32, #tpu.memory_space<hbm>> -> memref<10240x128xf32, #tpu.memory_space<hbm>>
    tpu.enqueue_indirect_dma source(%dma_start3A_37 : memref<10240x128xf32, #tpu.memory_space<hbm>>) target(%arg10 : memref<128x128xf32, #tpu.memory_space<vmem>>) offsets(%dma_start3A_34 : memref<128xi32, #tpu.memory_space<vmem>>) semaphore(%arg14 : memref<!tpu.dma_semaphore, #tpu.memory_space<semaphore_mem>>)
    %dma_start3A_38 = arith.constant 3 : i32
    %dma_start3A_39 = arith.constant 0 : i32
    %dma_start3A_40 = tpu.memref_slice %arg6[%dma_start3A_38, %dma_start3A_39] : memref<79x128xi32, #tpu.memory_space<vmem>> -> memref<1x128xi32, #tpu.memory_space<vmem>>
    %dma_start3A_41 = tpu.memref_squeeze %dma_start3A_40 : memref<1x128xi32, #tpu.memory_space<vmem>> -> memref<128xi32, #tpu.memory_space<vmem>>
    %dma_start3A_42 = arith.constant 0 : i32
    %dma_start3A_43 = arith.constant 0 : i32
    %dma_start3A_44 = tpu.memref_slice %arg2[%dma_start3A_42, %dma_start3A_43] : memref<10240x128xf32, #tpu.memory_space<hbm>> -> memref<10240x128xf32, #tpu.memory_space<hbm>>
    tpu.enqueue_indirect_dma source(%dma_start3A_44 : memref<10240x128xf32, #tpu.memory_space<hbm>>) target(%arg11 : memref<128x128xf32, #tpu.memory_space<vmem>>) offsets(%dma_start3A_41 : memref<128xi32, #tpu.memory_space<vmem>>) semaphore(%arg15 : memref<!tpu.dma_semaphore, #tpu.memory_space<semaphore_mem>>)
    %scan3A_45 = arith.constant 0 : i32
    %scan3A_46 = arith.constant 0 : i32
    %scan3A_47 = arith.constant 20 : i32
    %scan3A_48 = arith.addi %scan3A_46, %scan3A_47 : i32
    %scan3A_49 = arith.constant 1 : i32
    scf.for %scan3A_76 = %scan3A_46 to %scan3A_48 step %scan3A_49  : i32 {
      %mul3A_77 = arith.constant 4 : i32
      %mul3A_78 = arith.muli %scan3A_76, %mul3A_77 : i32
      %add3A_79 = arith.constant 0 : i32
      %add3A_80 = arith.addi %mul3A_78, %add3A_79 : i32
      %lt3A = arith.constant 79 : i32
      %lt3A_81 = arith.cmpi slt, %add3A_80, %lt3A : i32
      %convert_element_type3A = arith.extui %lt3A_81 : i1 to i32
      %cond3A = arith.constant 0 : i32
      %cond3A_82 = arith.cmpi ne, %convert_element_type3A, %cond3A : i32
      scf.if %cond3A_82 {
        %dma_wait3A = arith.constant 0 : i32
        %dma_wait3A_110 = tpu.memref_slice %arg6[%add3A_80, %dma_wait3A] : memref<79x128xi32, #tpu.memory_space<vmem>> -> memref<1x128xi32, #tpu.memory_space<vmem>>
        %dma_wait3A_111 = tpu.memref_squeeze %dma_wait3A_110 : memref<1x128xi32, #tpu.memory_space<vmem>> -> memref<128xi32, #tpu.memory_space<vmem>>
        %dma_wait3A_112 = arith.constant 0 : i32
        %dma_wait3A_113 = arith.constant 0 : i32
        %dma_wait3A_114 = tpu.memref_slice %arg2[%dma_wait3A_112, %dma_wait3A_113] : memref<10240x128xf32, #tpu.memory_space<hbm>> -> memref<10240x128xf32, #tpu.memory_space<hbm>>
        tpu.wait_indirect_dma semaphore(%arg12 : memref<!tpu.dma_semaphore, #tpu.memory_space<semaphore_mem>>) src(%dma_wait3A_114 : memref<10240x128xf32, #tpu.memory_space<hbm>>) dst(%arg8 : memref<128x128xf32, #tpu.memory_space<vmem>>)
        %dma_start3A_115 = arith.constant 0 : i32
        %dma_start3A_116 = tpu.memref_slice %arg7[%add3A_80, %dma_start3A_115] : memref<79x128xi32, #tpu.memory_space<vmem>> -> memref<1x128xi32, #tpu.memory_space<vmem>>
        %dma_start3A_117 = tpu.memref_squeeze %dma_start3A_116 : memref<1x128xi32, #tpu.memory_space<vmem>> -> memref<128xi32, #tpu.memory_space<vmem>>
        %dma_start3A_118 = arith.constant 0 : i32
        %dma_start3A_119 = arith.constant 0 : i32
        %dma_start3A_120 = tpu.memref_slice %arg20[%dma_start3A_118, %dma_start3A_119] : memref<5120x128xf32, #tpu.memory_space<vmem_shared>> -> memref<5120x128xf32, #tpu.memory_space<vmem_shared>>
        tpu.enqueue_indirect_dma source(%arg8 : memref<128x128xf32, #tpu.memory_space<vmem>>) target(%dma_start3A_120 : memref<5120x128xf32, #tpu.memory_space<vmem_shared>>) offsets(%dma_start3A_117 : memref<128xi32, #tpu.memory_space<vmem>>) semaphore(%arg16 : memref<!tpu.dma_semaphore, #tpu.memory_space<semaphore_mem>>) {add = true}
        %dma_wait3A_121 = arith.constant 0 : i32
        %dma_wait3A_122 = tpu.memref_slice %arg7[%add3A_80, %dma_wait3A_121] : memref<79x128xi32, #tpu.memory_space<vmem>> -> memref<1x128xi32, #tpu.memory_space<vmem>>
        %dma_wait3A_123 = tpu.memref_squeeze %dma_wait3A_122 : memref<1x128xi32, #tpu.memory_space<vmem>> -> memref<128xi32, #tpu.memory_space<vmem>>
        %dma_wait3A_124 = arith.constant 0 : i32
        %dma_wait3A_125 = arith.constant 0 : i32
        %dma_wait3A_126 = tpu.memref_slice %arg20[%dma_wait3A_124, %dma_wait3A_125] : memref<5120x128xf32, #tpu.memory_space<vmem_shared>> -> memref<5120x128xf32, #tpu.memory_space<vmem_shared>>
        tpu.wait_indirect_dma semaphore(%arg16 : memref<!tpu.dma_semaphore, #tpu.memory_space<semaphore_mem>>) src(%arg8 : memref<128x128xf32, #tpu.memory_space<vmem>>) dst(%dma_wait3A_126 : memref<5120x128xf32, #tpu.memory_space<vmem_shared>>)
        %add3A_127 = arith.constant 4 : i32
        %add3A_128 = arith.addi %add3A_80, %add3A_127 : i32
        %lt3A_129 = arith.constant 79 : i32
        %lt3A_130 = arith.cmpi slt, %add3A_128, %lt3A_129 : i32
        %convert_element_type3A_131 = arith.extui %lt3A_130 : i1 to i32
        %cond3A_132 = arith.constant 0 : i32
        %cond3A_133 = arith.cmpi ne, %convert_element_type3A_131, %cond3A_132 : i32
        scf.if %cond3A_133 {
          %add3A_134 = arith.constant 4 : i32
          %add3A_135 = arith.addi %add3A_80, %add3A_134 : i32
          %dma_start3A_136 = arith.constant 0 : i32
          %dma_start3A_137 = tpu.memref_slice %arg6[%add3A_135, %dma_start3A_136] : memref<79x128xi32, #tpu.memory_space<vmem>> -> memref<1x128xi32, #tpu.memory_space<vmem>>
          %dma_start3A_138 = tpu.memref_squeeze %dma_start3A_137 : memref<1x128xi32, #tpu.memory_space<vmem>> -> memref<128xi32, #tpu.memory_space<vmem>>
          %dma_start3A_139 = arith.constant 0 : i32
          %dma_start3A_140 = arith.constant 0 : i32
          %dma_start3A_141 = tpu.memref_slice %arg2[%dma_start3A_139, %dma_start3A_140] : memref<10240x128xf32, #tpu.memory_space<hbm>> -> memref<10240x128xf32, #tpu.memory_space<hbm>>
          tpu.enqueue_indirect_dma source(%dma_start3A_141 : memref<10240x128xf32, #tpu.memory_space<hbm>>) target(%arg8 : memref<128x128xf32, #tpu.memory_space<vmem>>) offsets(%dma_start3A_138 : memref<128xi32, #tpu.memory_space<vmem>>) semaphore(%arg12 : memref<!tpu.dma_semaphore, #tpu.memory_space<semaphore_mem>>)
        } else {
        }
      } else {
      }
      %mul3A_83 = arith.constant 4 : i32
      %mul3A_84 = arith.muli %scan3A_76, %mul3A_83 : i32
      %add3A_85 = arith.constant 1 : i32
      %add3A_86 = arith.addi %mul3A_84, %add3A_85 : i32
      %lt3A_87 = arith.constant 79 : i32
      %lt3A_88 = arith.cmpi slt, %add3A_86, %lt3A_87 : i32
      %convert_element_type3A_89 = arith.extui %lt3A_88 : i1 to i32
      %cond3A_90 = arith.constant 0 : i32
      %cond3A_91 = arith.cmpi ne, %convert_element_type3A_89, %cond3A_90 : i32
      scf.if %cond3A_91 {
        %dma_wait3A = arith.constant 0 : i32
        %dma_wait3A_110 = tpu.memref_slice %arg6[%add3A_86, %dma_wait3A] : memref<79x128xi32, #tpu.memory_space<vmem>> -> memref<1x128xi32, #tpu.memory_space<vmem>>
        %dma_wait3A_111 = tpu.memref_squeeze %dma_wait3A_110 : memref<1x128xi32, #tpu.memory_space<vmem>> -> memref<128xi32, #tpu.memory_space<vmem>>
        %dma_wait3A_112 = arith.constant 0 : i32
        %dma_wait3A_113 = arith.constant 0 : i32
        %dma_wait3A_114 = tpu.memref_slice %arg2[%dma_wait3A_112, %dma_wait3A_113] : memref<10240x128xf32, #tpu.memory_space<hbm>> -> memref<10240x128xf32, #tpu.memory_space<hbm>>
        tpu.wait_indirect_dma semaphore(%arg13 : memref<!tpu.dma_semaphore, #tpu.memory_space<semaphore_mem>>) src(%dma_wait3A_114 : memref<10240x128xf32, #tpu.memory_space<hbm>>) dst(%arg9 : memref<128x128xf32, #tpu.memory_space<vmem>>)
        %dma_start3A_115 = arith.constant 0 : i32
        %dma_start3A_116 = tpu.memref_slice %arg7[%add3A_86, %dma_start3A_115] : memref<79x128xi32, #tpu.memory_space<vmem>> -> memref<1x128xi32, #tpu.memory_space<vmem>>
        %dma_start3A_117 = tpu.memref_squeeze %dma_start3A_116 : memref<1x128xi32, #tpu.memory_space<vmem>> -> memref<128xi32, #tpu.memory_space<vmem>>
        %dma_start3A_118 = arith.constant 0 : i32
        %dma_start3A_119 = arith.constant 0 : i32
        %dma_start3A_120 = tpu.memref_slice %arg20[%dma_start3A_118, %dma_start3A_119] : memref<5120x128xf32, #tpu.memory_space<vmem_shared>> -> memref<5120x128xf32, #tpu.memory_space<vmem_shared>>
        tpu.enqueue_indirect_dma source(%arg9 : memref<128x128xf32, #tpu.memory_space<vmem>>) target(%dma_start3A_120 : memref<5120x128xf32, #tpu.memory_space<vmem_shared>>) offsets(%dma_start3A_117 : memref<128xi32, #tpu.memory_space<vmem>>) semaphore(%arg17 : memref<!tpu.dma_semaphore, #tpu.memory_space<semaphore_mem>>) {add = true}
        %dma_wait3A_121 = arith.constant 0 : i32
        %dma_wait3A_122 = tpu.memref_slice %arg7[%add3A_86, %dma_wait3A_121] : memref<79x128xi32, #tpu.memory_space<vmem>> -> memref<1x128xi32, #tpu.memory_space<vmem>>
        %dma_wait3A_123 = tpu.memref_squeeze %dma_wait3A_122 : memref<1x128xi32, #tpu.memory_space<vmem>> -> memref<128xi32, #tpu.memory_space<vmem>>
        %dma_wait3A_124 = arith.constant 0 : i32
        %dma_wait3A_125 = arith.constant 0 : i32
        %dma_wait3A_126 = tpu.memref_slice %arg20[%dma_wait3A_124, %dma_wait3A_125] : memref<5120x128xf32, #tpu.memory_space<vmem_shared>> -> memref<5120x128xf32, #tpu.memory_space<vmem_shared>>
        tpu.wait_indirect_dma semaphore(%arg17 : memref<!tpu.dma_semaphore, #tpu.memory_space<semaphore_mem>>) src(%arg9 : memref<128x128xf32, #tpu.memory_space<vmem>>) dst(%dma_wait3A_126 : memref<5120x128xf32, #tpu.memory_space<vmem_shared>>)
        %add3A_127 = arith.constant 4 : i32
        %add3A_128 = arith.addi %add3A_86, %add3A_127 : i32
        %lt3A_129 = arith.constant 79 : i32
        %lt3A_130 = arith.cmpi slt, %add3A_128, %lt3A_129 : i32
        %convert_element_type3A_131 = arith.extui %lt3A_130 : i1 to i32
        %cond3A_132 = arith.constant 0 : i32
        %cond3A_133 = arith.cmpi ne, %convert_element_type3A_131, %cond3A_132 : i32
        scf.if %cond3A_133 {
          %add3A_134 = arith.constant 4 : i32
          %add3A_135 = arith.addi %add3A_86, %add3A_134 : i32
          %dma_start3A_136 = arith.constant 0 : i32
          %dma_start3A_137 = tpu.memref_slice %arg6[%add3A_135, %dma_start3A_136] : memref<79x128xi32, #tpu.memory_space<vmem>> -> memref<1x128xi32, #tpu.memory_space<vmem>>
          %dma_start3A_138 = tpu.memref_squeeze %dma_start3A_137 : memref<1x128xi32, #tpu.memory_space<vmem>> -> memref<128xi32, #tpu.memory_space<vmem>>
          %dma_start3A_139 = arith.constant 0 : i32
          %dma_start3A_140 = arith.constant 0 : i32
          %dma_start3A_141 = tpu.memref_slice %arg2[%dma_start3A_139, %dma_start3A_140] : memref<10240x128xf32, #tpu.memory_space<hbm>> -> memref<10240x128xf32, #tpu.memory_space<hbm>>
          tpu.enqueue_indirect_dma source(%dma_start3A_141 : memref<10240x128xf32, #tpu.memory_space<hbm>>) target(%arg9 : memref<128x128xf32, #tpu.memory_space<vmem>>) offsets(%dma_start3A_138 : memref<128xi32, #tpu.memory_space<vmem>>) semaphore(%arg13 : memref<!tpu.dma_semaphore, #tpu.memory_space<semaphore_mem>>)
        } else {
        }
      } else {
      }
      %mul3A_92 = arith.constant 4 : i32
      %mul3A_93 = arith.muli %scan3A_76, %mul3A_92 : i32
      %add3A_94 = arith.constant 2 : i32
      %add3A_95 = arith.addi %mul3A_93, %add3A_94 : i32
      %lt3A_96 = arith.constant 79 : i32
      %lt3A_97 = arith.cmpi slt, %add3A_95, %lt3A_96 : i32
      %convert_element_type3A_98 = arith.extui %lt3A_97 : i1 to i32
      %cond3A_99 = arith.constant 0 : i32
      %cond3A_100 = arith.cmpi ne, %convert_element_type3A_98, %cond3A_99 : i32
      scf.if %cond3A_100 {
        %dma_wait3A = arith.constant 0 : i32
        %dma_wait3A_110 = tpu.memref_slice %arg6[%add3A_95, %dma_wait3A] : memref<79x128xi32, #tpu.memory_space<vmem>> -> memref<1x128xi32, #tpu.memory_space<vmem>>
        %dma_wait3A_111 = tpu.memref_squeeze %dma_wait3A_110 : memref<1x128xi32, #tpu.memory_space<vmem>> -> memref<128xi32, #tpu.memory_space<vmem>>
        %dma_wait3A_112 = arith.constant 0 : i32
        %dma_wait3A_113 = arith.constant 0 : i32
        %dma_wait3A_114 = tpu.memref_slice %arg2[%dma_wait3A_112, %dma_wait3A_113] : memref<10240x128xf32, #tpu.memory_space<hbm>> -> memref<10240x128xf32, #tpu.memory_space<hbm>>
        tpu.wait_indirect_dma semaphore(%arg14 : memref<!tpu.dma_semaphore, #tpu.memory_space<semaphore_mem>>) src(%dma_wait3A_114 : memref<10240x128xf32, #tpu.memory_space<hbm>>) dst(%arg10 : memref<128x128xf32, #tpu.memory_space<vmem>>)
        %dma_start3A_115 = arith.constant 0 : i32
        %dma_start3A_116 = tpu.memref_slice %arg7[%add3A_95, %dma_start3A_115] : memref<79x128xi32, #tpu.memory_space<vmem>> -> memref<1x128xi32, #tpu.memory_space<vmem>>
        %dma_start3A_117 = tpu.memref_squeeze %dma_start3A_116 : memref<1x128xi32, #tpu.memory_space<vmem>> -> memref<128xi32, #tpu.memory_space<vmem>>
        %dma_start3A_118 = arith.constant 0 : i32
        %dma_start3A_119 = arith.constant 0 : i32
        %dma_start3A_120 = tpu.memref_slice %arg20[%dma_start3A_118, %dma_start3A_119] : memref<5120x128xf32, #tpu.memory_space<vmem_shared>> -> memref<5120x128xf32, #tpu.memory_space<vmem_shared>>
        tpu.enqueue_indirect_dma source(%arg10 : memref<128x128xf32, #tpu.memory_space<vmem>>) target(%dma_start3A_120 : memref<5120x128xf32, #tpu.memory_space<vmem_shared>>) offsets(%dma_start3A_117 : memref<128xi32, #tpu.memory_space<vmem>>) semaphore(%arg18 : memref<!tpu.dma_semaphore, #tpu.memory_space<semaphore_mem>>) {add = true}
        %dma_wait3A_121 = arith.constant 0 : i32
        %dma_wait3A_122 = tpu.memref_slice %arg7[%add3A_95, %dma_wait3A_121] : memref<79x128xi32, #tpu.memory_space<vmem>> -> memref<1x128xi32, #tpu.memory_space<vmem>>
        %dma_wait3A_123 = tpu.memref_squeeze %dma_wait3A_122 : memref<1x128xi32, #tpu.memory_space<vmem>> -> memref<128xi32, #tpu.memory_space<vmem>>
        %dma_wait3A_124 = arith.constant 0 : i32
        %dma_wait3A_125 = arith.constant 0 : i32
        %dma_wait3A_126 = tpu.memref_slice %arg20[%dma_wait3A_124, %dma_wait3A_125] : memref<5120x128xf32, #tpu.memory_space<vmem_shared>> -> memref<5120x128xf32, #tpu.memory_space<vmem_shared>>
        tpu.wait_indirect_dma semaphore(%arg18 : memref<!tpu.dma_semaphore, #tpu.memory_space<semaphore_mem>>) src(%arg10 : memref<128x128xf32, #tpu.memory_space<vmem>>) dst(%dma_wait3A_126 : memref<5120x128xf32, #tpu.memory_space<vmem_shared>>)
        %add3A_127 = arith.constant 4 : i32
        %add3A_128 = arith.addi %add3A_95, %add3A_127 : i32
        %lt3A_129 = arith.constant 79 : i32
        %lt3A_130 = arith.cmpi slt, %add3A_128, %lt3A_129 : i32
        %convert_element_type3A_131 = arith.extui %lt3A_130 : i1 to i32
        %cond3A_132 = arith.constant 0 : i32
        %cond3A_133 = arith.cmpi ne, %convert_element_type3A_131, %cond3A_132 : i32
        scf.if %cond3A_133 {
          %add3A_134 = arith.constant 4 : i32
          %add3A_135 = arith.addi %add3A_95, %add3A_134 : i32
          %dma_start3A_136 = arith.constant 0 : i32
          %dma_start3A_137 = tpu.memref_slice %arg6[%add3A_135, %dma_start3A_136] : memref<79x128xi32, #tpu.memory_space<vmem>> -> memref<1x128xi32, #tpu.memory_space<vmem>>
          %dma_start3A_138 = tpu.memref_squeeze %dma_start3A_137 : memref<1x128xi32, #tpu.memory_space<vmem>> -> memref<128xi32, #tpu.memory_space<vmem>>
          %dma_start3A_139 = arith.constant 0 : i32
          %dma_start3A_140 = arith.constant 0 : i32
          %dma_start3A_141 = tpu.memref_slice %arg2[%dma_start3A_139, %dma_start3A_140] : memref<10240x128xf32, #tpu.memory_space<hbm>> -> memref<10240x128xf32, #tpu.memory_space<hbm>>
          tpu.enqueue_indirect_dma source(%dma_start3A_141 : memref<10240x128xf32, #tpu.memory_space<hbm>>) target(%arg10 : memref<128x128xf32, #tpu.memory_space<vmem>>) offsets(%dma_start3A_138 : memref<128xi32, #tpu.memory_space<vmem>>) semaphore(%arg14 : memref<!tpu.dma_semaphore, #tpu.memory_space<semaphore_mem>>)
        } else {
        }
      } else {
      }
      %mul3A_101 = arith.constant 4 : i32
      %mul3A_102 = arith.muli %scan3A_76, %mul3A_101 : i32
      %add3A_103 = arith.constant 3 : i32
      %add3A_104 = arith.addi %mul3A_102, %add3A_103 : i32
      %lt3A_105 = arith.constant 79 : i32
      %lt3A_106 = arith.cmpi slt, %add3A_104, %lt3A_105 : i32
      %convert_element_type3A_107 = arith.extui %lt3A_106 : i1 to i32
      %cond3A_108 = arith.constant 0 : i32
      %cond3A_109 = arith.cmpi ne, %convert_element_type3A_107, %cond3A_108 : i32
      scf.if %cond3A_109 {
        %dma_wait3A = arith.constant 0 : i32
        %dma_wait3A_110 = tpu.memref_slice %arg6[%add3A_104, %dma_wait3A] : memref<79x128xi32, #tpu.memory_space<vmem>> -> memref<1x128xi32, #tpu.memory_space<vmem>>
        %dma_wait3A_111 = tpu.memref_squeeze %dma_wait3A_110 : memref<1x128xi32, #tpu.memory_space<vmem>> -> memref<128xi32, #tpu.memory_space<vmem>>
        %dma_wait3A_112 = arith.constant 0 : i32
        %dma_wait3A_113 = arith.constant 0 : i32
        %dma_wait3A_114 = tpu.memref_slice %arg2[%dma_wait3A_112, %dma_wait3A_113] : memref<10240x128xf32, #tpu.memory_space<hbm>> -> memref<10240x128xf32, #tpu.memory_space<hbm>>
        tpu.wait_indirect_dma semaphore(%arg15 : memref<!tpu.dma_semaphore, #tpu.memory_space<semaphore_mem>>) src(%dma_wait3A_114 : memref<10240x128xf32, #tpu.memory_space<hbm>>) dst(%arg11 : memref<128x128xf32, #tpu.memory_space<vmem>>)
        %dma_start3A_115 = arith.constant 0 : i32
        %dma_start3A_116 = tpu.memref_slice %arg7[%add3A_104, %dma_start3A_115] : memref<79x128xi32, #tpu.memory_space<vmem>> -> memref<1x128xi32, #tpu.memory_space<vmem>>
        %dma_start3A_117 = tpu.memref_squeeze %dma_start3A_116 : memref<1x128xi32, #tpu.memory_space<vmem>> -> memref<128xi32, #tpu.memory_space<vmem>>
        %dma_start3A_118 = arith.constant 0 : i32
        %dma_start3A_119 = arith.constant 0 : i32
        %dma_start3A_120 = tpu.memref_slice %arg20[%dma_start3A_118, %dma_start3A_119] : memref<5120x128xf32, #tpu.memory_space<vmem_shared>> -> memref<5120x128xf32, #tpu.memory_space<vmem_shared>>
        tpu.enqueue_indirect_dma source(%arg11 : memref<128x128xf32, #tpu.memory_space<vmem>>) target(%dma_start3A_120 : memref<5120x128xf32, #tpu.memory_space<vmem_shared>>) offsets(%dma_start3A_117 : memref<128xi32, #tpu.memory_space<vmem>>) semaphore(%arg19 : memref<!tpu.dma_semaphore, #tpu.memory_space<semaphore_mem>>) {add = true}
        %dma_wait3A_121 = arith.constant 0 : i32
        %dma_wait3A_122 = tpu.memref_slice %arg7[%add3A_104, %dma_wait3A_121] : memref<79x128xi32, #tpu.memory_space<vmem>> -> memref<1x128xi32, #tpu.memory_space<vmem>>
        %dma_wait3A_123 = tpu.memref_squeeze %dma_wait3A_122 : memref<1x128xi32, #tpu.memory_space<vmem>> -> memref<128xi32, #tpu.memory_space<vmem>>
        %dma_wait3A_124 = arith.constant 0 : i32
        %dma_wait3A_125 = arith.constant 0 : i32
        %dma_wait3A_126 = tpu.memref_slice %arg20[%dma_wait3A_124, %dma_wait3A_125] : memref<5120x128xf32, #tpu.memory_space<vmem_shared>> -> memref<5120x128xf32, #tpu.memory_space<vmem_shared>>
        tpu.wait_indirect_dma semaphore(%arg19 : memref<!tpu.dma_semaphore, #tpu.memory_space<semaphore_mem>>) src(%arg11 : memref<128x128xf32, #tpu.memory_space<vmem>>) dst(%dma_wait3A_126 : memref<5120x128xf32, #tpu.memory_space<vmem_shared>>)
        %add3A_127 = arith.constant 4 : i32
        %add3A_128 = arith.addi %add3A_104, %add3A_127 : i32
        %lt3A_129 = arith.constant 79 : i32
        %lt3A_130 = arith.cmpi slt, %add3A_128, %lt3A_129 : i32
        %convert_element_type3A_131 = arith.extui %lt3A_130 : i1 to i32
        %cond3A_132 = arith.constant 0 : i32
        %cond3A_133 = arith.cmpi ne, %convert_element_type3A_131, %cond3A_132 : i32
        scf.if %cond3A_133 {
          %add3A_134 = arith.constant 4 : i32
          %add3A_135 = arith.addi %add3A_104, %add3A_134 : i32
          %dma_start3A_136 = arith.constant 0 : i32
          %dma_start3A_137 = tpu.memref_slice %arg6[%add3A_135, %dma_start3A_136] : memref<79x128xi32, #tpu.memory_space<vmem>> -> memref<1x128xi32, #tpu.memory_space<vmem>>
          %dma_start3A_138 = tpu.memref_squeeze %dma_start3A_137 : memref<1x128xi32, #tpu.memory_space<vmem>> -> memref<128xi32, #tpu.memory_space<vmem>>
          %dma_start3A_139 = arith.constant 0 : i32
          %dma_start3A_140 = arith.constant 0 : i32
          %dma_start3A_141 = tpu.memref_slice %arg2[%dma_start3A_139, %dma_start3A_140] : memref<10240x128xf32, #tpu.memory_space<hbm>> -> memref<10240x128xf32, #tpu.memory_space<hbm>>
          tpu.enqueue_indirect_dma source(%dma_start3A_141 : memref<10240x128xf32, #tpu.memory_space<hbm>>) target(%arg11 : memref<128x128xf32, #tpu.memory_space<vmem>>) offsets(%dma_start3A_138 : memref<128xi32, #tpu.memory_space<vmem>>) semaphore(%arg15 : memref<!tpu.dma_semaphore, #tpu.memory_space<semaphore_mem>>)
        } else {
        }
      } else {
      }
    }
    %scan3A_50 = arith.constant 20 : i32
    %barrier3A_51 = arith.constant 0 : index
    tpu.barrier barrier_id(%barrier3A_51)
    %mul3A_52 = arith.constant 320 : i32
    %mul3A_53 = arith.muli %arg1, %mul3A_52 : i32
    %add3A_54 = arith.constant 0 : i32
    %add3A_55 = arith.addi %mul3A_53, %add3A_54 : i32
    "tpu.region"() ({
      %run_scoped3A = tpu.sem_alloc : memref<!tpu.dma_semaphore, #tpu.memory_space<semaphore_mem>>
      %dma_start3A_76 = arith.constant 0 : i32
      %dma_start3A_77 = arith.constant 0 : i32
      %dma_start3A_78 = tpu.memref_slice %arg8[%dma_start3A_76, %dma_start3A_77] : memref<128x128xf32, #tpu.memory_space<vmem>> -> memref<128x128xf32, #tpu.memory_space<vmem>>
      %dma_start3A_79 = arith.constant 0 : i32
      %dma_start3A_80 = tpu.memref_slice %arg20[%add3A_55, %dma_start3A_79] : memref<5120x128xf32, #tpu.memory_space<vmem_shared>> -> memref<128x128xf32, #tpu.memory_space<vmem_shared>>
      %dma_start3A_81 = arith.constant 0 : i32
      %dma_start3A_82 = arith.constant 0 : i32
      %dma_start3A_83 = tpu.memref_slice %arg8[%dma_start3A_81, %dma_start3A_82] : memref<128x128xf32, #tpu.memory_space<vmem>> -> memref<128x128xf32, #tpu.memory_space<vmem>>
      %dma_start3A_84 = arith.constant 0 : i32
      %dma_start3A_85 = tpu.memref_slice %arg20[%add3A_55, %dma_start3A_84] : memref<5120x128xf32, #tpu.memory_space<vmem_shared>> -> memref<128x128xf32, #tpu.memory_space<vmem_shared>>
      tpu.enqueue_dma source(%dma_start3A_85 : memref<128x128xf32, #tpu.memory_space<vmem_shared>>) target(%dma_start3A_83 : memref<128x128xf32, #tpu.memory_space<vmem>>) target_semaphore(%run_scoped3A : memref<!tpu.dma_semaphore, #tpu.memory_space<semaphore_mem>>)
      %dma_wait3A = arith.constant 0 : i32
      %dma_wait3A_86 = arith.constant 0 : i32
      %dma_wait3A_87 = tpu.memref_slice %arg8[%dma_wait3A, %dma_wait3A_86] : memref<128x128xf32, #tpu.memory_space<vmem>> -> memref<128x128xf32, #tpu.memory_space<vmem>>
      %dma_wait3A_88 = arith.constant 0 : i32
      %dma_wait3A_89 = tpu.memref_slice %arg20[%add3A_55, %dma_wait3A_88] : memref<5120x128xf32, #tpu.memory_space<vmem_shared>> -> memref<128x128xf32, #tpu.memory_space<vmem_shared>>
      %dma_wait3A_90 = arith.constant 0 : i32
      %dma_wait3A_91 = arith.constant 0 : i32
      %dma_wait3A_92 = tpu.memref_slice %arg8[%dma_wait3A_90, %dma_wait3A_91] : memref<128x128xf32, #tpu.memory_space<vmem>> -> memref<128x128xf32, #tpu.memory_space<vmem>>
      %dma_wait3A_93 = arith.constant 0 : i32
      %dma_wait3A_94 = tpu.memref_slice %arg20[%add3A_55, %dma_wait3A_93] : memref<5120x128xf32, #tpu.memory_space<vmem_shared>> -> memref<128x128xf32, #tpu.memory_space<vmem_shared>>
      tpu.wait_dma2 semaphore(%run_scoped3A : memref<!tpu.dma_semaphore, #tpu.memory_space<semaphore_mem>>) src(%dma_wait3A_94 : memref<128x128xf32, #tpu.memory_space<vmem_shared>>) dst(%dma_wait3A_92 : memref<128x128xf32, #tpu.memory_space<vmem>>)
      tpu.yield
    }) : () -> ()
    %mul3A_56 = arith.constant 320 : i32
    %mul3A_57 = arith.muli %arg1, %mul3A_56 : i32
    %add3A_58 = arith.constant 0 : i32
    %add3A_59 = arith.addi %mul3A_57, %add3A_58 : i32
    "tpu.region"() ({
      %run_scoped3A = tpu.sem_alloc : memref<!tpu.dma_semaphore, #tpu.memory_space<semaphore_mem>>
      %dma_start3A_76 = arith.constant 0 : i32
      %dma_start3A_77 = arith.constant 0 : i32
      %dma_start3A_78 = tpu.memref_slice %arg8[%dma_start3A_76, %dma_start3A_77] : memref<128x128xf32, #tpu.memory_space<vmem>> -> memref<128x128xf32, #tpu.memory_space<vmem>>
      %dma_start3A_79 = arith.constant 0 : i32
      %dma_start3A_80 = tpu.memref_slice %arg5[%arg0, %add3A_59, %dma_start3A_79] : memref<2x5120x128xf32, #tpu.memory_space<hbm>> -> memref<1x128x128xf32, #tpu.memory_space<hbm>>
      %dma_start3A_81 = tpu.memref_squeeze %dma_start3A_80 : memref<1x128x128xf32, #tpu.memory_space<hbm>> -> memref<128x128xf32, #tpu.memory_space<hbm>>
      %dma_start3A_82 = arith.constant 0 : i32
      %dma_start3A_83 = tpu.memref_slice %arg5[%arg0, %add3A_59, %dma_start3A_82] : memref<2x5120x128xf32, #tpu.memory_space<hbm>> -> memref<1x128x128xf32, #tpu.memory_space<hbm>>
      %dma_start3A_84 = tpu.memref_squeeze %dma_start3A_83 : memref<1x128x128xf32, #tpu.memory_space<hbm>> -> memref<128x128xf32, #tpu.memory_space<hbm>>
      %dma_start3A_85 = arith.constant 0 : i32
      %dma_start3A_86 = arith.constant 0 : i32
      %dma_start3A_87 = tpu.memref_slice %arg8[%dma_start3A_85, %dma_start3A_86] : memref<128x128xf32, #tpu.memory_space<vmem>> -> memref<128x128xf32, #tpu.memory_space<vmem>>
      tpu.enqueue_dma source(%dma_start3A_87 : memref<128x128xf32, #tpu.memory_space<vmem>>) target(%dma_start3A_84 : memref<128x128xf32, #tpu.memory_space<hbm>>) target_semaphore(%run_scoped3A : memref<!tpu.dma_semaphore, #tpu.memory_space<semaphore_mem>>)
      %dma_wait3A = arith.constant 0 : i32
      %dma_wait3A_88 = arith.constant 0 : i32
      %dma_wait3A_89 = tpu.memref_slice %arg8[%dma_wait3A, %dma_wait3A_88] : memref<128x128xf32, #tpu.memory_space<vmem>> -> memref<128x128xf32, #tpu.memory_space<vmem>>
      %dma_wait3A_90 = arith.constant 0 : i32
      %dma_wait3A_91 = tpu.memref_slice %arg5[%arg0, %add3A_59, %dma_wait3A_90] : memref<2x5120x128xf32, #tpu.memory_space<hbm>> -> memref<1x128x128xf32, #tpu.memory_space<hbm>>
      %dma_wait3A_92 = tpu.memref_squeeze %dma_wait3A_91 : memref<1x128x128xf32, #tpu.memory_space<hbm>> -> memref<128x128xf32, #tpu.memory_space<hbm>>
      %dma_wait3A_93 = arith.constant 0 : i32
      %dma_wait3A_94 = tpu.memref_slice %arg5[%arg0, %add3A_59, %dma_wait3A_93] : memref<2x5120x128xf32, #tpu.memory_space<hbm>> -> memref<1x128x128xf32, #tpu.memory_space<hbm>>
      %dma_wait3A_95 = tpu.memref_squeeze %dma_wait3A_94 : memref<1x128x128xf32, #tpu.memory_space<hbm>> -> memref<128x128xf32, #tpu.memory_space<hbm>>
      %dma_wait3A_96 = arith.constant 0 : i32
      %dma_wait3A_97 = arith.constant 0 : i32
      %dma_wait3A_98 = tpu.memref_slice %arg8[%dma_wait3A_96, %dma_wait3A_97] : memref<128x128xf32, #tpu.memory_space<vmem>> -> memref<128x128xf32, #tpu.memory_space<vmem>>
      tpu.wait_dma2 semaphore(%run_scoped3A : memref<!tpu.dma_semaphore, #tpu.memory_space<semaphore_mem>>) src(%dma_wait3A_98 : memref<128x128xf32, #tpu.memory_space<vmem>>) dst(%dma_wait3A_95 : memref<128x128xf32, #tpu.memory_space<hbm>>)
      tpu.yield
    }) : () -> ()
    %mul3A_60 = arith.constant 320 : i32
    %mul3A_61 = arith.muli %arg1, %mul3A_60 : i32
    %add3A_62 = arith.constant 128 : i32
    %add3A_63 = arith.addi %mul3A_61, %add3A_62 : i32
    "tpu.region"() ({
      %run_scoped3A = tpu.sem_alloc : memref<!tpu.dma_semaphore, #tpu.memory_space<semaphore_mem>>
      %dma_start3A_76 = arith.constant 0 : i32
      %dma_start3A_77 = arith.constant 0 : i32
      %dma_start3A_78 = tpu.memref_slice %arg8[%dma_start3A_76, %dma_start3A_77] : memref<128x128xf32, #tpu.memory_space<vmem>> -> memref<128x128xf32, #tpu.memory_space<vmem>>
      %dma_start3A_79 = arith.constant 0 : i32
      %dma_start3A_80 = tpu.memref_slice %arg20[%add3A_63, %dma_start3A_79] : memref<5120x128xf32, #tpu.memory_space<vmem_shared>> -> memref<128x128xf32, #tpu.memory_space<vmem_shared>>
      %dma_start3A_81 = arith.constant 0 : i32
      %dma_start3A_82 = arith.constant 0 : i32
      %dma_start3A_83 = tpu.memref_slice %arg8[%dma_start3A_81, %dma_start3A_82] : memref<128x128xf32, #tpu.memory_space<vmem>> -> memref<128x128xf32, #tpu.memory_space<vmem>>
      %dma_start3A_84 = arith.constant 0 : i32
      %dma_start3A_85 = tpu.memref_slice %arg20[%add3A_63, %dma_start3A_84] : memref<5120x128xf32, #tpu.memory_space<vmem_shared>> -> memref<128x128xf32, #tpu.memory_space<vmem_shared>>
      tpu.enqueue_dma source(%dma_start3A_85 : memref<128x128xf32, #tpu.memory_space<vmem_shared>>) target(%dma_start3A_83 : memref<128x128xf32, #tpu.memory_space<vmem>>) target_semaphore(%run_scoped3A : memref<!tpu.dma_semaphore, #tpu.memory_space<semaphore_mem>>)
      %dma_wait3A = arith.constant 0 : i32
      %dma_wait3A_86 = arith.constant 0 : i32
      %dma_wait3A_87 = tpu.memref_slice %arg8[%dma_wait3A, %dma_wait3A_86] : memref<128x128xf32, #tpu.memory_space<vmem>> -> memref<128x128xf32, #tpu.memory_space<vmem>>
      %dma_wait3A_88 = arith.constant 0 : i32
      %dma_wait3A_89 = tpu.memref_slice %arg20[%add3A_63, %dma_wait3A_88] : memref<5120x128xf32, #tpu.memory_space<vmem_shared>> -> memref<128x128xf32, #tpu.memory_space<vmem_shared>>
      %dma_wait3A_90 = arith.constant 0 : i32
      %dma_wait3A_91 = arith.constant 0 : i32
      %dma_wait3A_92 = tpu.memref_slice %arg8[%dma_wait3A_90, %dma_wait3A_91] : memref<128x128xf32, #tpu.memory_space<vmem>> -> memref<128x128xf32, #tpu.memory_space<vmem>>
      %dma_wait3A_93 = arith.constant 0 : i32
      %dma_wait3A_94 = tpu.memref_slice %arg20[%add3A_63, %dma_wait3A_93] : memref<5120x128xf32, #tpu.memory_space<vmem_shared>> -> memref<128x128xf32, #tpu.memory_space<vmem_shared>>
      tpu.wait_dma2 semaphore(%run_scoped3A : memref<!tpu.dma_semaphore, #tpu.memory_space<semaphore_mem>>) src(%dma_wait3A_94 : memref<128x128xf32, #tpu.memory_space<vmem_shared>>) dst(%dma_wait3A_92 : memref<128x128xf32, #tpu.memory_space<vmem>>)
      tpu.yield
    }) : () -> ()
    %mul3A_64 = arith.constant 320 : i32
    %mul3A_65 = arith.muli %arg1, %mul3A_64 : i32
    %add3A_66 = arith.constant 128 : i32
    %add3A_67 = arith.addi %mul3A_65, %add3A_66 : i32
    "tpu.region"() ({
      %run_scoped3A = tpu.sem_alloc : memref<!tpu.dma_semaphore, #tpu.memory_space<semaphore_mem>>
      %dma_start3A_76 = arith.constant 0 : i32
      %dma_start3A_77 = arith.constant 0 : i32
      %dma_start3A_78 = tpu.memref_slice %arg8[%dma_start3A_76, %dma_start3A_77] : memref<128x128xf32, #tpu.memory_space<vmem>> -> memref<128x128xf32, #tpu.memory_space<vmem>>
      %dma_start3A_79 = arith.constant 0 : i32
      %dma_start3A_80 = tpu.memref_slice %arg5[%arg0, %add3A_67, %dma_start3A_79] : memref<2x5120x128xf32, #tpu.memory_space<hbm>> -> memref<1x128x128xf32, #tpu.memory_space<hbm>>
      %dma_start3A_81 = tpu.memref_squeeze %dma_start3A_80 : memref<1x128x128xf32, #tpu.memory_space<hbm>> -> memref<128x128xf32, #tpu.memory_space<hbm>>
      %dma_start3A_82 = arith.constant 0 : i32
      %dma_start3A_83 = tpu.memref_slice %arg5[%arg0, %add3A_67, %dma_start3A_82] : memref<2x5120x128xf32, #tpu.memory_space<hbm>> -> memref<1x128x128xf32, #tpu.memory_space<hbm>>
      %dma_start3A_84 = tpu.memref_squeeze %dma_start3A_83 : memref<1x128x128xf32, #tpu.memory_space<hbm>> -> memref<128x128xf32, #tpu.memory_space<hbm>>
      %dma_start3A_85 = arith.constant 0 : i32
      %dma_start3A_86 = arith.constant 0 : i32
      %dma_start3A_87 = tpu.memref_slice %arg8[%dma_start3A_85, %dma_start3A_86] : memref<128x128xf32, #tpu.memory_space<vmem>> -> memref<128x128xf32, #tpu.memory_space<vmem>>
      tpu.enqueue_dma source(%dma_start3A_87 : memref<128x128xf32, #tpu.memory_space<vmem>>) target(%dma_start3A_84 : memref<128x128xf32, #tpu.memory_space<hbm>>) target_semaphore(%run_scoped3A : memref<!tpu.dma_semaphore, #tpu.memory_space<semaphore_mem>>)
      %dma_wait3A = arith.constant 0 : i32
      %dma_wait3A_88 = arith.constant 0 : i32
      %dma_wait3A_89 = tpu.memref_slice %arg8[%dma_wait3A, %dma_wait3A_88] : memref<128x128xf32, #tpu.memory_space<vmem>> -> memref<128x128xf32, #tpu.memory_space<vmem>>
      %dma_wait3A_90 = arith.constant 0 : i32
      %dma_wait3A_91 = tpu.memref_slice %arg5[%arg0, %add3A_67, %dma_wait3A_90] : memref<2x5120x128xf32, #tpu.memory_space<hbm>> -> memref<1x128x128xf32, #tpu.memory_space<hbm>>
      %dma_wait3A_92 = tpu.memref_squeeze %dma_wait3A_91 : memref<1x128x128xf32, #tpu.memory_space<hbm>> -> memref<128x128xf32, #tpu.memory_space<hbm>>
      %dma_wait3A_93 = arith.constant 0 : i32
      %dma_wait3A_94 = tpu.memref_slice %arg5[%arg0, %add3A_67, %dma_wait3A_93] : memref<2x5120x128xf32, #tpu.memory_space<hbm>> -> memref<1x128x128xf32, #tpu.memory_space<hbm>>
      %dma_wait3A_95 = tpu.memref_squeeze %dma_wait3A_94 : memref<1x128x128xf32, #tpu.memory_space<hbm>> -> memref<128x128xf32, #tpu.memory_space<hbm>>
      %dma_wait3A_96 = arith.constant 0 : i32
      %dma_wait3A_97 = arith.constant 0 : i32
      %dma_wait3A_98 = tpu.memref_slice %arg8[%dma_wait3A_96, %dma_wait3A_97] : memref<128x128xf32, #tpu.memory_space<vmem>> -> memref<128x128xf32, #tpu.memory_space<vmem>>
      tpu.wait_dma2 semaphore(%run_scoped3A : memref<!tpu.dma_semaphore, #tpu.memory_space<semaphore_mem>>) src(%dma_wait3A_98 : memref<128x128xf32, #tpu.memory_space<vmem>>) dst(%dma_wait3A_95 : memref<128x128xf32, #tpu.memory_space<hbm>>)
      tpu.yield
    }) : () -> ()
    %mul3A_68 = arith.constant 320 : i32
    %mul3A_69 = arith.muli %arg1, %mul3A_68 : i32
    %add3A_70 = arith.constant 256 : i32
    %add3A_71 = arith.addi %mul3A_69, %add3A_70 : i32
    "tpu.region"() ({
      %run_scoped3A = tpu.sem_alloc : memref<!tpu.dma_semaphore, #tpu.memory_space<semaphore_mem>>
      %dma_start3A_76 = arith.constant 0 : i32
      %dma_start3A_77 = arith.constant 0 : i32
      %dma_start3A_78 = tpu.memref_slice %arg8[%dma_start3A_76, %dma_start3A_77] : memref<128x128xf32, #tpu.memory_space<vmem>> -> memref<64x128xf32, #tpu.memory_space<vmem>>
      %dma_start3A_79 = arith.constant 0 : i32
      %dma_start3A_80 = tpu.memref_slice %arg20[%add3A_71, %dma_start3A_79] : memref<5120x128xf32, #tpu.memory_space<vmem_shared>> -> memref<64x128xf32, #tpu.memory_space<vmem_shared>>
      %dma_start3A_81 = arith.constant 0 : i32
      %dma_start3A_82 = arith.constant 0 : i32
      %dma_start3A_83 = tpu.memref_slice %arg8[%dma_start3A_81, %dma_start3A_82] : memref<128x128xf32, #tpu.memory_space<vmem>> -> memref<64x128xf32, #tpu.memory_space<vmem>>
      %dma_start3A_84 = arith.constant 0 : i32
      %dma_start3A_85 = tpu.memref_slice %arg20[%add3A_71, %dma_start3A_84] : memref<5120x128xf32, #tpu.memory_space<vmem_shared>> -> memref<64x128xf32, #tpu.memory_space<vmem_shared>>
      tpu.enqueue_dma source(%dma_start3A_85 : memref<64x128xf32, #tpu.memory_space<vmem_shared>>) target(%dma_start3A_83 : memref<64x128xf32, #tpu.memory_space<vmem>>) target_semaphore(%run_scoped3A : memref<!tpu.dma_semaphore, #tpu.memory_space<semaphore_mem>>)
      %dma_wait3A = arith.constant 0 : i32
      %dma_wait3A_86 = arith.constant 0 : i32
      %dma_wait3A_87 = tpu.memref_slice %arg8[%dma_wait3A, %dma_wait3A_86] : memref<128x128xf32, #tpu.memory_space<vmem>> -> memref<64x128xf32, #tpu.memory_space<vmem>>
      %dma_wait3A_88 = arith.constant 0 : i32
      %dma_wait3A_89 = tpu.memref_slice %arg20[%add3A_71, %dma_wait3A_88] : memref<5120x128xf32, #tpu.memory_space<vmem_shared>> -> memref<64x128xf32, #tpu.memory_space<vmem_shared>>
      %dma_wait3A_90 = arith.constant 0 : i32
      %dma_wait3A_91 = arith.constant 0 : i32
      %dma_wait3A_92 = tpu.memref_slice %arg8[%dma_wait3A_90, %dma_wait3A_91] : memref<128x128xf32, #tpu.memory_space<vmem>> -> memref<64x128xf32, #tpu.memory_space<vmem>>
      %dma_wait3A_93 = arith.constant 0 : i32
      %dma_wait3A_94 = tpu.memref_slice %arg20[%add3A_71, %dma_wait3A_93] : memref<5120x128xf32, #tpu.memory_space<vmem_shared>> -> memref<64x128xf32, #tpu.memory_space<vmem_shared>>
      tpu.wait_dma2 semaphore(%run_scoped3A : memref<!tpu.dma_semaphore, #tpu.memory_space<semaphore_mem>>) src(%dma_wait3A_94 : memref<64x128xf32, #tpu.memory_space<vmem_shared>>) dst(%dma_wait3A_92 : memref<64x128xf32, #tpu.memory_space<vmem>>)
      tpu.yield
    }) : () -> ()
    %mul3A_72 = arith.constant 320 : i32
    %mul3A_73 = arith.muli %arg1, %mul3A_72 : i32
    %add3A_74 = arith.constant 256 : i32
    %add3A_75 = arith.addi %mul3A_73, %add3A_74 : i32
    "tpu.region"() ({
      %run_scoped3A = tpu.sem_alloc : memref<!tpu.dma_semaphore, #tpu.memory_space<semaphore_mem>>
      %dma_start3A_76 = arith.constant 0 : i32
      %dma_start3A_77 = arith.constant 0 : i32
      %dma_start3A_78 = tpu.memref_slice %arg8[%dma_start3A_76, %dma_start3A_77] : memref<128x128xf32, #tpu.memory_space<vmem>> -> memref<64x128xf32, #tpu.memory_space<vmem>>
      %dma_start3A_79 = arith.constant 0 : i32
      %dma_start3A_80 = tpu.memref_slice %arg5[%arg0, %add3A_75, %dma_start3A_79] : memref<2x5120x128xf32, #tpu.memory_space<hbm>> -> memref<1x64x128xf32, #tpu.memory_space<hbm>>
      %dma_start3A_81 = tpu.memref_squeeze %dma_start3A_80 : memref<1x64x128xf32, #tpu.memory_space<hbm>> -> memref<64x128xf32, #tpu.memory_space<hbm>>
      %dma_start3A_82 = arith.constant 0 : i32
      %dma_start3A_83 = tpu.memref_slice %arg5[%arg0, %add3A_75, %dma_start3A_82] : memref<2x5120x128xf32, #tpu.memory_space<hbm>> -> memref<1x64x128xf32, #tpu.memory_space<hbm>>
      %dma_start3A_84 = tpu.memref_squeeze %dma_start3A_83 : memref<1x64x128xf32, #tpu.memory_space<hbm>> -> memref<64x128xf32, #tpu.memory_space<hbm>>
      %dma_start3A_85 = arith.constant 0 : i32
      %dma_start3A_86 = arith.constant 0 : i32
      %dma_start3A_87 = tpu.memref_slice %arg8[%dma_start3A_85, %dma_start3A_86] : memref<128x128xf32, #tpu.memory_space<vmem>> -> memref<64x128xf32, #tpu.memory_space<vmem>>
      tpu.enqueue_dma source(%dma_start3A_87 : memref<64x128xf32, #tpu.memory_space<vmem>>) target(%dma_start3A_84 : memref<64x128xf32, #tpu.memory_space<hbm>>) target_semaphore(%run_scoped3A : memref<!tpu.dma_semaphore, #tpu.memory_space<semaphore_mem>>)
      %dma_wait3A = arith.constant 0 : i32
      %dma_wait3A_88 = arith.constant 0 : i32
      %dma_wait3A_89 = tpu.memref_slice %arg8[%dma_wait3A, %dma_wait3A_88] : memref<128x128xf32, #tpu.memory_space<vmem>> -> memref<64x128xf32, #tpu.memory_space<vmem>>
      %dma_wait3A_90 = arith.constant 0 : i32
      %dma_wait3A_91 = tpu.memref_slice %arg5[%arg0, %add3A_75, %dma_wait3A_90] : memref<2x5120x128xf32, #tpu.memory_space<hbm>> -> memref<1x64x128xf32, #tpu.memory_space<hbm>>
      %dma_wait3A_92 = tpu.memref_squeeze %dma_wait3A_91 : memref<1x64x128xf32, #tpu.memory_space<hbm>> -> memref<64x128xf32, #tpu.memory_space<hbm>>
      %dma_wait3A_93 = arith.constant 0 : i32
      %dma_wait3A_94 = tpu.memref_slice %arg5[%arg0, %add3A_75, %dma_wait3A_93] : memref<2x5120x128xf32, #tpu.memory_space<hbm>> -> memref<1x64x128xf32, #tpu.memory_space<hbm>>
      %dma_wait3A_95 = tpu.memref_squeeze %dma_wait3A_94 : memref<1x64x128xf32, #tpu.memory_space<hbm>> -> memref<64x128xf32, #tpu.memory_space<hbm>>
      %dma_wait3A_96 = arith.constant 0 : i32
      %dma_wait3A_97 = arith.constant 0 : i32
      %dma_wait3A_98 = tpu.memref_slice %arg8[%dma_wait3A_96, %dma_wait3A_97] : memref<128x128xf32, #tpu.memory_space<vmem>> -> memref<64x128xf32, #tpu.memory_space<vmem>>
      tpu.wait_dma2 semaphore(%run_scoped3A : memref<!tpu.dma_semaphore, #tpu.memory_space<semaphore_mem>>) src(%dma_wait3A_98 : memref<64x128xf32, #tpu.memory_space<vmem>>) dst(%dma_wait3A_95 : memref<64x128xf32, #tpu.memory_space<hbm>>)
      tpu.yield
    }) : () -> ()
    return
  }
}

#map = affine_map<(d0, d1) -> (0, 0)>
#map1 = affine_map<(d0, d1) -> (0, 0, 0)>
module attributes {stable_mosaic.version = 14 : i64} {
  func.func @_sc_phase2(%arg0: i32, %arg1: i32, %arg2: memref<5120x128xf32, #tpu.memory_space<hbm>>, %arg3: memref<32x79x128xi32, #tpu.memory_space<hbm>>, %arg4: memref<32x79x128xi32, #tpu.memory_space<hbm>>, %arg5: memref<2x10240x128xf32, #tpu.memory_space<hbm>>, %arg6: memref<79x128xi32, #tpu.memory_space<vmem>>, %arg7: memref<79x128xi32, #tpu.memory_space<vmem>>, %arg8: memref<128x128xf32, #tpu.memory_space<vmem>>, %arg9: memref<!tpu.dma_semaphore, #tpu.memory_space<semaphore_mem>>, %arg10: memref<10240x128xf32, #tpu.memory_space<vmem_shared>>) attributes {dimension_semantics = [#tpu.dimension_semantics<core_parallel>, #tpu.dimension_semantics<subcore_parallel>], iteration_bounds = array<i64: 2, 16>, scalar_prefetch = 0 : i64, scratch_operands = 5 : i64, tpu.core_type = #tpu.core_type<sc_vector_subcore>, window_params = [{transform_indices = #map}, {transform_indices = #map1}, {transform_indices = #map1}, {transform_indices = #map1}]} {
    %mul3A = arith.constant 16 : i32
    %mul3A_0 = arith.muli %arg0, %mul3A : i32
    %add3A = arith.addi %mul3A_0, %arg1 : i32
    %scan3A = arith.constant 0 : i32
    %scan3A_1 = arith.constant 0 : i32
    %scan3A_2 = arith.constant 128 : i32
    %scan3A_3 = arith.addi %scan3A_1, %scan3A_2 : i32
    %scan3A_4 = arith.constant 1 : i32
    scf.for %scan3A_73 = %scan3A_1 to %scan3A_3 step %scan3A_4  : i32 {
      %broadcast_in_dim3A = arith.constant 0.000000e+00 : f32
      %broadcast_in_dim3A_74 = vector.broadcast %broadcast_in_dim3A : f32 to vector<16xf32>
      %swap3A = arith.index_cast %scan3A_73 : i32 to index
      %swap3A_75 = arith.constant 0 : index
      %swap3A_76 = tpu.vector_load %arg8[%swap3A, %swap3A_75] {strides = array<i32>} : memref<128x128xf32, #tpu.memory_space<vmem>>, vector<1x16xf32>,
      %swap3A_77 = vector.shape_cast %swap3A_76 : vector<1x16xf32> to vector<16xf32>
      %swap3A_78 = vector.shape_cast %broadcast_in_dim3A_74 : vector<16xf32> to vector<1x16xf32>
      tpu.vector_store %arg8[%swap3A, %swap3A_75], %swap3A_78 {strides = array<i32>} : memref<128x128xf32, #tpu.memory_space<vmem>>, vector<1x16xf32>,
      %broadcast_in_dim3A_79 = arith.constant 0.000000e+00 : f32
      %broadcast_in_dim3A_80 = vector.broadcast %broadcast_in_dim3A_79 : f32 to vector<16xf32>
      %swap3A_81 = arith.index_cast %scan3A_73 : i32 to index
      %swap3A_82 = arith.constant 16 : index
      %swap3A_83 = tpu.vector_load %arg8[%swap3A_81, %swap3A_82] {strides = array<i32>} : memref<128x128xf32, #tpu.memory_space<vmem>>, vector<1x16xf32>,
      %swap3A_84 = vector.shape_cast %swap3A_83 : vector<1x16xf32> to vector<16xf32>
      %swap3A_85 = vector.shape_cast %broadcast_in_dim3A_80 : vector<16xf32> to vector<1x16xf32>
      tpu.vector_store %arg8[%swap3A_81, %swap3A_82], %swap3A_85 {strides = array<i32>} : memref<128x128xf32, #tpu.memory_space<vmem>>, vector<1x16xf32>,
      %broadcast_in_dim3A_86 = arith.constant 0.000000e+00 : f32
      %broadcast_in_dim3A_87 = vector.broadcast %broadcast_in_dim3A_86 : f32 to vector<16xf32>
      %swap3A_88 = arith.index_cast %scan3A_73 : i32 to index
      %swap3A_89 = arith.constant 32 : index
      %swap3A_90 = tpu.vector_load %arg8[%swap3A_88, %swap3A_89] {strides = array<i32>} : memref<128x128xf32, #tpu.memory_space<vmem>>, vector<1x16xf32>,
      %swap3A_91 = vector.shape_cast %swap3A_90 : vector<1x16xf32> to vector<16xf32>
      %swap3A_92 = vector.shape_cast %broadcast_in_dim3A_87 : vector<16xf32> to vector<1x16xf32>
      tpu.vector_store %arg8[%swap3A_88, %swap3A_89], %swap3A_92 {strides = array<i32>} : memref<128x128xf32, #tpu.memory_space<vmem>>, vector<1x16xf32>,
      %broadcast_in_dim3A_93 = arith.constant 0.000000e+00 : f32
      %broadcast_in_dim3A_94 = vector.broadcast %broadcast_in_dim3A_93 : f32 to vector<16xf32>
      %swap3A_95 = arith.index_cast %scan3A_73 : i32 to index
      %swap3A_96 = arith.constant 48 : index
      %swap3A_97 = tpu.vector_load %arg8[%swap3A_95, %swap3A_96] {strides = array<i32>} : memref<128x128xf32, #tpu.memory_space<vmem>>, vector<1x16xf32>,
      %swap3A_98 = vector.shape_cast %swap3A_97 : vector<1x16xf32> to vector<16xf32>
      %swap3A_99 = vector.shape_cast %broadcast_in_dim3A_94 : vector<16xf32> to vector<1x16xf32>
      tpu.vector_store %arg8[%swap3A_95, %swap3A_96], %swap3A_99 {strides = array<i32>} : memref<128x128xf32, #tpu.memory_space<vmem>>, vector<1x16xf32>,
      %broadcast_in_dim3A_100 = arith.constant 0.000000e+00 : f32
      %broadcast_in_dim3A_101 = vector.broadcast %broadcast_in_dim3A_100 : f32 to vector<16xf32>
      %swap3A_102 = arith.index_cast %scan3A_73 : i32 to index
      %swap3A_103 = arith.constant 64 : index
      %swap3A_104 = tpu.vector_load %arg8[%swap3A_102, %swap3A_103] {strides = array<i32>} : memref<128x128xf32, #tpu.memory_space<vmem>>, vector<1x16xf32>,
      %swap3A_105 = vector.shape_cast %swap3A_104 : vector<1x16xf32> to vector<16xf32>
      %swap3A_106 = vector.shape_cast %broadcast_in_dim3A_101 : vector<16xf32> to vector<1x16xf32>
      tpu.vector_store %arg8[%swap3A_102, %swap3A_103], %swap3A_106 {strides = array<i32>} : memref<128x128xf32, #tpu.memory_space<vmem>>, vector<1x16xf32>,
      %broadcast_in_dim3A_107 = arith.constant 0.000000e+00 : f32
      %broadcast_in_dim3A_108 = vector.broadcast %broadcast_in_dim3A_107 : f32 to vector<16xf32>
      %swap3A_109 = arith.index_cast %scan3A_73 : i32 to index
      %swap3A_110 = arith.constant 80 : index
      %swap3A_111 = tpu.vector_load %arg8[%swap3A_109, %swap3A_110] {strides = array<i32>} : memref<128x128xf32, #tpu.memory_space<vmem>>, vector<1x16xf32>,
      %swap3A_112 = vector.shape_cast %swap3A_111 : vector<1x16xf32> to vector<16xf32>
      %swap3A_113 = vector.shape_cast %broadcast_in_dim3A_108 : vector<16xf32> to vector<1x16xf32>
      tpu.vector_store %arg8[%swap3A_109, %swap3A_110], %swap3A_113 {strides = array<i32>} : memref<128x128xf32, #tpu.memory_space<vmem>>, vector<1x16xf32>,
      %broadcast_in_dim3A_114 = arith.constant 0.000000e+00 : f32
      %broadcast_in_dim3A_115 = vector.broadcast %broadcast_in_dim3A_114 : f32 to vector<16xf32>
      %swap3A_116 = arith.index_cast %scan3A_73 : i32 to index
      %swap3A_117 = arith.constant 96 : index
      %swap3A_118 = tpu.vector_load %arg8[%swap3A_116, %swap3A_117] {strides = array<i32>} : memref<128x128xf32, #tpu.memory_space<vmem>>, vector<1x16xf32>,
      %swap3A_119 = vector.shape_cast %swap3A_118 : vector<1x16xf32> to vector<16xf32>
      %swap3A_120 = vector.shape_cast %broadcast_in_dim3A_115 : vector<16xf32> to vector<1x16xf32>
      tpu.vector_store %arg8[%swap3A_116, %swap3A_117], %swap3A_120 {strides = array<i32>} : memref<128x128xf32, #tpu.memory_space<vmem>>, vector<1x16xf32>,
      %broadcast_in_dim3A_121 = arith.constant 0.000000e+00 : f32
      %broadcast_in_dim3A_122 = vector.broadcast %broadcast_in_dim3A_121 : f32 to vector<16xf32>
      %swap3A_123 = arith.index_cast %scan3A_73 : i32 to index
      %swap3A_124 = arith.constant 112 : index
      %swap3A_125 = tpu.vector_load %arg8[%swap3A_123, %swap3A_124] {strides = array<i32>} : memref<128x128xf32, #tpu.memory_space<vmem>>, vector<1x16xf32>,
      %swap3A_126 = vector.shape_cast %swap3A_125 : vector<1x16xf32> to vector<16xf32>
      %swap3A_127 = vector.shape_cast %broadcast_in_dim3A_122 : vector<16xf32> to vector<1x16xf32>
      tpu.vector_store %arg8[%swap3A_123, %swap3A_124], %swap3A_127 {strides = array<i32>} : memref<128x128xf32, #tpu.memory_space<vmem>>, vector<1x16xf32>,
    }
    %scan3A_5 = arith.constant 128 : i32
    %mul3A_6 = arith.constant 640 : i32
    %mul3A_7 = arith.muli %arg1, %mul3A_6 : i32
    %add3A_8 = arith.constant 0 : i32
    %add3A_9 = arith.addi %mul3A_7, %add3A_8 : i32
    "tpu.region"() ({
      %run_scoped3A = tpu.sem_alloc : memref<!tpu.dma_semaphore, #tpu.memory_space<semaphore_mem>>
      %dma_start3A = arith.constant 0 : i32
      %dma_start3A_73 = arith.constant 0 : i32
      %dma_start3A_74 = tpu.memref_slice %arg8[%dma_start3A, %dma_start3A_73] : memref<128x128xf32, #tpu.memory_space<vmem>> -> memref<128x128xf32, #tpu.memory_space<vmem>>
      %dma_start3A_75 = arith.constant 0 : i32
      %dma_start3A_76 = tpu.memref_slice %arg10[%add3A_9, %dma_start3A_75] : memref<10240x128xf32, #tpu.memory_space<vmem_shared>> -> memref<128x128xf32, #tpu.memory_space<vmem_shared>>
      %dma_start3A_77 = arith.constant 0 : i32
      %dma_start3A_78 = tpu.memref_slice %arg10[%add3A_9, %dma_start3A_77] : memref<10240x128xf32, #tpu.memory_space<vmem_shared>> -> memref<128x128xf32, #tpu.memory_space<vmem_shared>>
      %dma_start3A_79 = arith.constant 0 : i32
      %dma_start3A_80 = arith.constant 0 : i32
      %dma_start3A_81 = tpu.memref_slice %arg8[%dma_start3A_79, %dma_start3A_80] : memref<128x128xf32, #tpu.memory_space<vmem>> -> memref<128x128xf32, #tpu.memory_space<vmem>>
      tpu.enqueue_dma source(%dma_start3A_81 : memref<128x128xf32, #tpu.memory_space<vmem>>) target(%dma_start3A_78 : memref<128x128xf32, #tpu.memory_space<vmem_shared>>) target_semaphore(%run_scoped3A : memref<!tpu.dma_semaphore, #tpu.memory_space<semaphore_mem>>)
      %dma_wait3A = arith.constant 0 : i32
      %dma_wait3A_82 = arith.constant 0 : i32
      %dma_wait3A_83 = tpu.memref_slice %arg8[%dma_wait3A, %dma_wait3A_82] : memref<128x128xf32, #tpu.memory_space<vmem>> -> memref<128x128xf32, #tpu.memory_space<vmem>>
      %dma_wait3A_84 = arith.constant 0 : i32
      %dma_wait3A_85 = tpu.memref_slice %arg10[%add3A_9, %dma_wait3A_84] : memref<10240x128xf32, #tpu.memory_space<vmem_shared>> -> memref<128x128xf32, #tpu.memory_space<vmem_shared>>
      %dma_wait3A_86 = arith.constant 0 : i32
      %dma_wait3A_87 = tpu.memref_slice %arg10[%add3A_9, %dma_wait3A_86] : memref<10240x128xf32, #tpu.memory_space<vmem_shared>> -> memref<128x128xf32, #tpu.memory_space<vmem_shared>>
      %dma_wait3A_88 = arith.constant 0 : i32
      %dma_wait3A_89 = arith.constant 0 : i32
      %dma_wait3A_90 = tpu.memref_slice %arg8[%dma_wait3A_88, %dma_wait3A_89] : memref<128x128xf32, #tpu.memory_space<vmem>> -> memref<128x128xf32, #tpu.memory_space<vmem>>
      tpu.wait_dma2 semaphore(%run_scoped3A : memref<!tpu.dma_semaphore, #tpu.memory_space<semaphore_mem>>) src(%dma_wait3A_90 : memref<128x128xf32, #tpu.memory_space<vmem>>) dst(%dma_wait3A_87 : memref<128x128xf32, #tpu.memory_space<vmem_shared>>)
      tpu.yield
    }) : () -> ()
    %mul3A_10 = arith.constant 640 : i32
    %mul3A_11 = arith.muli %arg1, %mul3A_10 : i32
    %add3A_12 = arith.constant 128 : i32
    %add3A_13 = arith.addi %mul3A_11, %add3A_12 : i32
    "tpu.region"() ({
      %run_scoped3A = tpu.sem_alloc : memref<!tpu.dma_semaphore, #tpu.memory_space<semaphore_mem>>
      %dma_start3A = arith.constant 0 : i32
      %dma_start3A_73 = arith.constant 0 : i32
      %dma_start3A_74 = tpu.memref_slice %arg8[%dma_start3A, %dma_start3A_73] : memref<128x128xf32, #tpu.memory_space<vmem>> -> memref<128x128xf32, #tpu.memory_space<vmem>>
      %dma_start3A_75 = arith.constant 0 : i32
      %dma_start3A_76 = tpu.memref_slice %arg10[%add3A_13, %dma_start3A_75] : memref<10240x128xf32, #tpu.memory_space<vmem_shared>> -> memref<128x128xf32, #tpu.memory_space<vmem_shared>>
      %dma_start3A_77 = arith.constant 0 : i32
      %dma_start3A_78 = tpu.memref_slice %arg10[%add3A_13, %dma_start3A_77] : memref<10240x128xf32, #tpu.memory_space<vmem_shared>> -> memref<128x128xf32, #tpu.memory_space<vmem_shared>>
      %dma_start3A_79 = arith.constant 0 : i32
      %dma_start3A_80 = arith.constant 0 : i32
      %dma_start3A_81 = tpu.memref_slice %arg8[%dma_start3A_79, %dma_start3A_80] : memref<128x128xf32, #tpu.memory_space<vmem>> -> memref<128x128xf32, #tpu.memory_space<vmem>>
      tpu.enqueue_dma source(%dma_start3A_81 : memref<128x128xf32, #tpu.memory_space<vmem>>) target(%dma_start3A_78 : memref<128x128xf32, #tpu.memory_space<vmem_shared>>) target_semaphore(%run_scoped3A : memref<!tpu.dma_semaphore, #tpu.memory_space<semaphore_mem>>)
      %dma_wait3A = arith.constant 0 : i32
      %dma_wait3A_82 = arith.constant 0 : i32
      %dma_wait3A_83 = tpu.memref_slice %arg8[%dma_wait3A, %dma_wait3A_82] : memref<128x128xf32, #tpu.memory_space<vmem>> -> memref<128x128xf32, #tpu.memory_space<vmem>>
      %dma_wait3A_84 = arith.constant 0 : i32
      %dma_wait3A_85 = tpu.memref_slice %arg10[%add3A_13, %dma_wait3A_84] : memref<10240x128xf32, #tpu.memory_space<vmem_shared>> -> memref<128x128xf32, #tpu.memory_space<vmem_shared>>
      %dma_wait3A_86 = arith.constant 0 : i32
      %dma_wait3A_87 = tpu.memref_slice %arg10[%add3A_13, %dma_wait3A_86] : memref<10240x128xf32, #tpu.memory_space<vmem_shared>> -> memref<128x128xf32, #tpu.memory_space<vmem_shared>>
      %dma_wait3A_88 = arith.constant 0 : i32
      %dma_wait3A_89 = arith.constant 0 : i32
      %dma_wait3A_90 = tpu.memref_slice %arg8[%dma_wait3A_88, %dma_wait3A_89] : memref<128x128xf32, #tpu.memory_space<vmem>> -> memref<128x128xf32, #tpu.memory_space<vmem>>
      tpu.wait_dma2 semaphore(%run_scoped3A : memref<!tpu.dma_semaphore, #tpu.memory_space<semaphore_mem>>) src(%dma_wait3A_90 : memref<128x128xf32, #tpu.memory_space<vmem>>) dst(%dma_wait3A_87 : memref<128x128xf32, #tpu.memory_space<vmem_shared>>)
      tpu.yield
    }) : () -> ()
    %mul3A_14 = arith.constant 640 : i32
    %mul3A_15 = arith.muli %arg1, %mul3A_14 : i32
    %add3A_16 = arith.constant 256 : i32
    %add3A_17 = arith.addi %mul3A_15, %add3A_16 : i32
    "tpu.region"() ({
      %run_scoped3A = tpu.sem_alloc : memref<!tpu.dma_semaphore, #tpu.memory_space<semaphore_mem>>
      %dma_start3A = arith.constant 0 : i32
      %dma_start3A_73 = arith.constant 0 : i32
      %dma_start3A_74 = tpu.memref_slice %arg8[%dma_start3A, %dma_start3A_73] : memref<128x128xf32, #tpu.memory_space<vmem>> -> memref<128x128xf32, #tpu.memory_space<vmem>>
      %dma_start3A_75 = arith.constant 0 : i32
      %dma_start3A_76 = tpu.memref_slice %arg10[%add3A_17, %dma_start3A_75] : memref<10240x128xf32, #tpu.memory_space<vmem_shared>> -> memref<128x128xf32, #tpu.memory_space<vmem_shared>>
      %dma_start3A_77 = arith.constant 0 : i32
      %dma_start3A_78 = tpu.memref_slice %arg10[%add3A_17, %dma_start3A_77] : memref<10240x128xf32, #tpu.memory_space<vmem_shared>> -> memref<128x128xf32, #tpu.memory_space<vmem_shared>>
      %dma_start3A_79 = arith.constant 0 : i32
      %dma_start3A_80 = arith.constant 0 : i32
      %dma_start3A_81 = tpu.memref_slice %arg8[%dma_start3A_79, %dma_start3A_80] : memref<128x128xf32, #tpu.memory_space<vmem>> -> memref<128x128xf32, #tpu.memory_space<vmem>>
      tpu.enqueue_dma source(%dma_start3A_81 : memref<128x128xf32, #tpu.memory_space<vmem>>) target(%dma_start3A_78 : memref<128x128xf32, #tpu.memory_space<vmem_shared>>) target_semaphore(%run_scoped3A : memref<!tpu.dma_semaphore, #tpu.memory_space<semaphore_mem>>)
      %dma_wait3A = arith.constant 0 : i32
      %dma_wait3A_82 = arith.constant 0 : i32
      %dma_wait3A_83 = tpu.memref_slice %arg8[%dma_wait3A, %dma_wait3A_82] : memref<128x128xf32, #tpu.memory_space<vmem>> -> memref<128x128xf32, #tpu.memory_space<vmem>>
      %dma_wait3A_84 = arith.constant 0 : i32
      %dma_wait3A_85 = tpu.memref_slice %arg10[%add3A_17, %dma_wait3A_84] : memref<10240x128xf32, #tpu.memory_space<vmem_shared>> -> memref<128x128xf32, #tpu.memory_space<vmem_shared>>
      %dma_wait3A_86 = arith.constant 0 : i32
      %dma_wait3A_87 = tpu.memref_slice %arg10[%add3A_17, %dma_wait3A_86] : memref<10240x128xf32, #tpu.memory_space<vmem_shared>> -> memref<128x128xf32, #tpu.memory_space<vmem_shared>>
      %dma_wait3A_88 = arith.constant 0 : i32
      %dma_wait3A_89 = arith.constant 0 : i32
      %dma_wait3A_90 = tpu.memref_slice %arg8[%dma_wait3A_88, %dma_wait3A_89] : memref<128x128xf32, #tpu.memory_space<vmem>> -> memref<128x128xf32, #tpu.memory_space<vmem>>
      tpu.wait_dma2 semaphore(%run_scoped3A : memref<!tpu.dma_semaphore, #tpu.memory_space<semaphore_mem>>) src(%dma_wait3A_90 : memref<128x128xf32, #tpu.memory_space<vmem>>) dst(%dma_wait3A_87 : memref<128x128xf32, #tpu.memory_space<vmem_shared>>)
      tpu.yield
    }) : () -> ()
    %mul3A_18 = arith.constant 640 : i32
    %mul3A_19 = arith.muli %arg1, %mul3A_18 : i32
    %add3A_20 = arith.constant 384 : i32
    %add3A_21 = arith.addi %mul3A_19, %add3A_20 : i32
    "tpu.region"() ({
      %run_scoped3A = tpu.sem_alloc : memref<!tpu.dma_semaphore, #tpu.memory_space<semaphore_mem>>
      %dma_start3A = arith.constant 0 : i32
      %dma_start3A_73 = arith.constant 0 : i32
      %dma_start3A_74 = tpu.memref_slice %arg8[%dma_start3A, %dma_start3A_73] : memref<128x128xf32, #tpu.memory_space<vmem>> -> memref<128x128xf32, #tpu.memory_space<vmem>>
      %dma_start3A_75 = arith.constant 0 : i32
      %dma_start3A_76 = tpu.memref_slice %arg10[%add3A_21, %dma_start3A_75] : memref<10240x128xf32, #tpu.memory_space<vmem_shared>> -> memref<128x128xf32, #tpu.memory_space<vmem_shared>>
      %dma_start3A_77 = arith.constant 0 : i32
      %dma_start3A_78 = tpu.memref_slice %arg10[%add3A_21, %dma_start3A_77] : memref<10240x128xf32, #tpu.memory_space<vmem_shared>> -> memref<128x128xf32, #tpu.memory_space<vmem_shared>>
      %dma_start3A_79 = arith.constant 0 : i32
      %dma_start3A_80 = arith.constant 0 : i32
      %dma_start3A_81 = tpu.memref_slice %arg8[%dma_start3A_79, %dma_start3A_80] : memref<128x128xf32, #tpu.memory_space<vmem>> -> memref<128x128xf32, #tpu.memory_space<vmem>>
      tpu.enqueue_dma source(%dma_start3A_81 : memref<128x128xf32, #tpu.memory_space<vmem>>) target(%dma_start3A_78 : memref<128x128xf32, #tpu.memory_space<vmem_shared>>) target_semaphore(%run_scoped3A : memref<!tpu.dma_semaphore, #tpu.memory_space<semaphore_mem>>)
      %dma_wait3A = arith.constant 0 : i32
      %dma_wait3A_82 = arith.constant 0 : i32
      %dma_wait3A_83 = tpu.memref_slice %arg8[%dma_wait3A, %dma_wait3A_82] : memref<128x128xf32, #tpu.memory_space<vmem>> -> memref<128x128xf32, #tpu.memory_space<vmem>>
      %dma_wait3A_84 = arith.constant 0 : i32
      %dma_wait3A_85 = tpu.memref_slice %arg10[%add3A_21, %dma_wait3A_84] : memref<10240x128xf32, #tpu.memory_space<vmem_shared>> -> memref<128x128xf32, #tpu.memory_space<vmem_shared>>
      %dma_wait3A_86 = arith.constant 0 : i32
      %dma_wait3A_87 = tpu.memref_slice %arg10[%add3A_21, %dma_wait3A_86] : memref<10240x128xf32, #tpu.memory_space<vmem_shared>> -> memref<128x128xf32, #tpu.memory_space<vmem_shared>>
      %dma_wait3A_88 = arith.constant 0 : i32
      %dma_wait3A_89 = arith.constant 0 : i32
      %dma_wait3A_90 = tpu.memref_slice %arg8[%dma_wait3A_88, %dma_wait3A_89] : memref<128x128xf32, #tpu.memory_space<vmem>> -> memref<128x128xf32, #tpu.memory_space<vmem>>
      tpu.wait_dma2 semaphore(%run_scoped3A : memref<!tpu.dma_semaphore, #tpu.memory_space<semaphore_mem>>) src(%dma_wait3A_90 : memref<128x128xf32, #tpu.memory_space<vmem>>) dst(%dma_wait3A_87 : memref<128x128xf32, #tpu.memory_space<vmem_shared>>)
      tpu.yield
    }) : () -> ()
    %mul3A_22 = arith.constant 640 : i32
    %mul3A_23 = arith.muli %arg1, %mul3A_22 : i32
    %add3A_24 = arith.constant 512 : i32
    %add3A_25 = arith.addi %mul3A_23, %add3A_24 : i32
    "tpu.region"() ({
      %run_scoped3A = tpu.sem_alloc : memref<!tpu.dma_semaphore, #tpu.memory_space<semaphore_mem>>
      %dma_start3A = arith.constant 0 : i32
      %dma_start3A_73 = arith.constant 0 : i32
      %dma_start3A_74 = tpu.memref_slice %arg8[%dma_start3A, %dma_start3A_73] : memref<128x128xf32, #tpu.memory_space<vmem>> -> memref<128x128xf32, #tpu.memory_space<vmem>>
      %dma_start3A_75 = arith.constant 0 : i32
      %dma_start3A_76 = tpu.memref_slice %arg10[%add3A_25, %dma_start3A_75] : memref<10240x128xf32, #tpu.memory_space<vmem_shared>> -> memref<128x128xf32, #tpu.memory_space<vmem_shared>>
      %dma_start3A_77 = arith.constant 0 : i32
      %dma_start3A_78 = tpu.memref_slice %arg10[%add3A_25, %dma_start3A_77] : memref<10240x128xf32, #tpu.memory_space<vmem_shared>> -> memref<128x128xf32, #tpu.memory_space<vmem_shared>>
      %dma_start3A_79 = arith.constant 0 : i32
      %dma_start3A_80 = arith.constant 0 : i32
      %dma_start3A_81 = tpu.memref_slice %arg8[%dma_start3A_79, %dma_start3A_80] : memref<128x128xf32, #tpu.memory_space<vmem>> -> memref<128x128xf32, #tpu.memory_space<vmem>>
      tpu.enqueue_dma source(%dma_start3A_81 : memref<128x128xf32, #tpu.memory_space<vmem>>) target(%dma_start3A_78 : memref<128x128xf32, #tpu.memory_space<vmem_shared>>) target_semaphore(%run_scoped3A : memref<!tpu.dma_semaphore, #tpu.memory_space<semaphore_mem>>)
      %dma_wait3A = arith.constant 0 : i32
      %dma_wait3A_82 = arith.constant 0 : i32
      %dma_wait3A_83 = tpu.memref_slice %arg8[%dma_wait3A, %dma_wait3A_82] : memref<128x128xf32, #tpu.memory_space<vmem>> -> memref<128x128xf32, #tpu.memory_space<vmem>>
      %dma_wait3A_84 = arith.constant 0 : i32
      %dma_wait3A_85 = tpu.memref_slice %arg10[%add3A_25, %dma_wait3A_84] : memref<10240x128xf32, #tpu.memory_space<vmem_shared>> -> memref<128x128xf32, #tpu.memory_space<vmem_shared>>
      %dma_wait3A_86 = arith.constant 0 : i32
      %dma_wait3A_87 = tpu.memref_slice %arg10[%add3A_25, %dma_wait3A_86] : memref<10240x128xf32, #tpu.memory_space<vmem_shared>> -> memref<128x128xf32, #tpu.memory_space<vmem_shared>>
      %dma_wait3A_88 = arith.constant 0 : i32
      %dma_wait3A_89 = arith.constant 0 : i32
      %dma_wait3A_90 = tpu.memref_slice %arg8[%dma_wait3A_88, %dma_wait3A_89] : memref<128x128xf32, #tpu.memory_space<vmem>> -> memref<128x128xf32, #tpu.memory_space<vmem>>
      tpu.wait_dma2 semaphore(%run_scoped3A : memref<!tpu.dma_semaphore, #tpu.memory_space<semaphore_mem>>) src(%dma_wait3A_90 : memref<128x128xf32, #tpu.memory_space<vmem>>) dst(%dma_wait3A_87 : memref<128x128xf32, #tpu.memory_space<vmem_shared>>)
      tpu.yield
    }) : () -> ()
    "tpu.region"() ({
      %run_scoped3A = tpu.sem_alloc : memref<!tpu.dma_semaphore, #tpu.memory_space<semaphore_mem>>
      %dma_start3A = arith.constant 0 : i32
      %dma_start3A_73 = arith.constant 0 : i32
      %dma_start3A_74 = tpu.memref_slice %arg3[%add3A, %dma_start3A, %dma_start3A_73] : memref<32x79x128xi32, #tpu.memory_space<hbm>> -> memref<1x79x128xi32, #tpu.memory_space<hbm>>
      %dma_start3A_75 = tpu.memref_squeeze %dma_start3A_74 : memref<1x79x128xi32, #tpu.memory_space<hbm>> -> memref<79x128xi32, #tpu.memory_space<hbm>>
      %dma_start3A_76 = arith.constant 0 : i32
      %dma_start3A_77 = arith.constant 0 : i32
      %dma_start3A_78 = tpu.memref_slice %arg3[%add3A, %dma_start3A_76, %dma_start3A_77] : memref<32x79x128xi32, #tpu.memory_space<hbm>> -> memref<1x79x128xi32, #tpu.memory_space<hbm>>
      %dma_start3A_79 = tpu.memref_squeeze %dma_start3A_78 : memref<1x79x128xi32, #tpu.memory_space<hbm>> -> memref<79x128xi32, #tpu.memory_space<hbm>>
      tpu.enqueue_dma source(%dma_start3A_79 : memref<79x128xi32, #tpu.memory_space<hbm>>) target(%arg6 : memref<79x128xi32, #tpu.memory_space<vmem>>) target_semaphore(%run_scoped3A : memref<!tpu.dma_semaphore, #tpu.memory_space<semaphore_mem>>)
      %dma_wait3A = arith.constant 0 : i32
      %dma_wait3A_80 = arith.constant 0 : i32
      %dma_wait3A_81 = tpu.memref_slice %arg3[%add3A, %dma_wait3A, %dma_wait3A_80] : memref<32x79x128xi32, #tpu.memory_space<hbm>> -> memref<1x79x128xi32, #tpu.memory_space<hbm>>
      %dma_wait3A_82 = tpu.memref_squeeze %dma_wait3A_81 : memref<1x79x128xi32, #tpu.memory_space<hbm>> -> memref<79x128xi32, #tpu.memory_space<hbm>>
      %dma_wait3A_83 = arith.constant 0 : i32
      %dma_wait3A_84 = arith.constant 0 : i32
      %dma_wait3A_85 = tpu.memref_slice %arg3[%add3A, %dma_wait3A_83, %dma_wait3A_84] : memref<32x79x128xi32, #tpu.memory_space<hbm>> -> memref<1x79x128xi32, #tpu.memory_space<hbm>>
      %dma_wait3A_86 = tpu.memref_squeeze %dma_wait3A_85 : memref<1x79x128xi32, #tpu.memory_space<hbm>> -> memref<79x128xi32, #tpu.memory_space<hbm>>
      tpu.wait_dma2 semaphore(%run_scoped3A : memref<!tpu.dma_semaphore, #tpu.memory_space<semaphore_mem>>) src(%dma_wait3A_86 : memref<79x128xi32, #tpu.memory_space<hbm>>) dst(%arg6 : memref<79x128xi32, #tpu.memory_space<vmem>>)
      tpu.yield
    }) : () -> ()
    "tpu.region"() ({
      %run_scoped3A = tpu.sem_alloc : memref<!tpu.dma_semaphore, #tpu.memory_space<semaphore_mem>>
      %dma_start3A = arith.constant 0 : i32
      %dma_start3A_73 = arith.constant 0 : i32
      %dma_start3A_74 = tpu.memref_slice %arg4[%add3A, %dma_start3A, %dma_start3A_73] : memref<32x79x128xi32, #tpu.memory_space<hbm>> -> memref<1x79x128xi32, #tpu.memory_space<hbm>>
      %dma_start3A_75 = tpu.memref_squeeze %dma_start3A_74 : memref<1x79x128xi32, #tpu.memory_space<hbm>> -> memref<79x128xi32, #tpu.memory_space<hbm>>
      %dma_start3A_76 = arith.constant 0 : i32
      %dma_start3A_77 = arith.constant 0 : i32
      %dma_start3A_78 = tpu.memref_slice %arg4[%add3A, %dma_start3A_76, %dma_start3A_77] : memref<32x79x128xi32, #tpu.memory_space<hbm>> -> memref<1x79x128xi32, #tpu.memory_space<hbm>>
      %dma_start3A_79 = tpu.memref_squeeze %dma_start3A_78 : memref<1x79x128xi32, #tpu.memory_space<hbm>> -> memref<79x128xi32, #tpu.memory_space<hbm>>
      tpu.enqueue_dma source(%dma_start3A_79 : memref<79x128xi32, #tpu.memory_space<hbm>>) target(%arg7 : memref<79x128xi32, #tpu.memory_space<vmem>>) target_semaphore(%run_scoped3A : memref<!tpu.dma_semaphore, #tpu.memory_space<semaphore_mem>>)
      %dma_wait3A = arith.constant 0 : i32
      %dma_wait3A_80 = arith.constant 0 : i32
      %dma_wait3A_81 = tpu.memref_slice %arg4[%add3A, %dma_wait3A, %dma_wait3A_80] : memref<32x79x128xi32, #tpu.memory_space<hbm>> -> memref<1x79x128xi32, #tpu.memory_space<hbm>>
      %dma_wait3A_82 = tpu.memref_squeeze %dma_wait3A_81 : memref<1x79x128xi32, #tpu.memory_space<hbm>> -> memref<79x128xi32, #tpu.memory_space<hbm>>
      %dma_wait3A_83 = arith.constant 0 : i32
      %dma_wait3A_84 = arith.constant 0 : i32
      %dma_wait3A_85 = tpu.memref_slice %arg4[%add3A, %dma_wait3A_83, %dma_wait3A_84] : memref<32x79x128xi32, #tpu.memory_space<hbm>> -> memref<1x79x128xi32, #tpu.memory_space<hbm>>
      %dma_wait3A_86 = tpu.memref_squeeze %dma_wait3A_85 : memref<1x79x128xi32, #tpu.memory_space<hbm>> -> memref<79x128xi32, #tpu.memory_space<hbm>>
      tpu.wait_dma2 semaphore(%run_scoped3A : memref<!tpu.dma_semaphore, #tpu.memory_space<semaphore_mem>>) src(%dma_wait3A_86 : memref<79x128xi32, #tpu.memory_space<hbm>>) dst(%arg7 : memref<79x128xi32, #tpu.memory_space<vmem>>)
      tpu.yield
    }) : () -> ()
    %barrier3A = arith.constant 0 : index
    tpu.barrier barrier_id(%barrier3A)
    %scan3A_26 = arith.constant 0 : i32
    %scan3A_27 = arith.constant 0 : i32
    %scan3A_28 = arith.constant 79 : i32
    %scan3A_29 = arith.addi %scan3A_27, %scan3A_28 : i32
    %scan3A_30 = arith.constant 1 : i32
    scf.for %scan3A_73 = %scan3A_27 to %scan3A_29 step %scan3A_30  : i32 {
      %dma_start3A = arith.constant 0 : i32
      %dma_start3A_74 = tpu.memref_slice %arg7[%scan3A_73, %dma_start3A] : memref<79x128xi32, #tpu.memory_space<vmem>> -> memref<1x128xi32, #tpu.memory_space<vmem>>
      %dma_start3A_75 = tpu.memref_squeeze %dma_start3A_74 : memref<1x128xi32, #tpu.memory_space<vmem>> -> memref<128xi32, #tpu.memory_space<vmem>>
      %dma_start3A_76 = arith.constant 0 : i32
      %dma_start3A_77 = arith.constant 0 : i32
      %dma_start3A_78 = tpu.memref_slice %arg2[%dma_start3A_76, %dma_start3A_77] : memref<5120x128xf32, #tpu.memory_space<hbm>> -> memref<5120x128xf32, #tpu.memory_space<hbm>>
      tpu.enqueue_indirect_dma source(%dma_start3A_78 : memref<5120x128xf32, #tpu.memory_space<hbm>>) target(%arg8 : memref<128x128xf32, #tpu.memory_space<vmem>>) offsets(%dma_start3A_75 : memref<128xi32, #tpu.memory_space<vmem>>) semaphore(%arg9 : memref<!tpu.dma_semaphore, #tpu.memory_space<semaphore_mem>>)
      %dma_wait3A = arith.constant 0 : i32
      %dma_wait3A_79 = tpu.memref_slice %arg7[%scan3A_73, %dma_wait3A] : memref<79x128xi32, #tpu.memory_space<vmem>> -> memref<1x128xi32, #tpu.memory_space<vmem>>
      %dma_wait3A_80 = tpu.memref_squeeze %dma_wait3A_79 : memref<1x128xi32, #tpu.memory_space<vmem>> -> memref<128xi32, #tpu.memory_space<vmem>>
      %dma_wait3A_81 = arith.constant 0 : i32
      %dma_wait3A_82 = arith.constant 0 : i32
      %dma_wait3A_83 = tpu.memref_slice %arg2[%dma_wait3A_81, %dma_wait3A_82] : memref<5120x128xf32, #tpu.memory_space<hbm>> -> memref<5120x128xf32, #tpu.memory_space<hbm>>
      tpu.wait_indirect_dma semaphore(%arg9 : memref<!tpu.dma_semaphore, #tpu.memory_space<semaphore_mem>>) src(%dma_wait3A_83 : memref<5120x128xf32, #tpu.memory_space<hbm>>) dst(%arg8 : memref<128x128xf32, #tpu.memory_space<vmem>>)
      "tpu.region"() ({
        %run_scoped3A = tpu.sem_alloc : memref<!tpu.dma_semaphore, #tpu.memory_space<semaphore_mem>>
        %dma_start3A_84 = arith.constant 0 : i32
        %dma_start3A_85 = tpu.memref_slice %arg6[%scan3A_73, %dma_start3A_84] : memref<79x128xi32, #tpu.memory_space<vmem>> -> memref<1x128xi32, #tpu.memory_space<vmem>>
        %dma_start3A_86 = tpu.memref_squeeze %dma_start3A_85 : memref<1x128xi32, #tpu.memory_space<vmem>> -> memref<128xi32, #tpu.memory_space<vmem>>
        %dma_start3A_87 = arith.constant 0 : i32
        %dma_start3A_88 = arith.constant 0 : i32
        %dma_start3A_89 = tpu.memref_slice %arg10[%dma_start3A_87, %dma_start3A_88] : memref<10240x128xf32, #tpu.memory_space<vmem_shared>> -> memref<10240x128xf32, #tpu.memory_space<vmem_shared>>
        tpu.enqueue_indirect_dma source(%arg8 : memref<128x128xf32, #tpu.memory_space<vmem>>) target(%dma_start3A_89 : memref<10240x128xf32, #tpu.memory_space<vmem_shared>>) offsets(%dma_start3A_86 : memref<128xi32, #tpu.memory_space<vmem>>) semaphore(%run_scoped3A : memref<!tpu.dma_semaphore, #tpu.memory_space<semaphore_mem>>) {add = true}
        %dma_wait3A_90 = arith.constant 0 : i32
        %dma_wait3A_91 = tpu.memref_slice %arg6[%scan3A_73, %dma_wait3A_90] : memref<79x128xi32, #tpu.memory_space<vmem>> -> memref<1x128xi32, #tpu.memory_space<vmem>>
        %dma_wait3A_92 = tpu.memref_squeeze %dma_wait3A_91 : memref<1x128xi32, #tpu.memory_space<vmem>> -> memref<128xi32, #tpu.memory_space<vmem>>
        %dma_wait3A_93 = arith.constant 0 : i32
        %dma_wait3A_94 = arith.constant 0 : i32
        %dma_wait3A_95 = tpu.memref_slice %arg10[%dma_wait3A_93, %dma_wait3A_94] : memref<10240x128xf32, #tpu.memory_space<vmem_shared>> -> memref<10240x128xf32, #tpu.memory_space<vmem_shared>>
        tpu.wait_indirect_dma semaphore(%run_scoped3A : memref<!tpu.dma_semaphore, #tpu.memory_space<semaphore_mem>>) src(%arg8 : memref<128x128xf32, #tpu.memory_space<vmem>>) dst(%dma_wait3A_95 : memref<10240x128xf32, #tpu.memory_space<vmem_shared>>)
        tpu.yield
      }) : () -> ()
    }
    %scan3A_31 = arith.constant 79 : i32
    %barrier3A_32 = arith.constant 0 : index
    tpu.barrier barrier_id(%barrier3A_32)
    %mul3A_33 = arith.constant 640 : i32
    %mul3A_34 = arith.muli %arg1, %mul3A_33 : i32
    %add3A_35 = arith.constant 0 : i32
    %add3A_36 = arith.addi %mul3A_34, %add3A_35 : i32
    "tpu.region"() ({
      %run_scoped3A = tpu.sem_alloc : memref<!tpu.dma_semaphore, #tpu.memory_space<semaphore_mem>>
      %dma_start3A = arith.constant 0 : i32
      %dma_start3A_73 = arith.constant 0 : i32
      %dma_start3A_74 = tpu.memref_slice %arg8[%dma_start3A, %dma_start3A_73] : memref<128x128xf32, #tpu.memory_space<vmem>> -> memref<128x128xf32, #tpu.memory_space<vmem>>
      %dma_start3A_75 = arith.constant 0 : i32
      %dma_start3A_76 = tpu.memref_slice %arg10[%add3A_36, %dma_start3A_75] : memref<10240x128xf32, #tpu.memory_space<vmem_shared>> -> memref<128x128xf32, #tpu.memory_space<vmem_shared>>
      %dma_start3A_77 = arith.constant 0 : i32
      %dma_start3A_78 = arith.constant 0 : i32
      %dma_start3A_79 = tpu.memref_slice %arg8[%dma_start3A_77, %dma_start3A_78] : memref<128x128xf32, #tpu.memory_space<vmem>> -> memref<128x128xf32, #tpu.memory_space<vmem>>
      %dma_start3A_80 = arith.constant 0 : i32
      %dma_start3A_81 = tpu.memref_slice %arg10[%add3A_36, %dma_start3A_80] : memref<10240x128xf32, #tpu.memory_space<vmem_shared>> -> memref<128x128xf32, #tpu.memory_space<vmem_shared>>
      tpu.enqueue_dma source(%dma_start3A_81 : memref<128x128xf32, #tpu.memory_space<vmem_shared>>) target(%dma_start3A_79 : memref<128x128xf32, #tpu.memory_space<vmem>>) target_semaphore(%run_scoped3A : memref<!tpu.dma_semaphore, #tpu.memory_space<semaphore_mem>>)
      %dma_wait3A = arith.constant 0 : i32
      %dma_wait3A_82 = arith.constant 0 : i32
      %dma_wait3A_83 = tpu.memref_slice %arg8[%dma_wait3A, %dma_wait3A_82] : memref<128x128xf32, #tpu.memory_space<vmem>> -> memref<128x128xf32, #tpu.memory_space<vmem>>
      %dma_wait3A_84 = arith.constant 0 : i32
      %dma_wait3A_85 = tpu.memref_slice %arg10[%add3A_36, %dma_wait3A_84] : memref<10240x128xf32, #tpu.memory_space<vmem_shared>> -> memref<128x128xf32, #tpu.memory_space<vmem_shared>>
      %dma_wait3A_86 = arith.constant 0 : i32
      %dma_wait3A_87 = arith.constant 0 : i32
      %dma_wait3A_88 = tpu.memref_slice %arg8[%dma_wait3A_86, %dma_wait3A_87] : memref<128x128xf32, #tpu.memory_space<vmem>> -> memref<128x128xf32, #tpu.memory_space<vmem>>
      %dma_wait3A_89 = arith.constant 0 : i32
      %dma_wait3A_90 = tpu.memref_slice %arg10[%add3A_36, %dma_wait3A_89] : memref<10240x128xf32, #tpu.memory_space<vmem_shared>> -> memref<128x128xf32, #tpu.memory_space<vmem_shared>>
      tpu.wait_dma2 semaphore(%run_scoped3A : memref<!tpu.dma_semaphore, #tpu.memory_space<semaphore_mem>>) src(%dma_wait3A_90 : memref<128x128xf32, #tpu.memory_space<vmem_shared>>) dst(%dma_wait3A_88 : memref<128x128xf32, #tpu.memory_space<vmem>>)
      tpu.yield
    }) : () -> ()
    %mul3A_37 = arith.constant 640 : i32
    %mul3A_38 = arith.muli %arg1, %mul3A_37 : i32
    %add3A_39 = arith.constant 0 : i32
    %add3A_40 = arith.addi %mul3A_38, %add3A_39 : i32
    "tpu.region"() ({
      %run_scoped3A = tpu.sem_alloc : memref<!tpu.dma_semaphore, #tpu.memory_space<semaphore_mem>>
      %dma_start3A = arith.constant 0 : i32
      %dma_start3A_73 = arith.constant 0 : i32
      %dma_start3A_74 = tpu.memref_slice %arg8[%dma_start3A, %dma_start3A_73] : memref<128x128xf32, #tpu.memory_space<vmem>> -> memref<128x128xf32, #tpu.memory_space<vmem>>
      %dma_start3A_75 = arith.constant 0 : i32
      %dma_start3A_76 = tpu.memref_slice %arg5[%arg0, %add3A_40, %dma_start3A_75] : memref<2x10240x128xf32, #tpu.memory_space<hbm>> -> memref<1x128x128xf32, #tpu.memory_space<hbm>>
      %dma_start3A_77 = tpu.memref_squeeze %dma_start3A_76 : memref<1x128x128xf32, #tpu.memory_space<hbm>> -> memref<128x128xf32, #tpu.memory_space<hbm>>
      %dma_start3A_78 = arith.constant 0 : i32
      %dma_start3A_79 = tpu.memref_slice %arg5[%arg0, %add3A_40, %dma_start3A_78] : memref<2x10240x128xf32, #tpu.memory_space<hbm>> -> memref<1x128x128xf32, #tpu.memory_space<hbm>>
      %dma_start3A_80 = tpu.memref_squeeze %dma_start3A_79 : memref<1x128x128xf32, #tpu.memory_space<hbm>> -> memref<128x128xf32, #tpu.memory_space<hbm>>
      %dma_start3A_81 = arith.constant 0 : i32
      %dma_start3A_82 = arith.constant 0 : i32
      %dma_start3A_83 = tpu.memref_slice %arg8[%dma_start3A_81, %dma_start3A_82] : memref<128x128xf32, #tpu.memory_space<vmem>> -> memref<128x128xf32, #tpu.memory_space<vmem>>
      tpu.enqueue_dma source(%dma_start3A_83 : memref<128x128xf32, #tpu.memory_space<vmem>>) target(%dma_start3A_80 : memref<128x128xf32, #tpu.memory_space<hbm>>) target_semaphore(%run_scoped3A : memref<!tpu.dma_semaphore, #tpu.memory_space<semaphore_mem>>)
      %dma_wait3A = arith.constant 0 : i32
      %dma_wait3A_84 = arith.constant 0 : i32
      %dma_wait3A_85 = tpu.memref_slice %arg8[%dma_wait3A, %dma_wait3A_84] : memref<128x128xf32, #tpu.memory_space<vmem>> -> memref<128x128xf32, #tpu.memory_space<vmem>>
      %dma_wait3A_86 = arith.constant 0 : i32
      %dma_wait3A_87 = tpu.memref_slice %arg5[%arg0, %add3A_40, %dma_wait3A_86] : memref<2x10240x128xf32, #tpu.memory_space<hbm>> -> memref<1x128x128xf32, #tpu.memory_space<hbm>>
      %dma_wait3A_88 = tpu.memref_squeeze %dma_wait3A_87 : memref<1x128x128xf32, #tpu.memory_space<hbm>> -> memref<128x128xf32, #tpu.memory_space<hbm>>
      %dma_wait3A_89 = arith.constant 0 : i32
      %dma_wait3A_90 = tpu.memref_slice %arg5[%arg0, %add3A_40, %dma_wait3A_89] : memref<2x10240x128xf32, #tpu.memory_space<hbm>> -> memref<1x128x128xf32, #tpu.memory_space<hbm>>
      %dma_wait3A_91 = tpu.memref_squeeze %dma_wait3A_90 : memref<1x128x128xf32, #tpu.memory_space<hbm>> -> memref<128x128xf32, #tpu.memory_space<hbm>>
      %dma_wait3A_92 = arith.constant 0 : i32
      %dma_wait3A_93 = arith.constant 0 : i32
      %dma_wait3A_94 = tpu.memref_slice %arg8[%dma_wait3A_92, %dma_wait3A_93] : memref<128x128xf32, #tpu.memory_space<vmem>> -> memref<128x128xf32, #tpu.memory_space<vmem>>
      tpu.wait_dma2 semaphore(%run_scoped3A : memref<!tpu.dma_semaphore, #tpu.memory_space<semaphore_mem>>) src(%dma_wait3A_94 : memref<128x128xf32, #tpu.memory_space<vmem>>) dst(%dma_wait3A_91 : memref<128x128xf32, #tpu.memory_space<hbm>>)
      tpu.yield
    }) : () -> ()
    %mul3A_41 = arith.constant 640 : i32
    %mul3A_42 = arith.muli %arg1, %mul3A_41 : i32
    %add3A_43 = arith.constant 128 : i32
    %add3A_44 = arith.addi %mul3A_42, %add3A_43 : i32
    "tpu.region"() ({
      %run_scoped3A = tpu.sem_alloc : memref<!tpu.dma_semaphore, #tpu.memory_space<semaphore_mem>>
      %dma_start3A = arith.constant 0 : i32
      %dma_start3A_73 = arith.constant 0 : i32
      %dma_start3A_74 = tpu.memref_slice %arg8[%dma_start3A, %dma_start3A_73] : memref<128x128xf32, #tpu.memory_space<vmem>> -> memref<128x128xf32, #tpu.memory_space<vmem>>
      %dma_start3A_75 = arith.constant 0 : i32
      %dma_start3A_76 = tpu.memref_slice %arg10[%add3A_44, %dma_start3A_75] : memref<10240x128xf32, #tpu.memory_space<vmem_shared>> -> memref<128x128xf32, #tpu.memory_space<vmem_shared>>
      %dma_start3A_77 = arith.constant 0 : i32
      %dma_start3A_78 = arith.constant 0 : i32
      %dma_start3A_79 = tpu.memref_slice %arg8[%dma_start3A_77, %dma_start3A_78] : memref<128x128xf32, #tpu.memory_space<vmem>> -> memref<128x128xf32, #tpu.memory_space<vmem>>
      %dma_start3A_80 = arith.constant 0 : i32
      %dma_start3A_81 = tpu.memref_slice %arg10[%add3A_44, %dma_start3A_80] : memref<10240x128xf32, #tpu.memory_space<vmem_shared>> -> memref<128x128xf32, #tpu.memory_space<vmem_shared>>
      tpu.enqueue_dma source(%dma_start3A_81 : memref<128x128xf32, #tpu.memory_space<vmem_shared>>) target(%dma_start3A_79 : memref<128x128xf32, #tpu.memory_space<vmem>>) target_semaphore(%run_scoped3A : memref<!tpu.dma_semaphore, #tpu.memory_space<semaphore_mem>>)
      %dma_wait3A = arith.constant 0 : i32
      %dma_wait3A_82 = arith.constant 0 : i32
      %dma_wait3A_83 = tpu.memref_slice %arg8[%dma_wait3A, %dma_wait3A_82] : memref<128x128xf32, #tpu.memory_space<vmem>> -> memref<128x128xf32, #tpu.memory_space<vmem>>
      %dma_wait3A_84 = arith.constant 0 : i32
      %dma_wait3A_85 = tpu.memref_slice %arg10[%add3A_44, %dma_wait3A_84] : memref<10240x128xf32, #tpu.memory_space<vmem_shared>> -> memref<128x128xf32, #tpu.memory_space<vmem_shared>>
      %dma_wait3A_86 = arith.constant 0 : i32
      %dma_wait3A_87 = arith.constant 0 : i32
      %dma_wait3A_88 = tpu.memref_slice %arg8[%dma_wait3A_86, %dma_wait3A_87] : memref<128x128xf32, #tpu.memory_space<vmem>> -> memref<128x128xf32, #tpu.memory_space<vmem>>
      %dma_wait3A_89 = arith.constant 0 : i32
      %dma_wait3A_90 = tpu.memref_slice %arg10[%add3A_44, %dma_wait3A_89] : memref<10240x128xf32, #tpu.memory_space<vmem_shared>> -> memref<128x128xf32, #tpu.memory_space<vmem_shared>>
      tpu.wait_dma2 semaphore(%run_scoped3A : memref<!tpu.dma_semaphore, #tpu.memory_space<semaphore_mem>>) src(%dma_wait3A_90 : memref<128x128xf32, #tpu.memory_space<vmem_shared>>) dst(%dma_wait3A_88 : memref<128x128xf32, #tpu.memory_space<vmem>>)
      tpu.yield
    }) : () -> ()
    %mul3A_45 = arith.constant 640 : i32
    %mul3A_46 = arith.muli %arg1, %mul3A_45 : i32
    %add3A_47 = arith.constant 128 : i32
    %add3A_48 = arith.addi %mul3A_46, %add3A_47 : i32
    "tpu.region"() ({
      %run_scoped3A = tpu.sem_alloc : memref<!tpu.dma_semaphore, #tpu.memory_space<semaphore_mem>>
      %dma_start3A = arith.constant 0 : i32
      %dma_start3A_73 = arith.constant 0 : i32
      %dma_start3A_74 = tpu.memref_slice %arg8[%dma_start3A, %dma_start3A_73] : memref<128x128xf32, #tpu.memory_space<vmem>> -> memref<128x128xf32, #tpu.memory_space<vmem>>
      %dma_start3A_75 = arith.constant 0 : i32
      %dma_start3A_76 = tpu.memref_slice %arg5[%arg0, %add3A_48, %dma_start3A_75] : memref<2x10240x128xf32, #tpu.memory_space<hbm>> -> memref<1x128x128xf32, #tpu.memory_space<hbm>>
      %dma_start3A_77 = tpu.memref_squeeze %dma_start3A_76 : memref<1x128x128xf32, #tpu.memory_space<hbm>> -> memref<128x128xf32, #tpu.memory_space<hbm>>
      %dma_start3A_78 = arith.constant 0 : i32
      %dma_start3A_79 = tpu.memref_slice %arg5[%arg0, %add3A_48, %dma_start3A_78] : memref<2x10240x128xf32, #tpu.memory_space<hbm>> -> memref<1x128x128xf32, #tpu.memory_space<hbm>>
      %dma_start3A_80 = tpu.memref_squeeze %dma_start3A_79 : memref<1x128x128xf32, #tpu.memory_space<hbm>> -> memref<128x128xf32, #tpu.memory_space<hbm>>
      %dma_start3A_81 = arith.constant 0 : i32
      %dma_start3A_82 = arith.constant 0 : i32
      %dma_start3A_83 = tpu.memref_slice %arg8[%dma_start3A_81, %dma_start3A_82] : memref<128x128xf32, #tpu.memory_space<vmem>> -> memref<128x128xf32, #tpu.memory_space<vmem>>
      tpu.enqueue_dma source(%dma_start3A_83 : memref<128x128xf32, #tpu.memory_space<vmem>>) target(%dma_start3A_80 : memref<128x128xf32, #tpu.memory_space<hbm>>) target_semaphore(%run_scoped3A : memref<!tpu.dma_semaphore, #tpu.memory_space<semaphore_mem>>)
      %dma_wait3A = arith.constant 0 : i32
      %dma_wait3A_84 = arith.constant 0 : i32
      %dma_wait3A_85 = tpu.memref_slice %arg8[%dma_wait3A, %dma_wait3A_84] : memref<128x128xf32, #tpu.memory_space<vmem>> -> memref<128x128xf32, #tpu.memory_space<vmem>>
      %dma_wait3A_86 = arith.constant 0 : i32
      %dma_wait3A_87 = tpu.memref_slice %arg5[%arg0, %add3A_48, %dma_wait3A_86] : memref<2x10240x128xf32, #tpu.memory_space<hbm>> -> memref<1x128x128xf32, #tpu.memory_space<hbm>>
      %dma_wait3A_88 = tpu.memref_squeeze %dma_wait3A_87 : memref<1x128x128xf32, #tpu.memory_space<hbm>> -> memref<128x128xf32, #tpu.memory_space<hbm>>
      %dma_wait3A_89 = arith.constant 0 : i32
      %dma_wait3A_90 = tpu.memref_slice %arg5[%arg0, %add3A_48, %dma_wait3A_89] : memref<2x10240x128xf32, #tpu.memory_space<hbm>> -> memref<1x128x128xf32, #tpu.memory_space<hbm>>
      %dma_wait3A_91 = tpu.memref_squeeze %dma_wait3A_90 : memref<1x128x128xf32, #tpu.memory_space<hbm>> -> memref<128x128xf32, #tpu.memory_space<hbm>>
      %dma_wait3A_92 = arith.constant 0 : i32
      %dma_wait3A_93 = arith.constant 0 : i32
      %dma_wait3A_94 = tpu.memref_slice %arg8[%dma_wait3A_92, %dma_wait3A_93] : memref<128x128xf32, #tpu.memory_space<vmem>> -> memref<128x128xf32, #tpu.memory_space<vmem>>
      tpu.wait_dma2 semaphore(%run_scoped3A : memref<!tpu.dma_semaphore, #tpu.memory_space<semaphore_mem>>) src(%dma_wait3A_94 : memref<128x128xf32, #tpu.memory_space<vmem>>) dst(%dma_wait3A_91 : memref<128x128xf32, #tpu.memory_space<hbm>>)
      tpu.yield
    }) : () -> ()
    %mul3A_49 = arith.constant 640 : i32
    %mul3A_50 = arith.muli %arg1, %mul3A_49 : i32
    %add3A_51 = arith.constant 256 : i32
    %add3A_52 = arith.addi %mul3A_50, %add3A_51 : i32
    "tpu.region"() ({
      %run_scoped3A = tpu.sem_alloc : memref<!tpu.dma_semaphore, #tpu.memory_space<semaphore_mem>>
      %dma_start3A = arith.constant 0 : i32
      %dma_start3A_73 = arith.constant 0 : i32
      %dma_start3A_74 = tpu.memref_slice %arg8[%dma_start3A, %dma_start3A_73] : memref<128x128xf32, #tpu.memory_space<vmem>> -> memref<128x128xf32, #tpu.memory_space<vmem>>
      %dma_start3A_75 = arith.constant 0 : i32
      %dma_start3A_76 = tpu.memref_slice %arg10[%add3A_52, %dma_start3A_75] : memref<10240x128xf32, #tpu.memory_space<vmem_shared>> -> memref<128x128xf32, #tpu.memory_space<vmem_shared>>
      %dma_start3A_77 = arith.constant 0 : i32
      %dma_start3A_78 = arith.constant 0 : i32
      %dma_start3A_79 = tpu.memref_slice %arg8[%dma_start3A_77, %dma_start3A_78] : memref<128x128xf32, #tpu.memory_space<vmem>> -> memref<128x128xf32, #tpu.memory_space<vmem>>
      %dma_start3A_80 = arith.constant 0 : i32
      %dma_start3A_81 = tpu.memref_slice %arg10[%add3A_52, %dma_start3A_80] : memref<10240x128xf32, #tpu.memory_space<vmem_shared>> -> memref<128x128xf32, #tpu.memory_space<vmem_shared>>
      tpu.enqueue_dma source(%dma_start3A_81 : memref<128x128xf32, #tpu.memory_space<vmem_shared>>) target(%dma_start3A_79 : memref<128x128xf32, #tpu.memory_space<vmem>>) target_semaphore(%run_scoped3A : memref<!tpu.dma_semaphore, #tpu.memory_space<semaphore_mem>>)
      %dma_wait3A = arith.constant 0 : i32
      %dma_wait3A_82 = arith.constant 0 : i32
      %dma_wait3A_83 = tpu.memref_slice %arg8[%dma_wait3A, %dma_wait3A_82] : memref<128x128xf32, #tpu.memory_space<vmem>> -> memref<128x128xf32, #tpu.memory_space<vmem>>
      %dma_wait3A_84 = arith.constant 0 : i32
      %dma_wait3A_85 = tpu.memref_slice %arg10[%add3A_52, %dma_wait3A_84] : memref<10240x128xf32, #tpu.memory_space<vmem_shared>> -> memref<128x128xf32, #tpu.memory_space<vmem_shared>>
      %dma_wait3A_86 = arith.constant 0 : i32
      %dma_wait3A_87 = arith.constant 0 : i32
      %dma_wait3A_88 = tpu.memref_slice %arg8[%dma_wait3A_86, %dma_wait3A_87] : memref<128x128xf32, #tpu.memory_space<vmem>> -> memref<128x128xf32, #tpu.memory_space<vmem>>
      %dma_wait3A_89 = arith.constant 0 : i32
      %dma_wait3A_90 = tpu.memref_slice %arg10[%add3A_52, %dma_wait3A_89] : memref<10240x128xf32, #tpu.memory_space<vmem_shared>> -> memref<128x128xf32, #tpu.memory_space<vmem_shared>>
      tpu.wait_dma2 semaphore(%run_scoped3A : memref<!tpu.dma_semaphore, #tpu.memory_space<semaphore_mem>>) src(%dma_wait3A_90 : memref<128x128xf32, #tpu.memory_space<vmem_shared>>) dst(%dma_wait3A_88 : memref<128x128xf32, #tpu.memory_space<vmem>>)
      tpu.yield
    }) : () -> ()
    %mul3A_53 = arith.constant 640 : i32
    %mul3A_54 = arith.muli %arg1, %mul3A_53 : i32
    %add3A_55 = arith.constant 256 : i32
    %add3A_56 = arith.addi %mul3A_54, %add3A_55 : i32
    "tpu.region"() ({
      %run_scoped3A = tpu.sem_alloc : memref<!tpu.dma_semaphore, #tpu.memory_space<semaphore_mem>>
      %dma_start3A = arith.constant 0 : i32
      %dma_start3A_73 = arith.constant 0 : i32
      %dma_start3A_74 = tpu.memref_slice %arg8[%dma_start3A, %dma_start3A_73] : memref<128x128xf32, #tpu.memory_space<vmem>> -> memref<128x128xf32, #tpu.memory_space<vmem>>
      %dma_start3A_75 = arith.constant 0 : i32
      %dma_start3A_76 = tpu.memref_slice %arg5[%arg0, %add3A_56, %dma_start3A_75] : memref<2x10240x128xf32, #tpu.memory_space<hbm>> -> memref<1x128x128xf32, #tpu.memory_space<hbm>>
      %dma_start3A_77 = tpu.memref_squeeze %dma_start3A_76 : memref<1x128x128xf32, #tpu.memory_space<hbm>> -> memref<128x128xf32, #tpu.memory_space<hbm>>
      %dma_start3A_78 = arith.constant 0 : i32
      %dma_start3A_79 = tpu.memref_slice %arg5[%arg0, %add3A_56, %dma_start3A_78] : memref<2x10240x128xf32, #tpu.memory_space<hbm>> -> memref<1x128x128xf32, #tpu.memory_space<hbm>>
      %dma_start3A_80 = tpu.memref_squeeze %dma_start3A_79 : memref<1x128x128xf32, #tpu.memory_space<hbm>> -> memref<128x128xf32, #tpu.memory_space<hbm>>
      %dma_start3A_81 = arith.constant 0 : i32
      %dma_start3A_82 = arith.constant 0 : i32
      %dma_start3A_83 = tpu.memref_slice %arg8[%dma_start3A_81, %dma_start3A_82] : memref<128x128xf32, #tpu.memory_space<vmem>> -> memref<128x128xf32, #tpu.memory_space<vmem>>
      tpu.enqueue_dma source(%dma_start3A_83 : memref<128x128xf32, #tpu.memory_space<vmem>>) target(%dma_start3A_80 : memref<128x128xf32, #tpu.memory_space<hbm>>) target_semaphore(%run_scoped3A : memref<!tpu.dma_semaphore, #tpu.memory_space<semaphore_mem>>)
      %dma_wait3A = arith.constant 0 : i32
      %dma_wait3A_84 = arith.constant 0 : i32
      %dma_wait3A_85 = tpu.memref_slice %arg8[%dma_wait3A, %dma_wait3A_84] : memref<128x128xf32, #tpu.memory_space<vmem>> -> memref<128x128xf32, #tpu.memory_space<vmem>>
      %dma_wait3A_86 = arith.constant 0 : i32
      %dma_wait3A_87 = tpu.memref_slice %arg5[%arg0, %add3A_56, %dma_wait3A_86] : memref<2x10240x128xf32, #tpu.memory_space<hbm>> -> memref<1x128x128xf32, #tpu.memory_space<hbm>>
      %dma_wait3A_88 = tpu.memref_squeeze %dma_wait3A_87 : memref<1x128x128xf32, #tpu.memory_space<hbm>> -> memref<128x128xf32, #tpu.memory_space<hbm>>
      %dma_wait3A_89 = arith.constant 0 : i32
      %dma_wait3A_90 = tpu.memref_slice %arg5[%arg0, %add3A_56, %dma_wait3A_89] : memref<2x10240x128xf32, #tpu.memory_space<hbm>> -> memref<1x128x128xf32, #tpu.memory_space<hbm>>
      %dma_wait3A_91 = tpu.memref_squeeze %dma_wait3A_90 : memref<1x128x128xf32, #tpu.memory_space<hbm>> -> memref<128x128xf32, #tpu.memory_space<hbm>>
      %dma_wait3A_92 = arith.constant 0 : i32
      %dma_wait3A_93 = arith.constant 0 : i32
      %dma_wait3A_94 = tpu.memref_slice %arg8[%dma_wait3A_92, %dma_wait3A_93] : memref<128x128xf32, #tpu.memory_space<vmem>> -> memref<128x128xf32, #tpu.memory_space<vmem>>
      tpu.wait_dma2 semaphore(%run_scoped3A : memref<!tpu.dma_semaphore, #tpu.memory_space<semaphore_mem>>) src(%dma_wait3A_94 : memref<128x128xf32, #tpu.memory_space<vmem>>) dst(%dma_wait3A_91 : memref<128x128xf32, #tpu.memory_space<hbm>>)
      tpu.yield
    }) : () -> ()
    %mul3A_57 = arith.constant 640 : i32
    %mul3A_58 = arith.muli %arg1, %mul3A_57 : i32
    %add3A_59 = arith.constant 384 : i32
    %add3A_60 = arith.addi %mul3A_58, %add3A_59 : i32
    "tpu.region"() ({
      %run_scoped3A = tpu.sem_alloc : memref<!tpu.dma_semaphore, #tpu.memory_space<semaphore_mem>>
      %dma_start3A = arith.constant 0 : i32
      %dma_start3A_73 = arith.constant 0 : i32
      %dma_start3A_74 = tpu.memref_slice %arg8[%dma_start3A, %dma_start3A_73] : memref<128x128xf32, #tpu.memory_space<vmem>> -> memref<128x128xf32, #tpu.memory_space<vmem>>
      %dma_start3A_75 = arith.constant 0 : i32
      %dma_start3A_76 = tpu.memref_slice %arg10[%add3A_60, %dma_start3A_75] : memref<10240x128xf32, #tpu.memory_space<vmem_shared>> -> memref<128x128xf32, #tpu.memory_space<vmem_shared>>
      %dma_start3A_77 = arith.constant 0 : i32
      %dma_start3A_78 = arith.constant 0 : i32
      %dma_start3A_79 = tpu.memref_slice %arg8[%dma_start3A_77, %dma_start3A_78] : memref<128x128xf32, #tpu.memory_space<vmem>> -> memref<128x128xf32, #tpu.memory_space<vmem>>
      %dma_start3A_80 = arith.constant 0 : i32
      %dma_start3A_81 = tpu.memref_slice %arg10[%add3A_60, %dma_start3A_80] : memref<10240x128xf32, #tpu.memory_space<vmem_shared>> -> memref<128x128xf32, #tpu.memory_space<vmem_shared>>
      tpu.enqueue_dma source(%dma_start3A_81 : memref<128x128xf32, #tpu.memory_space<vmem_shared>>) target(%dma_start3A_79 : memref<128x128xf32, #tpu.memory_space<vmem>>) target_semaphore(%run_scoped3A : memref<!tpu.dma_semaphore, #tpu.memory_space<semaphore_mem>>)
      %dma_wait3A = arith.constant 0 : i32
      %dma_wait3A_82 = arith.constant 0 : i32
      %dma_wait3A_83 = tpu.memref_slice %arg8[%dma_wait3A, %dma_wait3A_82] : memref<128x128xf32, #tpu.memory_space<vmem>> -> memref<128x128xf32, #tpu.memory_space<vmem>>
      %dma_wait3A_84 = arith.constant 0 : i32
      %dma_wait3A_85 = tpu.memref_slice %arg10[%add3A_60, %dma_wait3A_84] : memref<10240x128xf32, #tpu.memory_space<vmem_shared>> -> memref<128x128xf32, #tpu.memory_space<vmem_shared>>
      %dma_wait3A_86 = arith.constant 0 : i32
      %dma_wait3A_87 = arith.constant 0 : i32
      %dma_wait3A_88 = tpu.memref_slice %arg8[%dma_wait3A_86, %dma_wait3A_87] : memref<128x128xf32, #tpu.memory_space<vmem>> -> memref<128x128xf32, #tpu.memory_space<vmem>>
      %dma_wait3A_89 = arith.constant 0 : i32
      %dma_wait3A_90 = tpu.memref_slice %arg10[%add3A_60, %dma_wait3A_89] : memref<10240x128xf32, #tpu.memory_space<vmem_shared>> -> memref<128x128xf32, #tpu.memory_space<vmem_shared>>
      tpu.wait_dma2 semaphore(%run_scoped3A : memref<!tpu.dma_semaphore, #tpu.memory_space<semaphore_mem>>) src(%dma_wait3A_90 : memref<128x128xf32, #tpu.memory_space<vmem_shared>>) dst(%dma_wait3A_88 : memref<128x128xf32, #tpu.memory_space<vmem>>)
      tpu.yield
    }) : () -> ()
    %mul3A_61 = arith.constant 640 : i32
    %mul3A_62 = arith.muli %arg1, %mul3A_61 : i32
    %add3A_63 = arith.constant 384 : i32
    %add3A_64 = arith.addi %mul3A_62, %add3A_63 : i32
    "tpu.region"() ({
      %run_scoped3A = tpu.sem_alloc : memref<!tpu.dma_semaphore, #tpu.memory_space<semaphore_mem>>
      %dma_start3A = arith.constant 0 : i32
      %dma_start3A_73 = arith.constant 0 : i32
      %dma_start3A_74 = tpu.memref_slice %arg8[%dma_start3A, %dma_start3A_73] : memref<128x128xf32, #tpu.memory_space<vmem>> -> memref<128x128xf32, #tpu.memory_space<vmem>>
      %dma_start3A_75 = arith.constant 0 : i32
      %dma_start3A_76 = tpu.memref_slice %arg5[%arg0, %add3A_64, %dma_start3A_75] : memref<2x10240x128xf32, #tpu.memory_space<hbm>> -> memref<1x128x128xf32, #tpu.memory_space<hbm>>
      %dma_start3A_77 = tpu.memref_squeeze %dma_start3A_76 : memref<1x128x128xf32, #tpu.memory_space<hbm>> -> memref<128x128xf32, #tpu.memory_space<hbm>>
      %dma_start3A_78 = arith.constant 0 : i32
      %dma_start3A_79 = tpu.memref_slice %arg5[%arg0, %add3A_64, %dma_start3A_78] : memref<2x10240x128xf32, #tpu.memory_space<hbm>> -> memref<1x128x128xf32, #tpu.memory_space<hbm>>
      %dma_start3A_80 = tpu.memref_squeeze %dma_start3A_79 : memref<1x128x128xf32, #tpu.memory_space<hbm>> -> memref<128x128xf32, #tpu.memory_space<hbm>>
      %dma_start3A_81 = arith.constant 0 : i32
      %dma_start3A_82 = arith.constant 0 : i32
      %dma_start3A_83 = tpu.memref_slice %arg8[%dma_start3A_81, %dma_start3A_82] : memref<128x128xf32, #tpu.memory_space<vmem>> -> memref<128x128xf32, #tpu.memory_space<vmem>>
      tpu.enqueue_dma source(%dma_start3A_83 : memref<128x128xf32, #tpu.memory_space<vmem>>) target(%dma_start3A_80 : memref<128x128xf32, #tpu.memory_space<hbm>>) target_semaphore(%run_scoped3A : memref<!tpu.dma_semaphore, #tpu.memory_space<semaphore_mem>>)
      %dma_wait3A = arith.constant 0 : i32
      %dma_wait3A_84 = arith.constant 0 : i32
      %dma_wait3A_85 = tpu.memref_slice %arg8[%dma_wait3A, %dma_wait3A_84] : memref<128x128xf32, #tpu.memory_space<vmem>> -> memref<128x128xf32, #tpu.memory_space<vmem>>
      %dma_wait3A_86 = arith.constant 0 : i32
      %dma_wait3A_87 = tpu.memref_slice %arg5[%arg0, %add3A_64, %dma_wait3A_86] : memref<2x10240x128xf32, #tpu.memory_space<hbm>> -> memref<1x128x128xf32, #tpu.memory_space<hbm>>
      %dma_wait3A_88 = tpu.memref_squeeze %dma_wait3A_87 : memref<1x128x128xf32, #tpu.memory_space<hbm>> -> memref<128x128xf32, #tpu.memory_space<hbm>>
      %dma_wait3A_89 = arith.constant 0 : i32
      %dma_wait3A_90 = tpu.memref_slice %arg5[%arg0, %add3A_64, %dma_wait3A_89] : memref<2x10240x128xf32, #tpu.memory_space<hbm>> -> memref<1x128x128xf32, #tpu.memory_space<hbm>>
      %dma_wait3A_91 = tpu.memref_squeeze %dma_wait3A_90 : memref<1x128x128xf32, #tpu.memory_space<hbm>> -> memref<128x128xf32, #tpu.memory_space<hbm>>
      %dma_wait3A_92 = arith.constant 0 : i32
      %dma_wait3A_93 = arith.constant 0 : i32
      %dma_wait3A_94 = tpu.memref_slice %arg8[%dma_wait3A_92, %dma_wait3A_93] : memref<128x128xf32, #tpu.memory_space<vmem>> -> memref<128x128xf32, #tpu.memory_space<vmem>>
      tpu.wait_dma2 semaphore(%run_scoped3A : memref<!tpu.dma_semaphore, #tpu.memory_space<semaphore_mem>>) src(%dma_wait3A_94 : memref<128x128xf32, #tpu.memory_space<vmem>>) dst(%dma_wait3A_91 : memref<128x128xf32, #tpu.memory_space<hbm>>)
      tpu.yield
    }) : () -> ()
    %mul3A_65 = arith.constant 640 : i32
    %mul3A_66 = arith.muli %arg1, %mul3A_65 : i32
    %add3A_67 = arith.constant 512 : i32
    %add3A_68 = arith.addi %mul3A_66, %add3A_67 : i32
    "tpu.region"() ({
      %run_scoped3A = tpu.sem_alloc : memref<!tpu.dma_semaphore, #tpu.memory_space<semaphore_mem>>
      %dma_start3A = arith.constant 0 : i32
      %dma_start3A_73 = arith.constant 0 : i32
      %dma_start3A_74 = tpu.memref_slice %arg8[%dma_start3A, %dma_start3A_73] : memref<128x128xf32, #tpu.memory_space<vmem>> -> memref<128x128xf32, #tpu.memory_space<vmem>>
      %dma_start3A_75 = arith.constant 0 : i32
      %dma_start3A_76 = tpu.memref_slice %arg10[%add3A_68, %dma_start3A_75] : memref<10240x128xf32, #tpu.memory_space<vmem_shared>> -> memref<128x128xf32, #tpu.memory_space<vmem_shared>>
      %dma_start3A_77 = arith.constant 0 : i32
      %dma_start3A_78 = arith.constant 0 : i32
      %dma_start3A_79 = tpu.memref_slice %arg8[%dma_start3A_77, %dma_start3A_78] : memref<128x128xf32, #tpu.memory_space<vmem>> -> memref<128x128xf32, #tpu.memory_space<vmem>>
      %dma_start3A_80 = arith.constant 0 : i32
      %dma_start3A_81 = tpu.memref_slice %arg10[%add3A_68, %dma_start3A_80] : memref<10240x128xf32, #tpu.memory_space<vmem_shared>> -> memref<128x128xf32, #tpu.memory_space<vmem_shared>>
      tpu.enqueue_dma source(%dma_start3A_81 : memref<128x128xf32, #tpu.memory_space<vmem_shared>>) target(%dma_start3A_79 : memref<128x128xf32, #tpu.memory_space<vmem>>) target_semaphore(%run_scoped3A : memref<!tpu.dma_semaphore, #tpu.memory_space<semaphore_mem>>)
      %dma_wait3A = arith.constant 0 : i32
      %dma_wait3A_82 = arith.constant 0 : i32
      %dma_wait3A_83 = tpu.memref_slice %arg8[%dma_wait3A, %dma_wait3A_82] : memref<128x128xf32, #tpu.memory_space<vmem>> -> memref<128x128xf32, #tpu.memory_space<vmem>>
      %dma_wait3A_84 = arith.constant 0 : i32
      %dma_wait3A_85 = tpu.memref_slice %arg10[%add3A_68, %dma_wait3A_84] : memref<10240x128xf32, #tpu.memory_space<vmem_shared>> -> memref<128x128xf32, #tpu.memory_space<vmem_shared>>
      %dma_wait3A_86 = arith.constant 0 : i32
      %dma_wait3A_87 = arith.constant 0 : i32
      %dma_wait3A_88 = tpu.memref_slice %arg8[%dma_wait3A_86, %dma_wait3A_87] : memref<128x128xf32, #tpu.memory_space<vmem>> -> memref<128x128xf32, #tpu.memory_space<vmem>>
      %dma_wait3A_89 = arith.constant 0 : i32
      %dma_wait3A_90 = tpu.memref_slice %arg10[%add3A_68, %dma_wait3A_89] : memref<10240x128xf32, #tpu.memory_space<vmem_shared>> -> memref<128x128xf32, #tpu.memory_space<vmem_shared>>
      tpu.wait_dma2 semaphore(%run_scoped3A : memref<!tpu.dma_semaphore, #tpu.memory_space<semaphore_mem>>) src(%dma_wait3A_90 : memref<128x128xf32, #tpu.memory_space<vmem_shared>>) dst(%dma_wait3A_88 : memref<128x128xf32, #tpu.memory_space<vmem>>)
      tpu.yield
    }) : () -> ()
    %mul3A_69 = arith.constant 640 : i32
    %mul3A_70 = arith.muli %arg1, %mul3A_69 : i32
    %add3A_71 = arith.constant 512 : i32
    %add3A_72 = arith.addi %mul3A_70, %add3A_71 : i32
    "tpu.region"() ({
      %run_scoped3A = tpu.sem_alloc : memref<!tpu.dma_semaphore, #tpu.memory_space<semaphore_mem>>
      %dma_start3A = arith.constant 0 : i32
      %dma_start3A_73 = arith.constant 0 : i32
      %dma_start3A_74 = tpu.memref_slice %arg8[%dma_start3A, %dma_start3A_73] : memref<128x128xf32, #tpu.memory_space<vmem>> -> memref<128x128xf32, #tpu.memory_space<vmem>>
      %dma_start3A_75 = arith.constant 0 : i32
      %dma_start3A_76 = tpu.memref_slice %arg5[%arg0, %add3A_72, %dma_start3A_75] : memref<2x10240x128xf32, #tpu.memory_space<hbm>> -> memref<1x128x128xf32, #tpu.memory_space<hbm>>
      %dma_start3A_77 = tpu.memref_squeeze %dma_start3A_76 : memref<1x128x128xf32, #tpu.memory_space<hbm>> -> memref<128x128xf32, #tpu.memory_space<hbm>>
      %dma_start3A_78 = arith.constant 0 : i32
      %dma_start3A_79 = tpu.memref_slice %arg5[%arg0, %add3A_72, %dma_start3A_78] : memref<2x10240x128xf32, #tpu.memory_space<hbm>> -> memref<1x128x128xf32, #tpu.memory_space<hbm>>
      %dma_start3A_80 = tpu.memref_squeeze %dma_start3A_79 : memref<1x128x128xf32, #tpu.memory_space<hbm>> -> memref<128x128xf32, #tpu.memory_space<hbm>>
      %dma_start3A_81 = arith.constant 0 : i32
      %dma_start3A_82 = arith.constant 0 : i32
      %dma_start3A_83 = tpu.memref_slice %arg8[%dma_start3A_81, %dma_start3A_82] : memref<128x128xf32, #tpu.memory_space<vmem>> -> memref<128x128xf32, #tpu.memory_space<vmem>>
      tpu.enqueue_dma source(%dma_start3A_83 : memref<128x128xf32, #tpu.memory_space<vmem>>) target(%dma_start3A_80 : memref<128x128xf32, #tpu.memory_space<hbm>>) target_semaphore(%run_scoped3A : memref<!tpu.dma_semaphore, #tpu.memory_space<semaphore_mem>>)
      %dma_wait3A = arith.constant 0 : i32
      %dma_wait3A_84 = arith.constant 0 : i32
      %dma_wait3A_85 = tpu.memref_slice %arg8[%dma_wait3A, %dma_wait3A_84] : memref<128x128xf32, #tpu.memory_space<vmem>> -> memref<128x128xf32, #tpu.memory_space<vmem>>
      %dma_wait3A_86 = arith.constant 0 : i32
      %dma_wait3A_87 = tpu.memref_slice %arg5[%arg0, %add3A_72, %dma_wait3A_86] : memref<2x10240x128xf32, #tpu.memory_space<hbm>> -> memref<1x128x128xf32, #tpu.memory_space<hbm>>
      %dma_wait3A_88 = tpu.memref_squeeze %dma_wait3A_87 : memref<1x128x128xf32, #tpu.memory_space<hbm>> -> memref<128x128xf32, #tpu.memory_space<hbm>>
      %dma_wait3A_89 = arith.constant 0 : i32
      %dma_wait3A_90 = tpu.memref_slice %arg5[%arg0, %add3A_72, %dma_wait3A_89] : memref<2x10240x128xf32, #tpu.memory_space<hbm>> -> memref<1x128x128xf32, #tpu.memory_space<hbm>>
      %dma_wait3A_91 = tpu.memref_squeeze %dma_wait3A_90 : memref<1x128x128xf32, #tpu.memory_space<hbm>> -> memref<128x128xf32, #tpu.memory_space<hbm>>
      %dma_wait3A_92 = arith.constant 0 : i32
      %dma_wait3A_93 = arith.constant 0 : i32
      %dma_wait3A_94 = tpu.memref_slice %arg8[%dma_wait3A_92, %dma_wait3A_93] : memref<128x128xf32, #tpu.memory_space<vmem>> -> memref<128x128xf32, #tpu.memory_space<vmem>>
      tpu.wait_dma2 semaphore(%run_scoped3A : memref<!tpu.dma_semaphore, #tpu.memory_space<semaphore_mem>>) src(%dma_wait3A_94 : memref<128x128xf32, #tpu.memory_space<vmem>>) dst(%dma_wait3A_91 : memref<128x128xf32, #tpu.memory_space<hbm>>)
      tpu.yield
    }) : () -> ()
    return
  }
}

#map = affine_map<(d0, d1) -> (0, 0, 0)>
module attributes {stable_mosaic.version = 14 : i64} {
  func.func @_sc_cnt(%arg0: i32, %arg1: i32, %arg2: memref<32x79x128xi32, #tpu.memory_space<hbm>>, %arg3: memref<2x5120x128xf32, #tpu.memory_space<hbm>>, %arg4: memref<79x128xi32, #tpu.memory_space<vmem>>, %arg5: memref<128x128xf32, #tpu.memory_space<vmem>>, %arg6: memref<5120x128xf32, #tpu.memory_space<vmem_shared>>) attributes {dimension_semantics = [#tpu.dimension_semantics<core_parallel>, #tpu.dimension_semantics<subcore_parallel>], iteration_bounds = array<i64: 2, 16>, scalar_prefetch = 0 : i64, scratch_operands = 3 : i64, tpu.core_type = #tpu.core_type<sc_vector_subcore>, window_params = [{transform_indices = #map}, {transform_indices = #map}]} {
    %mul3A = arith.constant 16 : i32
    %mul3A_0 = arith.muli %arg0, %mul3A : i32
    %add3A = arith.addi %mul3A_0, %arg1 : i32
    %scan3A = arith.constant 0 : i32
    %scan3A_1 = arith.constant 0 : i32
    %scan3A_2 = arith.constant 128 : i32
    %scan3A_3 = arith.addi %scan3A_1, %scan3A_2 : i32
    %scan3A_4 = arith.constant 1 : i32
    scf.for %scan3A_55 = %scan3A_1 to %scan3A_3 step %scan3A_4  : i32 {
      %broadcast_in_dim3A = arith.constant 0.000000e+00 : f32
      %broadcast_in_dim3A_56 = vector.broadcast %broadcast_in_dim3A : f32 to vector<16xf32>
      %swap3A = arith.index_cast %scan3A_55 : i32 to index
      %swap3A_57 = arith.constant 0 : index
      %swap3A_58 = tpu.vector_load %arg5[%swap3A, %swap3A_57] {strides = array<i32>} : memref<128x128xf32, #tpu.memory_space<vmem>>, vector<1x16xf32>,
      %swap3A_59 = vector.shape_cast %swap3A_58 : vector<1x16xf32> to vector<16xf32>
      %swap3A_60 = vector.shape_cast %broadcast_in_dim3A_56 : vector<16xf32> to vector<1x16xf32>
      tpu.vector_store %arg5[%swap3A, %swap3A_57], %swap3A_60 {strides = array<i32>} : memref<128x128xf32, #tpu.memory_space<vmem>>, vector<1x16xf32>,
      %broadcast_in_dim3A_61 = arith.constant 0.000000e+00 : f32
      %broadcast_in_dim3A_62 = vector.broadcast %broadcast_in_dim3A_61 : f32 to vector<16xf32>
      %swap3A_63 = arith.index_cast %scan3A_55 : i32 to index
      %swap3A_64 = arith.constant 16 : index
      %swap3A_65 = tpu.vector_load %arg5[%swap3A_63, %swap3A_64] {strides = array<i32>} : memref<128x128xf32, #tpu.memory_space<vmem>>, vector<1x16xf32>,
      %swap3A_66 = vector.shape_cast %swap3A_65 : vector<1x16xf32> to vector<16xf32>
      %swap3A_67 = vector.shape_cast %broadcast_in_dim3A_62 : vector<16xf32> to vector<1x16xf32>
      tpu.vector_store %arg5[%swap3A_63, %swap3A_64], %swap3A_67 {strides = array<i32>} : memref<128x128xf32, #tpu.memory_space<vmem>>, vector<1x16xf32>,
      %broadcast_in_dim3A_68 = arith.constant 0.000000e+00 : f32
      %broadcast_in_dim3A_69 = vector.broadcast %broadcast_in_dim3A_68 : f32 to vector<16xf32>
      %swap3A_70 = arith.index_cast %scan3A_55 : i32 to index
      %swap3A_71 = arith.constant 32 : index
      %swap3A_72 = tpu.vector_load %arg5[%swap3A_70, %swap3A_71] {strides = array<i32>} : memref<128x128xf32, #tpu.memory_space<vmem>>, vector<1x16xf32>,
      %swap3A_73 = vector.shape_cast %swap3A_72 : vector<1x16xf32> to vector<16xf32>
      %swap3A_74 = vector.shape_cast %broadcast_in_dim3A_69 : vector<16xf32> to vector<1x16xf32>
      tpu.vector_store %arg5[%swap3A_70, %swap3A_71], %swap3A_74 {strides = array<i32>} : memref<128x128xf32, #tpu.memory_space<vmem>>, vector<1x16xf32>,
      %broadcast_in_dim3A_75 = arith.constant 0.000000e+00 : f32
      %broadcast_in_dim3A_76 = vector.broadcast %broadcast_in_dim3A_75 : f32 to vector<16xf32>
      %swap3A_77 = arith.index_cast %scan3A_55 : i32 to index
      %swap3A_78 = arith.constant 48 : index
      %swap3A_79 = tpu.vector_load %arg5[%swap3A_77, %swap3A_78] {strides = array<i32>} : memref<128x128xf32, #tpu.memory_space<vmem>>, vector<1x16xf32>,
      %swap3A_80 = vector.shape_cast %swap3A_79 : vector<1x16xf32> to vector<16xf32>
      %swap3A_81 = vector.shape_cast %broadcast_in_dim3A_76 : vector<16xf32> to vector<1x16xf32>
      tpu.vector_store %arg5[%swap3A_77, %swap3A_78], %swap3A_81 {strides = array<i32>} : memref<128x128xf32, #tpu.memory_space<vmem>>, vector<1x16xf32>,
      %broadcast_in_dim3A_82 = arith.constant 0.000000e+00 : f32
      %broadcast_in_dim3A_83 = vector.broadcast %broadcast_in_dim3A_82 : f32 to vector<16xf32>
      %swap3A_84 = arith.index_cast %scan3A_55 : i32 to index
      %swap3A_85 = arith.constant 64 : index
      %swap3A_86 = tpu.vector_load %arg5[%swap3A_84, %swap3A_85] {strides = array<i32>} : memref<128x128xf32, #tpu.memory_space<vmem>>, vector<1x16xf32>,
      %swap3A_87 = vector.shape_cast %swap3A_86 : vector<1x16xf32> to vector<16xf32>
      %swap3A_88 = vector.shape_cast %broadcast_in_dim3A_83 : vector<16xf32> to vector<1x16xf32>
      tpu.vector_store %arg5[%swap3A_84, %swap3A_85], %swap3A_88 {strides = array<i32>} : memref<128x128xf32, #tpu.memory_space<vmem>>, vector<1x16xf32>,
      %broadcast_in_dim3A_89 = arith.constant 0.000000e+00 : f32
      %broadcast_in_dim3A_90 = vector.broadcast %broadcast_in_dim3A_89 : f32 to vector<16xf32>
      %swap3A_91 = arith.index_cast %scan3A_55 : i32 to index
      %swap3A_92 = arith.constant 80 : index
      %swap3A_93 = tpu.vector_load %arg5[%swap3A_91, %swap3A_92] {strides = array<i32>} : memref<128x128xf32, #tpu.memory_space<vmem>>, vector<1x16xf32>,
      %swap3A_94 = vector.shape_cast %swap3A_93 : vector<1x16xf32> to vector<16xf32>
      %swap3A_95 = vector.shape_cast %broadcast_in_dim3A_90 : vector<16xf32> to vector<1x16xf32>
      tpu.vector_store %arg5[%swap3A_91, %swap3A_92], %swap3A_95 {strides = array<i32>} : memref<128x128xf32, #tpu.memory_space<vmem>>, vector<1x16xf32>,
      %broadcast_in_dim3A_96 = arith.constant 0.000000e+00 : f32
      %broadcast_in_dim3A_97 = vector.broadcast %broadcast_in_dim3A_96 : f32 to vector<16xf32>
      %swap3A_98 = arith.index_cast %scan3A_55 : i32 to index
      %swap3A_99 = arith.constant 96 : index
      %swap3A_100 = tpu.vector_load %arg5[%swap3A_98, %swap3A_99] {strides = array<i32>} : memref<128x128xf32, #tpu.memory_space<vmem>>, vector<1x16xf32>,
      %swap3A_101 = vector.shape_cast %swap3A_100 : vector<1x16xf32> to vector<16xf32>
      %swap3A_102 = vector.shape_cast %broadcast_in_dim3A_97 : vector<16xf32> to vector<1x16xf32>
      tpu.vector_store %arg5[%swap3A_98, %swap3A_99], %swap3A_102 {strides = array<i32>} : memref<128x128xf32, #tpu.memory_space<vmem>>, vector<1x16xf32>,
      %broadcast_in_dim3A_103 = arith.constant 0.000000e+00 : f32
      %broadcast_in_dim3A_104 = vector.broadcast %broadcast_in_dim3A_103 : f32 to vector<16xf32>
      %swap3A_105 = arith.index_cast %scan3A_55 : i32 to index
      %swap3A_106 = arith.constant 112 : index
      %swap3A_107 = tpu.vector_load %arg5[%swap3A_105, %swap3A_106] {strides = array<i32>} : memref<128x128xf32, #tpu.memory_space<vmem>>, vector<1x16xf32>,
      %swap3A_108 = vector.shape_cast %swap3A_107 : vector<1x16xf32> to vector<16xf32>
      %swap3A_109 = vector.shape_cast %broadcast_in_dim3A_104 : vector<16xf32> to vector<1x16xf32>
      tpu.vector_store %arg5[%swap3A_105, %swap3A_106], %swap3A_109 {strides = array<i32>} : memref<128x128xf32, #tpu.memory_space<vmem>>, vector<1x16xf32>,
    }
    %scan3A_5 = arith.constant 128 : i32
    %mul3A_6 = arith.constant 320 : i32
    %mul3A_7 = arith.muli %arg1, %mul3A_6 : i32
    %add3A_8 = arith.constant 0 : i32
    %add3A_9 = arith.addi %mul3A_7, %add3A_8 : i32
    "tpu.region"() ({
      %run_scoped3A = tpu.sem_alloc : memref<!tpu.dma_semaphore, #tpu.memory_space<semaphore_mem>>
      %dma_start3A = arith.constant 0 : i32
      %dma_start3A_55 = arith.constant 0 : i32
      %dma_start3A_56 = tpu.memref_slice %arg5[%dma_start3A, %dma_start3A_55] : memref<128x128xf32, #tpu.memory_space<vmem>> -> memref<128x128xf32, #tpu.memory_space<vmem>>
      %dma_start3A_57 = arith.constant 0 : i32
      %dma_start3A_58 = tpu.memref_slice %arg6[%add3A_9, %dma_start3A_57] : memref<5120x128xf32, #tpu.memory_space<vmem_shared>> -> memref<128x128xf32, #tpu.memory_space<vmem_shared>>
      %dma_start3A_59 = arith.constant 0 : i32
      %dma_start3A_60 = tpu.memref_slice %arg6[%add3A_9, %dma_start3A_59] : memref<5120x128xf32, #tpu.memory_space<vmem_shared>> -> memref<128x128xf32, #tpu.memory_space<vmem_shared>>
      %dma_start3A_61 = arith.constant 0 : i32
      %dma_start3A_62 = arith.constant 0 : i32
      %dma_start3A_63 = tpu.memref_slice %arg5[%dma_start3A_61, %dma_start3A_62] : memref<128x128xf32, #tpu.memory_space<vmem>> -> memref<128x128xf32, #tpu.memory_space<vmem>>
      tpu.enqueue_dma source(%dma_start3A_63 : memref<128x128xf32, #tpu.memory_space<vmem>>) target(%dma_start3A_60 : memref<128x128xf32, #tpu.memory_space<vmem_shared>>) target_semaphore(%run_scoped3A : memref<!tpu.dma_semaphore, #tpu.memory_space<semaphore_mem>>)
      %dma_wait3A = arith.constant 0 : i32
      %dma_wait3A_64 = arith.constant 0 : i32
      %dma_wait3A_65 = tpu.memref_slice %arg5[%dma_wait3A, %dma_wait3A_64] : memref<128x128xf32, #tpu.memory_space<vmem>> -> memref<128x128xf32, #tpu.memory_space<vmem>>
      %dma_wait3A_66 = arith.constant 0 : i32
      %dma_wait3A_67 = tpu.memref_slice %arg6[%add3A_9, %dma_wait3A_66] : memref<5120x128xf32, #tpu.memory_space<vmem_shared>> -> memref<128x128xf32, #tpu.memory_space<vmem_shared>>
      %dma_wait3A_68 = arith.constant 0 : i32
      %dma_wait3A_69 = tpu.memref_slice %arg6[%add3A_9, %dma_wait3A_68] : memref<5120x128xf32, #tpu.memory_space<vmem_shared>> -> memref<128x128xf32, #tpu.memory_space<vmem_shared>>
      %dma_wait3A_70 = arith.constant 0 : i32
      %dma_wait3A_71 = arith.constant 0 : i32
      %dma_wait3A_72 = tpu.memref_slice %arg5[%dma_wait3A_70, %dma_wait3A_71] : memref<128x128xf32, #tpu.memory_space<vmem>> -> memref<128x128xf32, #tpu.memory_space<vmem>>
      tpu.wait_dma2 semaphore(%run_scoped3A : memref<!tpu.dma_semaphore, #tpu.memory_space<semaphore_mem>>) src(%dma_wait3A_72 : memref<128x128xf32, #tpu.memory_space<vmem>>) dst(%dma_wait3A_69 : memref<128x128xf32, #tpu.memory_space<vmem_shared>>)
      tpu.yield
    }) : () -> ()
    %mul3A_10 = arith.constant 320 : i32
    %mul3A_11 = arith.muli %arg1, %mul3A_10 : i32
    %add3A_12 = arith.constant 128 : i32
    %add3A_13 = arith.addi %mul3A_11, %add3A_12 : i32
    "tpu.region"() ({
      %run_scoped3A = tpu.sem_alloc : memref<!tpu.dma_semaphore, #tpu.memory_space<semaphore_mem>>
      %dma_start3A = arith.constant 0 : i32
      %dma_start3A_55 = arith.constant 0 : i32
      %dma_start3A_56 = tpu.memref_slice %arg5[%dma_start3A, %dma_start3A_55] : memref<128x128xf32, #tpu.memory_space<vmem>> -> memref<128x128xf32, #tpu.memory_space<vmem>>
      %dma_start3A_57 = arith.constant 0 : i32
      %dma_start3A_58 = tpu.memref_slice %arg6[%add3A_13, %dma_start3A_57] : memref<5120x128xf32, #tpu.memory_space<vmem_shared>> -> memref<128x128xf32, #tpu.memory_space<vmem_shared>>
      %dma_start3A_59 = arith.constant 0 : i32
      %dma_start3A_60 = tpu.memref_slice %arg6[%add3A_13, %dma_start3A_59] : memref<5120x128xf32, #tpu.memory_space<vmem_shared>> -> memref<128x128xf32, #tpu.memory_space<vmem_shared>>
      %dma_start3A_61 = arith.constant 0 : i32
      %dma_start3A_62 = arith.constant 0 : i32
      %dma_start3A_63 = tpu.memref_slice %arg5[%dma_start3A_61, %dma_start3A_62] : memref<128x128xf32, #tpu.memory_space<vmem>> -> memref<128x128xf32, #tpu.memory_space<vmem>>
      tpu.enqueue_dma source(%dma_start3A_63 : memref<128x128xf32, #tpu.memory_space<vmem>>) target(%dma_start3A_60 : memref<128x128xf32, #tpu.memory_space<vmem_shared>>) target_semaphore(%run_scoped3A : memref<!tpu.dma_semaphore, #tpu.memory_space<semaphore_mem>>)
      %dma_wait3A = arith.constant 0 : i32
      %dma_wait3A_64 = arith.constant 0 : i32
      %dma_wait3A_65 = tpu.memref_slice %arg5[%dma_wait3A, %dma_wait3A_64] : memref<128x128xf32, #tpu.memory_space<vmem>> -> memref<128x128xf32, #tpu.memory_space<vmem>>
      %dma_wait3A_66 = arith.constant 0 : i32
      %dma_wait3A_67 = tpu.memref_slice %arg6[%add3A_13, %dma_wait3A_66] : memref<5120x128xf32, #tpu.memory_space<vmem_shared>> -> memref<128x128xf32, #tpu.memory_space<vmem_shared>>
      %dma_wait3A_68 = arith.constant 0 : i32
      %dma_wait3A_69 = tpu.memref_slice %arg6[%add3A_13, %dma_wait3A_68] : memref<5120x128xf32, #tpu.memory_space<vmem_shared>> -> memref<128x128xf32, #tpu.memory_space<vmem_shared>>
      %dma_wait3A_70 = arith.constant 0 : i32
      %dma_wait3A_71 = arith.constant 0 : i32
      %dma_wait3A_72 = tpu.memref_slice %arg5[%dma_wait3A_70, %dma_wait3A_71] : memref<128x128xf32, #tpu.memory_space<vmem>> -> memref<128x128xf32, #tpu.memory_space<vmem>>
      tpu.wait_dma2 semaphore(%run_scoped3A : memref<!tpu.dma_semaphore, #tpu.memory_space<semaphore_mem>>) src(%dma_wait3A_72 : memref<128x128xf32, #tpu.memory_space<vmem>>) dst(%dma_wait3A_69 : memref<128x128xf32, #tpu.memory_space<vmem_shared>>)
      tpu.yield
    }) : () -> ()
    %mul3A_14 = arith.constant 320 : i32
    %mul3A_15 = arith.muli %arg1, %mul3A_14 : i32
    %add3A_16 = arith.constant 256 : i32
    %add3A_17 = arith.addi %mul3A_15, %add3A_16 : i32
    "tpu.region"() ({
      %run_scoped3A = tpu.sem_alloc : memref<!tpu.dma_semaphore, #tpu.memory_space<semaphore_mem>>
      %dma_start3A = arith.constant 0 : i32
      %dma_start3A_55 = arith.constant 0 : i32
      %dma_start3A_56 = tpu.memref_slice %arg5[%dma_start3A, %dma_start3A_55] : memref<128x128xf32, #tpu.memory_space<vmem>> -> memref<64x128xf32, #tpu.memory_space<vmem>>
      %dma_start3A_57 = arith.constant 0 : i32
      %dma_start3A_58 = tpu.memref_slice %arg6[%add3A_17, %dma_start3A_57] : memref<5120x128xf32, #tpu.memory_space<vmem_shared>> -> memref<64x128xf32, #tpu.memory_space<vmem_shared>>
      %dma_start3A_59 = arith.constant 0 : i32
      %dma_start3A_60 = tpu.memref_slice %arg6[%add3A_17, %dma_start3A_59] : memref<5120x128xf32, #tpu.memory_space<vmem_shared>> -> memref<64x128xf32, #tpu.memory_space<vmem_shared>>
      %dma_start3A_61 = arith.constant 0 : i32
      %dma_start3A_62 = arith.constant 0 : i32
      %dma_start3A_63 = tpu.memref_slice %arg5[%dma_start3A_61, %dma_start3A_62] : memref<128x128xf32, #tpu.memory_space<vmem>> -> memref<64x128xf32, #tpu.memory_space<vmem>>
      tpu.enqueue_dma source(%dma_start3A_63 : memref<64x128xf32, #tpu.memory_space<vmem>>) target(%dma_start3A_60 : memref<64x128xf32, #tpu.memory_space<vmem_shared>>) target_semaphore(%run_scoped3A : memref<!tpu.dma_semaphore, #tpu.memory_space<semaphore_mem>>)
      %dma_wait3A = arith.constant 0 : i32
      %dma_wait3A_64 = arith.constant 0 : i32
      %dma_wait3A_65 = tpu.memref_slice %arg5[%dma_wait3A, %dma_wait3A_64] : memref<128x128xf32, #tpu.memory_space<vmem>> -> memref<64x128xf32, #tpu.memory_space<vmem>>
      %dma_wait3A_66 = arith.constant 0 : i32
      %dma_wait3A_67 = tpu.memref_slice %arg6[%add3A_17, %dma_wait3A_66] : memref<5120x128xf32, #tpu.memory_space<vmem_shared>> -> memref<64x128xf32, #tpu.memory_space<vmem_shared>>
      %dma_wait3A_68 = arith.constant 0 : i32
      %dma_wait3A_69 = tpu.memref_slice %arg6[%add3A_17, %dma_wait3A_68] : memref<5120x128xf32, #tpu.memory_space<vmem_shared>> -> memref<64x128xf32, #tpu.memory_space<vmem_shared>>
      %dma_wait3A_70 = arith.constant 0 : i32
      %dma_wait3A_71 = arith.constant 0 : i32
      %dma_wait3A_72 = tpu.memref_slice %arg5[%dma_wait3A_70, %dma_wait3A_71] : memref<128x128xf32, #tpu.memory_space<vmem>> -> memref<64x128xf32, #tpu.memory_space<vmem>>
      tpu.wait_dma2 semaphore(%run_scoped3A : memref<!tpu.dma_semaphore, #tpu.memory_space<semaphore_mem>>) src(%dma_wait3A_72 : memref<64x128xf32, #tpu.memory_space<vmem>>) dst(%dma_wait3A_69 : memref<64x128xf32, #tpu.memory_space<vmem_shared>>)
      tpu.yield
    }) : () -> ()
    %scan3A_18 = arith.constant 0 : i32
    %scan3A_19 = arith.constant 0 : i32
    %scan3A_20 = arith.constant 128 : i32
    %scan3A_21 = arith.addi %scan3A_19, %scan3A_20 : i32
    %scan3A_22 = arith.constant 1 : i32
    scf.for %scan3A_55 = %scan3A_19 to %scan3A_21 step %scan3A_22  : i32 {
      %broadcast_in_dim3A = arith.constant 1.000000e+00 : f32
      %broadcast_in_dim3A_56 = vector.broadcast %broadcast_in_dim3A : f32 to vector<16xf32>
      %swap3A = arith.index_cast %scan3A_55 : i32 to index
      %swap3A_57 = arith.constant 0 : index
      %swap3A_58 = tpu.vector_load %arg5[%swap3A, %swap3A_57] {strides = array<i32>} : memref<128x128xf32, #tpu.memory_space<vmem>>, vector<1x16xf32>,
      %swap3A_59 = vector.shape_cast %swap3A_58 : vector<1x16xf32> to vector<16xf32>
      %swap3A_60 = vector.shape_cast %broadcast_in_dim3A_56 : vector<16xf32> to vector<1x16xf32>
      tpu.vector_store %arg5[%swap3A, %swap3A_57], %swap3A_60 {strides = array<i32>} : memref<128x128xf32, #tpu.memory_space<vmem>>, vector<1x16xf32>,
      %broadcast_in_dim3A_61 = arith.constant 1.000000e+00 : f32
      %broadcast_in_dim3A_62 = vector.broadcast %broadcast_in_dim3A_61 : f32 to vector<16xf32>
      %swap3A_63 = arith.index_cast %scan3A_55 : i32 to index
      %swap3A_64 = arith.constant 16 : index
      %swap3A_65 = tpu.vector_load %arg5[%swap3A_63, %swap3A_64] {strides = array<i32>} : memref<128x128xf32, #tpu.memory_space<vmem>>, vector<1x16xf32>,
      %swap3A_66 = vector.shape_cast %swap3A_65 : vector<1x16xf32> to vector<16xf32>
      %swap3A_67 = vector.shape_cast %broadcast_in_dim3A_62 : vector<16xf32> to vector<1x16xf32>
      tpu.vector_store %arg5[%swap3A_63, %swap3A_64], %swap3A_67 {strides = array<i32>} : memref<128x128xf32, #tpu.memory_space<vmem>>, vector<1x16xf32>,
      %broadcast_in_dim3A_68 = arith.constant 1.000000e+00 : f32
      %broadcast_in_dim3A_69 = vector.broadcast %broadcast_in_dim3A_68 : f32 to vector<16xf32>
      %swap3A_70 = arith.index_cast %scan3A_55 : i32 to index
      %swap3A_71 = arith.constant 32 : index
      %swap3A_72 = tpu.vector_load %arg5[%swap3A_70, %swap3A_71] {strides = array<i32>} : memref<128x128xf32, #tpu.memory_space<vmem>>, vector<1x16xf32>,
      %swap3A_73 = vector.shape_cast %swap3A_72 : vector<1x16xf32> to vector<16xf32>
      %swap3A_74 = vector.shape_cast %broadcast_in_dim3A_69 : vector<16xf32> to vector<1x16xf32>
      tpu.vector_store %arg5[%swap3A_70, %swap3A_71], %swap3A_74 {strides = array<i32>} : memref<128x128xf32, #tpu.memory_space<vmem>>, vector<1x16xf32>,
      %broadcast_in_dim3A_75 = arith.constant 1.000000e+00 : f32
      %broadcast_in_dim3A_76 = vector.broadcast %broadcast_in_dim3A_75 : f32 to vector<16xf32>
      %swap3A_77 = arith.index_cast %scan3A_55 : i32 to index
      %swap3A_78 = arith.constant 48 : index
      %swap3A_79 = tpu.vector_load %arg5[%swap3A_77, %swap3A_78] {strides = array<i32>} : memref<128x128xf32, #tpu.memory_space<vmem>>, vector<1x16xf32>,
      %swap3A_80 = vector.shape_cast %swap3A_79 : vector<1x16xf32> to vector<16xf32>
      %swap3A_81 = vector.shape_cast %broadcast_in_dim3A_76 : vector<16xf32> to vector<1x16xf32>
      tpu.vector_store %arg5[%swap3A_77, %swap3A_78], %swap3A_81 {strides = array<i32>} : memref<128x128xf32, #tpu.memory_space<vmem>>, vector<1x16xf32>,
      %broadcast_in_dim3A_82 = arith.constant 1.000000e+00 : f32
      %broadcast_in_dim3A_83 = vector.broadcast %broadcast_in_dim3A_82 : f32 to vector<16xf32>
      %swap3A_84 = arith.index_cast %scan3A_55 : i32 to index
      %swap3A_85 = arith.constant 64 : index
      %swap3A_86 = tpu.vector_load %arg5[%swap3A_84, %swap3A_85] {strides = array<i32>} : memref<128x128xf32, #tpu.memory_space<vmem>>, vector<1x16xf32>,
      %swap3A_87 = vector.shape_cast %swap3A_86 : vector<1x16xf32> to vector<16xf32>
      %swap3A_88 = vector.shape_cast %broadcast_in_dim3A_83 : vector<16xf32> to vector<1x16xf32>
      tpu.vector_store %arg5[%swap3A_84, %swap3A_85], %swap3A_88 {strides = array<i32>} : memref<128x128xf32, #tpu.memory_space<vmem>>, vector<1x16xf32>,
      %broadcast_in_dim3A_89 = arith.constant 1.000000e+00 : f32
      %broadcast_in_dim3A_90 = vector.broadcast %broadcast_in_dim3A_89 : f32 to vector<16xf32>
      %swap3A_91 = arith.index_cast %scan3A_55 : i32 to index
      %swap3A_92 = arith.constant 80 : index
      %swap3A_93 = tpu.vector_load %arg5[%swap3A_91, %swap3A_92] {strides = array<i32>} : memref<128x128xf32, #tpu.memory_space<vmem>>, vector<1x16xf32>,
      %swap3A_94 = vector.shape_cast %swap3A_93 : vector<1x16xf32> to vector<16xf32>
      %swap3A_95 = vector.shape_cast %broadcast_in_dim3A_90 : vector<16xf32> to vector<1x16xf32>
      tpu.vector_store %arg5[%swap3A_91, %swap3A_92], %swap3A_95 {strides = array<i32>} : memref<128x128xf32, #tpu.memory_space<vmem>>, vector<1x16xf32>,
      %broadcast_in_dim3A_96 = arith.constant 1.000000e+00 : f32
      %broadcast_in_dim3A_97 = vector.broadcast %broadcast_in_dim3A_96 : f32 to vector<16xf32>
      %swap3A_98 = arith.index_cast %scan3A_55 : i32 to index
      %swap3A_99 = arith.constant 96 : index
      %swap3A_100 = tpu.vector_load %arg5[%swap3A_98, %swap3A_99] {strides = array<i32>} : memref<128x128xf32, #tpu.memory_space<vmem>>, vector<1x16xf32>,
      %swap3A_101 = vector.shape_cast %swap3A_100 : vector<1x16xf32> to vector<16xf32>
      %swap3A_102 = vector.shape_cast %broadcast_in_dim3A_97 : vector<16xf32> to vector<1x16xf32>
      tpu.vector_store %arg5[%swap3A_98, %swap3A_99], %swap3A_102 {strides = array<i32>} : memref<128x128xf32, #tpu.memory_space<vmem>>, vector<1x16xf32>,
      %broadcast_in_dim3A_103 = arith.constant 1.000000e+00 : f32
      %broadcast_in_dim3A_104 = vector.broadcast %broadcast_in_dim3A_103 : f32 to vector<16xf32>
      %swap3A_105 = arith.index_cast %scan3A_55 : i32 to index
      %swap3A_106 = arith.constant 112 : index
      %swap3A_107 = tpu.vector_load %arg5[%swap3A_105, %swap3A_106] {strides = array<i32>} : memref<128x128xf32, #tpu.memory_space<vmem>>, vector<1x16xf32>,
      %swap3A_108 = vector.shape_cast %swap3A_107 : vector<1x16xf32> to vector<16xf32>
      %swap3A_109 = vector.shape_cast %broadcast_in_dim3A_104 : vector<16xf32> to vector<1x16xf32>
      tpu.vector_store %arg5[%swap3A_105, %swap3A_106], %swap3A_109 {strides = array<i32>} : memref<128x128xf32, #tpu.memory_space<vmem>>, vector<1x16xf32>,
    }
    %scan3A_23 = arith.constant 128 : i32
    "tpu.region"() ({
      %run_scoped3A = tpu.sem_alloc : memref<!tpu.dma_semaphore, #tpu.memory_space<semaphore_mem>>
      %dma_start3A = arith.constant 0 : i32
      %dma_start3A_55 = arith.constant 0 : i32
      %dma_start3A_56 = tpu.memref_slice %arg2[%add3A, %dma_start3A, %dma_start3A_55] : memref<32x79x128xi32, #tpu.memory_space<hbm>> -> memref<1x79x128xi32, #tpu.memory_space<hbm>>
      %dma_start3A_57 = tpu.memref_squeeze %dma_start3A_56 : memref<1x79x128xi32, #tpu.memory_space<hbm>> -> memref<79x128xi32, #tpu.memory_space<hbm>>
      %dma_start3A_58 = arith.constant 0 : i32
      %dma_start3A_59 = arith.constant 0 : i32
      %dma_start3A_60 = tpu.memref_slice %arg2[%add3A, %dma_start3A_58, %dma_start3A_59] : memref<32x79x128xi32, #tpu.memory_space<hbm>> -> memref<1x79x128xi32, #tpu.memory_space<hbm>>
      %dma_start3A_61 = tpu.memref_squeeze %dma_start3A_60 : memref<1x79x128xi32, #tpu.memory_space<hbm>> -> memref<79x128xi32, #tpu.memory_space<hbm>>
      tpu.enqueue_dma source(%dma_start3A_61 : memref<79x128xi32, #tpu.memory_space<hbm>>) target(%arg4 : memref<79x128xi32, #tpu.memory_space<vmem>>) target_semaphore(%run_scoped3A : memref<!tpu.dma_semaphore, #tpu.memory_space<semaphore_mem>>)
      %dma_wait3A = arith.constant 0 : i32
      %dma_wait3A_62 = arith.constant 0 : i32
      %dma_wait3A_63 = tpu.memref_slice %arg2[%add3A, %dma_wait3A, %dma_wait3A_62] : memref<32x79x128xi32, #tpu.memory_space<hbm>> -> memref<1x79x128xi32, #tpu.memory_space<hbm>>
      %dma_wait3A_64 = tpu.memref_squeeze %dma_wait3A_63 : memref<1x79x128xi32, #tpu.memory_space<hbm>> -> memref<79x128xi32, #tpu.memory_space<hbm>>
      %dma_wait3A_65 = arith.constant 0 : i32
      %dma_wait3A_66 = arith.constant 0 : i32
      %dma_wait3A_67 = tpu.memref_slice %arg2[%add3A, %dma_wait3A_65, %dma_wait3A_66] : memref<32x79x128xi32, #tpu.memory_space<hbm>> -> memref<1x79x128xi32, #tpu.memory_space<hbm>>
      %dma_wait3A_68 = tpu.memref_squeeze %dma_wait3A_67 : memref<1x79x128xi32, #tpu.memory_space<hbm>> -> memref<79x128xi32, #tpu.memory_space<hbm>>
      tpu.wait_dma2 semaphore(%run_scoped3A : memref<!tpu.dma_semaphore, #tpu.memory_space<semaphore_mem>>) src(%dma_wait3A_68 : memref<79x128xi32, #tpu.memory_space<hbm>>) dst(%arg4 : memref<79x128xi32, #tpu.memory_space<vmem>>)
      tpu.yield
    }) : () -> ()
    %barrier3A = arith.constant 0 : index
    tpu.barrier barrier_id(%barrier3A)
    %scan3A_24 = arith.constant 0 : i32
    %scan3A_25 = arith.constant 0 : i32
    %scan3A_26 = arith.constant 79 : i32
    %scan3A_27 = arith.addi %scan3A_25, %scan3A_26 : i32
    %scan3A_28 = arith.constant 1 : i32
    scf.for %scan3A_55 = %scan3A_25 to %scan3A_27 step %scan3A_28  : i32 {
      "tpu.region"() ({
        %run_scoped3A = tpu.sem_alloc : memref<!tpu.dma_semaphore, #tpu.memory_space<semaphore_mem>>
        %dma_start3A = arith.constant 0 : i32
        %dma_start3A_56 = tpu.memref_slice %arg4[%scan3A_55, %dma_start3A] : memref<79x128xi32, #tpu.memory_space<vmem>> -> memref<1x128xi32, #tpu.memory_space<vmem>>
        %dma_start3A_57 = tpu.memref_squeeze %dma_start3A_56 : memref<1x128xi32, #tpu.memory_space<vmem>> -> memref<128xi32, #tpu.memory_space<vmem>>
        %dma_start3A_58 = arith.constant 0 : i32
        %dma_start3A_59 = arith.constant 0 : i32
        %dma_start3A_60 = tpu.memref_slice %arg6[%dma_start3A_58, %dma_start3A_59] : memref<5120x128xf32, #tpu.memory_space<vmem_shared>> -> memref<5120x128xf32, #tpu.memory_space<vmem_shared>>
        tpu.enqueue_indirect_dma source(%arg5 : memref<128x128xf32, #tpu.memory_space<vmem>>) target(%dma_start3A_60 : memref<5120x128xf32, #tpu.memory_space<vmem_shared>>) offsets(%dma_start3A_57 : memref<128xi32, #tpu.memory_space<vmem>>) semaphore(%run_scoped3A : memref<!tpu.dma_semaphore, #tpu.memory_space<semaphore_mem>>) {add = true}
        %dma_wait3A = arith.constant 0 : i32
        %dma_wait3A_61 = tpu.memref_slice %arg4[%scan3A_55, %dma_wait3A] : memref<79x128xi32, #tpu.memory_space<vmem>> -> memref<1x128xi32, #tpu.memory_space<vmem>>
        %dma_wait3A_62 = tpu.memref_squeeze %dma_wait3A_61 : memref<1x128xi32, #tpu.memory_space<vmem>> -> memref<128xi32, #tpu.memory_space<vmem>>
        %dma_wait3A_63 = arith.constant 0 : i32
        %dma_wait3A_64 = arith.constant 0 : i32
        %dma_wait3A_65 = tpu.memref_slice %arg6[%dma_wait3A_63, %dma_wait3A_64] : memref<5120x128xf32, #tpu.memory_space<vmem_shared>> -> memref<5120x128xf32, #tpu.memory_space<vmem_shared>>
        tpu.wait_indirect_dma semaphore(%run_scoped3A : memref<!tpu.dma_semaphore, #tpu.memory_space<semaphore_mem>>) src(%arg5 : memref<128x128xf32, #tpu.memory_space<vmem>>) dst(%dma_wait3A_65 : memref<5120x128xf32, #tpu.memory_space<vmem_shared>>)
        tpu.yield
      }) : () -> ()
    }
    %scan3A_29 = arith.constant 79 : i32
    %barrier3A_30 = arith.constant 0 : index
    tpu.barrier barrier_id(%barrier3A_30)
    %mul3A_31 = arith.constant 320 : i32
    %mul3A_32 = arith.muli %arg1, %mul3A_31 : i32
    %add3A_33 = arith.constant 0 : i32
    %add3A_34 = arith.addi %mul3A_32, %add3A_33 : i32
    "tpu.region"() ({
      %run_scoped3A = tpu.sem_alloc : memref<!tpu.dma_semaphore, #tpu.memory_space<semaphore_mem>>
      %dma_start3A = arith.constant 0 : i32
      %dma_start3A_55 = arith.constant 0 : i32
      %dma_start3A_56 = tpu.memref_slice %arg5[%dma_start3A, %dma_start3A_55] : memref<128x128xf32, #tpu.memory_space<vmem>> -> memref<128x128xf32, #tpu.memory_space<vmem>>
      %dma_start3A_57 = arith.constant 0 : i32
      %dma_start3A_58 = tpu.memref_slice %arg6[%add3A_34, %dma_start3A_57] : memref<5120x128xf32, #tpu.memory_space<vmem_shared>> -> memref<128x128xf32, #tpu.memory_space<vmem_shared>>
      %dma_start3A_59 = arith.constant 0 : i32
      %dma_start3A_60 = arith.constant 0 : i32
      %dma_start3A_61 = tpu.memref_slice %arg5[%dma_start3A_59, %dma_start3A_60] : memref<128x128xf32, #tpu.memory_space<vmem>> -> memref<128x128xf32, #tpu.memory_space<vmem>>
      %dma_start3A_62 = arith.constant 0 : i32
      %dma_start3A_63 = tpu.memref_slice %arg6[%add3A_34, %dma_start3A_62] : memref<5120x128xf32, #tpu.memory_space<vmem_shared>> -> memref<128x128xf32, #tpu.memory_space<vmem_shared>>
      tpu.enqueue_dma source(%dma_start3A_63 : memref<128x128xf32, #tpu.memory_space<vmem_shared>>) target(%dma_start3A_61 : memref<128x128xf32, #tpu.memory_space<vmem>>) target_semaphore(%run_scoped3A : memref<!tpu.dma_semaphore, #tpu.memory_space<semaphore_mem>>)
      %dma_wait3A = arith.constant 0 : i32
      %dma_wait3A_64 = arith.constant 0 : i32
      %dma_wait3A_65 = tpu.memref_slice %arg5[%dma_wait3A, %dma_wait3A_64] : memref<128x128xf32, #tpu.memory_space<vmem>> -> memref<128x128xf32, #tpu.memory_space<vmem>>
      %dma_wait3A_66 = arith.constant 0 : i32
      %dma_wait3A_67 = tpu.memref_slice %arg6[%add3A_34, %dma_wait3A_66] : memref<5120x128xf32, #tpu.memory_space<vmem_shared>> -> memref<128x128xf32, #tpu.memory_space<vmem_shared>>
      %dma_wait3A_68 = arith.constant 0 : i32
      %dma_wait3A_69 = arith.constant 0 : i32
      %dma_wait3A_70 = tpu.memref_slice %arg5[%dma_wait3A_68, %dma_wait3A_69] : memref<128x128xf32, #tpu.memory_space<vmem>> -> memref<128x128xf32, #tpu.memory_space<vmem>>
      %dma_wait3A_71 = arith.constant 0 : i32
      %dma_wait3A_72 = tpu.memref_slice %arg6[%add3A_34, %dma_wait3A_71] : memref<5120x128xf32, #tpu.memory_space<vmem_shared>> -> memref<128x128xf32, #tpu.memory_space<vmem_shared>>
      tpu.wait_dma2 semaphore(%run_scoped3A : memref<!tpu.dma_semaphore, #tpu.memory_space<semaphore_mem>>) src(%dma_wait3A_72 : memref<128x128xf32, #tpu.memory_space<vmem_shared>>) dst(%dma_wait3A_70 : memref<128x128xf32, #tpu.memory_space<vmem>>)
      tpu.yield
    }) : () -> ()
    %mul3A_35 = arith.constant 320 : i32
    %mul3A_36 = arith.muli %arg1, %mul3A_35 : i32
    %add3A_37 = arith.constant 0 : i32
    %add3A_38 = arith.addi %mul3A_36, %add3A_37 : i32
    "tpu.region"() ({
      %run_scoped3A = tpu.sem_alloc : memref<!tpu.dma_semaphore, #tpu.memory_space<semaphore_mem>>
      %dma_start3A = arith.constant 0 : i32
      %dma_start3A_55 = arith.constant 0 : i32
      %dma_start3A_56 = tpu.memref_slice %arg5[%dma_start3A, %dma_start3A_55] : memref<128x128xf32, #tpu.memory_space<vmem>> -> memref<128x128xf32, #tpu.memory_space<vmem>>
      %dma_start3A_57 = arith.constant 0 : i32
      %dma_start3A_58 = tpu.memref_slice %arg3[%arg0, %add3A_38, %dma_start3A_57] : memref<2x5120x128xf32, #tpu.memory_space<hbm>> -> memref<1x128x128xf32, #tpu.memory_space<hbm>>
      %dma_start3A_59 = tpu.memref_squeeze %dma_start3A_58 : memref<1x128x128xf32, #tpu.memory_space<hbm>> -> memref<128x128xf32, #tpu.memory_space<hbm>>
      %dma_start3A_60 = arith.constant 0 : i32
      %dma_start3A_61 = tpu.memref_slice %arg3[%arg0, %add3A_38, %dma_start3A_60] : memref<2x5120x128xf32, #tpu.memory_space<hbm>> -> memref<1x128x128xf32, #tpu.memory_space<hbm>>
      %dma_start3A_62 = tpu.memref_squeeze %dma_start3A_61 : memref<1x128x128xf32, #tpu.memory_space<hbm>> -> memref<128x128xf32, #tpu.memory_space<hbm>>
      %dma_start3A_63 = arith.constant 0 : i32
      %dma_start3A_64 = arith.constant 0 : i32
      %dma_start3A_65 = tpu.memref_slice %arg5[%dma_start3A_63, %dma_start3A_64] : memref<128x128xf32, #tpu.memory_space<vmem>> -> memref<128x128xf32, #tpu.memory_space<vmem>>
      tpu.enqueue_dma source(%dma_start3A_65 : memref<128x128xf32, #tpu.memory_space<vmem>>) target(%dma_start3A_62 : memref<128x128xf32, #tpu.memory_space<hbm>>) target_semaphore(%run_scoped3A : memref<!tpu.dma_semaphore, #tpu.memory_space<semaphore_mem>>)
      %dma_wait3A = arith.constant 0 : i32
      %dma_wait3A_66 = arith.constant 0 : i32
      %dma_wait3A_67 = tpu.memref_slice %arg5[%dma_wait3A, %dma_wait3A_66] : memref<128x128xf32, #tpu.memory_space<vmem>> -> memref<128x128xf32, #tpu.memory_space<vmem>>
      %dma_wait3A_68 = arith.constant 0 : i32
      %dma_wait3A_69 = tpu.memref_slice %arg3[%arg0, %add3A_38, %dma_wait3A_68] : memref<2x5120x128xf32, #tpu.memory_space<hbm>> -> memref<1x128x128xf32, #tpu.memory_space<hbm>>
      %dma_wait3A_70 = tpu.memref_squeeze %dma_wait3A_69 : memref<1x128x128xf32, #tpu.memory_space<hbm>> -> memref<128x128xf32, #tpu.memory_space<hbm>>
      %dma_wait3A_71 = arith.constant 0 : i32
      %dma_wait3A_72 = tpu.memref_slice %arg3[%arg0, %add3A_38, %dma_wait3A_71] : memref<2x5120x128xf32, #tpu.memory_space<hbm>> -> memref<1x128x128xf32, #tpu.memory_space<hbm>>
      %dma_wait3A_73 = tpu.memref_squeeze %dma_wait3A_72 : memref<1x128x128xf32, #tpu.memory_space<hbm>> -> memref<128x128xf32, #tpu.memory_space<hbm>>
      %dma_wait3A_74 = arith.constant 0 : i32
      %dma_wait3A_75 = arith.constant 0 : i32
      %dma_wait3A_76 = tpu.memref_slice %arg5[%dma_wait3A_74, %dma_wait3A_75] : memref<128x128xf32, #tpu.memory_space<vmem>> -> memref<128x128xf32, #tpu.memory_space<vmem>>
      tpu.wait_dma2 semaphore(%run_scoped3A : memref<!tpu.dma_semaphore, #tpu.memory_space<semaphore_mem>>) src(%dma_wait3A_76 : memref<128x128xf32, #tpu.memory_space<vmem>>) dst(%dma_wait3A_73 : memref<128x128xf32, #tpu.memory_space<hbm>>)
      tpu.yield
    }) : () -> ()
    %mul3A_39 = arith.constant 320 : i32
    %mul3A_40 = arith.muli %arg1, %mul3A_39 : i32
    %add3A_41 = arith.constant 128 : i32
    %add3A_42 = arith.addi %mul3A_40, %add3A_41 : i32
    "tpu.region"() ({
      %run_scoped3A = tpu.sem_alloc : memref<!tpu.dma_semaphore, #tpu.memory_space<semaphore_mem>>
      %dma_start3A = arith.constant 0 : i32
      %dma_start3A_55 = arith.constant 0 : i32
      %dma_start3A_56 = tpu.memref_slice %arg5[%dma_start3A, %dma_start3A_55] : memref<128x128xf32, #tpu.memory_space<vmem>> -> memref<128x128xf32, #tpu.memory_space<vmem>>
      %dma_start3A_57 = arith.constant 0 : i32
      %dma_start3A_58 = tpu.memref_slice %arg6[%add3A_42, %dma_start3A_57] : memref<5120x128xf32, #tpu.memory_space<vmem_shared>> -> memref<128x128xf32, #tpu.memory_space<vmem_shared>>
      %dma_start3A_59 = arith.constant 0 : i32
      %dma_start3A_60 = arith.constant 0 : i32
      %dma_start3A_61 = tpu.memref_slice %arg5[%dma_start3A_59, %dma_start3A_60] : memref<128x128xf32, #tpu.memory_space<vmem>> -> memref<128x128xf32, #tpu.memory_space<vmem>>
      %dma_start3A_62 = arith.constant 0 : i32
      %dma_start3A_63 = tpu.memref_slice %arg6[%add3A_42, %dma_start3A_62] : memref<5120x128xf32, #tpu.memory_space<vmem_shared>> -> memref<128x128xf32, #tpu.memory_space<vmem_shared>>
      tpu.enqueue_dma source(%dma_start3A_63 : memref<128x128xf32, #tpu.memory_space<vmem_shared>>) target(%dma_start3A_61 : memref<128x128xf32, #tpu.memory_space<vmem>>) target_semaphore(%run_scoped3A : memref<!tpu.dma_semaphore, #tpu.memory_space<semaphore_mem>>)
      %dma_wait3A = arith.constant 0 : i32
      %dma_wait3A_64 = arith.constant 0 : i32
      %dma_wait3A_65 = tpu.memref_slice %arg5[%dma_wait3A, %dma_wait3A_64] : memref<128x128xf32, #tpu.memory_space<vmem>> -> memref<128x128xf32, #tpu.memory_space<vmem>>
      %dma_wait3A_66 = arith.constant 0 : i32
      %dma_wait3A_67 = tpu.memref_slice %arg6[%add3A_42, %dma_wait3A_66] : memref<5120x128xf32, #tpu.memory_space<vmem_shared>> -> memref<128x128xf32, #tpu.memory_space<vmem_shared>>
      %dma_wait3A_68 = arith.constant 0 : i32
      %dma_wait3A_69 = arith.constant 0 : i32
      %dma_wait3A_70 = tpu.memref_slice %arg5[%dma_wait3A_68, %dma_wait3A_69] : memref<128x128xf32, #tpu.memory_space<vmem>> -> memref<128x128xf32, #tpu.memory_space<vmem>>
      %dma_wait3A_71 = arith.constant 0 : i32
      %dma_wait3A_72 = tpu.memref_slice %arg6[%add3A_42, %dma_wait3A_71] : memref<5120x128xf32, #tpu.memory_space<vmem_shared>> -> memref<128x128xf32, #tpu.memory_space<vmem_shared>>
      tpu.wait_dma2 semaphore(%run_scoped3A : memref<!tpu.dma_semaphore, #tpu.memory_space<semaphore_mem>>) src(%dma_wait3A_72 : memref<128x128xf32, #tpu.memory_space<vmem_shared>>) dst(%dma_wait3A_70 : memref<128x128xf32, #tpu.memory_space<vmem>>)
      tpu.yield
    }) : () -> ()
    %mul3A_43 = arith.constant 320 : i32
    %mul3A_44 = arith.muli %arg1, %mul3A_43 : i32
    %add3A_45 = arith.constant 128 : i32
    %add3A_46 = arith.addi %mul3A_44, %add3A_45 : i32
    "tpu.region"() ({
      %run_scoped3A = tpu.sem_alloc : memref<!tpu.dma_semaphore, #tpu.memory_space<semaphore_mem>>
      %dma_start3A = arith.constant 0 : i32
      %dma_start3A_55 = arith.constant 0 : i32
      %dma_start3A_56 = tpu.memref_slice %arg5[%dma_start3A, %dma_start3A_55] : memref<128x128xf32, #tpu.memory_space<vmem>> -> memref<128x128xf32, #tpu.memory_space<vmem>>
      %dma_start3A_57 = arith.constant 0 : i32
      %dma_start3A_58 = tpu.memref_slice %arg3[%arg0, %add3A_46, %dma_start3A_57] : memref<2x5120x128xf32, #tpu.memory_space<hbm>> -> memref<1x128x128xf32, #tpu.memory_space<hbm>>
      %dma_start3A_59 = tpu.memref_squeeze %dma_start3A_58 : memref<1x128x128xf32, #tpu.memory_space<hbm>> -> memref<128x128xf32, #tpu.memory_space<hbm>>
      %dma_start3A_60 = arith.constant 0 : i32
      %dma_start3A_61 = tpu.memref_slice %arg3[%arg0, %add3A_46, %dma_start3A_60] : memref<2x5120x128xf32, #tpu.memory_space<hbm>> -> memref<1x128x128xf32, #tpu.memory_space<hbm>>
      %dma_start3A_62 = tpu.memref_squeeze %dma_start3A_61 : memref<1x128x128xf32, #tpu.memory_space<hbm>> -> memref<128x128xf32, #tpu.memory_space<hbm>>
      %dma_start3A_63 = arith.constant 0 : i32
      %dma_start3A_64 = arith.constant 0 : i32
      %dma_start3A_65 = tpu.memref_slice %arg5[%dma_start3A_63, %dma_start3A_64] : memref<128x128xf32, #tpu.memory_space<vmem>> -> memref<128x128xf32, #tpu.memory_space<vmem>>
      tpu.enqueue_dma source(%dma_start3A_65 : memref<128x128xf32, #tpu.memory_space<vmem>>) target(%dma_start3A_62 : memref<128x128xf32, #tpu.memory_space<hbm>>) target_semaphore(%run_scoped3A : memref<!tpu.dma_semaphore, #tpu.memory_space<semaphore_mem>>)
      %dma_wait3A = arith.constant 0 : i32
      %dma_wait3A_66 = arith.constant 0 : i32
      %dma_wait3A_67 = tpu.memref_slice %arg5[%dma_wait3A, %dma_wait3A_66] : memref<128x128xf32, #tpu.memory_space<vmem>> -> memref<128x128xf32, #tpu.memory_space<vmem>>
      %dma_wait3A_68 = arith.constant 0 : i32
      %dma_wait3A_69 = tpu.memref_slice %arg3[%arg0, %add3A_46, %dma_wait3A_68] : memref<2x5120x128xf32, #tpu.memory_space<hbm>> -> memref<1x128x128xf32, #tpu.memory_space<hbm>>
      %dma_wait3A_70 = tpu.memref_squeeze %dma_wait3A_69 : memref<1x128x128xf32, #tpu.memory_space<hbm>> -> memref<128x128xf32, #tpu.memory_space<hbm>>
      %dma_wait3A_71 = arith.constant 0 : i32
      %dma_wait3A_72 = tpu.memref_slice %arg3[%arg0, %add3A_46, %dma_wait3A_71] : memref<2x5120x128xf32, #tpu.memory_space<hbm>> -> memref<1x128x128xf32, #tpu.memory_space<hbm>>
      %dma_wait3A_73 = tpu.memref_squeeze %dma_wait3A_72 : memref<1x128x128xf32, #tpu.memory_space<hbm>> -> memref<128x128xf32, #tpu.memory_space<hbm>>
      %dma_wait3A_74 = arith.constant 0 : i32
      %dma_wait3A_75 = arith.constant 0 : i32
      %dma_wait3A_76 = tpu.memref_slice %arg5[%dma_wait3A_74, %dma_wait3A_75] : memref<128x128xf32, #tpu.memory_space<vmem>> -> memref<128x128xf32, #tpu.memory_space<vmem>>
      tpu.wait_dma2 semaphore(%run_scoped3A : memref<!tpu.dma_semaphore, #tpu.memory_space<semaphore_mem>>) src(%dma_wait3A_76 : memref<128x128xf32, #tpu.memory_space<vmem>>) dst(%dma_wait3A_73 : memref<128x128xf32, #tpu.memory_space<hbm>>)
      tpu.yield
    }) : () -> ()
    %mul3A_47 = arith.constant 320 : i32
    %mul3A_48 = arith.muli %arg1, %mul3A_47 : i32
    %add3A_49 = arith.constant 256 : i32
    %add3A_50 = arith.addi %mul3A_48, %add3A_49 : i32
    "tpu.region"() ({
      %run_scoped3A = tpu.sem_alloc : memref<!tpu.dma_semaphore, #tpu.memory_space<semaphore_mem>>
      %dma_start3A = arith.constant 0 : i32
      %dma_start3A_55 = arith.constant 0 : i32
      %dma_start3A_56 = tpu.memref_slice %arg5[%dma_start3A, %dma_start3A_55] : memref<128x128xf32, #tpu.memory_space<vmem>> -> memref<64x128xf32, #tpu.memory_space<vmem>>
      %dma_start3A_57 = arith.constant 0 : i32
      %dma_start3A_58 = tpu.memref_slice %arg6[%add3A_50, %dma_start3A_57] : memref<5120x128xf32, #tpu.memory_space<vmem_shared>> -> memref<64x128xf32, #tpu.memory_space<vmem_shared>>
      %dma_start3A_59 = arith.constant 0 : i32
      %dma_start3A_60 = arith.constant 0 : i32
      %dma_start3A_61 = tpu.memref_slice %arg5[%dma_start3A_59, %dma_start3A_60] : memref<128x128xf32, #tpu.memory_space<vmem>> -> memref<64x128xf32, #tpu.memory_space<vmem>>
      %dma_start3A_62 = arith.constant 0 : i32
      %dma_start3A_63 = tpu.memref_slice %arg6[%add3A_50, %dma_start3A_62] : memref<5120x128xf32, #tpu.memory_space<vmem_shared>> -> memref<64x128xf32, #tpu.memory_space<vmem_shared>>
      tpu.enqueue_dma source(%dma_start3A_63 : memref<64x128xf32, #tpu.memory_space<vmem_shared>>) target(%dma_start3A_61 : memref<64x128xf32, #tpu.memory_space<vmem>>) target_semaphore(%run_scoped3A : memref<!tpu.dma_semaphore, #tpu.memory_space<semaphore_mem>>)
      %dma_wait3A = arith.constant 0 : i32
      %dma_wait3A_64 = arith.constant 0 : i32
      %dma_wait3A_65 = tpu.memref_slice %arg5[%dma_wait3A, %dma_wait3A_64] : memref<128x128xf32, #tpu.memory_space<vmem>> -> memref<64x128xf32, #tpu.memory_space<vmem>>
      %dma_wait3A_66 = arith.constant 0 : i32
      %dma_wait3A_67 = tpu.memref_slice %arg6[%add3A_50, %dma_wait3A_66] : memref<5120x128xf32, #tpu.memory_space<vmem_shared>> -> memref<64x128xf32, #tpu.memory_space<vmem_shared>>
      %dma_wait3A_68 = arith.constant 0 : i32
      %dma_wait3A_69 = arith.constant 0 : i32
      %dma_wait3A_70 = tpu.memref_slice %arg5[%dma_wait3A_68, %dma_wait3A_69] : memref<128x128xf32, #tpu.memory_space<vmem>> -> memref<64x128xf32, #tpu.memory_space<vmem>>
      %dma_wait3A_71 = arith.constant 0 : i32
      %dma_wait3A_72 = tpu.memref_slice %arg6[%add3A_50, %dma_wait3A_71] : memref<5120x128xf32, #tpu.memory_space<vmem_shared>> -> memref<64x128xf32, #tpu.memory_space<vmem_shared>>
      tpu.wait_dma2 semaphore(%run_scoped3A : memref<!tpu.dma_semaphore, #tpu.memory_space<semaphore_mem>>) src(%dma_wait3A_72 : memref<64x128xf32, #tpu.memory_space<vmem_shared>>) dst(%dma_wait3A_70 : memref<64x128xf32, #tpu.memory_space<vmem>>)
      tpu.yield
    }) : () -> ()
    %mul3A_51 = arith.constant 320 : i32
    %mul3A_52 = arith.muli %arg1, %mul3A_51 : i32
    %add3A_53 = arith.constant 256 : i32
    %add3A_54 = arith.addi %mul3A_52, %add3A_53 : i32
    "tpu.region"() ({
      %run_scoped3A = tpu.sem_alloc : memref<!tpu.dma_semaphore, #tpu.memory_space<semaphore_mem>>
      %dma_start3A = arith.constant 0 : i32
      %dma_start3A_55 = arith.constant 0 : i32
      %dma_start3A_56 = tpu.memref_slice %arg5[%dma_start3A, %dma_start3A_55] : memref<128x128xf32, #tpu.memory_space<vmem>> -> memref<64x128xf32, #tpu.memory_space<vmem>>
      %dma_start3A_57 = arith.constant 0 : i32
      %dma_start3A_58 = tpu.memref_slice %arg3[%arg0, %add3A_54, %dma_start3A_57] : memref<2x5120x128xf32, #tpu.memory_space<hbm>> -> memref<1x64x128xf32, #tpu.memory_space<hbm>>
      %dma_start3A_59 = tpu.memref_squeeze %dma_start3A_58 : memref<1x64x128xf32, #tpu.memory_space<hbm>> -> memref<64x128xf32, #tpu.memory_space<hbm>>
      %dma_start3A_60 = arith.constant 0 : i32
      %dma_start3A_61 = tpu.memref_slice %arg3[%arg0, %add3A_54, %dma_start3A_60] : memref<2x5120x128xf32, #tpu.memory_space<hbm>> -> memref<1x64x128xf32, #tpu.memory_space<hbm>>
      %dma_start3A_62 = tpu.memref_squeeze %dma_start3A_61 : memref<1x64x128xf32, #tpu.memory_space<hbm>> -> memref<64x128xf32, #tpu.memory_space<hbm>>
      %dma_start3A_63 = arith.constant 0 : i32
      %dma_start3A_64 = arith.constant 0 : i32
      %dma_start3A_65 = tpu.memref_slice %arg5[%dma_start3A_63, %dma_start3A_64] : memref<128x128xf32, #tpu.memory_space<vmem>> -> memref<64x128xf32, #tpu.memory_space<vmem>>
      tpu.enqueue_dma source(%dma_start3A_65 : memref<64x128xf32, #tpu.memory_space<vmem>>) target(%dma_start3A_62 : memref<64x128xf32, #tpu.memory_space<hbm>>) target_semaphore(%run_scoped3A : memref<!tpu.dma_semaphore, #tpu.memory_space<semaphore_mem>>)
      %dma_wait3A = arith.constant 0 : i32
      %dma_wait3A_66 = arith.constant 0 : i32
      %dma_wait3A_67 = tpu.memref_slice %arg5[%dma_wait3A, %dma_wait3A_66] : memref<128x128xf32, #tpu.memory_space<vmem>> -> memref<64x128xf32, #tpu.memory_space<vmem>>
      %dma_wait3A_68 = arith.constant 0 : i32
      %dma_wait3A_69 = tpu.memref_slice %arg3[%arg0, %add3A_54, %dma_wait3A_68] : memref<2x5120x128xf32, #tpu.memory_space<hbm>> -> memref<1x64x128xf32, #tpu.memory_space<hbm>>
      %dma_wait3A_70 = tpu.memref_squeeze %dma_wait3A_69 : memref<1x64x128xf32, #tpu.memory_space<hbm>> -> memref<64x128xf32, #tpu.memory_space<hbm>>
      %dma_wait3A_71 = arith.constant 0 : i32
      %dma_wait3A_72 = tpu.memref_slice %arg3[%arg0, %add3A_54, %dma_wait3A_71] : memref<2x5120x128xf32, #tpu.memory_space<hbm>> -> memref<1x64x128xf32, #tpu.memory_space<hbm>>
      %dma_wait3A_73 = tpu.memref_squeeze %dma_wait3A_72 : memref<1x64x128xf32, #tpu.memory_space<hbm>> -> memref<64x128xf32, #tpu.memory_space<hbm>>
      %dma_wait3A_74 = arith.constant 0 : i32
      %dma_wait3A_75 = arith.constant 0 : i32
      %dma_wait3A_76 = tpu.memref_slice %arg5[%dma_wait3A_74, %dma_wait3A_75] : memref<128x128xf32, #tpu.memory_space<vmem>> -> memref<64x128xf32, #tpu.memory_space<vmem>>
      tpu.wait_dma2 semaphore(%run_scoped3A : memref<!tpu.dma_semaphore, #tpu.memory_space<semaphore_mem>>) src(%dma_wait3A_76 : memref<64x128xf32, #tpu.memory_space<vmem>>) dst(%dma_wait3A_73 : memref<64x128xf32, #tpu.memory_space<hbm>>)
      tpu.yield
    }) : () -> ()
    return
  }
}

#map = affine_map<(d0, d1) -> (0, 0)>
#map1 = affine_map<(d0, d1) -> (0, 0, 0)>
module attributes {stable_mosaic.version = 14 : i64} {
  func.func @_sc_phase2(%arg0: i32, %arg1: i32, %arg2: memref<5120x128xf32, #tpu.memory_space<hbm>>, %arg3: memref<32x79x128xi32, #tpu.memory_space<hbm>>, %arg4: memref<32x79x128xi32, #tpu.memory_space<hbm>>, %arg5: memref<2x10240x128xf32, #tpu.memory_space<hbm>>, %arg6: memref<79x128xi32, #tpu.memory_space<vmem>>, %arg7: memref<79x128xi32, #tpu.memory_space<vmem>>, %arg8: memref<128x128xf32, #tpu.memory_space<vmem>>, %arg9: memref<!tpu.dma_semaphore, #tpu.memory_space<semaphore_mem>>, %arg10: memref<10240x128xf32, #tpu.memory_space<vmem_shared>>) attributes {dimension_semantics = [#tpu.dimension_semantics<core_parallel>, #tpu.dimension_semantics<subcore_parallel>], iteration_bounds = array<i64: 2, 16>, scalar_prefetch = 0 : i64, scratch_operands = 5 : i64, tpu.core_type = #tpu.core_type<sc_vector_subcore>, window_params = [{transform_indices = #map}, {transform_indices = #map1}, {transform_indices = #map1}, {transform_indices = #map1}]} {
    %mul3A = arith.constant 16 : i32
    %mul3A_0 = arith.muli %arg0, %mul3A : i32
    %add3A = arith.addi %mul3A_0, %arg1 : i32
    %scan3A = arith.constant 0 : i32
    %scan3A_1 = arith.constant 0 : i32
    %scan3A_2 = arith.constant 128 : i32
    %scan3A_3 = arith.addi %scan3A_1, %scan3A_2 : i32
    %scan3A_4 = arith.constant 1 : i32
    scf.for %scan3A_73 = %scan3A_1 to %scan3A_3 step %scan3A_4  : i32 {
      %broadcast_in_dim3A = arith.constant 0.000000e+00 : f32
      %broadcast_in_dim3A_74 = vector.broadcast %broadcast_in_dim3A : f32 to vector<16xf32>
      %swap3A = arith.index_cast %scan3A_73 : i32 to index
      %swap3A_75 = arith.constant 0 : index
      %swap3A_76 = tpu.vector_load %arg8[%swap3A, %swap3A_75] {strides = array<i32>} : memref<128x128xf32, #tpu.memory_space<vmem>>, vector<1x16xf32>,
      %swap3A_77 = vector.shape_cast %swap3A_76 : vector<1x16xf32> to vector<16xf32>
      %swap3A_78 = vector.shape_cast %broadcast_in_dim3A_74 : vector<16xf32> to vector<1x16xf32>
      tpu.vector_store %arg8[%swap3A, %swap3A_75], %swap3A_78 {strides = array<i32>} : memref<128x128xf32, #tpu.memory_space<vmem>>, vector<1x16xf32>,
      %broadcast_in_dim3A_79 = arith.constant 0.000000e+00 : f32
      %broadcast_in_dim3A_80 = vector.broadcast %broadcast_in_dim3A_79 : f32 to vector<16xf32>
      %swap3A_81 = arith.index_cast %scan3A_73 : i32 to index
      %swap3A_82 = arith.constant 16 : index
      %swap3A_83 = tpu.vector_load %arg8[%swap3A_81, %swap3A_82] {strides = array<i32>} : memref<128x128xf32, #tpu.memory_space<vmem>>, vector<1x16xf32>,
      %swap3A_84 = vector.shape_cast %swap3A_83 : vector<1x16xf32> to vector<16xf32>
      %swap3A_85 = vector.shape_cast %broadcast_in_dim3A_80 : vector<16xf32> to vector<1x16xf32>
      tpu.vector_store %arg8[%swap3A_81, %swap3A_82], %swap3A_85 {strides = array<i32>} : memref<128x128xf32, #tpu.memory_space<vmem>>, vector<1x16xf32>,
      %broadcast_in_dim3A_86 = arith.constant 0.000000e+00 : f32
      %broadcast_in_dim3A_87 = vector.broadcast %broadcast_in_dim3A_86 : f32 to vector<16xf32>
      %swap3A_88 = arith.index_cast %scan3A_73 : i32 to index
      %swap3A_89 = arith.constant 32 : index
      %swap3A_90 = tpu.vector_load %arg8[%swap3A_88, %swap3A_89] {strides = array<i32>} : memref<128x128xf32, #tpu.memory_space<vmem>>, vector<1x16xf32>,
      %swap3A_91 = vector.shape_cast %swap3A_90 : vector<1x16xf32> to vector<16xf32>
      %swap3A_92 = vector.shape_cast %broadcast_in_dim3A_87 : vector<16xf32> to vector<1x16xf32>
      tpu.vector_store %arg8[%swap3A_88, %swap3A_89], %swap3A_92 {strides = array<i32>} : memref<128x128xf32, #tpu.memory_space<vmem>>, vector<1x16xf32>,
      %broadcast_in_dim3A_93 = arith.constant 0.000000e+00 : f32
      %broadcast_in_dim3A_94 = vector.broadcast %broadcast_in_dim3A_93 : f32 to vector<16xf32>
      %swap3A_95 = arith.index_cast %scan3A_73 : i32 to index
      %swap3A_96 = arith.constant 48 : index
      %swap3A_97 = tpu.vector_load %arg8[%swap3A_95, %swap3A_96] {strides = array<i32>} : memref<128x128xf32, #tpu.memory_space<vmem>>, vector<1x16xf32>,
      %swap3A_98 = vector.shape_cast %swap3A_97 : vector<1x16xf32> to vector<16xf32>
      %swap3A_99 = vector.shape_cast %broadcast_in_dim3A_94 : vector<16xf32> to vector<1x16xf32>
      tpu.vector_store %arg8[%swap3A_95, %swap3A_96], %swap3A_99 {strides = array<i32>} : memref<128x128xf32, #tpu.memory_space<vmem>>, vector<1x16xf32>,
      %broadcast_in_dim3A_100 = arith.constant 0.000000e+00 : f32
      %broadcast_in_dim3A_101 = vector.broadcast %broadcast_in_dim3A_100 : f32 to vector<16xf32>
      %swap3A_102 = arith.index_cast %scan3A_73 : i32 to index
      %swap3A_103 = arith.constant 64 : index
      %swap3A_104 = tpu.vector_load %arg8[%swap3A_102, %swap3A_103] {strides = array<i32>} : memref<128x128xf32, #tpu.memory_space<vmem>>, vector<1x16xf32>,
      %swap3A_105 = vector.shape_cast %swap3A_104 : vector<1x16xf32> to vector<16xf32>
      %swap3A_106 = vector.shape_cast %broadcast_in_dim3A_101 : vector<16xf32> to vector<1x16xf32>
      tpu.vector_store %arg8[%swap3A_102, %swap3A_103], %swap3A_106 {strides = array<i32>} : memref<128x128xf32, #tpu.memory_space<vmem>>, vector<1x16xf32>,
      %broadcast_in_dim3A_107 = arith.constant 0.000000e+00 : f32
      %broadcast_in_dim3A_108 = vector.broadcast %broadcast_in_dim3A_107 : f32 to vector<16xf32>
      %swap3A_109 = arith.index_cast %scan3A_73 : i32 to index
      %swap3A_110 = arith.constant 80 : index
      %swap3A_111 = tpu.vector_load %arg8[%swap3A_109, %swap3A_110] {strides = array<i32>} : memref<128x128xf32, #tpu.memory_space<vmem>>, vector<1x16xf32>,
      %swap3A_112 = vector.shape_cast %swap3A_111 : vector<1x16xf32> to vector<16xf32>
      %swap3A_113 = vector.shape_cast %broadcast_in_dim3A_108 : vector<16xf32> to vector<1x16xf32>
      tpu.vector_store %arg8[%swap3A_109, %swap3A_110], %swap3A_113 {strides = array<i32>} : memref<128x128xf32, #tpu.memory_space<vmem>>, vector<1x16xf32>,
      %broadcast_in_dim3A_114 = arith.constant 0.000000e+00 : f32
      %broadcast_in_dim3A_115 = vector.broadcast %broadcast_in_dim3A_114 : f32 to vector<16xf32>
      %swap3A_116 = arith.index_cast %scan3A_73 : i32 to index
      %swap3A_117 = arith.constant 96 : index
      %swap3A_118 = tpu.vector_load %arg8[%swap3A_116, %swap3A_117] {strides = array<i32>} : memref<128x128xf32, #tpu.memory_space<vmem>>, vector<1x16xf32>,
      %swap3A_119 = vector.shape_cast %swap3A_118 : vector<1x16xf32> to vector<16xf32>
      %swap3A_120 = vector.shape_cast %broadcast_in_dim3A_115 : vector<16xf32> to vector<1x16xf32>
      tpu.vector_store %arg8[%swap3A_116, %swap3A_117], %swap3A_120 {strides = array<i32>} : memref<128x128xf32, #tpu.memory_space<vmem>>, vector<1x16xf32>,
      %broadcast_in_dim3A_121 = arith.constant 0.000000e+00 : f32
      %broadcast_in_dim3A_122 = vector.broadcast %broadcast_in_dim3A_121 : f32 to vector<16xf32>
      %swap3A_123 = arith.index_cast %scan3A_73 : i32 to index
      %swap3A_124 = arith.constant 112 : index
      %swap3A_125 = tpu.vector_load %arg8[%swap3A_123, %swap3A_124] {strides = array<i32>} : memref<128x128xf32, #tpu.memory_space<vmem>>, vector<1x16xf32>,
      %swap3A_126 = vector.shape_cast %swap3A_125 : vector<1x16xf32> to vector<16xf32>
      %swap3A_127 = vector.shape_cast %broadcast_in_dim3A_122 : vector<16xf32> to vector<1x16xf32>
      tpu.vector_store %arg8[%swap3A_123, %swap3A_124], %swap3A_127 {strides = array<i32>} : memref<128x128xf32, #tpu.memory_space<vmem>>, vector<1x16xf32>,
    }
    %scan3A_5 = arith.constant 128 : i32
    %mul3A_6 = arith.constant 640 : i32
    %mul3A_7 = arith.muli %arg1, %mul3A_6 : i32
    %add3A_8 = arith.constant 0 : i32
    %add3A_9 = arith.addi %mul3A_7, %add3A_8 : i32
    "tpu.region"() ({
      %run_scoped3A = tpu.sem_alloc : memref<!tpu.dma_semaphore, #tpu.memory_space<semaphore_mem>>
      %dma_start3A = arith.constant 0 : i32
      %dma_start3A_73 = arith.constant 0 : i32
      %dma_start3A_74 = tpu.memref_slice %arg8[%dma_start3A, %dma_start3A_73] : memref<128x128xf32, #tpu.memory_space<vmem>> -> memref<128x128xf32, #tpu.memory_space<vmem>>
      %dma_start3A_75 = arith.constant 0 : i32
      %dma_start3A_76 = tpu.memref_slice %arg10[%add3A_9, %dma_start3A_75] : memref<10240x128xf32, #tpu.memory_space<vmem_shared>> -> memref<128x128xf32, #tpu.memory_space<vmem_shared>>
      %dma_start3A_77 = arith.constant 0 : i32
      %dma_start3A_78 = tpu.memref_slice %arg10[%add3A_9, %dma_start3A_77] : memref<10240x128xf32, #tpu.memory_space<vmem_shared>> -> memref<128x128xf32, #tpu.memory_space<vmem_shared>>
      %dma_start3A_79 = arith.constant 0 : i32
      %dma_start3A_80 = arith.constant 0 : i32
      %dma_start3A_81 = tpu.memref_slice %arg8[%dma_start3A_79, %dma_start3A_80] : memref<128x128xf32, #tpu.memory_space<vmem>> -> memref<128x128xf32, #tpu.memory_space<vmem>>
      tpu.enqueue_dma source(%dma_start3A_81 : memref<128x128xf32, #tpu.memory_space<vmem>>) target(%dma_start3A_78 : memref<128x128xf32, #tpu.memory_space<vmem_shared>>) target_semaphore(%run_scoped3A : memref<!tpu.dma_semaphore, #tpu.memory_space<semaphore_mem>>)
      %dma_wait3A = arith.constant 0 : i32
      %dma_wait3A_82 = arith.constant 0 : i32
      %dma_wait3A_83 = tpu.memref_slice %arg8[%dma_wait3A, %dma_wait3A_82] : memref<128x128xf32, #tpu.memory_space<vmem>> -> memref<128x128xf32, #tpu.memory_space<vmem>>
      %dma_wait3A_84 = arith.constant 0 : i32
      %dma_wait3A_85 = tpu.memref_slice %arg10[%add3A_9, %dma_wait3A_84] : memref<10240x128xf32, #tpu.memory_space<vmem_shared>> -> memref<128x128xf32, #tpu.memory_space<vmem_shared>>
      %dma_wait3A_86 = arith.constant 0 : i32
      %dma_wait3A_87 = tpu.memref_slice %arg10[%add3A_9, %dma_wait3A_86] : memref<10240x128xf32, #tpu.memory_space<vmem_shared>> -> memref<128x128xf32, #tpu.memory_space<vmem_shared>>
      %dma_wait3A_88 = arith.constant 0 : i32
      %dma_wait3A_89 = arith.constant 0 : i32
      %dma_wait3A_90 = tpu.memref_slice %arg8[%dma_wait3A_88, %dma_wait3A_89] : memref<128x128xf32, #tpu.memory_space<vmem>> -> memref<128x128xf32, #tpu.memory_space<vmem>>
      tpu.wait_dma2 semaphore(%run_scoped3A : memref<!tpu.dma_semaphore, #tpu.memory_space<semaphore_mem>>) src(%dma_wait3A_90 : memref<128x128xf32, #tpu.memory_space<vmem>>) dst(%dma_wait3A_87 : memref<128x128xf32, #tpu.memory_space<vmem_shared>>)
      tpu.yield
    }) : () -> ()
    %mul3A_10 = arith.constant 640 : i32
    %mul3A_11 = arith.muli %arg1, %mul3A_10 : i32
    %add3A_12 = arith.constant 128 : i32
    %add3A_13 = arith.addi %mul3A_11, %add3A_12 : i32
    "tpu.region"() ({
      %run_scoped3A = tpu.sem_alloc : memref<!tpu.dma_semaphore, #tpu.memory_space<semaphore_mem>>
      %dma_start3A = arith.constant 0 : i32
      %dma_start3A_73 = arith.constant 0 : i32
      %dma_start3A_74 = tpu.memref_slice %arg8[%dma_start3A, %dma_start3A_73] : memref<128x128xf32, #tpu.memory_space<vmem>> -> memref<128x128xf32, #tpu.memory_space<vmem>>
      %dma_start3A_75 = arith.constant 0 : i32
      %dma_start3A_76 = tpu.memref_slice %arg10[%add3A_13, %dma_start3A_75] : memref<10240x128xf32, #tpu.memory_space<vmem_shared>> -> memref<128x128xf32, #tpu.memory_space<vmem_shared>>
      %dma_start3A_77 = arith.constant 0 : i32
      %dma_start3A_78 = tpu.memref_slice %arg10[%add3A_13, %dma_start3A_77] : memref<10240x128xf32, #tpu.memory_space<vmem_shared>> -> memref<128x128xf32, #tpu.memory_space<vmem_shared>>
      %dma_start3A_79 = arith.constant 0 : i32
      %dma_start3A_80 = arith.constant 0 : i32
      %dma_start3A_81 = tpu.memref_slice %arg8[%dma_start3A_79, %dma_start3A_80] : memref<128x128xf32, #tpu.memory_space<vmem>> -> memref<128x128xf32, #tpu.memory_space<vmem>>
      tpu.enqueue_dma source(%dma_start3A_81 : memref<128x128xf32, #tpu.memory_space<vmem>>) target(%dma_start3A_78 : memref<128x128xf32, #tpu.memory_space<vmem_shared>>) target_semaphore(%run_scoped3A : memref<!tpu.dma_semaphore, #tpu.memory_space<semaphore_mem>>)
      %dma_wait3A = arith.constant 0 : i32
      %dma_wait3A_82 = arith.constant 0 : i32
      %dma_wait3A_83 = tpu.memref_slice %arg8[%dma_wait3A, %dma_wait3A_82] : memref<128x128xf32, #tpu.memory_space<vmem>> -> memref<128x128xf32, #tpu.memory_space<vmem>>
      %dma_wait3A_84 = arith.constant 0 : i32
      %dma_wait3A_85 = tpu.memref_slice %arg10[%add3A_13, %dma_wait3A_84] : memref<10240x128xf32, #tpu.memory_space<vmem_shared>> -> memref<128x128xf32, #tpu.memory_space<vmem_shared>>
      %dma_wait3A_86 = arith.constant 0 : i32
      %dma_wait3A_87 = tpu.memref_slice %arg10[%add3A_13, %dma_wait3A_86] : memref<10240x128xf32, #tpu.memory_space<vmem_shared>> -> memref<128x128xf32, #tpu.memory_space<vmem_shared>>
      %dma_wait3A_88 = arith.constant 0 : i32
      %dma_wait3A_89 = arith.constant 0 : i32
      %dma_wait3A_90 = tpu.memref_slice %arg8[%dma_wait3A_88, %dma_wait3A_89] : memref<128x128xf32, #tpu.memory_space<vmem>> -> memref<128x128xf32, #tpu.memory_space<vmem>>
      tpu.wait_dma2 semaphore(%run_scoped3A : memref<!tpu.dma_semaphore, #tpu.memory_space<semaphore_mem>>) src(%dma_wait3A_90 : memref<128x128xf32, #tpu.memory_space<vmem>>) dst(%dma_wait3A_87 : memref<128x128xf32, #tpu.memory_space<vmem_shared>>)
      tpu.yield
    }) : () -> ()
    %mul3A_14 = arith.constant 640 : i32
    %mul3A_15 = arith.muli %arg1, %mul3A_14 : i32
    %add3A_16 = arith.constant 256 : i32
    %add3A_17 = arith.addi %mul3A_15, %add3A_16 : i32
    "tpu.region"() ({
      %run_scoped3A = tpu.sem_alloc : memref<!tpu.dma_semaphore, #tpu.memory_space<semaphore_mem>>
      %dma_start3A = arith.constant 0 : i32
      %dma_start3A_73 = arith.constant 0 : i32
      %dma_start3A_74 = tpu.memref_slice %arg8[%dma_start3A, %dma_start3A_73] : memref<128x128xf32, #tpu.memory_space<vmem>> -> memref<128x128xf32, #tpu.memory_space<vmem>>
      %dma_start3A_75 = arith.constant 0 : i32
      %dma_start3A_76 = tpu.memref_slice %arg10[%add3A_17, %dma_start3A_75] : memref<10240x128xf32, #tpu.memory_space<vmem_shared>> -> memref<128x128xf32, #tpu.memory_space<vmem_shared>>
      %dma_start3A_77 = arith.constant 0 : i32
      %dma_start3A_78 = tpu.memref_slice %arg10[%add3A_17, %dma_start3A_77] : memref<10240x128xf32, #tpu.memory_space<vmem_shared>> -> memref<128x128xf32, #tpu.memory_space<vmem_shared>>
      %dma_start3A_79 = arith.constant 0 : i32
      %dma_start3A_80 = arith.constant 0 : i32
      %dma_start3A_81 = tpu.memref_slice %arg8[%dma_start3A_79, %dma_start3A_80] : memref<128x128xf32, #tpu.memory_space<vmem>> -> memref<128x128xf32, #tpu.memory_space<vmem>>
      tpu.enqueue_dma source(%dma_start3A_81 : memref<128x128xf32, #tpu.memory_space<vmem>>) target(%dma_start3A_78 : memref<128x128xf32, #tpu.memory_space<vmem_shared>>) target_semaphore(%run_scoped3A : memref<!tpu.dma_semaphore, #tpu.memory_space<semaphore_mem>>)
      %dma_wait3A = arith.constant 0 : i32
      %dma_wait3A_82 = arith.constant 0 : i32
      %dma_wait3A_83 = tpu.memref_slice %arg8[%dma_wait3A, %dma_wait3A_82] : memref<128x128xf32, #tpu.memory_space<vmem>> -> memref<128x128xf32, #tpu.memory_space<vmem>>
      %dma_wait3A_84 = arith.constant 0 : i32
      %dma_wait3A_85 = tpu.memref_slice %arg10[%add3A_17, %dma_wait3A_84] : memref<10240x128xf32, #tpu.memory_space<vmem_shared>> -> memref<128x128xf32, #tpu.memory_space<vmem_shared>>
      %dma_wait3A_86 = arith.constant 0 : i32
      %dma_wait3A_87 = tpu.memref_slice %arg10[%add3A_17, %dma_wait3A_86] : memref<10240x128xf32, #tpu.memory_space<vmem_shared>> -> memref<128x128xf32, #tpu.memory_space<vmem_shared>>
      %dma_wait3A_88 = arith.constant 0 : i32
      %dma_wait3A_89 = arith.constant 0 : i32
      %dma_wait3A_90 = tpu.memref_slice %arg8[%dma_wait3A_88, %dma_wait3A_89] : memref<128x128xf32, #tpu.memory_space<vmem>> -> memref<128x128xf32, #tpu.memory_space<vmem>>
      tpu.wait_dma2 semaphore(%run_scoped3A : memref<!tpu.dma_semaphore, #tpu.memory_space<semaphore_mem>>) src(%dma_wait3A_90 : memref<128x128xf32, #tpu.memory_space<vmem>>) dst(%dma_wait3A_87 : memref<128x128xf32, #tpu.memory_space<vmem_shared>>)
      tpu.yield
    }) : () -> ()
    %mul3A_18 = arith.constant 640 : i32
    %mul3A_19 = arith.muli %arg1, %mul3A_18 : i32
    %add3A_20 = arith.constant 384 : i32
    %add3A_21 = arith.addi %mul3A_19, %add3A_20 : i32
    "tpu.region"() ({
      %run_scoped3A = tpu.sem_alloc : memref<!tpu.dma_semaphore, #tpu.memory_space<semaphore_mem>>
      %dma_start3A = arith.constant 0 : i32
      %dma_start3A_73 = arith.constant 0 : i32
      %dma_start3A_74 = tpu.memref_slice %arg8[%dma_start3A, %dma_start3A_73] : memref<128x128xf32, #tpu.memory_space<vmem>> -> memref<128x128xf32, #tpu.memory_space<vmem>>
      %dma_start3A_75 = arith.constant 0 : i32
      %dma_start3A_76 = tpu.memref_slice %arg10[%add3A_21, %dma_start3A_75] : memref<10240x128xf32, #tpu.memory_space<vmem_shared>> -> memref<128x128xf32, #tpu.memory_space<vmem_shared>>
      %dma_start3A_77 = arith.constant 0 : i32
      %dma_start3A_78 = tpu.memref_slice %arg10[%add3A_21, %dma_start3A_77] : memref<10240x128xf32, #tpu.memory_space<vmem_shared>> -> memref<128x128xf32, #tpu.memory_space<vmem_shared>>
      %dma_start3A_79 = arith.constant 0 : i32
      %dma_start3A_80 = arith.constant 0 : i32
      %dma_start3A_81 = tpu.memref_slice %arg8[%dma_start3A_79, %dma_start3A_80] : memref<128x128xf32, #tpu.memory_space<vmem>> -> memref<128x128xf32, #tpu.memory_space<vmem>>
      tpu.enqueue_dma source(%dma_start3A_81 : memref<128x128xf32, #tpu.memory_space<vmem>>) target(%dma_start3A_78 : memref<128x128xf32, #tpu.memory_space<vmem_shared>>) target_semaphore(%run_scoped3A : memref<!tpu.dma_semaphore, #tpu.memory_space<semaphore_mem>>)
      %dma_wait3A = arith.constant 0 : i32
      %dma_wait3A_82 = arith.constant 0 : i32
      %dma_wait3A_83 = tpu.memref_slice %arg8[%dma_wait3A, %dma_wait3A_82] : memref<128x128xf32, #tpu.memory_space<vmem>> -> memref<128x128xf32, #tpu.memory_space<vmem>>
      %dma_wait3A_84 = arith.constant 0 : i32
      %dma_wait3A_85 = tpu.memref_slice %arg10[%add3A_21, %dma_wait3A_84] : memref<10240x128xf32, #tpu.memory_space<vmem_shared>> -> memref<128x128xf32, #tpu.memory_space<vmem_shared>>
      %dma_wait3A_86 = arith.constant 0 : i32
      %dma_wait3A_87 = tpu.memref_slice %arg10[%add3A_21, %dma_wait3A_86] : memref<10240x128xf32, #tpu.memory_space<vmem_shared>> -> memref<128x128xf32, #tpu.memory_space<vmem_shared>>
      %dma_wait3A_88 = arith.constant 0 : i32
      %dma_wait3A_89 = arith.constant 0 : i32
      %dma_wait3A_90 = tpu.memref_slice %arg8[%dma_wait3A_88, %dma_wait3A_89] : memref<128x128xf32, #tpu.memory_space<vmem>> -> memref<128x128xf32, #tpu.memory_space<vmem>>
      tpu.wait_dma2 semaphore(%run_scoped3A : memref<!tpu.dma_semaphore, #tpu.memory_space<semaphore_mem>>) src(%dma_wait3A_90 : memref<128x128xf32, #tpu.memory_space<vmem>>) dst(%dma_wait3A_87 : memref<128x128xf32, #tpu.memory_space<vmem_shared>>)
      tpu.yield
    }) : () -> ()
    %mul3A_22 = arith.constant 640 : i32
    %mul3A_23 = arith.muli %arg1, %mul3A_22 : i32
    %add3A_24 = arith.constant 512 : i32
    %add3A_25 = arith.addi %mul3A_23, %add3A_24 : i32
    "tpu.region"() ({
      %run_scoped3A = tpu.sem_alloc : memref<!tpu.dma_semaphore, #tpu.memory_space<semaphore_mem>>
      %dma_start3A = arith.constant 0 : i32
      %dma_start3A_73 = arith.constant 0 : i32
      %dma_start3A_74 = tpu.memref_slice %arg8[%dma_start3A, %dma_start3A_73] : memref<128x128xf32, #tpu.memory_space<vmem>> -> memref<128x128xf32, #tpu.memory_space<vmem>>
      %dma_start3A_75 = arith.constant 0 : i32
      %dma_start3A_76 = tpu.memref_slice %arg10[%add3A_25, %dma_start3A_75] : memref<10240x128xf32, #tpu.memory_space<vmem_shared>> -> memref<128x128xf32, #tpu.memory_space<vmem_shared>>
      %dma_start3A_77 = arith.constant 0 : i32
      %dma_start3A_78 = tpu.memref_slice %arg10[%add3A_25, %dma_start3A_77] : memref<10240x128xf32, #tpu.memory_space<vmem_shared>> -> memref<128x128xf32, #tpu.memory_space<vmem_shared>>
      %dma_start3A_79 = arith.constant 0 : i32
      %dma_start3A_80 = arith.constant 0 : i32
      %dma_start3A_81 = tpu.memref_slice %arg8[%dma_start3A_79, %dma_start3A_80] : memref<128x128xf32, #tpu.memory_space<vmem>> -> memref<128x128xf32, #tpu.memory_space<vmem>>
      tpu.enqueue_dma source(%dma_start3A_81 : memref<128x128xf32, #tpu.memory_space<vmem>>) target(%dma_start3A_78 : memref<128x128xf32, #tpu.memory_space<vmem_shared>>) target_semaphore(%run_scoped3A : memref<!tpu.dma_semaphore, #tpu.memory_space<semaphore_mem>>)
      %dma_wait3A = arith.constant 0 : i32
      %dma_wait3A_82 = arith.constant 0 : i32
      %dma_wait3A_83 = tpu.memref_slice %arg8[%dma_wait3A, %dma_wait3A_82] : memref<128x128xf32, #tpu.memory_space<vmem>> -> memref<128x128xf32, #tpu.memory_space<vmem>>
      %dma_wait3A_84 = arith.constant 0 : i32
      %dma_wait3A_85 = tpu.memref_slice %arg10[%add3A_25, %dma_wait3A_84] : memref<10240x128xf32, #tpu.memory_space<vmem_shared>> -> memref<128x128xf32, #tpu.memory_space<vmem_shared>>
      %dma_wait3A_86 = arith.constant 0 : i32
      %dma_wait3A_87 = tpu.memref_slice %arg10[%add3A_25, %dma_wait3A_86] : memref<10240x128xf32, #tpu.memory_space<vmem_shared>> -> memref<128x128xf32, #tpu.memory_space<vmem_shared>>
      %dma_wait3A_88 = arith.constant 0 : i32
      %dma_wait3A_89 = arith.constant 0 : i32
      %dma_wait3A_90 = tpu.memref_slice %arg8[%dma_wait3A_88, %dma_wait3A_89] : memref<128x128xf32, #tpu.memory_space<vmem>> -> memref<128x128xf32, #tpu.memory_space<vmem>>
      tpu.wait_dma2 semaphore(%run_scoped3A : memref<!tpu.dma_semaphore, #tpu.memory_space<semaphore_mem>>) src(%dma_wait3A_90 : memref<128x128xf32, #tpu.memory_space<vmem>>) dst(%dma_wait3A_87 : memref<128x128xf32, #tpu.memory_space<vmem_shared>>)
      tpu.yield
    }) : () -> ()
    "tpu.region"() ({
      %run_scoped3A = tpu.sem_alloc : memref<!tpu.dma_semaphore, #tpu.memory_space<semaphore_mem>>
      %dma_start3A = arith.constant 0 : i32
      %dma_start3A_73 = arith.constant 0 : i32
      %dma_start3A_74 = tpu.memref_slice %arg3[%add3A, %dma_start3A, %dma_start3A_73] : memref<32x79x128xi32, #tpu.memory_space<hbm>> -> memref<1x79x128xi32, #tpu.memory_space<hbm>>
      %dma_start3A_75 = tpu.memref_squeeze %dma_start3A_74 : memref<1x79x128xi32, #tpu.memory_space<hbm>> -> memref<79x128xi32, #tpu.memory_space<hbm>>
      %dma_start3A_76 = arith.constant 0 : i32
      %dma_start3A_77 = arith.constant 0 : i32
      %dma_start3A_78 = tpu.memref_slice %arg3[%add3A, %dma_start3A_76, %dma_start3A_77] : memref<32x79x128xi32, #tpu.memory_space<hbm>> -> memref<1x79x128xi32, #tpu.memory_space<hbm>>
      %dma_start3A_79 = tpu.memref_squeeze %dma_start3A_78 : memref<1x79x128xi32, #tpu.memory_space<hbm>> -> memref<79x128xi32, #tpu.memory_space<hbm>>
      tpu.enqueue_dma source(%dma_start3A_79 : memref<79x128xi32, #tpu.memory_space<hbm>>) target(%arg6 : memref<79x128xi32, #tpu.memory_space<vmem>>) target_semaphore(%run_scoped3A : memref<!tpu.dma_semaphore, #tpu.memory_space<semaphore_mem>>)
      %dma_wait3A = arith.constant 0 : i32
      %dma_wait3A_80 = arith.constant 0 : i32
      %dma_wait3A_81 = tpu.memref_slice %arg3[%add3A, %dma_wait3A, %dma_wait3A_80] : memref<32x79x128xi32, #tpu.memory_space<hbm>> -> memref<1x79x128xi32, #tpu.memory_space<hbm>>
      %dma_wait3A_82 = tpu.memref_squeeze %dma_wait3A_81 : memref<1x79x128xi32, #tpu.memory_space<hbm>> -> memref<79x128xi32, #tpu.memory_space<hbm>>
      %dma_wait3A_83 = arith.constant 0 : i32
      %dma_wait3A_84 = arith.constant 0 : i32
      %dma_wait3A_85 = tpu.memref_slice %arg3[%add3A, %dma_wait3A_83, %dma_wait3A_84] : memref<32x79x128xi32, #tpu.memory_space<hbm>> -> memref<1x79x128xi32, #tpu.memory_space<hbm>>
      %dma_wait3A_86 = tpu.memref_squeeze %dma_wait3A_85 : memref<1x79x128xi32, #tpu.memory_space<hbm>> -> memref<79x128xi32, #tpu.memory_space<hbm>>
      tpu.wait_dma2 semaphore(%run_scoped3A : memref<!tpu.dma_semaphore, #tpu.memory_space<semaphore_mem>>) src(%dma_wait3A_86 : memref<79x128xi32, #tpu.memory_space<hbm>>) dst(%arg6 : memref<79x128xi32, #tpu.memory_space<vmem>>)
      tpu.yield
    }) : () -> ()
    "tpu.region"() ({
      %run_scoped3A = tpu.sem_alloc : memref<!tpu.dma_semaphore, #tpu.memory_space<semaphore_mem>>
      %dma_start3A = arith.constant 0 : i32
      %dma_start3A_73 = arith.constant 0 : i32
      %dma_start3A_74 = tpu.memref_slice %arg4[%add3A, %dma_start3A, %dma_start3A_73] : memref<32x79x128xi32, #tpu.memory_space<hbm>> -> memref<1x79x128xi32, #tpu.memory_space<hbm>>
      %dma_start3A_75 = tpu.memref_squeeze %dma_start3A_74 : memref<1x79x128xi32, #tpu.memory_space<hbm>> -> memref<79x128xi32, #tpu.memory_space<hbm>>
      %dma_start3A_76 = arith.constant 0 : i32
      %dma_start3A_77 = arith.constant 0 : i32
      %dma_start3A_78 = tpu.memref_slice %arg4[%add3A, %dma_start3A_76, %dma_start3A_77] : memref<32x79x128xi32, #tpu.memory_space<hbm>> -> memref<1x79x128xi32, #tpu.memory_space<hbm>>
      %dma_start3A_79 = tpu.memref_squeeze %dma_start3A_78 : memref<1x79x128xi32, #tpu.memory_space<hbm>> -> memref<79x128xi32, #tpu.memory_space<hbm>>
      tpu.enqueue_dma source(%dma_start3A_79 : memref<79x128xi32, #tpu.memory_space<hbm>>) target(%arg7 : memref<79x128xi32, #tpu.memory_space<vmem>>) target_semaphore(%run_scoped3A : memref<!tpu.dma_semaphore, #tpu.memory_space<semaphore_mem>>)
      %dma_wait3A = arith.constant 0 : i32
      %dma_wait3A_80 = arith.constant 0 : i32
      %dma_wait3A_81 = tpu.memref_slice %arg4[%add3A, %dma_wait3A, %dma_wait3A_80] : memref<32x79x128xi32, #tpu.memory_space<hbm>> -> memref<1x79x128xi32, #tpu.memory_space<hbm>>
      %dma_wait3A_82 = tpu.memref_squeeze %dma_wait3A_81 : memref<1x79x128xi32, #tpu.memory_space<hbm>> -> memref<79x128xi32, #tpu.memory_space<hbm>>
      %dma_wait3A_83 = arith.constant 0 : i32
      %dma_wait3A_84 = arith.constant 0 : i32
      %dma_wait3A_85 = tpu.memref_slice %arg4[%add3A, %dma_wait3A_83, %dma_wait3A_84] : memref<32x79x128xi32, #tpu.memory_space<hbm>> -> memref<1x79x128xi32, #tpu.memory_space<hbm>>
      %dma_wait3A_86 = tpu.memref_squeeze %dma_wait3A_85 : memref<1x79x128xi32, #tpu.memory_space<hbm>> -> memref<79x128xi32, #tpu.memory_space<hbm>>
      tpu.wait_dma2 semaphore(%run_scoped3A : memref<!tpu.dma_semaphore, #tpu.memory_space<semaphore_mem>>) src(%dma_wait3A_86 : memref<79x128xi32, #tpu.memory_space<hbm>>) dst(%arg7 : memref<79x128xi32, #tpu.memory_space<vmem>>)
      tpu.yield
    }) : () -> ()
    %barrier3A = arith.constant 0 : index
    tpu.barrier barrier_id(%barrier3A)
    %scan3A_26 = arith.constant 0 : i32
    %scan3A_27 = arith.constant 0 : i32
    %scan3A_28 = arith.constant 79 : i32
    %scan3A_29 = arith.addi %scan3A_27, %scan3A_28 : i32
    %scan3A_30 = arith.constant 1 : i32
    scf.for %scan3A_73 = %scan3A_27 to %scan3A_29 step %scan3A_30  : i32 {
      %dma_start3A = arith.constant 0 : i32
      %dma_start3A_74 = tpu.memref_slice %arg7[%scan3A_73, %dma_start3A] : memref<79x128xi32, #tpu.memory_space<vmem>> -> memref<1x128xi32, #tpu.memory_space<vmem>>
      %dma_start3A_75 = tpu.memref_squeeze %dma_start3A_74 : memref<1x128xi32, #tpu.memory_space<vmem>> -> memref<128xi32, #tpu.memory_space<vmem>>
      %dma_start3A_76 = arith.constant 0 : i32
      %dma_start3A_77 = arith.constant 0 : i32
      %dma_start3A_78 = tpu.memref_slice %arg2[%dma_start3A_76, %dma_start3A_77] : memref<5120x128xf32, #tpu.memory_space<hbm>> -> memref<5120x128xf32, #tpu.memory_space<hbm>>
      tpu.enqueue_indirect_dma source(%dma_start3A_78 : memref<5120x128xf32, #tpu.memory_space<hbm>>) target(%arg8 : memref<128x128xf32, #tpu.memory_space<vmem>>) offsets(%dma_start3A_75 : memref<128xi32, #tpu.memory_space<vmem>>) semaphore(%arg9 : memref<!tpu.dma_semaphore, #tpu.memory_space<semaphore_mem>>)
      %dma_wait3A = arith.constant 0 : i32
      %dma_wait3A_79 = tpu.memref_slice %arg7[%scan3A_73, %dma_wait3A] : memref<79x128xi32, #tpu.memory_space<vmem>> -> memref<1x128xi32, #tpu.memory_space<vmem>>
      %dma_wait3A_80 = tpu.memref_squeeze %dma_wait3A_79 : memref<1x128xi32, #tpu.memory_space<vmem>> -> memref<128xi32, #tpu.memory_space<vmem>>
      %dma_wait3A_81 = arith.constant 0 : i32
      %dma_wait3A_82 = arith.constant 0 : i32
      %dma_wait3A_83 = tpu.memref_slice %arg2[%dma_wait3A_81, %dma_wait3A_82] : memref<5120x128xf32, #tpu.memory_space<hbm>> -> memref<5120x128xf32, #tpu.memory_space<hbm>>
      tpu.wait_indirect_dma semaphore(%arg9 : memref<!tpu.dma_semaphore, #tpu.memory_space<semaphore_mem>>) src(%dma_wait3A_83 : memref<5120x128xf32, #tpu.memory_space<hbm>>) dst(%arg8 : memref<128x128xf32, #tpu.memory_space<vmem>>)
      "tpu.region"() ({
        %run_scoped3A = tpu.sem_alloc : memref<!tpu.dma_semaphore, #tpu.memory_space<semaphore_mem>>
        %dma_start3A_84 = arith.constant 0 : i32
        %dma_start3A_85 = tpu.memref_slice %arg6[%scan3A_73, %dma_start3A_84] : memref<79x128xi32, #tpu.memory_space<vmem>> -> memref<1x128xi32, #tpu.memory_space<vmem>>
        %dma_start3A_86 = tpu.memref_squeeze %dma_start3A_85 : memref<1x128xi32, #tpu.memory_space<vmem>> -> memref<128xi32, #tpu.memory_space<vmem>>
        %dma_start3A_87 = arith.constant 0 : i32
        %dma_start3A_88 = arith.constant 0 : i32
        %dma_start3A_89 = tpu.memref_slice %arg10[%dma_start3A_87, %dma_start3A_88] : memref<10240x128xf32, #tpu.memory_space<vmem_shared>> -> memref<10240x128xf32, #tpu.memory_space<vmem_shared>>
        tpu.enqueue_indirect_dma source(%arg8 : memref<128x128xf32, #tpu.memory_space<vmem>>) target(%dma_start3A_89 : memref<10240x128xf32, #tpu.memory_space<vmem_shared>>) offsets(%dma_start3A_86 : memref<128xi32, #tpu.memory_space<vmem>>) semaphore(%run_scoped3A : memref<!tpu.dma_semaphore, #tpu.memory_space<semaphore_mem>>) {add = true}
        %dma_wait3A_90 = arith.constant 0 : i32
        %dma_wait3A_91 = tpu.memref_slice %arg6[%scan3A_73, %dma_wait3A_90] : memref<79x128xi32, #tpu.memory_space<vmem>> -> memref<1x128xi32, #tpu.memory_space<vmem>>
        %dma_wait3A_92 = tpu.memref_squeeze %dma_wait3A_91 : memref<1x128xi32, #tpu.memory_space<vmem>> -> memref<128xi32, #tpu.memory_space<vmem>>
        %dma_wait3A_93 = arith.constant 0 : i32
        %dma_wait3A_94 = arith.constant 0 : i32
        %dma_wait3A_95 = tpu.memref_slice %arg10[%dma_wait3A_93, %dma_wait3A_94] : memref<10240x128xf32, #tpu.memory_space<vmem_shared>> -> memref<10240x128xf32, #tpu.memory_space<vmem_shared>>
        tpu.wait_indirect_dma semaphore(%run_scoped3A : memref<!tpu.dma_semaphore, #tpu.memory_space<semaphore_mem>>) src(%arg8 : memref<128x128xf32, #tpu.memory_space<vmem>>) dst(%dma_wait3A_95 : memref<10240x128xf32, #tpu.memory_space<vmem_shared>>)
        tpu.yield
      }) : () -> ()
    }
    %scan3A_31 = arith.constant 79 : i32
    %barrier3A_32 = arith.constant 0 : index
    tpu.barrier barrier_id(%barrier3A_32)
    %mul3A_33 = arith.constant 640 : i32
    %mul3A_34 = arith.muli %arg1, %mul3A_33 : i32
    %add3A_35 = arith.constant 0 : i32
    %add3A_36 = arith.addi %mul3A_34, %add3A_35 : i32
    "tpu.region"() ({
      %run_scoped3A = tpu.sem_alloc : memref<!tpu.dma_semaphore, #tpu.memory_space<semaphore_mem>>
      %dma_start3A = arith.constant 0 : i32
      %dma_start3A_73 = arith.constant 0 : i32
      %dma_start3A_74 = tpu.memref_slice %arg8[%dma_start3A, %dma_start3A_73] : memref<128x128xf32, #tpu.memory_space<vmem>> -> memref<128x128xf32, #tpu.memory_space<vmem>>
      %dma_start3A_75 = arith.constant 0 : i32
      %dma_start3A_76 = tpu.memref_slice %arg10[%add3A_36, %dma_start3A_75] : memref<10240x128xf32, #tpu.memory_space<vmem_shared>> -> memref<128x128xf32, #tpu.memory_space<vmem_shared>>
      %dma_start3A_77 = arith.constant 0 : i32
      %dma_start3A_78 = arith.constant 0 : i32
      %dma_start3A_79 = tpu.memref_slice %arg8[%dma_start3A_77, %dma_start3A_78] : memref<128x128xf32, #tpu.memory_space<vmem>> -> memref<128x128xf32, #tpu.memory_space<vmem>>
      %dma_start3A_80 = arith.constant 0 : i32
      %dma_start3A_81 = tpu.memref_slice %arg10[%add3A_36, %dma_start3A_80] : memref<10240x128xf32, #tpu.memory_space<vmem_shared>> -> memref<128x128xf32, #tpu.memory_space<vmem_shared>>
      tpu.enqueue_dma source(%dma_start3A_81 : memref<128x128xf32, #tpu.memory_space<vmem_shared>>) target(%dma_start3A_79 : memref<128x128xf32, #tpu.memory_space<vmem>>) target_semaphore(%run_scoped3A : memref<!tpu.dma_semaphore, #tpu.memory_space<semaphore_mem>>)
      %dma_wait3A = arith.constant 0 : i32
      %dma_wait3A_82 = arith.constant 0 : i32
      %dma_wait3A_83 = tpu.memref_slice %arg8[%dma_wait3A, %dma_wait3A_82] : memref<128x128xf32, #tpu.memory_space<vmem>> -> memref<128x128xf32, #tpu.memory_space<vmem>>
      %dma_wait3A_84 = arith.constant 0 : i32
      %dma_wait3A_85 = tpu.memref_slice %arg10[%add3A_36, %dma_wait3A_84] : memref<10240x128xf32, #tpu.memory_space<vmem_shared>> -> memref<128x128xf32, #tpu.memory_space<vmem_shared>>
      %dma_wait3A_86 = arith.constant 0 : i32
      %dma_wait3A_87 = arith.constant 0 : i32
      %dma_wait3A_88 = tpu.memref_slice %arg8[%dma_wait3A_86, %dma_wait3A_87] : memref<128x128xf32, #tpu.memory_space<vmem>> -> memref<128x128xf32, #tpu.memory_space<vmem>>
      %dma_wait3A_89 = arith.constant 0 : i32
      %dma_wait3A_90 = tpu.memref_slice %arg10[%add3A_36, %dma_wait3A_89] : memref<10240x128xf32, #tpu.memory_space<vmem_shared>> -> memref<128x128xf32, #tpu.memory_space<vmem_shared>>
      tpu.wait_dma2 semaphore(%run_scoped3A : memref<!tpu.dma_semaphore, #tpu.memory_space<semaphore_mem>>) src(%dma_wait3A_90 : memref<128x128xf32, #tpu.memory_space<vmem_shared>>) dst(%dma_wait3A_88 : memref<128x128xf32, #tpu.memory_space<vmem>>)
      tpu.yield
    }) : () -> ()
    %mul3A_37 = arith.constant 640 : i32
    %mul3A_38 = arith.muli %arg1, %mul3A_37 : i32
    %add3A_39 = arith.constant 0 : i32
    %add3A_40 = arith.addi %mul3A_38, %add3A_39 : i32
    "tpu.region"() ({
      %run_scoped3A = tpu.sem_alloc : memref<!tpu.dma_semaphore, #tpu.memory_space<semaphore_mem>>
      %dma_start3A = arith.constant 0 : i32
      %dma_start3A_73 = arith.constant 0 : i32
      %dma_start3A_74 = tpu.memref_slice %arg8[%dma_start3A, %dma_start3A_73] : memref<128x128xf32, #tpu.memory_space<vmem>> -> memref<128x128xf32, #tpu.memory_space<vmem>>
      %dma_start3A_75 = arith.constant 0 : i32
      %dma_start3A_76 = tpu.memref_slice %arg5[%arg0, %add3A_40, %dma_start3A_75] : memref<2x10240x128xf32, #tpu.memory_space<hbm>> -> memref<1x128x128xf32, #tpu.memory_space<hbm>>
      %dma_start3A_77 = tpu.memref_squeeze %dma_start3A_76 : memref<1x128x128xf32, #tpu.memory_space<hbm>> -> memref<128x128xf32, #tpu.memory_space<hbm>>
      %dma_start3A_78 = arith.constant 0 : i32
      %dma_start3A_79 = tpu.memref_slice %arg5[%arg0, %add3A_40, %dma_start3A_78] : memref<2x10240x128xf32, #tpu.memory_space<hbm>> -> memref<1x128x128xf32, #tpu.memory_space<hbm>>
      %dma_start3A_80 = tpu.memref_squeeze %dma_start3A_79 : memref<1x128x128xf32, #tpu.memory_space<hbm>> -> memref<128x128xf32, #tpu.memory_space<hbm>>
      %dma_start3A_81 = arith.constant 0 : i32
      %dma_start3A_82 = arith.constant 0 : i32
      %dma_start3A_83 = tpu.memref_slice %arg8[%dma_start3A_81, %dma_start3A_82] : memref<128x128xf32, #tpu.memory_space<vmem>> -> memref<128x128xf32, #tpu.memory_space<vmem>>
      tpu.enqueue_dma source(%dma_start3A_83 : memref<128x128xf32, #tpu.memory_space<vmem>>) target(%dma_start3A_80 : memref<128x128xf32, #tpu.memory_space<hbm>>) target_semaphore(%run_scoped3A : memref<!tpu.dma_semaphore, #tpu.memory_space<semaphore_mem>>)
      %dma_wait3A = arith.constant 0 : i32
      %dma_wait3A_84 = arith.constant 0 : i32
      %dma_wait3A_85 = tpu.memref_slice %arg8[%dma_wait3A, %dma_wait3A_84] : memref<128x128xf32, #tpu.memory_space<vmem>> -> memref<128x128xf32, #tpu.memory_space<vmem>>
      %dma_wait3A_86 = arith.constant 0 : i32
      %dma_wait3A_87 = tpu.memref_slice %arg5[%arg0, %add3A_40, %dma_wait3A_86] : memref<2x10240x128xf32, #tpu.memory_space<hbm>> -> memref<1x128x128xf32, #tpu.memory_space<hbm>>
      %dma_wait3A_88 = tpu.memref_squeeze %dma_wait3A_87 : memref<1x128x128xf32, #tpu.memory_space<hbm>> -> memref<128x128xf32, #tpu.memory_space<hbm>>
      %dma_wait3A_89 = arith.constant 0 : i32
      %dma_wait3A_90 = tpu.memref_slice %arg5[%arg0, %add3A_40, %dma_wait3A_89] : memref<2x10240x128xf32, #tpu.memory_space<hbm>> -> memref<1x128x128xf32, #tpu.memory_space<hbm>>
      %dma_wait3A_91 = tpu.memref_squeeze %dma_wait3A_90 : memref<1x128x128xf32, #tpu.memory_space<hbm>> -> memref<128x128xf32, #tpu.memory_space<hbm>>
      %dma_wait3A_92 = arith.constant 0 : i32
      %dma_wait3A_93 = arith.constant 0 : i32
      %dma_wait3A_94 = tpu.memref_slice %arg8[%dma_wait3A_92, %dma_wait3A_93] : memref<128x128xf32, #tpu.memory_space<vmem>> -> memref<128x128xf32, #tpu.memory_space<vmem>>
      tpu.wait_dma2 semaphore(%run_scoped3A : memref<!tpu.dma_semaphore, #tpu.memory_space<semaphore_mem>>) src(%dma_wait3A_94 : memref<128x128xf32, #tpu.memory_space<vmem>>) dst(%dma_wait3A_91 : memref<128x128xf32, #tpu.memory_space<hbm>>)
      tpu.yield
    }) : () -> ()
    %mul3A_41 = arith.constant 640 : i32
    %mul3A_42 = arith.muli %arg1, %mul3A_41 : i32
    %add3A_43 = arith.constant 128 : i32
    %add3A_44 = arith.addi %mul3A_42, %add3A_43 : i32
    "tpu.region"() ({
      %run_scoped3A = tpu.sem_alloc : memref<!tpu.dma_semaphore, #tpu.memory_space<semaphore_mem>>
      %dma_start3A = arith.constant 0 : i32
      %dma_start3A_73 = arith.constant 0 : i32
      %dma_start3A_74 = tpu.memref_slice %arg8[%dma_start3A, %dma_start3A_73] : memref<128x128xf32, #tpu.memory_space<vmem>> -> memref<128x128xf32, #tpu.memory_space<vmem>>
      %dma_start3A_75 = arith.constant 0 : i32
      %dma_start3A_76 = tpu.memref_slice %arg10[%add3A_44, %dma_start3A_75] : memref<10240x128xf32, #tpu.memory_space<vmem_shared>> -> memref<128x128xf32, #tpu.memory_space<vmem_shared>>
      %dma_start3A_77 = arith.constant 0 : i32
      %dma_start3A_78 = arith.constant 0 : i32
      %dma_start3A_79 = tpu.memref_slice %arg8[%dma_start3A_77, %dma_start3A_78] : memref<128x128xf32, #tpu.memory_space<vmem>> -> memref<128x128xf32, #tpu.memory_space<vmem>>
      %dma_start3A_80 = arith.constant 0 : i32
      %dma_start3A_81 = tpu.memref_slice %arg10[%add3A_44, %dma_start3A_80] : memref<10240x128xf32, #tpu.memory_space<vmem_shared>> -> memref<128x128xf32, #tpu.memory_space<vmem_shared>>
      tpu.enqueue_dma source(%dma_start3A_81 : memref<128x128xf32, #tpu.memory_space<vmem_shared>>) target(%dma_start3A_79 : memref<128x128xf32, #tpu.memory_space<vmem>>) target_semaphore(%run_scoped3A : memref<!tpu.dma_semaphore, #tpu.memory_space<semaphore_mem>>)
      %dma_wait3A = arith.constant 0 : i32
      %dma_wait3A_82 = arith.constant 0 : i32
      %dma_wait3A_83 = tpu.memref_slice %arg8[%dma_wait3A, %dma_wait3A_82] : memref<128x128xf32, #tpu.memory_space<vmem>> -> memref<128x128xf32, #tpu.memory_space<vmem>>
      %dma_wait3A_84 = arith.constant 0 : i32
      %dma_wait3A_85 = tpu.memref_slice %arg10[%add3A_44, %dma_wait3A_84] : memref<10240x128xf32, #tpu.memory_space<vmem_shared>> -> memref<128x128xf32, #tpu.memory_space<vmem_shared>>
      %dma_wait3A_86 = arith.constant 0 : i32
      %dma_wait3A_87 = arith.constant 0 : i32
      %dma_wait3A_88 = tpu.memref_slice %arg8[%dma_wait3A_86, %dma_wait3A_87] : memref<128x128xf32, #tpu.memory_space<vmem>> -> memref<128x128xf32, #tpu.memory_space<vmem>>
      %dma_wait3A_89 = arith.constant 0 : i32
      %dma_wait3A_90 = tpu.memref_slice %arg10[%add3A_44, %dma_wait3A_89] : memref<10240x128xf32, #tpu.memory_space<vmem_shared>> -> memref<128x128xf32, #tpu.memory_space<vmem_shared>>
      tpu.wait_dma2 semaphore(%run_scoped3A : memref<!tpu.dma_semaphore, #tpu.memory_space<semaphore_mem>>) src(%dma_wait3A_90 : memref<128x128xf32, #tpu.memory_space<vmem_shared>>) dst(%dma_wait3A_88 : memref<128x128xf32, #tpu.memory_space<vmem>>)
      tpu.yield
    }) : () -> ()
    %mul3A_45 = arith.constant 640 : i32
    %mul3A_46 = arith.muli %arg1, %mul3A_45 : i32
    %add3A_47 = arith.constant 128 : i32
    %add3A_48 = arith.addi %mul3A_46, %add3A_47 : i32
    "tpu.region"() ({
      %run_scoped3A = tpu.sem_alloc : memref<!tpu.dma_semaphore, #tpu.memory_space<semaphore_mem>>
      %dma_start3A = arith.constant 0 : i32
      %dma_start3A_73 = arith.constant 0 : i32
      %dma_start3A_74 = tpu.memref_slice %arg8[%dma_start3A, %dma_start3A_73] : memref<128x128xf32, #tpu.memory_space<vmem>> -> memref<128x128xf32, #tpu.memory_space<vmem>>
      %dma_start3A_75 = arith.constant 0 : i32
      %dma_start3A_76 = tpu.memref_slice %arg5[%arg0, %add3A_48, %dma_start3A_75] : memref<2x10240x128xf32, #tpu.memory_space<hbm>> -> memref<1x128x128xf32, #tpu.memory_space<hbm>>
      %dma_start3A_77 = tpu.memref_squeeze %dma_start3A_76 : memref<1x128x128xf32, #tpu.memory_space<hbm>> -> memref<128x128xf32, #tpu.memory_space<hbm>>
      %dma_start3A_78 = arith.constant 0 : i32
      %dma_start3A_79 = tpu.memref_slice %arg5[%arg0, %add3A_48, %dma_start3A_78] : memref<2x10240x128xf32, #tpu.memory_space<hbm>> -> memref<1x128x128xf32, #tpu.memory_space<hbm>>
      %dma_start3A_80 = tpu.memref_squeeze %dma_start3A_79 : memref<1x128x128xf32, #tpu.memory_space<hbm>> -> memref<128x128xf32, #tpu.memory_space<hbm>>
      %dma_start3A_81 = arith.constant 0 : i32
      %dma_start3A_82 = arith.constant 0 : i32
      %dma_start3A_83 = tpu.memref_slice %arg8[%dma_start3A_81, %dma_start3A_82] : memref<128x128xf32, #tpu.memory_space<vmem>> -> memref<128x128xf32, #tpu.memory_space<vmem>>
      tpu.enqueue_dma source(%dma_start3A_83 : memref<128x128xf32, #tpu.memory_space<vmem>>) target(%dma_start3A_80 : memref<128x128xf32, #tpu.memory_space<hbm>>) target_semaphore(%run_scoped3A : memref<!tpu.dma_semaphore, #tpu.memory_space<semaphore_mem>>)
      %dma_wait3A = arith.constant 0 : i32
      %dma_wait3A_84 = arith.constant 0 : i32
      %dma_wait3A_85 = tpu.memref_slice %arg8[%dma_wait3A, %dma_wait3A_84] : memref<128x128xf32, #tpu.memory_space<vmem>> -> memref<128x128xf32, #tpu.memory_space<vmem>>
      %dma_wait3A_86 = arith.constant 0 : i32
      %dma_wait3A_87 = tpu.memref_slice %arg5[%arg0, %add3A_48, %dma_wait3A_86] : memref<2x10240x128xf32, #tpu.memory_space<hbm>> -> memref<1x128x128xf32, #tpu.memory_space<hbm>>
      %dma_wait3A_88 = tpu.memref_squeeze %dma_wait3A_87 : memref<1x128x128xf32, #tpu.memory_space<hbm>> -> memref<128x128xf32, #tpu.memory_space<hbm>>
      %dma_wait3A_89 = arith.constant 0 : i32
      %dma_wait3A_90 = tpu.memref_slice %arg5[%arg0, %add3A_48, %dma_wait3A_89] : memref<2x10240x128xf32, #tpu.memory_space<hbm>> -> memref<1x128x128xf32, #tpu.memory_space<hbm>>
      %dma_wait3A_91 = tpu.memref_squeeze %dma_wait3A_90 : memref<1x128x128xf32, #tpu.memory_space<hbm>> -> memref<128x128xf32, #tpu.memory_space<hbm>>
      %dma_wait3A_92 = arith.constant 0 : i32
      %dma_wait3A_93 = arith.constant 0 : i32
      %dma_wait3A_94 = tpu.memref_slice %arg8[%dma_wait3A_92, %dma_wait3A_93] : memref<128x128xf32, #tpu.memory_space<vmem>> -> memref<128x128xf32, #tpu.memory_space<vmem>>
      tpu.wait_dma2 semaphore(%run_scoped3A : memref<!tpu.dma_semaphore, #tpu.memory_space<semaphore_mem>>) src(%dma_wait3A_94 : memref<128x128xf32, #tpu.memory_space<vmem>>) dst(%dma_wait3A_91 : memref<128x128xf32, #tpu.memory_space<hbm>>)
      tpu.yield
    }) : () -> ()
    %mul3A_49 = arith.constant 640 : i32
    %mul3A_50 = arith.muli %arg1, %mul3A_49 : i32
    %add3A_51 = arith.constant 256 : i32
    %add3A_52 = arith.addi %mul3A_50, %add3A_51 : i32
    "tpu.region"() ({
      %run_scoped3A = tpu.sem_alloc : memref<!tpu.dma_semaphore, #tpu.memory_space<semaphore_mem>>
      %dma_start3A = arith.constant 0 : i32
      %dma_start3A_73 = arith.constant 0 : i32
      %dma_start3A_74 = tpu.memref_slice %arg8[%dma_start3A, %dma_start3A_73] : memref<128x128xf32, #tpu.memory_space<vmem>> -> memref<128x128xf32, #tpu.memory_space<vmem>>
      %dma_start3A_75 = arith.constant 0 : i32
      %dma_start3A_76 = tpu.memref_slice %arg10[%add3A_52, %dma_start3A_75] : memref<10240x128xf32, #tpu.memory_space<vmem_shared>> -> memref<128x128xf32, #tpu.memory_space<vmem_shared>>
      %dma_start3A_77 = arith.constant 0 : i32
      %dma_start3A_78 = arith.constant 0 : i32
      %dma_start3A_79 = tpu.memref_slice %arg8[%dma_start3A_77, %dma_start3A_78] : memref<128x128xf32, #tpu.memory_space<vmem>> -> memref<128x128xf32, #tpu.memory_space<vmem>>
      %dma_start3A_80 = arith.constant 0 : i32
      %dma_start3A_81 = tpu.memref_slice %arg10[%add3A_52, %dma_start3A_80] : memref<10240x128xf32, #tpu.memory_space<vmem_shared>> -> memref<128x128xf32, #tpu.memory_space<vmem_shared>>
      tpu.enqueue_dma source(%dma_start3A_81 : memref<128x128xf32, #tpu.memory_space<vmem_shared>>) target(%dma_start3A_79 : memref<128x128xf32, #tpu.memory_space<vmem>>) target_semaphore(%run_scoped3A : memref<!tpu.dma_semaphore, #tpu.memory_space<semaphore_mem>>)
      %dma_wait3A = arith.constant 0 : i32
      %dma_wait3A_82 = arith.constant 0 : i32
      %dma_wait3A_83 = tpu.memref_slice %arg8[%dma_wait3A, %dma_wait3A_82] : memref<128x128xf32, #tpu.memory_space<vmem>> -> memref<128x128xf32, #tpu.memory_space<vmem>>
      %dma_wait3A_84 = arith.constant 0 : i32
      %dma_wait3A_85 = tpu.memref_slice %arg10[%add3A_52, %dma_wait3A_84] : memref<10240x128xf32, #tpu.memory_space<vmem_shared>> -> memref<128x128xf32, #tpu.memory_space<vmem_shared>>
      %dma_wait3A_86 = arith.constant 0 : i32
      %dma_wait3A_87 = arith.constant 0 : i32
      %dma_wait3A_88 = tpu.memref_slice %arg8[%dma_wait3A_86, %dma_wait3A_87] : memref<128x128xf32, #tpu.memory_space<vmem>> -> memref<128x128xf32, #tpu.memory_space<vmem>>
      %dma_wait3A_89 = arith.constant 0 : i32
      %dma_wait3A_90 = tpu.memref_slice %arg10[%add3A_52, %dma_wait3A_89] : memref<10240x128xf32, #tpu.memory_space<vmem_shared>> -> memref<128x128xf32, #tpu.memory_space<vmem_shared>>
      tpu.wait_dma2 semaphore(%run_scoped3A : memref<!tpu.dma_semaphore, #tpu.memory_space<semaphore_mem>>) src(%dma_wait3A_90 : memref<128x128xf32, #tpu.memory_space<vmem_shared>>) dst(%dma_wait3A_88 : memref<128x128xf32, #tpu.memory_space<vmem>>)
      tpu.yield
    }) : () -> ()
    %mul3A_53 = arith.constant 640 : i32
    %mul3A_54 = arith.muli %arg1, %mul3A_53 : i32
    %add3A_55 = arith.constant 256 : i32
    %add3A_56 = arith.addi %mul3A_54, %add3A_55 : i32
    "tpu.region"() ({
      %run_scoped3A = tpu.sem_alloc : memref<!tpu.dma_semaphore, #tpu.memory_space<semaphore_mem>>
      %dma_start3A = arith.constant 0 : i32
      %dma_start3A_73 = arith.constant 0 : i32
      %dma_start3A_74 = tpu.memref_slice %arg8[%dma_start3A, %dma_start3A_73] : memref<128x128xf32, #tpu.memory_space<vmem>> -> memref<128x128xf32, #tpu.memory_space<vmem>>
      %dma_start3A_75 = arith.constant 0 : i32
      %dma_start3A_76 = tpu.memref_slice %arg5[%arg0, %add3A_56, %dma_start3A_75] : memref<2x10240x128xf32, #tpu.memory_space<hbm>> -> memref<1x128x128xf32, #tpu.memory_space<hbm>>
      %dma_start3A_77 = tpu.memref_squeeze %dma_start3A_76 : memref<1x128x128xf32, #tpu.memory_space<hbm>> -> memref<128x128xf32, #tpu.memory_space<hbm>>
      %dma_start3A_78 = arith.constant 0 : i32
      %dma_start3A_79 = tpu.memref_slice %arg5[%arg0, %add3A_56, %dma_start3A_78] : memref<2x10240x128xf32, #tpu.memory_space<hbm>> -> memref<1x128x128xf32, #tpu.memory_space<hbm>>
      %dma_start3A_80 = tpu.memref_squeeze %dma_start3A_79 : memref<1x128x128xf32, #tpu.memory_space<hbm>> -> memref<128x128xf32, #tpu.memory_space<hbm>>
      %dma_start3A_81 = arith.constant 0 : i32
      %dma_start3A_82 = arith.constant 0 : i32
      %dma_start3A_83 = tpu.memref_slice %arg8[%dma_start3A_81, %dma_start3A_82] : memref<128x128xf32, #tpu.memory_space<vmem>> -> memref<128x128xf32, #tpu.memory_space<vmem>>
      tpu.enqueue_dma source(%dma_start3A_83 : memref<128x128xf32, #tpu.memory_space<vmem>>) target(%dma_start3A_80 : memref<128x128xf32, #tpu.memory_space<hbm>>) target_semaphore(%run_scoped3A : memref<!tpu.dma_semaphore, #tpu.memory_space<semaphore_mem>>)
      %dma_wait3A = arith.constant 0 : i32
      %dma_wait3A_84 = arith.constant 0 : i32
      %dma_wait3A_85 = tpu.memref_slice %arg8[%dma_wait3A, %dma_wait3A_84] : memref<128x128xf32, #tpu.memory_space<vmem>> -> memref<128x128xf32, #tpu.memory_space<vmem>>
      %dma_wait3A_86 = arith.constant 0 : i32
      %dma_wait3A_87 = tpu.memref_slice %arg5[%arg0, %add3A_56, %dma_wait3A_86] : memref<2x10240x128xf32, #tpu.memory_space<hbm>> -> memref<1x128x128xf32, #tpu.memory_space<hbm>>
      %dma_wait3A_88 = tpu.memref_squeeze %dma_wait3A_87 : memref<1x128x128xf32, #tpu.memory_space<hbm>> -> memref<128x128xf32, #tpu.memory_space<hbm>>
      %dma_wait3A_89 = arith.constant 0 : i32
      %dma_wait3A_90 = tpu.memref_slice %arg5[%arg0, %add3A_56, %dma_wait3A_89] : memref<2x10240x128xf32, #tpu.memory_space<hbm>> -> memref<1x128x128xf32, #tpu.memory_space<hbm>>
      %dma_wait3A_91 = tpu.memref_squeeze %dma_wait3A_90 : memref<1x128x128xf32, #tpu.memory_space<hbm>> -> memref<128x128xf32, #tpu.memory_space<hbm>>
      %dma_wait3A_92 = arith.constant 0 : i32
      %dma_wait3A_93 = arith.constant 0 : i32
      %dma_wait3A_94 = tpu.memref_slice %arg8[%dma_wait3A_92, %dma_wait3A_93] : memref<128x128xf32, #tpu.memory_space<vmem>> -> memref<128x128xf32, #tpu.memory_space<vmem>>
      tpu.wait_dma2 semaphore(%run_scoped3A : memref<!tpu.dma_semaphore, #tpu.memory_space<semaphore_mem>>) src(%dma_wait3A_94 : memref<128x128xf32, #tpu.memory_space<vmem>>) dst(%dma_wait3A_91 : memref<128x128xf32, #tpu.memory_space<hbm>>)
      tpu.yield
    }) : () -> ()
    %mul3A_57 = arith.constant 640 : i32
    %mul3A_58 = arith.muli %arg1, %mul3A_57 : i32
    %add3A_59 = arith.constant 384 : i32
    %add3A_60 = arith.addi %mul3A_58, %add3A_59 : i32
    "tpu.region"() ({
      %run_scoped3A = tpu.sem_alloc : memref<!tpu.dma_semaphore, #tpu.memory_space<semaphore_mem>>
      %dma_start3A = arith.constant 0 : i32
      %dma_start3A_73 = arith.constant 0 : i32
      %dma_start3A_74 = tpu.memref_slice %arg8[%dma_start3A, %dma_start3A_73] : memref<128x128xf32, #tpu.memory_space<vmem>> -> memref<128x128xf32, #tpu.memory_space<vmem>>
      %dma_start3A_75 = arith.constant 0 : i32
      %dma_start3A_76 = tpu.memref_slice %arg10[%add3A_60, %dma_start3A_75] : memref<10240x128xf32, #tpu.memory_space<vmem_shared>> -> memref<128x128xf32, #tpu.memory_space<vmem_shared>>
      %dma_start3A_77 = arith.constant 0 : i32
      %dma_start3A_78 = arith.constant 0 : i32
      %dma_start3A_79 = tpu.memref_slice %arg8[%dma_start3A_77, %dma_start3A_78] : memref<128x128xf32, #tpu.memory_space<vmem>> -> memref<128x128xf32, #tpu.memory_space<vmem>>
      %dma_start3A_80 = arith.constant 0 : i32
      %dma_start3A_81 = tpu.memref_slice %arg10[%add3A_60, %dma_start3A_80] : memref<10240x128xf32, #tpu.memory_space<vmem_shared>> -> memref<128x128xf32, #tpu.memory_space<vmem_shared>>
      tpu.enqueue_dma source(%dma_start3A_81 : memref<128x128xf32, #tpu.memory_space<vmem_shared>>) target(%dma_start3A_79 : memref<128x128xf32, #tpu.memory_space<vmem>>) target_semaphore(%run_scoped3A : memref<!tpu.dma_semaphore, #tpu.memory_space<semaphore_mem>>)
      %dma_wait3A = arith.constant 0 : i32
      %dma_wait3A_82 = arith.constant 0 : i32
      %dma_wait3A_83 = tpu.memref_slice %arg8[%dma_wait3A, %dma_wait3A_82] : memref<128x128xf32, #tpu.memory_space<vmem>> -> memref<128x128xf32, #tpu.memory_space<vmem>>
      %dma_wait3A_84 = arith.constant 0 : i32
      %dma_wait3A_85 = tpu.memref_slice %arg10[%add3A_60, %dma_wait3A_84] : memref<10240x128xf32, #tpu.memory_space<vmem_shared>> -> memref<128x128xf32, #tpu.memory_space<vmem_shared>>
      %dma_wait3A_86 = arith.constant 0 : i32
      %dma_wait3A_87 = arith.constant 0 : i32
      %dma_wait3A_88 = tpu.memref_slice %arg8[%dma_wait3A_86, %dma_wait3A_87] : memref<128x128xf32, #tpu.memory_space<vmem>> -> memref<128x128xf32, #tpu.memory_space<vmem>>
      %dma_wait3A_89 = arith.constant 0 : i32
      %dma_wait3A_90 = tpu.memref_slice %arg10[%add3A_60, %dma_wait3A_89] : memref<10240x128xf32, #tpu.memory_space<vmem_shared>> -> memref<128x128xf32, #tpu.memory_space<vmem_shared>>
      tpu.wait_dma2 semaphore(%run_scoped3A : memref<!tpu.dma_semaphore, #tpu.memory_space<semaphore_mem>>) src(%dma_wait3A_90 : memref<128x128xf32, #tpu.memory_space<vmem_shared>>) dst(%dma_wait3A_88 : memref<128x128xf32, #tpu.memory_space<vmem>>)
      tpu.yield
    }) : () -> ()
    %mul3A_61 = arith.constant 640 : i32
    %mul3A_62 = arith.muli %arg1, %mul3A_61 : i32
    %add3A_63 = arith.constant 384 : i32
    %add3A_64 = arith.addi %mul3A_62, %add3A_63 : i32
    "tpu.region"() ({
      %run_scoped3A = tpu.sem_alloc : memref<!tpu.dma_semaphore, #tpu.memory_space<semaphore_mem>>
      %dma_start3A = arith.constant 0 : i32
      %dma_start3A_73 = arith.constant 0 : i32
      %dma_start3A_74 = tpu.memref_slice %arg8[%dma_start3A, %dma_start3A_73] : memref<128x128xf32, #tpu.memory_space<vmem>> -> memref<128x128xf32, #tpu.memory_space<vmem>>
      %dma_start3A_75 = arith.constant 0 : i32
      %dma_start3A_76 = tpu.memref_slice %arg5[%arg0, %add3A_64, %dma_start3A_75] : memref<2x10240x128xf32, #tpu.memory_space<hbm>> -> memref<1x128x128xf32, #tpu.memory_space<hbm>>
      %dma_start3A_77 = tpu.memref_squeeze %dma_start3A_76 : memref<1x128x128xf32, #tpu.memory_space<hbm>> -> memref<128x128xf32, #tpu.memory_space<hbm>>
      %dma_start3A_78 = arith.constant 0 : i32
      %dma_start3A_79 = tpu.memref_slice %arg5[%arg0, %add3A_64, %dma_start3A_78] : memref<2x10240x128xf32, #tpu.memory_space<hbm>> -> memref<1x128x128xf32, #tpu.memory_space<hbm>>
      %dma_start3A_80 = tpu.memref_squeeze %dma_start3A_79 : memref<1x128x128xf32, #tpu.memory_space<hbm>> -> memref<128x128xf32, #tpu.memory_space<hbm>>
      %dma_start3A_81 = arith.constant 0 : i32
      %dma_start3A_82 = arith.constant 0 : i32
      %dma_start3A_83 = tpu.memref_slice %arg8[%dma_start3A_81, %dma_start3A_82] : memref<128x128xf32, #tpu.memory_space<vmem>> -> memref<128x128xf32, #tpu.memory_space<vmem>>
      tpu.enqueue_dma source(%dma_start3A_83 : memref<128x128xf32, #tpu.memory_space<vmem>>) target(%dma_start3A_80 : memref<128x128xf32, #tpu.memory_space<hbm>>) target_semaphore(%run_scoped3A : memref<!tpu.dma_semaphore, #tpu.memory_space<semaphore_mem>>)
      %dma_wait3A = arith.constant 0 : i32
      %dma_wait3A_84 = arith.constant 0 : i32
      %dma_wait3A_85 = tpu.memref_slice %arg8[%dma_wait3A, %dma_wait3A_84] : memref<128x128xf32, #tpu.memory_space<vmem>> -> memref<128x128xf32, #tpu.memory_space<vmem>>
      %dma_wait3A_86 = arith.constant 0 : i32
      %dma_wait3A_87 = tpu.memref_slice %arg5[%arg0, %add3A_64, %dma_wait3A_86] : memref<2x10240x128xf32, #tpu.memory_space<hbm>> -> memref<1x128x128xf32, #tpu.memory_space<hbm>>
      %dma_wait3A_88 = tpu.memref_squeeze %dma_wait3A_87 : memref<1x128x128xf32, #tpu.memory_space<hbm>> -> memref<128x128xf32, #tpu.memory_space<hbm>>
      %dma_wait3A_89 = arith.constant 0 : i32
      %dma_wait3A_90 = tpu.memref_slice %arg5[%arg0, %add3A_64, %dma_wait3A_89] : memref<2x10240x128xf32, #tpu.memory_space<hbm>> -> memref<1x128x128xf32, #tpu.memory_space<hbm>>
      %dma_wait3A_91 = tpu.memref_squeeze %dma_wait3A_90 : memref<1x128x128xf32, #tpu.memory_space<hbm>> -> memref<128x128xf32, #tpu.memory_space<hbm>>
      %dma_wait3A_92 = arith.constant 0 : i32
      %dma_wait3A_93 = arith.constant 0 : i32
      %dma_wait3A_94 = tpu.memref_slice %arg8[%dma_wait3A_92, %dma_wait3A_93] : memref<128x128xf32, #tpu.memory_space<vmem>> -> memref<128x128xf32, #tpu.memory_space<vmem>>
      tpu.wait_dma2 semaphore(%run_scoped3A : memref<!tpu.dma_semaphore, #tpu.memory_space<semaphore_mem>>) src(%dma_wait3A_94 : memref<128x128xf32, #tpu.memory_space<vmem>>) dst(%dma_wait3A_91 : memref<128x128xf32, #tpu.memory_space<hbm>>)
      tpu.yield
    }) : () -> ()
    %mul3A_65 = arith.constant 640 : i32
    %mul3A_66 = arith.muli %arg1, %mul3A_65 : i32
    %add3A_67 = arith.constant 512 : i32
    %add3A_68 = arith.addi %mul3A_66, %add3A_67 : i32
    "tpu.region"() ({
      %run_scoped3A = tpu.sem_alloc : memref<!tpu.dma_semaphore, #tpu.memory_space<semaphore_mem>>
      %dma_start3A = arith.constant 0 : i32
      %dma_start3A_73 = arith.constant 0 : i32
      %dma_start3A_74 = tpu.memref_slice %arg8[%dma_start3A, %dma_start3A_73] : memref<128x128xf32, #tpu.memory_space<vmem>> -> memref<128x128xf32, #tpu.memory_space<vmem>>
      %dma_start3A_75 = arith.constant 0 : i32
      %dma_start3A_76 = tpu.memref_slice %arg10[%add3A_68, %dma_start3A_75] : memref<10240x128xf32, #tpu.memory_space<vmem_shared>> -> memref<128x128xf32, #tpu.memory_space<vmem_shared>>
      %dma_start3A_77 = arith.constant 0 : i32
      %dma_start3A_78 = arith.constant 0 : i32
      %dma_start3A_79 = tpu.memref_slice %arg8[%dma_start3A_77, %dma_start3A_78] : memref<128x128xf32, #tpu.memory_space<vmem>> -> memref<128x128xf32, #tpu.memory_space<vmem>>
      %dma_start3A_80 = arith.constant 0 : i32
      %dma_start3A_81 = tpu.memref_slice %arg10[%add3A_68, %dma_start3A_80] : memref<10240x128xf32, #tpu.memory_space<vmem_shared>> -> memref<128x128xf32, #tpu.memory_space<vmem_shared>>
      tpu.enqueue_dma source(%dma_start3A_81 : memref<128x128xf32, #tpu.memory_space<vmem_shared>>) target(%dma_start3A_79 : memref<128x128xf32, #tpu.memory_space<vmem>>) target_semaphore(%run_scoped3A : memref<!tpu.dma_semaphore, #tpu.memory_space<semaphore_mem>>)
      %dma_wait3A = arith.constant 0 : i32
      %dma_wait3A_82 = arith.constant 0 : i32
      %dma_wait3A_83 = tpu.memref_slice %arg8[%dma_wait3A, %dma_wait3A_82] : memref<128x128xf32, #tpu.memory_space<vmem>> -> memref<128x128xf32, #tpu.memory_space<vmem>>
      %dma_wait3A_84 = arith.constant 0 : i32
      %dma_wait3A_85 = tpu.memref_slice %arg10[%add3A_68, %dma_wait3A_84] : memref<10240x128xf32, #tpu.memory_space<vmem_shared>> -> memref<128x128xf32, #tpu.memory_space<vmem_shared>>
      %dma_wait3A_86 = arith.constant 0 : i32
      %dma_wait3A_87 = arith.constant 0 : i32
      %dma_wait3A_88 = tpu.memref_slice %arg8[%dma_wait3A_86, %dma_wait3A_87] : memref<128x128xf32, #tpu.memory_space<vmem>> -> memref<128x128xf32, #tpu.memory_space<vmem>>
      %dma_wait3A_89 = arith.constant 0 : i32
      %dma_wait3A_90 = tpu.memref_slice %arg10[%add3A_68, %dma_wait3A_89] : memref<10240x128xf32, #tpu.memory_space<vmem_shared>> -> memref<128x128xf32, #tpu.memory_space<vmem_shared>>
      tpu.wait_dma2 semaphore(%run_scoped3A : memref<!tpu.dma_semaphore, #tpu.memory_space<semaphore_mem>>) src(%dma_wait3A_90 : memref<128x128xf32, #tpu.memory_space<vmem_shared>>) dst(%dma_wait3A_88 : memref<128x128xf32, #tpu.memory_space<vmem>>)
      tpu.yield
    }) : () -> ()
    %mul3A_69 = arith.constant 640 : i32
    %mul3A_70 = arith.muli %arg1, %mul3A_69 : i32
    %add3A_71 = arith.constant 512 : i32
    %add3A_72 = arith.addi %mul3A_70, %add3A_71 : i32
    "tpu.region"() ({
      %run_scoped3A = tpu.sem_alloc : memref<!tpu.dma_semaphore, #tpu.memory_space<semaphore_mem>>
      %dma_start3A = arith.constant 0 : i32
      %dma_start3A_73 = arith.constant 0 : i32
      %dma_start3A_74 = tpu.memref_slice %arg8[%dma_start3A, %dma_start3A_73] : memref<128x128xf32, #tpu.memory_space<vmem>> -> memref<128x128xf32, #tpu.memory_space<vmem>>
      %dma_start3A_75 = arith.constant 0 : i32
      %dma_start3A_76 = tpu.memref_slice %arg5[%arg0, %add3A_72, %dma_start3A_75] : memref<2x10240x128xf32, #tpu.memory_space<hbm>> -> memref<1x128x128xf32, #tpu.memory_space<hbm>>
      %dma_start3A_77 = tpu.memref_squeeze %dma_start3A_76 : memref<1x128x128xf32, #tpu.memory_space<hbm>> -> memref<128x128xf32, #tpu.memory_space<hbm>>
      %dma_start3A_78 = arith.constant 0 : i32
      %dma_start3A_79 = tpu.memref_slice %arg5[%arg0, %add3A_72, %dma_start3A_78] : memref<2x10240x128xf32, #tpu.memory_space<hbm>> -> memref<1x128x128xf32, #tpu.memory_space<hbm>>
      %dma_start3A_80 = tpu.memref_squeeze %dma_start3A_79 : memref<1x128x128xf32, #tpu.memory_space<hbm>> -> memref<128x128xf32, #tpu.memory_space<hbm>>
      %dma_start3A_81 = arith.constant 0 : i32
      %dma_start3A_82 = arith.constant 0 : i32
      %dma_start3A_83 = tpu.memref_slice %arg8[%dma_start3A_81, %dma_start3A_82] : memref<128x128xf32, #tpu.memory_space<vmem>> -> memref<128x128xf32, #tpu.memory_space<vmem>>
      tpu.enqueue_dma source(%dma_start3A_83 : memref<128x128xf32, #tpu.memory_space<vmem>>) target(%dma_start3A_80 : memref<128x128xf32, #tpu.memory_space<hbm>>) target_semaphore(%run_scoped3A : memref<!tpu.dma_semaphore, #tpu.memory_space<semaphore_mem>>)
      %dma_wait3A = arith.constant 0 : i32
      %dma_wait3A_84 = arith.constant 0 : i32
      %dma_wait3A_85 = tpu.memref_slice %arg8[%dma_wait3A, %dma_wait3A_84] : memref<128x128xf32, #tpu.memory_space<vmem>> -> memref<128x128xf32, #tpu.memory_space<vmem>>
      %dma_wait3A_86 = arith.constant 0 : i32
      %dma_wait3A_87 = tpu.memref_slice %arg5[%arg0, %add3A_72, %dma_wait3A_86] : memref<2x10240x128xf32, #tpu.memory_space<hbm>> -> memref<1x128x128xf32, #tpu.memory_space<hbm>>
      %dma_wait3A_88 = tpu.memref_squeeze %dma_wait3A_87 : memref<1x128x128xf32, #tpu.memory_space<hbm>> -> memref<128x128xf32, #tpu.memory_space<hbm>>
      %dma_wait3A_89 = arith.constant 0 : i32
      %dma_wait3A_90 = tpu.memref_slice %arg5[%arg0, %add3A_72, %dma_wait3A_89] : memref<2x10240x128xf32, #tpu.memory_space<hbm>> -> memref<1x128x128xf32, #tpu.memory_space<hbm>>
      %dma_wait3A_91 = tpu.memref_squeeze %dma_wait3A_90 : memref<1x128x128xf32, #tpu.memory_space<hbm>> -> memref<128x128xf32, #tpu.memory_space<hbm>>
      %dma_wait3A_92 = arith.constant 0 : i32
      %dma_wait3A_93 = arith.constant 0 : i32
      %dma_wait3A_94 = tpu.memref_slice %arg8[%dma_wait3A_92, %dma_wait3A_93] : memref<128x128xf32, #tpu.memory_space<vmem>> -> memref<128x128xf32, #tpu.memory_space<vmem>>
      tpu.wait_dma2 semaphore(%run_scoped3A : memref<!tpu.dma_semaphore, #tpu.memory_space<semaphore_mem>>) src(%dma_wait3A_94 : memref<128x128xf32, #tpu.memory_space<vmem>>) dst(%dma_wait3A_91 : memref<128x128xf32, #tpu.memory_space<hbm>>)
      tpu.yield
    }) : () -> ()
    return
  }
}

module attributes {stable_mosaic.version = 14 : i64} {
  func.func @_init_body(%arg0: i32, %arg1: memref<512x128xf32, #tpu.memory_space<vmem>>, %arg2: memref<128x128xf32, #tpu.memory_space<vmem>>, %arg3: memref<1x128xf32, #tpu.memory_space<vmem>>, %arg4: memref<512x128xf32, #tpu.memory_space<vmem>>) attributes {dimension_semantics = [#tpu.dimension_semantics<arbitrary>], iteration_bounds = array<i64: 20>, scalar_prefetch = 0 : i64, scratch_operands = 0 : i64, tpu.core_type = #tpu.core_type<tc>, window_params = [{transform_indices = @transform_0, window_bounds = array<i64: 512, 128>}, {pipeline_mode = #tpu.pipeline_mode<synchronous>, transform_indices = @transform_1, window_bounds = array<i64: 128, 128>}, {pipeline_mode = #tpu.pipeline_mode<synchronous>, transform_indices = @transform_2, window_bounds = array<i64: 1, 128>}, {transform_indices = @transform_3, window_bounds = array<i64: 512, 128>}]} {
    %get3A = arith.constant 0 : index
    %get3A_0 = arith.constant 0 : index
    %get3A_1 = vector.load %arg1[%get3A, %get3A_0] : memref<512x128xf32, #tpu.memory_space<vmem>>, vector<512x128xf32>
    %get3A_2 = arith.constant 0 : index
    %get3A_3 = arith.constant 0 : index
    %get3A_4 = vector.load %arg2[%get3A_2, %get3A_3] : memref<128x128xf32, #tpu.memory_space<vmem>>, vector<128x128xf32>
    %dot_general3A = arith.constant dense<0.000000e+00> : vector<512x128xf32>
    %dot_general3A_5 = tpu.matmul %get3A_1, %get3A_4, %dot_general3A {dimension_numbers = #tpu.dot_dimension_numbers<[1], [0], [0], [1], [0, 0, 1, 1], [], []>, transpose_lhs_hint = false} : vector<512x128xf32>, vector<128x128xf32>, vector<512x128xf32> -> vector<512x128xf32>
    %get3A_6 = arith.constant 0 : index
    %get3A_7 = arith.constant 0 : index
    %get3A_8 = vector.load %arg3[%get3A_6, %get3A_7] : memref<1x128xf32, #tpu.memory_space<vmem>>, vector<1x128xf32>
    %add3A = vector.broadcast %get3A_8 : vector<1x128xf32> to vector<512x128xf32>
    %add3A_9 = arith.addf %dot_general3A_5, %add3A : vector<512x128xf32>
    %max3A = arith.constant 0.000000e+00 : f32
    %max3A_10 = vector.broadcast %max3A : f32 to vector<512x128xf32>
    %max3A_11 = arith.maximumf %add3A_9, %max3A_10 : vector<512x128xf32>
    %swap3A = arith.constant 0 : index
    %swap3A_12 = arith.constant 0 : index
    %swap3A_13 = vector.load %arg4[%swap3A, %swap3A_12] : memref<512x128xf32, #tpu.memory_space<vmem>>, vector<512x128xf32>
    tpu.vector_store %arg4[%swap3A, %swap3A_12], %max3A_11 {strides = array<i32>} : memref<512x128xf32, #tpu.memory_space<vmem>>, vector<512x128xf32>,
    return
  }
  func.func @transform_0(%arg0: i32) -> (i32, i32) {
    %c0_i32 = arith.constant 0 : i32
    %c0_i32_0 = arith.constant 0 : i32
    return %arg0, %c0_i32 : i32, i32
  }
  func.func @transform_1(%arg0: i32) -> (i32, i32) {
    %c0_i32 = arith.constant 0 : i32
    %c0_i32_0 = arith.constant 0 : i32
    %c0_i32_1 = arith.constant 0 : i32
    return %c0_i32, %c0_i32_0 : i32, i32
  }
  func.func @transform_2(%arg0: i32) -> (i32, i32) {
    %c0_i32 = arith.constant 0 : i32
    %c0_i32_0 = arith.constant 0 : i32
    %c0_i32_1 = arith.constant 0 : i32
    return %c0_i32, %c0_i32_0 : i32, i32
  }
  func.func @transform_3(%arg0: i32) -> (i32, i32) {
    %c0_i32 = arith.constant 0 : i32
    %c0_i32_0 = arith.constant 0 : i32
    return %arg0, %c0_i32 : i32, i32
  }
}

module attributes {stable_mosaic.version = 14 : i64} {
  func.func @_combine_body(%arg0: i32, %arg1: memref<2x512x128xf32, #tpu.memory_space<vmem>>, %arg2: memref<2x512x128xf32, #tpu.memory_space<vmem>>, %arg3: memref<512x1xf32, #tpu.memory_space<vmem>>, %arg4: memref<512x128xf32, #tpu.memory_space<vmem>>) attributes {dimension_semantics = [#tpu.dimension_semantics<arbitrary>], iteration_bounds = array<i64: 10>, scalar_prefetch = 0 : i64, scratch_operands = 0 : i64, tpu.core_type = #tpu.core_type<tc>, window_params = [{transform_indices = @transform_0, window_bounds = array<i64: 2, 512, 128>}, {transform_indices = @transform_1, window_bounds = array<i64: 2, 512, 128>}, {transform_indices = @transform_2, window_bounds = array<i64: 512, 1>}, {transform_indices = @transform_3, window_bounds = array<i64: 512, 128>}]} {
    %get3A = arith.constant 0 : index
    %get3A_0 = arith.constant 0 : index
    %get3A_1 = arith.constant 0 : index
    %get3A_2 = vector.load %arg1[%get3A, %get3A_0, %get3A_1] : memref<2x512x128xf32, #tpu.memory_space<vmem>>, vector<1x512x128xf32>
    %get3A_3 = vector.shape_cast %get3A_2 : vector<1x512x128xf32> to vector<512x128xf32>
    %get3A_4 = arith.constant 1 : index
    %get3A_5 = arith.constant 0 : index
    %get3A_6 = arith.constant 0 : index
    %get3A_7 = vector.load %arg1[%get3A_4, %get3A_5, %get3A_6] : memref<2x512x128xf32, #tpu.memory_space<vmem>>, vector<1x512x128xf32>
    %get3A_8 = vector.shape_cast %get3A_7 : vector<1x512x128xf32> to vector<512x128xf32>
    %add3A = arith.addf %get3A_3, %get3A_8 : vector<512x128xf32>
    %get3A_9 = arith.constant 0 : index
    %get3A_10 = arith.constant 0 : index
    %get3A_11 = arith.constant 0 : index
    %get3A_12 = vector.load %arg2[%get3A_9, %get3A_10, %get3A_11] : memref<2x512x128xf32, #tpu.memory_space<vmem>>, vector<1x512x1xf32>
    %get3A_13 = vector.shape_cast %get3A_12 : vector<1x512x1xf32> to vector<512x1xf32>
    %get3A_14 = arith.constant 1 : index
    %get3A_15 = arith.constant 0 : index
    %get3A_16 = arith.constant 0 : index
    %get3A_17 = vector.load %arg2[%get3A_14, %get3A_15, %get3A_16] : memref<2x512x128xf32, #tpu.memory_space<vmem>>, vector<1x512x1xf32>
    %get3A_18 = vector.shape_cast %get3A_17 : vector<1x512x1xf32> to vector<512x1xf32>
    %add3A_19 = arith.addf %get3A_13, %get3A_18 : vector<512x1xf32>
    %get3A_20 = arith.constant 0 : index
    %get3A_21 = arith.constant 0 : index
    %get3A_22 = vector.load %arg3[%get3A_20, %get3A_21] : memref<512x1xf32, #tpu.memory_space<vmem>>, vector<512x1xf32>
    %max3A = arith.constant 1.000000e+00 : f32
    %max3A_23 = vector.broadcast %max3A : f32 to vector<512x1xf32>
    %max3A_24 = arith.maximumf %add3A_19, %max3A_23 : vector<512x1xf32>
    %div3A = arith.divf %get3A_22, %max3A_24 : vector<512x1xf32>
    %mul3A = vector.broadcast %div3A : vector<512x1xf32> to vector<512x128xf32>
    %mul3A_25 = arith.mulf %add3A, %mul3A : vector<512x128xf32>
    %swap3A = arith.constant 0 : index
    %swap3A_26 = arith.constant 0 : index
    %swap3A_27 = vector.load %arg4[%swap3A, %swap3A_26] : memref<512x128xf32, #tpu.memory_space<vmem>>, vector<512x128xf32>
    tpu.vector_store %arg4[%swap3A, %swap3A_26], %mul3A_25 {strides = array<i32>} : memref<512x128xf32, #tpu.memory_space<vmem>>, vector<512x128xf32>,
    return
  }
  func.func @transform_0(%arg0: i32) -> (i32, i32, i32) {
    %c0_i32 = arith.constant 0 : i32
    %c0_i32_0 = arith.constant 0 : i32
    %c0_i32_1 = arith.constant 0 : i32
    return %c0_i32, %arg0, %c0_i32_0 : i32, i32, i32
  }
  func.func @transform_1(%arg0: i32) -> (i32, i32, i32) {
    %c0_i32 = arith.constant 0 : i32
    %c0_i32_0 = arith.constant 0 : i32
    %c0_i32_1 = arith.constant 0 : i32
    return %c0_i32, %arg0, %c0_i32_0 : i32, i32, i32
  }
  func.func @transform_2(%arg0: i32) -> (i32, i32) {
    %c0_i32 = arith.constant 0 : i32
    %c0_i32_0 = arith.constant 0 : i32
    return %arg0, %c0_i32 : i32, i32
  }
  func.func @transform_3(%arg0: i32) -> (i32, i32) {
    %c0_i32 = arith.constant 0 : i32
    %c0_i32_0 = arith.constant 0 : i32
    return %arg0, %c0_i32 : i32, i32
  }
}

module attributes {stable_mosaic.version = 14 : i64} {
  func.func @_update_body(%arg0: i32, %arg1: memref<2x512x128xf32, #tpu.memory_space<vmem>>, %arg2: memref<512x128xf32, #tpu.memory_space<vmem>>, %arg3: memref<512x1xf32, #tpu.memory_space<vmem>>, %arg4: memref<128x128xf32, #tpu.memory_space<vmem>>, %arg5: memref<512x128xf32, #tpu.memory_space<vmem>>) attributes {dimension_semantics = [#tpu.dimension_semantics<arbitrary>], iteration_bounds = array<i64: 20>, scalar_prefetch = 0 : i64, scratch_operands = 0 : i64, tpu.core_type = #tpu.core_type<tc>, window_params = [{transform_indices = @transform_0, window_bounds = array<i64: 2, 512, 128>}, {transform_indices = @transform_1, window_bounds = array<i64: 512, 128>}, {transform_indices = @transform_2, window_bounds = array<i64: 512, 1>}, {pipeline_mode = #tpu.pipeline_mode<synchronous>, transform_indices = @transform_3, window_bounds = array<i64: 128, 128>}, {transform_indices = @transform_4, window_bounds = array<i64: 512, 128>}]} {
    %get3A = arith.constant 0 : index
    %get3A_0 = arith.constant 0 : index
    %get3A_1 = arith.constant 0 : index
    %get3A_2 = vector.load %arg1[%get3A, %get3A_0, %get3A_1] : memref<2x512x128xf32, #tpu.memory_space<vmem>>, vector<1x512x128xf32>
    %get3A_3 = vector.shape_cast %get3A_2 : vector<1x512x128xf32> to vector<512x128xf32>
    %get3A_4 = arith.constant 1 : index
    %get3A_5 = arith.constant 0 : index
    %get3A_6 = arith.constant 0 : index
    %get3A_7 = vector.load %arg1[%get3A_4, %get3A_5, %get3A_6] : memref<2x512x128xf32, #tpu.memory_space<vmem>>, vector<1x512x128xf32>
    %get3A_8 = vector.shape_cast %get3A_7 : vector<1x512x128xf32> to vector<512x128xf32>
    %add3A = arith.addf %get3A_3, %get3A_8 : vector<512x128xf32>
    %get3A_9 = arith.constant 0 : index
    %get3A_10 = arith.constant 0 : index
    %get3A_11 = vector.load %arg3[%get3A_9, %get3A_10] : memref<512x1xf32, #tpu.memory_space<vmem>>, vector<512x1xf32>
    %mul3A = vector.broadcast %get3A_11 : vector<512x1xf32> to vector<512x128xf32>
    %mul3A_12 = arith.mulf %add3A, %mul3A : vector<512x128xf32>
    %mul3A_13 = arith.constant 0.899999976 : f32
    %mul3A_14 = vector.broadcast %mul3A_13 : f32 to vector<512x128xf32>
    %mul3A_15 = arith.mulf %mul3A_14, %mul3A_12 : vector<512x128xf32>
    %get3A_16 = arith.constant 0 : index
    %get3A_17 = arith.constant 0 : index
    %get3A_18 = vector.load %arg2[%get3A_16, %get3A_17] : memref<512x128xf32, #tpu.memory_space<vmem>>, vector<512x128xf32>
    %mul3A_19 = arith.constant 1.000000e-01 : f32
    %mul3A_20 = vector.broadcast %mul3A_19 : f32 to vector<512x128xf32>
    %mul3A_21 = arith.mulf %mul3A_20, %get3A_18 : vector<512x128xf32>
    %add3A_22 = arith.addf %mul3A_15, %mul3A_21 : vector<512x128xf32>
    %mul3A_23 = arith.constant 0.594534874 : f32
    %mul3A_24 = vector.broadcast %mul3A_23 : f32 to vector<512x128xf32>
    %mul3A_25 = arith.mulf %mul3A_24, %add3A_22 : vector<512x128xf32>
    %get3A_26 = arith.constant 0 : index
    %get3A_27 = arith.constant 0 : index
    %get3A_28 = vector.load %arg4[%get3A_26, %get3A_27] : memref<128x128xf32, #tpu.memory_space<vmem>>, vector<128x128xf32>
    %dot_general3A = arith.constant dense<0.000000e+00> : vector<512x128xf32>
    %dot_general3A_29 = tpu.matmul %add3A_22, %get3A_28, %dot_general3A {dimension_numbers = #tpu.dot_dimension_numbers<[1], [0], [0], [1], [0, 0, 1, 1], [], []>, transpose_lhs_hint = false} : vector<512x128xf32>, vector<128x128xf32>, vector<512x128xf32> -> vector<512x128xf32>
    %mul3A_30 = arith.constant 0.405465096 : f32
    %mul3A_31 = vector.broadcast %mul3A_30 : f32 to vector<512x128xf32>
    %mul3A_32 = arith.mulf %mul3A_31, %dot_general3A_29 : vector<512x128xf32>
    %add3A_33 = arith.addf %mul3A_25, %mul3A_32 : vector<512x128xf32>
    %max3A = arith.constant 0.000000e+00 : f32
    %max3A_34 = vector.broadcast %max3A : f32 to vector<512x128xf32>
    %max3A_35 = arith.maximumf %add3A_33, %max3A_34 : vector<512x128xf32>
    %swap3A = arith.constant 0 : index
    %swap3A_36 = arith.constant 0 : index
    %swap3A_37 = vector.load %arg5[%swap3A, %swap3A_36] : memref<512x128xf32, #tpu.memory_space<vmem>>, vector<512x128xf32>
    tpu.vector_store %arg5[%swap3A, %swap3A_36], %max3A_35 {strides = array<i32>} : memref<512x128xf32, #tpu.memory_space<vmem>>, vector<512x128xf32>,
    return
  }
  func.func @transform_0(%arg0: i32) -> (i32, i32, i32) {
    %c0_i32 = arith.constant 0 : i32
    %c0_i32_0 = arith.constant 0 : i32
    %c0_i32_1 = arith.constant 0 : i32
    return %c0_i32, %arg0, %c0_i32_0 : i32, i32, i32
  }
  func.func @transform_1(%arg0: i32) -> (i32, i32) {
    %c0_i32 = arith.constant 0 : i32
    %c0_i32_0 = arith.constant 0 : i32
    return %arg0, %c0_i32 : i32, i32
  }
  func.func @transform_2(%arg0: i32) -> (i32, i32) {
    %c0_i32 = arith.constant 0 : i32
    %c0_i32_0 = arith.constant 0 : i32
    return %arg0, %c0_i32 : i32, i32
  }
  func.func @transform_3(%arg0: i32) -> (i32, i32) {
    %c0_i32 = arith.constant 0 : i32
    %c0_i32_0 = arith.constant 0 : i32
    %c0_i32_1 = arith.constant 0 : i32
    return %c0_i32, %c0_i32_0 : i32, i32
  }
  func.func @transform_4(%arg0: i32) -> (i32, i32) {
    %c0_i32 = arith.constant 0 : i32
    %c0_i32_0 = arith.constant 0 : i32
    return %arg0, %c0_i32 : i32, i32
  }
}

module attributes {stable_mosaic.version = 14 : i64} {
  func.func @_update_body(%arg0: i32, %arg1: memref<2x512x128xf32, #tpu.memory_space<vmem>>, %arg2: memref<512x128xf32, #tpu.memory_space<vmem>>, %arg3: memref<512x1xf32, #tpu.memory_space<vmem>>, %arg4: memref<128x128xf32, #tpu.memory_space<vmem>>, %arg5: memref<512x128xf32, #tpu.memory_space<vmem>>) attributes {dimension_semantics = [#tpu.dimension_semantics<arbitrary>], iteration_bounds = array<i64: 20>, scalar_prefetch = 0 : i64, scratch_operands = 0 : i64, tpu.core_type = #tpu.core_type<tc>, window_params = [{transform_indices = @transform_0, window_bounds = array<i64: 2, 512, 128>}, {transform_indices = @transform_1, window_bounds = array<i64: 512, 128>}, {transform_indices = @transform_2, window_bounds = array<i64: 512, 1>}, {pipeline_mode = #tpu.pipeline_mode<synchronous>, transform_indices = @transform_3, window_bounds = array<i64: 128, 128>}, {transform_indices = @transform_4, window_bounds = array<i64: 512, 128>}]} {
    %get3A = arith.constant 0 : index
    %get3A_0 = arith.constant 0 : index
    %get3A_1 = arith.constant 0 : index
    %get3A_2 = vector.load %arg1[%get3A, %get3A_0, %get3A_1] : memref<2x512x128xf32, #tpu.memory_space<vmem>>, vector<1x512x128xf32>
    %get3A_3 = vector.shape_cast %get3A_2 : vector<1x512x128xf32> to vector<512x128xf32>
    %get3A_4 = arith.constant 1 : index
    %get3A_5 = arith.constant 0 : index
    %get3A_6 = arith.constant 0 : index
    %get3A_7 = vector.load %arg1[%get3A_4, %get3A_5, %get3A_6] : memref<2x512x128xf32, #tpu.memory_space<vmem>>, vector<1x512x128xf32>
    %get3A_8 = vector.shape_cast %get3A_7 : vector<1x512x128xf32> to vector<512x128xf32>
    %add3A = arith.addf %get3A_3, %get3A_8 : vector<512x128xf32>
    %get3A_9 = arith.constant 0 : index
    %get3A_10 = arith.constant 0 : index
    %get3A_11 = vector.load %arg3[%get3A_9, %get3A_10] : memref<512x1xf32, #tpu.memory_space<vmem>>, vector<512x1xf32>
    %mul3A = vector.broadcast %get3A_11 : vector<512x1xf32> to vector<512x128xf32>
    %mul3A_12 = arith.mulf %add3A, %mul3A : vector<512x128xf32>
    %mul3A_13 = arith.constant 0.899999976 : f32
    %mul3A_14 = vector.broadcast %mul3A_13 : f32 to vector<512x128xf32>
    %mul3A_15 = arith.mulf %mul3A_14, %mul3A_12 : vector<512x128xf32>
    %get3A_16 = arith.constant 0 : index
    %get3A_17 = arith.constant 0 : index
    %get3A_18 = vector.load %arg2[%get3A_16, %get3A_17] : memref<512x128xf32, #tpu.memory_space<vmem>>, vector<512x128xf32>
    %mul3A_19 = arith.constant 1.000000e-01 : f32
    %mul3A_20 = vector.broadcast %mul3A_19 : f32 to vector<512x128xf32>
    %mul3A_21 = arith.mulf %mul3A_20, %get3A_18 : vector<512x128xf32>
    %add3A_22 = arith.addf %mul3A_15, %mul3A_21 : vector<512x128xf32>
    %mul3A_23 = arith.constant 0.776856422 : f32
    %mul3A_24 = vector.broadcast %mul3A_23 : f32 to vector<512x128xf32>
    %mul3A_25 = arith.mulf %mul3A_24, %add3A_22 : vector<512x128xf32>
    %get3A_26 = arith.constant 0 : index
    %get3A_27 = arith.constant 0 : index
    %get3A_28 = vector.load %arg4[%get3A_26, %get3A_27] : memref<128x128xf32, #tpu.memory_space<vmem>>, vector<128x128xf32>
    %dot_general3A = arith.constant dense<0.000000e+00> : vector<512x128xf32>
    %dot_general3A_29 = tpu.matmul %add3A_22, %get3A_28, %dot_general3A {dimension_numbers = #tpu.dot_dimension_numbers<[1], [0], [0], [1], [0, 0, 1, 1], [], []>, transpose_lhs_hint = false} : vector<512x128xf32>, vector<128x128xf32>, vector<512x128xf32> -> vector<512x128xf32>
    %mul3A_30 = arith.constant 0.223143548 : f32
    %mul3A_31 = vector.broadcast %mul3A_30 : f32 to vector<512x128xf32>
    %mul3A_32 = arith.mulf %mul3A_31, %dot_general3A_29 : vector<512x128xf32>
    %add3A_33 = arith.addf %mul3A_25, %mul3A_32 : vector<512x128xf32>
    %max3A = arith.constant 0.000000e+00 : f32
    %max3A_34 = vector.broadcast %max3A : f32 to vector<512x128xf32>
    %max3A_35 = arith.maximumf %add3A_33, %max3A_34 : vector<512x128xf32>
    %swap3A = arith.constant 0 : index
    %swap3A_36 = arith.constant 0 : index
    %swap3A_37 = vector.load %arg5[%swap3A, %swap3A_36] : memref<512x128xf32, #tpu.memory_space<vmem>>, vector<512x128xf32>
    tpu.vector_store %arg5[%swap3A, %swap3A_36], %max3A_35 {strides = array<i32>} : memref<512x128xf32, #tpu.memory_space<vmem>>, vector<512x128xf32>,
    return
  }
  func.func @transform_0(%arg0: i32) -> (i32, i32, i32) {
    %c0_i32 = arith.constant 0 : i32
    %c0_i32_0 = arith.constant 0 : i32
    %c0_i32_1 = arith.constant 0 : i32
    return %c0_i32, %arg0, %c0_i32_0 : i32, i32, i32
  }
  func.func @transform_1(%arg0: i32) -> (i32, i32) {
    %c0_i32 = arith.constant 0 : i32
    %c0_i32_0 = arith.constant 0 : i32
    return %arg0, %c0_i32 : i32, i32
  }
  func.func @transform_2(%arg0: i32) -> (i32, i32) {
    %c0_i32 = arith.constant 0 : i32
    %c0_i32_0 = arith.constant 0 : i32
    return %arg0, %c0_i32 : i32, i32
  }
  func.func @transform_3(%arg0: i32) -> (i32, i32) {
    %c0_i32 = arith.constant 0 : i32
    %c0_i32_0 = arith.constant 0 : i32
    %c0_i32_1 = arith.constant 0 : i32
    return %c0_i32, %c0_i32_0 : i32, i32
  }
  func.func @transform_4(%arg0: i32) -> (i32, i32) {
    %c0_i32 = arith.constant 0 : i32
    %c0_i32_0 = arith.constant 0 : i32
    return %arg0, %c0_i32 : i32, i32
  }
}

module attributes {stable_mosaic.version = 14 : i64} {
  func.func @_final_body(%arg0: i32, %arg1: memref<400x128xf32, #tpu.memory_space<vmem>>, %arg2: memref<128x40xf32, #tpu.memory_space<vmem>>, %arg3: memref<1x40xf32, #tpu.memory_space<vmem>>, %arg4: memref<400x40xf32, #tpu.memory_space<vmem>>) attributes {dimension_semantics = [#tpu.dimension_semantics<arbitrary>], iteration_bounds = array<i64: 25>, scalar_prefetch = 0 : i64, scratch_operands = 0 : i64, tpu.core_type = #tpu.core_type<tc>, window_params = [{transform_indices = @transform_0, window_bounds = array<i64: 400, 128>}, {pipeline_mode = #tpu.pipeline_mode<synchronous>, transform_indices = @transform_1, window_bounds = array<i64: 128, 40>}, {pipeline_mode = #tpu.pipeline_mode<synchronous>, transform_indices = @transform_2, window_bounds = array<i64: 1, 40>}, {transform_indices = @transform_3, window_bounds = array<i64: 400, 40>}]} {
    %get3A = arith.constant 0 : index
    %get3A_0 = arith.constant 0 : index
    %get3A_1 = vector.load %arg1[%get3A, %get3A_0] : memref<400x128xf32, #tpu.memory_space<vmem>>, vector<400x128xf32>
    %get3A_2 = arith.constant 0 : index
    %get3A_3 = arith.constant 0 : index
    %get3A_4 = vector.load %arg2[%get3A_2, %get3A_3] : memref<128x40xf32, #tpu.memory_space<vmem>>, vector<128x40xf32>
    %dot_general3A = arith.constant dense<0.000000e+00> : vector<400x40xf32>
    %dot_general3A_5 = tpu.matmul %get3A_1, %get3A_4, %dot_general3A {dimension_numbers = #tpu.dot_dimension_numbers<[1], [0], [0], [1], [0, 0, 1, 1], [], []>, transpose_lhs_hint = false} : vector<400x128xf32>, vector<128x40xf32>, vector<400x40xf32> -> vector<400x40xf32>
    %get3A_6 = arith.constant 0 : index
    %get3A_7 = arith.constant 0 : index
    %get3A_8 = vector.load %arg3[%get3A_6, %get3A_7] : memref<1x40xf32, #tpu.memory_space<vmem>>, vector<1x40xf32>
    %add3A = vector.broadcast %get3A_8 : vector<1x40xf32> to vector<400x40xf32>
    %add3A_9 = arith.addf %dot_general3A_5, %add3A : vector<400x40xf32>
    %reduce_max3A = arith.constant dense<0xFF800000> : vector<400xf32>
    %reduce_max3A_10 = vector.multi_reduction <maximumf>, %add3A_9, %reduce_max3A [1] : vector<400x40xf32> to vector<400xf32>
    %broadcast_in_dim3A = vector.shape_cast %reduce_max3A_10 : vector<400xf32> to vector<400x1xf32>
    %sub3A = vector.broadcast %broadcast_in_dim3A : vector<400x1xf32> to vector<400x40xf32>
    %sub3A_11 = arith.subf %add3A_9, %sub3A : vector<400x40xf32>
    %exp3A = math.exp %sub3A_11 : vector<400x40xf32>
    %reduce_sum3A = arith.constant dense<0.000000e+00> : vector<400xf32>
    %reduce_sum3A_12 = vector.multi_reduction <add>, %exp3A, %reduce_sum3A [1] : vector<400x40xf32> to vector<400xf32>
    %broadcast_in_dim3A_13 = vector.shape_cast %reduce_sum3A_12 : vector<400xf32> to vector<400x1xf32>
    %log3A = math.log %broadcast_in_dim3A_13 : vector<400x1xf32>
    %sub3A_14 = vector.broadcast %broadcast_in_dim3A : vector<400x1xf32> to vector<400x40xf32>
    %sub3A_15 = arith.subf %add3A_9, %sub3A_14 : vector<400x40xf32>
    %sub3A_16 = vector.broadcast %log3A : vector<400x1xf32> to vector<400x40xf32>
    %sub3A_17 = arith.subf %sub3A_15, %sub3A_16 : vector<400x40xf32>
    %swap3A = arith.constant 0 : index
    %swap3A_18 = arith.constant 0 : index
    %swap3A_19 = vector.load %arg4[%swap3A, %swap3A_18] : memref<400x40xf32, #tpu.memory_space<vmem>>, vector<400x40xf32>
    tpu.vector_store %arg4[%swap3A, %swap3A_18], %sub3A_17 {strides = array<i32>} : memref<400x40xf32, #tpu.memory_space<vmem>>, vector<400x40xf32>,
    return
  }
  func.func @transform_0(%arg0: i32) -> (i32, i32) {
    %c0_i32 = arith.constant 0 : i32
    %c0_i32_0 = arith.constant 0 : i32
    return %arg0, %c0_i32 : i32, i32
  }
  func.func @transform_1(%arg0: i32) -> (i32, i32) {
    %c0_i32 = arith.constant 0 : i32
    %c0_i32_0 = arith.constant 0 : i32
    %c0_i32_1 = arith.constant 0 : i32
    return %c0_i32, %c0_i32_0 : i32, i32
  }
  func.func @transform_2(%arg0: i32) -> (i32, i32) {
    %c0_i32 = arith.constant 0 : i32
    %c0_i32_0 = arith.constant 0 : i32
    %c0_i32_1 = arith.constant 0 : i32
    return %c0_i32, %c0_i32_0 : i32, i32
  }
  func.func @transform_3(%arg0: i32) -> (i32, i32) {
    %c0_i32 = arith.constant 0 : i32
    %c0_i32_0 = arith.constant 0 : i32
    return %arg0, %c0_i32 : i32, i32
  }
}

</mosaic_0001>

<sc_bundles>
// kernel: kernel.13.cloned.1.call-start
scs
__scs_entry_jumppad:
0x0: {  	(pc) =	sbr.rel $0x88, $3  }
0x1: {  	(tag) =	ssettag $0x0;
	lr =	simm.s32 $0x1  }
0x2: {  	[smem:$0x3F97] =	sst lr;
	_ =	strace $0xD0000000  }
0x3: {  	_ = 	snop  }
0x4: {  	_ = 	snop  }
0x5: {  	_ = 	snop  }
0x6: {  	_ = 	snop  }
0x7: {  	_ = 	snop  }
__scs_overlays_trampoline_lowered:
0x8: {  	[smem:$0x3FA6] =	sst s0  }
0x9: {  	[smem:$0x3FA7] =	sst s1  }
0xa: {  	[smem:$0x3FA8] =	sst s2  }
0xb: {  	[smem:$0x3FA9] =	sst s3  }
0xc: {  	[smem:$0x3FAA] =	sst s4  }
0xd: {  	[smem:$0x3FAB] =	sst s5  }
0xe: {  	[smem:$0x3FAC] =	sst s6  }
0xf: {  	[smem:$0x3FAD] =	sst s7  }
0x10: {  	[smem:$0x3FAE] =	sst s8  }
0x11: {  	[smem:$0x3FAF] =	sst s9;
	s0 =	simm.s32 @!p0 $0x0  }
0x12: {  	s1 =	sld [smem:$0x3F95];
	s0 =	simm.s32 @p0 $0x1  }
0x13: {  	[smem:$0x3FB0] =	sst s0;
	s0 =	simm.s32 @!p1 $0x0  }
0x14: {  	s2 =	sld [smem:$0x3F94];
	s0 =	simm.s32 @p1 $0x1  }
0x15: {  	[smem:$0x3FB1] =	sst s0;
	s0 =	simm.s32 @!p2 $0x0  }
0x16: {  	s3 =	sld [smem:$0x3FDB];
	s0 =	simm.s32 @p2 $0x1  }
0x17: {  	s4 =	simm.s32 $0x1BF5;
	[smem:$0x3FB3] =	sst s0  }
0x18: {  	s0 =	sld [smem:$0x3F96];
	_ =	swait.ge [sflag:s4], $0x0  }
0x19: {  	s7 =	sld [smem:$0x3F97]  }
0x1a: {  	s8 =	sadd.s32 $0xFFFFE003, lr  }
0x1b: {  	s9 =	sadd.s32 $0xFFFFFEF7, lr;
	s5 =	simm.s32 $0xFFFFFFFF;
	p2 =	slt.u32 s8, $0xFFFFF086  }
0x1c: {  	p1 =	slt.u32 s9, $0xF7A;
	s5 =	simm.s32 @!p2 $0x0  }
0x1d: {  	s5 =	simm.s32 @p1 $0x1;
	p0 =	seq.s32 s7, s2  }
0x1e: {  	s7 =	smul.u32 @!p0 $0xF7A, s2;
	p2 =	seq.s32 @!p0 s5, $0x0  }
0x1f: {  	s9 =	smul.u32 $0xF7A, s1;
	s8 =	simm.s32 @!p0 $0x1BF5;
	p2 =	por !p2, p0  }
0x20: {  	[sflag:s8] =	ssyncset.s32 @!p0 $0xFFFFF086;
	s6 =	sadd.s32 @!p0 s3, s7;
	s7 =	simm.s32 @!p0 $0x108  }
0x21: {  	s3 =	sadd.s32 s3, s9;
	s6 =	sadd.s32 @!p0 $0x88, s6;
	s7 =	simm.s32 @p2 $0x1082  }
0x22: {  	[simem:s7], [sflag:s8] =	dma.local @!p0 [hbm:s6], $0xF7A  }
0x23: {  	s9 =	sor.u32 $0xD0000000, s2;
	s6 =	simm.s32 $0x108;
	_ =	swait.ge @!p0 [sflag:s8], $0x0  }
0x24: {  	s3 =	sadd.s32 $0x88, s3;
	s6 =	simm.s32 @!p1 $0x1082;
	[sflag:s4] =	ssyncset.s32 $0xFFFFF086  }
0x25: {  	[simem:s6], [sflag:s4] =	dma.local [hbm:s3], $0xF7A  }
0x26: {  	[smem:$0x3F97] =	sst s1;
	(tag) =	ssettag s2;
	_ =	strace s9  }
0x27: {  	s1 =	sld [smem:$0x3FA7]  }
0x28: {  	s2 =	sld [smem:$0x3FA8]  }
0x29: {  	s4 =	sld [smem:$0x3FAA]  }
0x2a: {  	p0 =	seq.s32 s5, $0x0;
	s5 =	sld [smem:$0x3FAB]  }
0x2b: {  	s6 =	sld [smem:$0x3FAC]  }
0x2c: {  	s7 =	sld [smem:$0x3FAD]  }
0x2d: {  	s3 =	simm.s32 $0x108;
	s8 =	sld [smem:$0x3FAE]  }
0x2e: {  	s3 =	simm.s32 @!p0 $0x1082;
	s9 =	sld [smem:$0x3FAF]  }
0x2f: {  	lr =	sadd.s32 s0, s3;
	s0 =	sld [smem:$0x3FA6]  }
0x30: {  	s3 =	sld [smem:$0x3FA9]  }
0x31: {  	[smem:$0x3FB2] =	sst s10  }
0x32: {  	s10 =	sld [smem:$0x3FB0];
	_ =	sdelay $0x3  }
0x33: {  	p0 =	seq.s32 s10, $0x1;
	s10 =	sld [smem:$0x3FB2];
	_ =	sdelay $0x3  }
0x34: {  	[smem:$0x3FB2] =	sst s10  }
0x35: {  	s10 =	sld [smem:$0x3FB1];
	_ =	sdelay $0x3  }
0x36: {  	p1 =	seq.s32 s10, $0x1;
	s10 =	sld [smem:$0x3FB2];
	_ =	sdelay $0x3  }
0x37: {  	[smem:$0x3FB2] =	sst s10  }
0x38: {  	s10 =	sld [smem:$0x3FB3]  }
0x39: {  	_ = 	snop;
	(pc) =	sbr.ind lr, $3  }
0x3a: {  	_ = 	snop  }
0x3b: {  	_ = 	snop  }
0x3c: {  	p2 =	seq.s32 s10, $0x1;
	s10 =	sld [smem:$0x3FB2]  }
0x3d: {  	_ =	shalt  }
0x3e: {  	_ =	shalt  }
0x3f: {  	_ =	shalt  }
0x40: {  	_ =	shalt  }
0x41: {  	_ =	shalt  }
0x42: {  	_ =	shalt  }
0x43: {  	_ =	shalt  }
0x44: {  	_ =	shalt  }
0x45: {  	_ =	shalt  }
0x46: {  	_ =	shalt  }
0x47: {  	_ =	shalt  }
0x48: {  	_ =	shalt  }
0x49: {  	_ =	shalt  }
0x4a: {  	_ =	shalt  }
0x4b: {  	_ =	shalt  }
0x4c: {  	_ =	shalt  }
0x4d: {  	_ =	shalt  }
0x4e: {  	_ =	shalt  }
0x4f: {  	_ =	shalt  }
0x50: {  	_ =	shalt  }
0x51: {  	_ =	shalt  }
0x52: {  	_ =	shalt  }
0x53: {  	_ =	shalt  }
0x54: {  	_ =	shalt  }
0x55: {  	_ =	shalt  }
0x56: {  	_ =	shalt  }
0x57: {  	_ =	shalt  }
0x58: {  	_ =	shalt  }
0x59: {  	_ =	shalt  }
0x5a: {  	_ =	shalt  }
0x5b: {  	_ =	shalt  }
0x5c: {  	_ =	shalt  }
0x5d: {  	_ =	shalt  }
0x5e: {  	_ =	shalt  }
0x5f: {  	_ =	shalt  }
0x60: {  	_ =	shalt  }
0x61: {  	_ =	shalt  }
0x62: {  	_ =	shalt  }
0x63: {  	_ =	shalt  }
0x64: {  	_ =	shalt  }
0x65: {  	_ =	shalt  }
0x66: {  	_ =	shalt  }
0x67: {  	_ =	shalt  }
0x68: {  	_ =	shalt  }
0x69: {  	_ =	shalt  }
0x6a: {  	_ =	shalt  }
0x6b: {  	_ =	shalt  }
0x6c: {  	_ =	shalt  }
0x6d: {  	_ =	shalt  }
0x6e: {  	_ =	shalt  }
0x6f: {  	_ =	shalt  }
0x70: {  	_ =	shalt  }
0x71: {  	_ =	shalt  }
0x72: {  	_ =	shalt  }
0x73: {  	_ =	shalt  }
0x74: {  	_ =	shalt  }
0x75: {  	_ =	shalt  }
0x76: {  	_ =	shalt  }
0x77: {  	_ =	shalt  }
0x78: {  	_ =	shalt  }
0x79: {  	_ =	shalt  }
0x7a: {  	_ =	shalt  }
0x7b: {  	_ =	shalt  }
0x7c: {  	_ =	shalt  }
0x7d: {  	_ =	shalt  }
0x7e: {  	_ =	shalt  }
0x7f: {  	_ =	shalt  }
0x80: {  	_ =	shalt  }
0x81: {  	_ =	shalt  }
0x82: {  	_ =	shalt  }
0x83: {  	_ =	shalt  }
0x84: {  	_ =	shalt  }
0x85: {  	_ =	shalt  }
0x86: {  	_ =	shalt  }
0x87: {  	_ =	shalt  }
.Lfunc_end0:
.L_simem_size_0:
called_computation_lowered:
.L_overlay_start_0:
0x88: {  	s2 =	sld [smem:$0x3FD9]  }
0x89: {  	s3 =	sld [smem:$0x3FFE];
	_ =	sdelay $0x1  }
0x8a: {  	s1 =	srdreg.scid  }
0x8b: {  	s0 =	sand.u32 $0x1, s1  }
0x8c: {  	s17 =	sshll.u32 s0, $0xA;
	s2 =	sadd.s32 s3, s2  }
0x8d: {  	s2 =	sadd.s32 s2, s17  }
0x8e: {  	[smem:$0x3FBE] =	sst s2  }
0x8f: {  	_ = 	snop  }
0x90: {  	(tm) =	ssettm $0x1  }
0x91: {  	s18 =	sld [smem:$0x3FFB];
	_ =	sdelay $0x3  }
0x92: {  	_ =	strace s18  }
0x93: {  	s2 =	sld [smem:$0x3FFC];
	_ =	sdelay $0x3  }
0x94: {  	_ =	strace s2  }
0x95: {  	s2 =	sld [smem:$0x3FFD];
	_ =	sdelay $0x3  }
0x96: {  	_ =	strace s2  }
0x97: {  	_ =	strace $0x8FFFFFFF  }
0x98: {  	s19 =	sld [smem:$0x3FDB];
	_ =	sdelay $0x1  }
0x99: {  	s20 =	simm.s32 $_scs_section_size  }
0x9a: {  	s4 =	simm.s32 $_size__tile_overlayer_lowered;
	s5 =	simm.s32 $_tile_overlayer_lowered  }
0x9b: {  	s6 =	simm.s32 $0x1BFF;
	s21 =	sshll.u32 s5, $0x1;
	s3 =	sadd.s32 s20, s19  }
0x9c: {  	s22 =	simm.s32 $0x0;
	s4 =	sshll.u32 s4, $0x1;
	s5 =	sadd.s32 s21, s3  }
0x9d: {  	[timem:s22], [sflag:s6] =	dma.local [hbm:s5], s4  }
0x9e: {  	_ =	swait.ge [sflag:s6], s4  }
0x9f: {  	s4 =	ssub.s32 $0x0, s4;
	[sflag:s6] =	ssyncset.done $0x0  }
0xa0: {  	[sflag:s6] =	ssyncadd.s32 s4;
	_ =	sdelay $0x1  }
0xa1: {  	s23 =	simm.s32 $0x1B8B  }
0xa2: {  	_ =	swait.ge [sflag:s23], $0x1  }
0xa3: {  	[sflag:s23] =	ssyncset.done $0x0  }
0xa4: {  	[sflag:s23] =	ssyncadd.s32 $0xFFFFFFFF  }
0xa5: {  	s4 =	sld [smem:$0x0]  }
0xa6: {  	s5 =	sand.u32 $0xFFFFFFFE, s1  }
0xa7: {  	p0 =	sne.s32 s1, s5  }
0xa8: {  	s5 =	sshll.u32 @p0 s5, $0xE  }
0xa9: {  	s5 =	sadd.s32 @p0 $0x11B8D, s5;
	s6 =	sshll.u32 @p0 s4, $0x11  }
0xaa: {  	s5 =	sor.u32 @p0 s6, s5  }
0xab: {  	[sflag:s5] =	ssyncadd.remote.s32 @p0 $0x1;
	_ =	sdelay $0x1  }
0xac: {  	s5 =	simm.s32 @p0 $0x1B8D  }
0xad: {  	_ =	swait.eq @p0 [sflag:s5], $0x1  }
0xae: {  	[sflag:s5] =	ssyncadd.s32 @p0 $0xFFFFFFFF  }
0xaf: {  	s6 =	sshll.u32 @!p0 s1, $0xE  }
0xb0: {  	s6 =	sor.u32 @!p0 $0x4000, s6;
	s5 =	simm.s32 @!p0 $0x1B8D  }
0xb1: {  	s4 =	sshll.u32 @!p0 s4, $0x11;
	s6 =	sadd.s32 @!p0 $0x11B8D, s6;
	_ =	swait.eq @!p0 [sflag:s5], $0x1  }
0xb2: {  	s4 =	sor.u32 @!p0 s4, s6;
	[sflag:s5] =	ssyncadd.s32 @!p0 $0xFFFFFFFF  }
0xb3: {  	s25 =	simm.s32 $0x1B8E;
	s24 =	sld [smem:$0x3FFE];
	[sflag:s4] =	ssyncadd.remote.s32 @!p0 $0x1  }
0xb4: {  	s26 =	simm.s32 $execute0_lowered;
	[smem:$0x3FD2] =	sst s25  }
0xb5: {  	s5 =	sshll.u32 s26, $0x1;
	_ =	strace $0x80000049;
	[dreg:$0x1] =	wrdreg $0xFFFFFFFF  }
0xb6: {  	s28 =	simm.s32 $_size_execute0_lowered;
	s3 =	sadd.s32 s3, s5;
	[dreg:$0x0] =	wrdreg $0x0  }
0xb7: {  	s5 =	sshll.u32 s28, $0x1;
	[dreg:$0x2] =	wrdreg s3  }
0xb8: {  	[dreg:$0x3] =	wrdreg s5  }
0xb9: {  	[dreg:$0x4] =	wrdreg $0xC0  }
0xba: {  	_ =	task [dreg:s22], $0x5FFFF  }
0xbb: {  	[dreg:$0x1] =	wrdreg $0xFFFFFFFF  }
0xbc: {  	[dreg:$0x0] =	wrdreg $0x60  }
0xbd: {  	[dreg:$0x2] =	wrdreg s24  }
0xbe: {  	[dreg:$0x3] =	wrdreg $0x68000  }
0xbf: {  	[dreg:$0x4] =	wrdreg $0x9  }
0xc0: {  	_ =	task.clear_ibuf [dreg:s22], $0x5FFFF;
	_ =	strace $0x90000049  }
0xc1: {  	s29 =	simm.s32 $0x9;
	_ =	strace $0x8000004B  }
0xc2: {  	_ =	swait.ge [sflag:s29], $0x1  }
0xc3: {  	[sflag:s29] =	ssyncadd.s32 $0xFFFFFFFF  }
0xc4: {  	_ =	strace $0x9000004B  }
0xc5: {  	_ =	sfence  }
0xc6: {  	s30 =	sld [smem:$0x0];
	_ =	sdelay $0x2  }
0xc7: {  	s31 =	sshll.u32 s1, $0xD;
	s1 =	sshrl.u32 s1, $0x2  }
0xc8: {  	s4 =	sand.u32 $0x4000, s31;
	s1 =	sadd.s32 s1, s30  }
0xc9: {  	s0 =	sor.u32 s4, s0;
	s1 =	sshll.u32 s1, $0x11  }
0xca: {  	s0 =	sor.u32 s1, s0  }
0xcb: {  	s0 =	sadd.s32 $0x8F2B, s0  }
0xcc: {  	[sflag:s0] =	ssyncadd.remote.s32 $0x1  }
0xcd: {  	_ =	sfence.sel $0xFFFF  }
0xce: {  	[dreg:$0x0] =	wrdreg $0xFFFFFFFF;
	(pc) =	sbr.abs _section_cstart, $3  }
0xcf: {  	[dreg:$0x1] =	wrdreg $0xFFFFFFFF  }
0xd0: {  	_ =	task.clear_ibuf [dreg:s22], $0x2FFFF;
	_ =	strace $0x9FFFFFFF  }
0xd1: {  	(tm) =	ssettm $0x7FFFFFFF  }
tec
execute0_lowered:
.L_overlay_start_1:
0x0: {  	(tag) =	ssettag $0x1  }
0x1: {  	s0 =	srdreg.scid;
	s4 =	rddreg [dreg:$0x0]  }
0x2: {  	s2 =	rddreg [dreg:$0x1];
	s1 =	stileid.u32;
	s3 =	simm.s32 $0x0  }
0x3: {  	s5 =	sand.u32 $0x1, s0;
	s0 =	rddreg [dreg:$0x2];
	s8 =	smul.u32 $0x28000, s1  }
0x4: {  	s15 =	simm.s32 $0x0;
	[smem:$0x7FF] =	sst s3;
	s10 =	smul.u32 $0xA000, s1  }
0x5: {  	s11 =	sadd.s32 $0x5EC00, s4;
	s6 =	sshll.u32 s5, $0x4;
	_ =	strace $0x8000004A  }
0x6: {  	s7 =	ssub.s32 $0x2, s5;
	s14 =	smul.u32 $0xA0000, s5;
	s6 =	sor.u32 s1, s6  }
0x7: {  	s25 =	sshrl.u32 s7, $0x1;
	s26 =	sshrl.u32 s8, $0x2;
	s28 =	sadd.s32 $0x4000, s10  }
0x8: {  	s13 =	sadd.s32 $0x8000, s10;
	s6 =	smul.u32 $0x500, s6;
	s12 =	ssub.s32 s7, s25  }
0x9: {  	s5 =	sadd.s32 s28, s2;
	s29 =	sadd.s32 s10, s14;
	s8 =	sadd.s32 s14, s28  }
0xa: {  	s30 =	sshrl.u32 s8, $0x3;
	s9 =	sadd.s32 s6, s4;
	s4 =	sadd.s32 s26, s2  }
0xb: {  	s6 =	sadd.s32 s13, s2;
	s13 =	sadd.s32 s14, s13;
	s14 =	simm.s32 $0x80  }
0xc: {  	s7 =	sadd.s32 $0x4C00, s9;
	s9 =	sshrl.u32 s29, $0x3;
	s31 =	sshrl.u32 s13, $0x3  }
0xd: {  	s13 =	simm.s32 $0x1;
	s8 =	sadd.s32 s11, s9;
	s9 =	sadd.s32 s11, s30  }
0xe: {  	v0 =	vimm.f32 $0.0e+00;
	v1 =	vimm.f32 $1.000000000e+00;
	s10 =	sadd.s32 s11, s31;
	s11 =	smax.u32 s12, $0x1;
	s12 =	simm.s32 $0x2800  }
.LBB2_1:
0xf: {  	s16 =	simm.s32 $0x0;
	s17 =	simm.s32 $0x200  }
.LBB2_2:
0x10: {  	p0 =	sne.s32 s17, $0xFE00;
	[tilespmem:s16+$0x2870] =	vst v0  }
0x11: {  	[tilespmem:s16+$0x2800] =	vst v0  }
0x12: {  	[tilespmem:s16+$0x2810] =	vst v0  }
.Ltmp0:
0x13: {  	[tilespmem:s16+$0x2820] =	vst v0;
	(pc) =	sbr.rel @p0 .LBB2_2-.Ltmp0, $4  }
0x14: {  	[tilespmem:s16+$0x2830] =	vst v0  }
0x15: {  	[tilespmem:s16+$0x2840] =	vst v0  }
0x16: {  	[tilespmem:s16+$0x2850] =	vst v0  }
0x17: {  	[tilespmem:s16+$0x2860] =	vst v0;
	s16 =	sshra.s32 s17, $0x2;
	s17 =	sadd.s32 $0x200, s17  }
0x18: {  	[tilespmem:s16+$0x2870] =	vst v0  }
0x19: {  	[tilespmem:s16+$0x2800] =	vst v0  }
0x1a: {  	[tilespmem:s16+$0x2810] =	vst v0  }
0x1b: {  	[tilespmem:s16+$0x2820] =	vst v0  }
0x1c: {  	[tilespmem:s16+$0x2830] =	vst v0  }
0x1d: {  	[tilespmem:s16+$0x2840] =	vst v0  }
0x1e: {  	[tilespmem:s16+$0x2850] =	vst v0  }
0x1f: {  	[tilespmem:s16+$0x2860] =	vst v0  }
0x20: {  	[spmem:s4] =	stream.linear.scatter [tilespmem:s12], [sflag:$0x1], $0x4000, $0x38;
	[tilespmem:$0x10800] =	vst v63  }
0x21: {  	_ =	swait.ge [sflag:s13], $0x4000  }
0x22: {  	[sflag:s13] =	ssyncset.done $0x0  }
0x23: {  	[sflag:s13] =	ssyncadd.s32 $0xFFFFC000  }
0x24: {  	[spmem:s5] =	stream.linear.scatter [tilespmem:s12], [sflag:$0x1], $0x4000, $0x38;
	[tilespmem:$0x10800] =	vst v63  }
0x25: {  	_ =	swait.ge [sflag:s13], $0x4000  }
0x26: {  	[sflag:s13] =	ssyncset.done $0x0  }
0x27: {  	[sflag:s13] =	ssyncadd.s32 $0xFFFFC000  }
0x28: {  	[spmem:s6] =	stream.linear.scatter [tilespmem:s12], [sflag:$0x1], $0x2000, $0x38;
	[tilespmem:$0x10800] =	vst v63  }
0x29: {  	_ =	swait.ge [sflag:s13], $0x2000  }
0x2a: {  	[sflag:s13] =	ssyncset.done $0x0  }
0x2b: {  	s16 =	simm.s32 $0x0;
	s17 =	simm.s32 $0x200;
	[sflag:s13] =	ssyncadd.s32 $0xFFFFE000  }
.LBB2_4:
0x2c: {  	p0 =	sne.s32 s17, $0xFE00;
	[tilespmem:s16+$0x2870] =	vst v1  }
0x2d: {  	[tilespmem:s16+$0x2800] =	vst v1  }
0x2e: {  	[tilespmem:s16+$0x2810] =	vst v1  }
.Ltmp1:
0x2f: {  	[tilespmem:s16+$0x2820] =	vst v1;
	(pc) =	sbr.rel @p0 .LBB2_4-.Ltmp1, $4  }
0x30: {  	[tilespmem:s16+$0x2830] =	vst v1  }
0x31: {  	[tilespmem:s16+$0x2840] =	vst v1  }
0x32: {  	[tilespmem:s16+$0x2850] =	vst v1  }
0x33: {  	[tilespmem:s16+$0x2860] =	vst v1;
	s16 =	sshra.s32 s17, $0x2;
	s17 =	sadd.s32 $0x200, s17  }
0x34: {  	[tilespmem:s16+$0x2870] =	vst v1  }
0x35: {  	[tilespmem:s16+$0x2800] =	vst v1  }
0x36: {  	[tilespmem:s16+$0x2810] =	vst v1  }
0x37: {  	[tilespmem:s16+$0x2820] =	vst v1  }
0x38: {  	[tilespmem:s16+$0x2830] =	vst v1  }
0x39: {  	[tilespmem:s16+$0x2840] =	vst v1  }
0x3a: {  	[tilespmem:s16+$0x2850] =	vst v1  }
0x3b: {  	[tilespmem:s16+$0x2860] =	vst v1;
	s30 =	simm.s32 $0x0  }
0x3c: {  	[tilespmem:s30], [sflag:$0x1] =	stream.linear.gather [hbm4b:s7+s30], $0x2780, $0x38;
	[tilespmem:$0x10800] =	vst v63  }
0x3d: {  	_ =	swait.ge [sflag:s13], $0x2780  }
0x3e: {  	[sflag:s13] =	ssyncset.done $0x0  }
0x3f: {  	[sflag:s13] =	ssyncadd.s32 $0xFFFFD880  }
0x40: {  	s31 =	simm.s32 $0x0;
	[bflag:$0x0] =	sbarrier.arrive $0xFFFF  }
0x41: {  	[spmem:s2] =	stream.indirect.scatter.add.f32 [tilespmem:s12], [sflag:$0x1], $0x80, s31, s14, $0xb8;
	[tilespmem:$0x10800] =	vst v63  }
0x42: {  	_ =	swait.ge [sflag:s13], $0x4000  }
0x43: {  	s16 =	simm.s32 $0x200;
	[sflag:s13] =	ssyncset.done $0x0  }
.LBB2_6:
0x44: {  	s17 =	sshra.s32 s16, $0x2;
	[sflag:s13] =	ssyncadd.s32 $0xFFFFC000;
	p0 =	sne.s32 s16, $0x9C00  }
0x45: {  	[spmem:s2] =	stream.indirect.scatter.add.f32 [tilespmem:s12], [sflag:$0x1], $0x80, s17, s14, $0xb8;
	[tilespmem:$0x10800] =	vst v63  }
.Ltmp2:
0x46: {  	_ = 	snop;
	(pc) =	sbr.rel @p0 .LBB2_6-.Ltmp2, $4  }
0x47: {  	_ = 	snop  }
0x48: {  	s16 =	sadd.s32 $0x200, s16  }
0x49: {  	_ =	swait.ge [sflag:s13], $0x4000  }
0x4a: {  	[sflag:s13] =	ssyncset.done $0x0  }
0x4b: {  	[sflag:s13] =	ssyncadd.s32 $0xFFFFC000  }
0x4c: {  	[bflag:$0x0] =	sbarrier.arrive $0xFFFF  }
0x4d: {  	[tilespmem:s12], [sflag:$0x1] =	stream.linear.gather [spmem:s4], $0x4000, $0x38;
	[tilespmem:$0x10800] =	vst v63  }
0x4e: {  	_ =	swait.ge [sflag:s13], $0x4000  }
0x4f: {  	[sflag:s13] =	ssyncset.done $0x0  }
0x50: {  	[sflag:s13] =	ssyncadd.s32 $0xFFFFC000  }
0x51: {  	[hbm4b:s8+s3] =	stream.linear.scatter [tilespmem:s12], [sflag:$0x1], $0x4000, $0x38;
	[tilespmem:$0x10800] =	vst v63  }
0x52: {  	_ =	swait.ge [sflag:s13], $0x4000  }
0x53: {  	[sflag:s13] =	ssyncset.done $0x0  }
0x54: {  	[sflag:s13] =	ssyncadd.s32 $0xFFFFC000  }
0x55: {  	[tilespmem:s12], [sflag:$0x1] =	stream.linear.gather [spmem:s5], $0x4000, $0x38;
	[tilespmem:$0x10800] =	vst v63  }
0x56: {  	_ =	swait.ge [sflag:s13], $0x4000  }
0x57: {  	[sflag:s13] =	ssyncset.done $0x0  }
0x58: {  	[sflag:s13] =	ssyncadd.s32 $0xFFFFC000  }
0x59: {  	[hbm4b:s9+s3] =	stream.linear.scatter [tilespmem:s12], [sflag:$0x1], $0x4000, $0x38;
	[tilespmem:$0x10800] =	vst v63  }
0x5a: {  	_ =	swait.ge [sflag:s13], $0x4000  }
0x5b: {  	[sflag:s13] =	ssyncset.done $0x0  }
0x5c: {  	[sflag:s13] =	ssyncadd.s32 $0xFFFFC000  }
0x5d: {  	[tilespmem:s12], [sflag:$0x1] =	stream.linear.gather [spmem:s6], $0x2000, $0x38;
	[tilespmem:$0x10800] =	vst v63  }
0x5e: {  	s15 =	sadd.s32 $0x1, s15;
	_ =	swait.ge [sflag:s13], $0x2000  }
0x5f: {  	p0 =	sne.s32 s15, s11;
	[sflag:s13] =	ssyncset.done $0x0  }
.Ltmp3:
0x60: {  	[sflag:s13] =	ssyncadd.s32 $0xFFFFE000;
	(pc) =	sbr.rel @p0 .LBB2_1-.Ltmp3, $4  }
0x61: {  	[hbm4b:s10+s3] =	stream.linear.scatter [tilespmem:s12], [sflag:$0x1], $0x2000, $0x38;
	[tilespmem:$0x10800] =	vst v63  }
0x62: {  	_ =	swait.ge [sflag:s13], $0x2000  }
0x63: {  	[sflag:s13] =	ssyncset.done $0x0  }
0x64: {  	[sflag:s13] =	ssyncadd.s32 $0xFFFFE000  }
0x65: {  	_ =	sfence.sel $0x180000  }
0x66: {  	[bflag:$0x0] =	sbarrier.arrive $0xFFFF  }
0x67: {  	p0 =	sne.s32 s1, $0x0;
	_ =	strace $0x9000004A  }
0x68: {  	s0 =	sadd.s32 @!p0 $0x100000, s0;
	[bflag:$0x2] =	sbarrier.arrive $0xFFFF  }
0x69: {  	[sflag:s0] =	ssyncadd.tile.s32 @!p0 $0x1;
	_ =	shalt  }
.Lfunc_end2:
_tile_overlayer_lowered:
.L_overlay_start_2:
0x6a: {  	(tag) =	ssettag $0x2  }
0x6b: {  	s0 =	rddreg [dreg:$0x0];
	s2 =	stileid.u32  }
0x6c: {  	s1 =	rddreg [dreg:$0x1];
	p0 =	sne.s32 s2, $0x0  }
0x6d: {  	s3 =	rddreg [dreg:$0x2];
	[bflag:$0x3] =	sbarrier.arrive $0xFFFF;
	s2 =	simm.s32 @!p0 $0x1C01  }
0x6e: {  	[timem:s3], [sflag:s2] =	dma.local @!p0 [hbm:s0], s1  }
0x6f: {  	s0 =	simm.s32 @!p0 $0x1  }
0x70: {  	_ =	swait.ge @!p0 [sflag:s0], s1  }
0x71: {  	s1 =	ssub.s32 @!p0 $0x0, s1;
	[sflag:s0] =	ssyncset.done @!p0 $0x0  }
0x72: {  	[sflag:s0] =	ssyncadd.s32 @!p0 s1  }
0x73: {  	[bflag:$0x3] =	sbarrier.arrive $0xFFFF  }
0x74: {  	_ =	shalt  }

// kernel: kernel.16.cloned.1.call-start
scs
__scs_entry_jumppad:
0x0: {  	(pc) =	sbr.rel $0x88, $3  }
0x1: {  	(tag) =	ssettag $0x0;
	lr =	simm.s32 $0x1  }
0x2: {  	[smem:$0x3F97] =	sst lr;
	_ =	strace $0xD0000000  }
0x3: {  	_ = 	snop  }
0x4: {  	_ = 	snop  }
0x5: {  	_ = 	snop  }
0x6: {  	_ = 	snop  }
0x7: {  	_ = 	snop  }
__scs_overlays_trampoline_lowered:
0x8: {  	[smem:$0x3FA6] =	sst s0  }
0x9: {  	[smem:$0x3FA7] =	sst s1  }
0xa: {  	[smem:$0x3FA8] =	sst s2  }
0xb: {  	[smem:$0x3FA9] =	sst s3  }
0xc: {  	[smem:$0x3FAA] =	sst s4  }
0xd: {  	[smem:$0x3FAB] =	sst s5  }
0xe: {  	[smem:$0x3FAC] =	sst s6  }
0xf: {  	[smem:$0x3FAD] =	sst s7  }
0x10: {  	[smem:$0x3FAE] =	sst s8  }
0x11: {  	[smem:$0x3FAF] =	sst s9;
	s0 =	simm.s32 @!p0 $0x0  }
0x12: {  	s1 =	sld [smem:$0x3F95];
	s0 =	simm.s32 @p0 $0x1  }
0x13: {  	[smem:$0x3FB0] =	sst s0;
	s0 =	simm.s32 @!p1 $0x0  }
0x14: {  	s2 =	sld [smem:$0x3F94];
	s0 =	simm.s32 @p1 $0x1  }
0x15: {  	[smem:$0x3FB1] =	sst s0;
	s0 =	simm.s32 @!p2 $0x0  }
0x16: {  	s3 =	sld [smem:$0x3FDB];
	s0 =	simm.s32 @p2 $0x1  }
0x17: {  	s4 =	simm.s32 $0x1BF5;
	[smem:$0x3FB3] =	sst s0  }
0x18: {  	s0 =	sld [smem:$0x3F96];
	_ =	swait.ge [sflag:s4], $0x0  }
0x19: {  	s7 =	sld [smem:$0x3F97]  }
0x1a: {  	s8 =	sadd.s32 $0xFFFFE003, lr  }
0x1b: {  	s9 =	sadd.s32 $0xFFFFFEF7, lr;
	s5 =	simm.s32 $0xFFFFFFFF;
	p2 =	slt.u32 s8, $0xFFFFF086  }
0x1c: {  	p1 =	slt.u32 s9, $0xF7A;
	s5 =	simm.s32 @!p2 $0x0  }
0x1d: {  	s5 =	simm.s32 @p1 $0x1;
	p0 =	seq.s32 s7, s2  }
0x1e: {  	s7 =	smul.u32 @!p0 $0xF7A, s2;
	p2 =	seq.s32 @!p0 s5, $0x0  }
0x1f: {  	s9 =	smul.u32 $0xF7A, s1;
	s8 =	simm.s32 @!p0 $0x1BF5;
	p2 =	por !p2, p0  }
0x20: {  	[sflag:s8] =	ssyncset.s32 @!p0 $0xFFFFF086;
	s6 =	sadd.s32 @!p0 s3, s7;
	s7 =	simm.s32 @!p0 $0x108  }
0x21: {  	s3 =	sadd.s32 s3, s9;
	s6 =	sadd.s32 @!p0 $0x88, s6;
	s7 =	simm.s32 @p2 $0x1082  }
0x22: {  	[simem:s7], [sflag:s8] =	dma.local @!p0 [hbm:s6], $0xF7A  }
0x23: {  	s9 =	sor.u32 $0xD0000000, s2;
	s6 =	simm.s32 $0x108;
	_ =	swait.ge @!p0 [sflag:s8], $0x0  }
0x24: {  	s3 =	sadd.s32 $0x88, s3;
	s6 =	simm.s32 @!p1 $0x1082;
	[sflag:s4] =	ssyncset.s32 $0xFFFFF086  }
0x25: {  	[simem:s6], [sflag:s4] =	dma.local [hbm:s3], $0xF7A  }
0x26: {  	[smem:$0x3F97] =	sst s1;
	(tag) =	ssettag s2;
	_ =	strace s9  }
0x27: {  	s1 =	sld [smem:$0x3FA7]  }
0x28: {  	s2 =	sld [smem:$0x3FA8]  }
0x29: {  	s4 =	sld [smem:$0x3FAA]  }
0x2a: {  	p0 =	seq.s32 s5, $0x0;
	s5 =	sld [smem:$0x3FAB]  }
0x2b: {  	s6 =	sld [smem:$0x3FAC]  }
0x2c: {  	s7 =	sld [smem:$0x3FAD]  }
0x2d: {  	s3 =	simm.s32 $0x108;
	s8 =	sld [smem:$0x3FAE]  }
0x2e: {  	s3 =	simm.s32 @!p0 $0x1082;
	s9 =	sld [smem:$0x3FAF]  }
0x2f: {  	lr =	sadd.s32 s0, s3;
	s0 =	sld [smem:$0x3FA6]  }
0x30: {  	s3 =	sld [smem:$0x3FA9]  }
0x31: {  	[smem:$0x3FB2] =	sst s10  }
0x32: {  	s10 =	sld [smem:$0x3FB0];
	_ =	sdelay $0x3  }
0x33: {  	p0 =	seq.s32 s10, $0x1;
	s10 =	sld [smem:$0x3FB2];
	_ =	sdelay $0x3  }
0x34: {  	[smem:$0x3FB2] =	sst s10  }
0x35: {  	s10 =	sld [smem:$0x3FB1];
	_ =	sdelay $0x3  }
0x36: {  	p1 =	seq.s32 s10, $0x1;
	s10 =	sld [smem:$0x3FB2];
	_ =	sdelay $0x3  }
0x37: {  	[smem:$0x3FB2] =	sst s10  }
0x38: {  	s10 =	sld [smem:$0x3FB3]  }
0x39: {  	_ = 	snop;
	(pc) =	sbr.ind lr, $3  }
0x3a: {  	_ = 	snop  }
0x3b: {  	_ = 	snop  }
0x3c: {  	p2 =	seq.s32 s10, $0x1;
	s10 =	sld [smem:$0x3FB2]  }
0x3d: {  	_ =	shalt  }
0x3e: {  	_ =	shalt  }
0x3f: {  	_ =	shalt  }
0x40: {  	_ =	shalt  }
0x41: {  	_ =	shalt  }
0x42: {  	_ =	shalt  }
0x43: {  	_ =	shalt  }
0x44: {  	_ =	shalt  }
0x45: {  	_ =	shalt  }
0x46: {  	_ =	shalt  }
0x47: {  	_ =	shalt  }
0x48: {  	_ =	shalt  }
0x49: {  	_ =	shalt  }
0x4a: {  	_ =	shalt  }
0x4b: {  	_ =	shalt  }
0x4c: {  	_ =	shalt  }
0x4d: {  	_ =	shalt  }
0x4e: {  	_ =	shalt  }
0x4f: {  	_ =	shalt  }
0x50: {  	_ =	shalt  }
0x51: {  	_ =	shalt  }
0x52: {  	_ =	shalt  }
0x53: {  	_ =	shalt  }
0x54: {  	_ =	shalt  }
0x55: {  	_ =	shalt  }
0x56: {  	_ =	shalt  }
0x57: {  	_ =	shalt  }
0x58: {  	_ =	shalt  }
0x59: {  	_ =	shalt  }
0x5a: {  	_ =	shalt  }
0x5b: {  	_ =	shalt  }
0x5c: {  	_ =	shalt  }
0x5d: {  	_ =	shalt  }
0x5e: {  	_ =	shalt  }
0x5f: {  	_ =	shalt  }
0x60: {  	_ =	shalt  }
0x61: {  	_ =	shalt  }
0x62: {  	_ =	shalt  }
0x63: {  	_ =	shalt  }
0x64: {  	_ =	shalt  }
0x65: {  	_ =	shalt  }
0x66: {  	_ =	shalt  }
0x67: {  	_ =	shalt  }
0x68: {  	_ =	shalt  }
0x69: {  	_ =	shalt  }
0x6a: {  	_ =	shalt  }
0x6b: {  	_ =	shalt  }
0x6c: {  	_ =	shalt  }
0x6d: {  	_ =	shalt  }
0x6e: {  	_ =	shalt  }
0x6f: {  	_ =	shalt  }
0x70: {  	_ =	shalt  }
0x71: {  	_ =	shalt  }
0x72: {  	_ =	shalt  }
0x73: {  	_ =	shalt  }
0x74: {  	_ =	shalt  }
0x75: {  	_ =	shalt  }
0x76: {  	_ =	shalt  }
0x77: {  	_ =	shalt  }
0x78: {  	_ =	shalt  }
0x79: {  	_ =	shalt  }
0x7a: {  	_ =	shalt  }
0x7b: {  	_ =	shalt  }
0x7c: {  	_ =	shalt  }
0x7d: {  	_ =	shalt  }
0x7e: {  	_ =	shalt  }
0x7f: {  	_ =	shalt  }
0x80: {  	_ =	shalt  }
0x81: {  	_ =	shalt  }
0x82: {  	_ =	shalt  }
0x83: {  	_ =	shalt  }
0x84: {  	_ =	shalt  }
0x85: {  	_ =	shalt  }
0x86: {  	_ =	shalt  }
0x87: {  	_ =	shalt  }
.Lfunc_end0:
.L_simem_size_0:
called_computation.1_lowered:
.L_overlay_start_0:
0x88: {  	s2 =	sld [smem:$0x3FD9]  }
0x89: {  	s3 =	sld [smem:$0x3FFE];
	_ =	sdelay $0x1  }
0x8a: {  	s1 =	srdreg.scid  }
0x8b: {  	s0 =	sand.u32 $0x1, s1  }
0x8c: {  	s17 =	sshll.u32 s0, $0xA;
	s2 =	sadd.s32 s3, s2  }
0x8d: {  	s2 =	sadd.s32 s2, s17  }
0x8e: {  	[smem:$0x3FBE] =	sst s2  }
0x8f: {  	_ = 	snop  }
0x90: {  	s2 =	sld [smem:$0x3FD0];
	(tm) =	ssettm $0x1  }
0x91: {  	s18 =	sld [smem:$0x3FFB];
	_ =	sdelay $0x3  }
0x92: {  	_ =	strace s18  }
0x93: {  	s3 =	sld [smem:$0x3FFC];
	_ =	sdelay $0x3  }
0x94: {  	_ =	strace s3  }
0x95: {  	s3 =	sld [smem:$0x3FFD];
	_ =	sdelay $0x3  }
0x96: {  	_ =	strace s3  }
0x97: {  	_ =	strace $0x8FFFFFFF  }
0x98: {  	s19 =	sld [smem:$0x3FDB];
	_ =	sdelay $0x1  }
0x99: {  	s4 =	simm.s32 $_scs_section_size  }
0x9a: {  	s5 =	simm.s32 $_size__tile_overlayer_lowered;
	s6 =	simm.s32 $_tile_overlayer_lowered  }
0x9b: {  	s22 =	simm.s32 $0x1BFF;
	s21 =	sshll.u32 s6, $0x1;
	s3 =	sadd.s32 s4, s19  }
0x9c: {  	s7 =	simm.s32 $0x0;
	s20 =	sshll.u32 s5, $0x1;
	s5 =	sadd.s32 s21, s3  }
0x9d: {  	[timem:s7], [sflag:s22] =	dma.local [hbm:s5], s20  }
0x9e: {  	_ =	swait.ge [sflag:s22], s20  }
0x9f: {  	s4 =	ssub.s32 $0x0, s20;
	[sflag:s22] =	ssyncset.done $0x0  }
0xa0: {  	[sflag:s22] =	ssyncadd.s32 s4;
	_ =	sdelay $0x1  }
0xa1: {  	s23 =	simm.s32 $0x1B8B  }
0xa2: {  	_ =	swait.ge [sflag:s23], $0x1  }
0xa3: {  	[sflag:s23] =	ssyncset.done $0x0  }
0xa4: {  	s25 =	simm.s32 $0x1B8E;
	s24 =	sld [smem:$0x3FFE];
	[sflag:s23] =	ssyncadd.s32 $0xFFFFFFFF  }
0xa5: {  	s26 =	simm.s32 $execute0_lowered;
	[smem:$0x3FD2] =	sst s25  }
0xa6: {  	s5 =	sshll.u32 s26, $0x1;
	_ =	strace $0x80000046;
	[dreg:$0x1] =	wrdreg $0xFFFFFFFF  }
0xa7: {  	s28 =	simm.s32 $_size_execute0_lowered;
	s3 =	sadd.s32 s3, s5;
	[dreg:$0x0] =	wrdreg $0x0  }
0xa8: {  	s5 =	sshll.u32 s28, $0x1;
	[dreg:$0x2] =	wrdreg s3  }
0xa9: {  	[dreg:$0x3] =	wrdreg s5  }
0xaa: {  	[dreg:$0x4] =	wrdreg $0xC0  }
0xab: {  	_ =	task [dreg:s7], $0x5FFFF  }
0xac: {  	[dreg:$0x1] =	wrdreg $0xFFFFFFFF  }
0xad: {  	[dreg:$0x0] =	wrdreg $0x60  }
0xae: {  	[dreg:$0x2] =	wrdreg s24  }
0xaf: {  	[dreg:$0x3] =	wrdreg s2  }
0xb0: {  	[dreg:$0x4] =	wrdreg $0x150000  }
0xb1: {  	[dreg:$0x5] =	wrdreg $0xA  }
0xb2: {  	_ =	task.clear_ibuf [dreg:s7], $0x6FFFF;
	_ =	strace $0x90000046  }
0xb3: {  	s29 =	simm.s32 $0xA;
	_ =	strace $0x80000048  }
0xb4: {  	_ =	swait.ge [sflag:s29], $0x1  }
0xb5: {  	[sflag:s29] =	ssyncadd.s32 $0xFFFFFFFF  }
0xb6: {  	_ =	strace $0x90000048  }
0xb7: {  	_ =	sfence  }
0xb8: {  	s30 =	sld [smem:$0x0];
	_ =	sdelay $0x2  }
0xb9: {  	s31 =	sshll.u32 s1, $0xD;
	s1 =	sshrl.u32 s1, $0x2  }
0xba: {  	s3 =	sand.u32 $0x4000, s31;
	s1 =	sadd.s32 s1, s30  }
0xbb: {  	s0 =	sor.u32 s3, s0;
	s1 =	sshll.u32 s1, $0x11  }
0xbc: {  	s0 =	sor.u32 s1, s0  }
0xbd: {  	s0 =	sadd.s32 $0x8F2B, s0  }
0xbe: {  	[sflag:s0] =	ssyncadd.remote.s32 $0x1  }
0xbf: {  	_ =	sfence.sel $0xFFFF  }
0xc0: {  	[dreg:$0x0] =	wrdreg $0xFFFFFFFF;
	(pc) =	sbr.abs _section_cstart, $3  }
0xc1: {  	[dreg:$0x1] =	wrdreg $0xFFFFFFFF  }
0xc2: {  	_ =	task.clear_ibuf [dreg:s7], $0x2FFFF;
	_ =	strace $0x9FFFFFFF  }
0xc3: {  	(tm) =	ssettm $0x7FFFFFFF  }
tec
execute0_lowered:
.L_overlay_start_1:
0x0: {  	(tag) =	ssettag $0x1  }
0x1: {  	s0 =	rddreg [dreg:$0x0]  }
0x2: {  	s8 =	rddreg [dreg:$0x1]  }
0x3: {  	s1 =	srdreg.scid;
	s2 =	rddreg [dreg:$0x2]  }
0x4: {  	s11 =	stileid.u32;
	s3 =	simm.s32 $0x0;
	s15 =	simm.s32 $0x9  }
0x5: {  	s17 =	simm.s32 $0x80;
	s18 =	simm.s32 $0x9000;
	s20 =	simm.s32 $0xD000  }
0x6: {  	s22 =	simm.s32 $0x11000;
	s23 =	simm.s32 $0x1;
	s24 =	simm.s32 $0x5  }
0x7: {  	s28 =	simm.s32 $0x3;
	s29 =	simm.s32 $0x7;
	s30 =	simm.s32 $0x4  }
0x8: {  	s31 =	simm.s32 $0x8;
	s21 =	simm.s32 $0x4F00;
	s1 =	sand.u32 $0x1, s1  }
0x9: {  	[smem:$0x7FF] =	sst s3;
	s5 =	smul.u32 $0x28000, s11;
	s4 =	sshll.u32 s1, $0x4  }
0xa: {  	_ =	strace $0x80000047;
	s6 =	ssub.s32 $0x2, s1;
	s1 =	smul.u32 $0xA0000, s1  }
0xb: {  	s4 =	sor.u32 s11, s4;
	s7 =	sshrl.u32 s6, $0x1;
	s11 =	smul.u32 $0xA000, s11  }
0xc: {  	s5 =	sshrl.u32 s5, $0x2;
	s9 =	smul.u32 $0x500, s4;
	s4 =	sadd.s32 $0xEC00, s0  }
0xd: {  	s13 =	ssub.s32 s6, s7;
	s5 =	sadd.s32 s5, s2;
	s12 =	sadd.s32 $0x4000, s11  }
0xe: {  	s14 =	sadd.s32 $0x8000, s11;
	s25 =	sadd.s32 s11, s1;
	s13 =	smax.u32 s13, $0x1  }
0xf: {  	s10 =	sadd.s32 s9, s0;
	s0 =	sadd.s32 $0x36C00, s0;
	s6 =	sadd.s32 s12, s2  }
0x10: {  	s7 =	sadd.s32 s14, s2;
	s8 =	sadd.s32 s8, s9;
	s26 =	sadd.s32 s1, s12  }
0x11: {  	s1 =	sadd.s32 s1, s14;
	s14 =	simm.s32 $0x5000;
	s9 =	sadd.s32 $0x4C00, s10  }
0x12: {  	s10 =	sshrl.u32 s25, $0x3;
	s11 =	sshrl.u32 s26, $0x3;
	s1 =	sshrl.u32 s1, $0x3  }
0x13: {  	s25 =	simm.s32 $0x2;
	s26 =	simm.s32 $0x6;
	s10 =	sadd.s32 s0, s10  }
0x14: {  	v0 =	vimm.f32 $0.0e+00;
	s11 =	sadd.s32 s0, s11;
	s12 =	sadd.s32 s0, s1;
	s0 =	simm.s32 $0x0  }
.LBB2_1:
0x15: {  	s1 =	simm.s32 $0x0;
	s16 =	simm.s32 $0x200  }
.LBB2_2:
0x16: {  	p0 =	sne.s32 s16, $0xFE00;
	[tilespmem:s1+$0x5070] =	vst v0  }
0x17: {  	[tilespmem:s1+$0x5000] =	vst v0  }
0x18: {  	[tilespmem:s1+$0x5010] =	vst v0  }
.Ltmp0:
0x19: {  	[tilespmem:s1+$0x5020] =	vst v0;
	(pc) =	sbr.rel @p0 .LBB2_2-.Ltmp0, $4  }
0x1a: {  	[tilespmem:s1+$0x5030] =	vst v0  }
0x1b: {  	[tilespmem:s1+$0x5040] =	vst v0  }
0x1c: {  	[tilespmem:s1+$0x5050] =	vst v0  }
0x1d: {  	[tilespmem:s1+$0x5060] =	vst v0;
	s1 =	sshra.s32 s16, $0x2;
	s16 =	sadd.s32 $0x200, s16  }
0x1e: {  	[tilespmem:s1+$0x5070] =	vst v0  }
0x1f: {  	[tilespmem:s1+$0x5000] =	vst v0  }
0x20: {  	[tilespmem:s1+$0x5010] =	vst v0  }
0x21: {  	[tilespmem:s1+$0x5020] =	vst v0  }
0x22: {  	[tilespmem:s1+$0x5030] =	vst v0  }
0x23: {  	[tilespmem:s1+$0x5040] =	vst v0  }
0x24: {  	[tilespmem:s1+$0x5050] =	vst v0  }
0x25: {  	[tilespmem:s1+$0x5060] =	vst v0  }
0x26: {  	[spmem:s5] =	stream.linear.scatter [tilespmem:s14], [sflag:$0x9], $0x4000, $0x38;
	[tilespmem:$0x1F000] =	vst v63  }
0x27: {  	_ =	swait.ge [sflag:s15], $0x4000  }
0x28: {  	[sflag:s15] =	ssyncset.done $0x0  }
0x29: {  	[sflag:s15] =	ssyncadd.s32 $0xFFFFC000  }
0x2a: {  	[spmem:s6] =	stream.linear.scatter [tilespmem:s14], [sflag:$0x9], $0x4000, $0x38;
	[tilespmem:$0x1F000] =	vst v63  }
0x2b: {  	_ =	swait.ge [sflag:s15], $0x4000  }
0x2c: {  	[sflag:s15] =	ssyncset.done $0x0  }
0x2d: {  	[sflag:s15] =	ssyncadd.s32 $0xFFFFC000  }
0x2e: {  	[spmem:s7] =	stream.linear.scatter [tilespmem:s14], [sflag:$0x9], $0x2000, $0x38;
	[tilespmem:$0x1F000] =	vst v63  }
0x2f: {  	_ =	swait.ge [sflag:s15], $0x2000  }
0x30: {  	[sflag:s15] =	ssyncset.done $0x0  }
0x31: {  	s19 =	simm.s32 $0x0;
	[sflag:s15] =	ssyncadd.s32 $0xFFFFE000  }
0x32: {  	[tilespmem:s19], [sflag:$0x9] =	stream.linear.gather [hbm4b:s8+s19], $0x2780, $0x38;
	[tilespmem:$0x1F000] =	vst v63  }
0x33: {  	_ =	swait.ge [sflag:s15], $0x2780  }
0x34: {  	[sflag:s15] =	ssyncset.done $0x0  }
0x35: {  	s16 =	simm.s32 $0x2800;
	[sflag:s15] =	ssyncadd.s32 $0xFFFFD880  }
0x36: {  	[tilespmem:s16], [sflag:$0x9] =	stream.linear.gather [hbm4b:s9+s19], $0x2780, $0x38;
	[tilespmem:$0x1F000] =	vst v63  }
0x37: {  	_ =	swait.ge [sflag:s15], $0x2780  }
0x38: {  	[sflag:s15] =	ssyncset.done $0x0  }
0x39: {  	[sflag:s15] =	ssyncadd.s32 $0xFFFFD880  }
0x3a: {  	[bflag:$0x0] =	sbarrier.arrive $0xFFFF  }
0x3b: {  	[tilespmem:s14], [sflag:$0x1] =	stream.indirect.gather [hbm4b:s4+s17], $0x80, s19, s17, $0xb8;
	[tilespmem:$0x1F000] =	vst v63  }
0x3c: {  	_ = 	snop  }
0x3d: {  	[tilespmem:s18], [sflag:$0x2] =	stream.indirect.gather [hbm4b:s4+s17], $0x80, s17, s17, $0xb8;
	[tilespmem:$0x1F000] =	vst v63  }
0x3e: {  	s19 =	simm.s32 $0x100  }
0x3f: {  	[tilespmem:s20], [sflag:$0x3] =	stream.indirect.gather [hbm4b:s4+s17], $0x80, s19, s17, $0xb8;
	[tilespmem:$0x1F000] =	vst v63  }
0x40: {  	s16 =	simm.s32 $0x180  }
0x41: {  	[tilespmem:s22], [sflag:$0x4] =	stream.indirect.gather [hbm4b:s4+s17], $0x80, s16, s17, $0xb8;
	[tilespmem:$0x1F000] =	vst v63  }
0x42: {  	_ =	swait.ge [sflag:s23], $0x4000  }
0x43: {  	[sflag:s23] =	ssyncset.done $0x0  }
0x44: {  	s19 =	simm.s32 $0x2800;
	[sflag:s23] =	ssyncadd.s32 $0xFFFFC000  }
0x45: {  	[spmem:s2] =	stream.indirect.scatter.add.f32 [tilespmem:s14], [sflag:$0x5], $0x80, s19, s17, $0xb8;
	[tilespmem:$0x1F000] =	vst v63  }
0x46: {  	_ =	swait.ge [sflag:s24], $0x4000  }
0x47: {  	[sflag:s24] =	ssyncset.done $0x0  }
0x48: {  	s16 =	simm.s32 $0x200;
	[sflag:s24] =	ssyncadd.s32 $0xFFFFC000  }
0x49: {  	[tilespmem:s14], [sflag:$0x1] =	stream.indirect.gather [hbm4b:s4+s17], $0x80, s16, s17, $0xb8;
	[tilespmem:$0x1F000] =	vst v63  }
0x4a: {  	_ =	swait.ge [sflag:s25], $0x4000  }
0x4b: {  	[sflag:s25] =	ssyncset.done $0x0  }
0x4c: {  	s19 =	simm.s32 $0x2880;
	[sflag:s25] =	ssyncadd.s32 $0xFFFFC000  }
0x4d: {  	[spmem:s2] =	stream.indirect.scatter.add.f32 [tilespmem:s18], [sflag:$0x6], $0x80, s19, s17, $0xb8;
	[tilespmem:$0x1F000] =	vst v63  }
0x4e: {  	_ =	swait.ge [sflag:s26], $0x4000  }
0x4f: {  	[sflag:s26] =	ssyncset.done $0x0  }
0x50: {  	s16 =	simm.s32 $0x280;
	[sflag:s26] =	ssyncadd.s32 $0xFFFFC000  }
0x51: {  	[tilespmem:s18], [sflag:$0x2] =	stream.indirect.gather [hbm4b:s4+s17], $0x80, s16, s17, $0xb8;
	[tilespmem:$0x1F000] =	vst v63  }
0x52: {  	_ =	swait.ge [sflag:s28], $0x4000  }
0x53: {  	[sflag:s28] =	ssyncset.done $0x0  }
0x54: {  	s19 =	simm.s32 $0x2900;
	[sflag:s28] =	ssyncadd.s32 $0xFFFFC000  }
0x55: {  	[spmem:s2] =	stream.indirect.scatter.add.f32 [tilespmem:s20], [sflag:$0x7], $0x80, s19, s17, $0xb8;
	[tilespmem:$0x1F000] =	vst v63  }
0x56: {  	_ =	swait.ge [sflag:s29], $0x4000  }
0x57: {  	[sflag:s29] =	ssyncset.done $0x0  }
0x58: {  	s16 =	simm.s32 $0x300;
	[sflag:s29] =	ssyncadd.s32 $0xFFFFC000  }
0x59: {  	[tilespmem:s20], [sflag:$0x3] =	stream.indirect.gather [hbm4b:s4+s17], $0x80, s16, s17, $0xb8;
	[tilespmem:$0x1F000] =	vst v63  }
0x5a: {  	_ =	swait.ge [sflag:s30], $0x4000  }
0x5b: {  	[sflag:s30] =	ssyncset.done $0x0  }
0x5c: {  	s19 =	simm.s32 $0x2980;
	[sflag:s30] =	ssyncadd.s32 $0xFFFFC000  }
0x5d: {  	[spmem:s2] =	stream.indirect.scatter.add.f32 [tilespmem:s22], [sflag:$0x8], $0x80, s19, s17, $0xb8;
	[tilespmem:$0x1F000] =	vst v63  }
0x5e: {  	_ =	swait.ge [sflag:s31], $0x4000  }
0x5f: {  	[sflag:s31] =	ssyncset.done $0x0  }
0x60: {  	s1 =	simm.s32 $0x800;
	s16 =	simm.s32 $0x380;
	[sflag:s31] =	ssyncadd.s32 $0xFFFFC000  }
.LBB2_4:
0x61: {  	[tilespmem:s22], [sflag:$0x4] =	stream.indirect.gather [hbm4b:s4+s17], $0x80, s16, s17, $0xb8;
	[tilespmem:$0x1F000] =	vst v63  }
0x62: {  	s16 =	smov.u32 s1  }
0x63: {  	p0 =	sne.s32 s1, $0x8800;
	s1 =	sadd.s32 $0x800, s1;
	_ =	swait.ge [sflag:s23], $0x4000  }
0x64: {  	s16 =	sshra.s32 s16, $0x2;
	[sflag:s23] =	ssyncset.done $0x0  }
0x65: {  	s19 =	sadd.s32 $0x2800, s16;
	[sflag:s23] =	ssyncadd.s32 $0xFFFFC000  }
0x66: {  	[spmem:s2] =	stream.indirect.scatter.add.f32 [tilespmem:s14], [sflag:$0x5], $0x80, s19, s17, $0xb8;
	[tilespmem:$0x1F000] =	vst v63  }
0x67: {  	_ =	swait.ge [sflag:s24], $0x4000  }
0x68: {  	[sflag:s24] =	ssyncset.done $0x0  }
0x69: {  	s19 =	sadd.s32 $0x200, s16;
	[sflag:s24] =	ssyncadd.s32 $0xFFFFC000  }
0x6a: {  	[tilespmem:s14], [sflag:$0x1] =	stream.indirect.gather [hbm4b:s4+s17], $0x80, s19, s17, $0xb8;
	[tilespmem:$0x1F000] =	vst v63  }
0x6b: {  	_ =	swait.ge [sflag:s25], $0x4000  }
0x6c: {  	[sflag:s25] =	ssyncset.done $0x0  }
0x6d: {  	s19 =	sadd.s32 $0x2880, s16;
	[sflag:s25] =	ssyncadd.s32 $0xFFFFC000  }
0x6e: {  	[spmem:s2] =	stream.indirect.scatter.add.f32 [tilespmem:s18], [sflag:$0x6], $0x80, s19, s17, $0xb8;
	[tilespmem:$0x1F000] =	vst v63  }
0x6f: {  	_ =	swait.ge [sflag:s26], $0x4000  }
0x70: {  	[sflag:s26] =	ssyncset.done $0x0  }
0x71: {  	s19 =	sadd.s32 $0x280, s16;
	[sflag:s26] =	ssyncadd.s32 $0xFFFFC000  }
0x72: {  	[tilespmem:s18], [sflag:$0x2] =	stream.indirect.gather [hbm4b:s4+s17], $0x80, s19, s17, $0xb8;
	[tilespmem:$0x1F000] =	vst v63  }
0x73: {  	_ =	swait.ge [sflag:s28], $0x4000  }
0x74: {  	[sflag:s28] =	ssyncset.done $0x0  }
0x75: {  	s19 =	sadd.s32 $0x2900, s16;
	[sflag:s28] =	ssyncadd.s32 $0xFFFFC000  }
0x76: {  	[spmem:s2] =	stream.indirect.scatter.add.f32 [tilespmem:s20], [sflag:$0x7], $0x80, s19, s17, $0xb8;
	[tilespmem:$0x1F000] =	vst v63  }
0x77: {  	_ =	swait.ge [sflag:s29], $0x4000  }
0x78: {  	[sflag:s29] =	ssyncset.done $0x0  }
0x79: {  	s19 =	sadd.s32 $0x300, s16;
	[sflag:s29] =	ssyncadd.s32 $0xFFFFC000  }
0x7a: {  	[tilespmem:s20], [sflag:$0x3] =	stream.indirect.gather [hbm4b:s4+s17], $0x80, s19, s17, $0xb8;
	[tilespmem:$0x1F000] =	vst v63  }
0x7b: {  	_ =	swait.ge [sflag:s30], $0x4000  }
0x7c: {  	[sflag:s30] =	ssyncset.done $0x0  }
.Ltmp1:
0x7d: {  	s19 =	sadd.s32 $0x2980, s16;
	[sflag:s30] =	ssyncadd.s32 $0xFFFFC000;
	(pc) =	sbr.rel @p0 .LBB2_4-.Ltmp1, $4  }
0x7e: {  	[spmem:s2] =	stream.indirect.scatter.add.f32 [tilespmem:s22], [sflag:$0x8], $0x80, s19, s17, $0xb8;
	[tilespmem:$0x1F000] =	vst v63  }
0x7f: {  	_ =	swait.ge [sflag:s31], $0x4000  }
0x80: {  	[sflag:s31] =	ssyncset.done $0x0  }
0x81: {  	s16 =	sadd.s32 $0x380, s16;
	[sflag:s31] =	ssyncadd.s32 $0xFFFFC000  }
0x82: {  	[tilespmem:s22], [sflag:$0x4] =	stream.indirect.gather [hbm4b:s4+s17], $0x80, s16, s17, $0xb8;
	[tilespmem:$0x1F000] =	vst v63  }
0x83: {  	_ =	swait.ge [sflag:s23], $0x4000  }
0x84: {  	[sflag:s23] =	ssyncset.done $0x0  }
0x85: {  	s1 =	simm.s32 $0x4C00;
	[sflag:s23] =	ssyncadd.s32 $0xFFFFC000  }
0x86: {  	[spmem:s2] =	stream.indirect.scatter.add.f32 [tilespmem:s14], [sflag:$0x5], $0x80, s1, s17, $0xb8;
	[tilespmem:$0x1F000] =	vst v63  }
0x87: {  	_ =	swait.ge [sflag:s24], $0x4000  }
0x88: {  	[sflag:s24] =	ssyncset.done $0x0  }
0x89: {  	s16 =	simm.s32 $0x2600;
	[sflag:s24] =	ssyncadd.s32 $0xFFFFC000  }
0x8a: {  	[tilespmem:s14], [sflag:$0x1] =	stream.indirect.gather [hbm4b:s4+s17], $0x80, s16, s17, $0xb8;
	[tilespmem:$0x1F000] =	vst v63  }
0x8b: {  	_ =	swait.ge [sflag:s25], $0x4000  }
0x8c: {  	[sflag:s25] =	ssyncset.done $0x0  }
0x8d: {  	s19 =	simm.s32 $0x4C80;
	[sflag:s25] =	ssyncadd.s32 $0xFFFFC000  }
0x8e: {  	[spmem:s2] =	stream.indirect.scatter.add.f32 [tilespmem:s18], [sflag:$0x6], $0x80, s19, s17, $0xb8;
	[tilespmem:$0x1F000] =	vst v63  }
0x8f: {  	_ =	swait.ge [sflag:s26], $0x4000  }
0x90: {  	[sflag:s26] =	ssyncset.done $0x0  }
0x91: {  	s16 =	simm.s32 $0x2680;
	[sflag:s26] =	ssyncadd.s32 $0xFFFFC000  }
0x92: {  	[tilespmem:s18], [sflag:$0x2] =	stream.indirect.gather [hbm4b:s4+s17], $0x80, s16, s17, $0xb8;
	[tilespmem:$0x1F000] =	vst v63  }
0x93: {  	_ =	swait.ge [sflag:s28], $0x4000  }
0x94: {  	[sflag:s28] =	ssyncset.done $0x0  }
0x95: {  	s19 =	simm.s32 $0x4D00;
	[sflag:s28] =	ssyncadd.s32 $0xFFFFC000  }
0x96: {  	[spmem:s2] =	stream.indirect.scatter.add.f32 [tilespmem:s20], [sflag:$0x7], $0x80, s19, s17, $0xb8;
	[tilespmem:$0x1F000] =	vst v63  }
0x97: {  	_ =	swait.ge [sflag:s29], $0x4000  }
0x98: {  	[sflag:s29] =	ssyncset.done $0x0  }
0x99: {  	s16 =	simm.s32 $0x2700;
	[sflag:s29] =	ssyncadd.s32 $0xFFFFC000  }
0x9a: {  	[tilespmem:s20], [sflag:$0x3] =	stream.indirect.gather [hbm4b:s4+s17], $0x80, s16, s17, $0xb8;
	[tilespmem:$0x1F000] =	vst v63  }
0x9b: {  	_ =	swait.ge [sflag:s30], $0x4000  }
0x9c: {  	[sflag:s30] =	ssyncset.done $0x0  }
0x9d: {  	s19 =	simm.s32 $0x4D80;
	[sflag:s30] =	ssyncadd.s32 $0xFFFFC000  }
0x9e: {  	[spmem:s2] =	stream.indirect.scatter.add.f32 [tilespmem:s22], [sflag:$0x8], $0x80, s19, s17, $0xb8;
	[tilespmem:$0x1F000] =	vst v63  }
0x9f: {  	_ =	swait.ge [sflag:s31], $0x4000  }
0xa0: {  	[sflag:s31] =	ssyncset.done $0x0  }
0xa1: {  	[sflag:s31] =	ssyncadd.s32 $0xFFFFC000  }
0xa2: {  	_ =	swait.ge [sflag:s23], $0x4000  }
0xa3: {  	[sflag:s23] =	ssyncset.done $0x0  }
0xa4: {  	s16 =	simm.s32 $0x4E00;
	[sflag:s23] =	ssyncadd.s32 $0xFFFFC000  }
0xa5: {  	[spmem:s2] =	stream.indirect.scatter.add.f32 [tilespmem:s14], [sflag:$0x5], $0x80, s16, s17, $0xb8;
	[tilespmem:$0x1F000] =	vst v63  }
0xa6: {  	_ =	swait.ge [sflag:s24], $0x4000  }
0xa7: {  	[sflag:s24] =	ssyncset.done $0x0  }
0xa8: {  	[sflag:s24] =	ssyncadd.s32 $0xFFFFC000  }
0xa9: {  	_ =	swait.ge [sflag:s25], $0x4000  }
0xaa: {  	[sflag:s25] =	ssyncset.done $0x0  }
0xab: {  	s19 =	simm.s32 $0x4E80;
	[sflag:s25] =	ssyncadd.s32 $0xFFFFC000  }
0xac: {  	[spmem:s2] =	stream.indirect.scatter.add.f32 [tilespmem:s18], [sflag:$0x6], $0x80, s19, s17, $0xb8;
	[tilespmem:$0x1F000] =	vst v63  }
0xad: {  	_ =	swait.ge [sflag:s26], $0x4000  }
0xae: {  	[sflag:s26] =	ssyncset.done $0x0  }
0xaf: {  	[sflag:s26] =	ssyncadd.s32 $0xFFFFC000  }
0xb0: {  	_ =	swait.ge [sflag:s28], $0x4000  }
0xb1: {  	[sflag:s28] =	ssyncset.done $0x0  }
0xb2: {  	[sflag:s28] =	ssyncadd.s32 $0xFFFFC000  }
0xb3: {  	[spmem:s2] =	stream.indirect.scatter.add.f32 [tilespmem:s20], [sflag:$0x7], $0x80, s21, s17, $0xb8;
	[tilespmem:$0x1F000] =	vst v63  }
0xb4: {  	_ =	swait.ge [sflag:s29], $0x4000  }
0xb5: {  	[sflag:s29] =	ssyncset.done $0x0  }
0xb6: {  	[sflag:s29] =	ssyncadd.s32 $0xFFFFC000  }
0xb7: {  	[bflag:$0x0] =	sbarrier.arrive $0xFFFF  }
0xb8: {  	[tilespmem:s14], [sflag:$0x9] =	stream.linear.gather [spmem:s5], $0x4000, $0x38;
	[tilespmem:$0x1F000] =	vst v63  }
0xb9: {  	_ =	swait.ge [sflag:s15], $0x4000  }
0xba: {  	[sflag:s15] =	ssyncset.done $0x0  }
0xbb: {  	[sflag:s15] =	ssyncadd.s32 $0xFFFFC000  }
0xbc: {  	[hbm4b:s10+s3] =	stream.linear.scatter [tilespmem:s14], [sflag:$0x9], $0x4000, $0x38;
	[tilespmem:$0x1F000] =	vst v63  }
0xbd: {  	_ =	swait.ge [sflag:s15], $0x4000  }
0xbe: {  	[sflag:s15] =	ssyncset.done $0x0  }
0xbf: {  	[sflag:s15] =	ssyncadd.s32 $0xFFFFC000  }
0xc0: {  	[tilespmem:s14], [sflag:$0x9] =	stream.linear.gather [spmem:s6], $0x4000, $0x38;
	[tilespmem:$0x1F000] =	vst v63  }
0xc1: {  	_ =	swait.ge [sflag:s15], $0x4000  }
0xc2: {  	[sflag:s15] =	ssyncset.done $0x0  }
0xc3: {  	[sflag:s15] =	ssyncadd.s32 $0xFFFFC000  }
0xc4: {  	[hbm4b:s11+s3] =	stream.linear.scatter [tilespmem:s14], [sflag:$0x9], $0x4000, $0x38;
	[tilespmem:$0x1F000] =	vst v63  }
0xc5: {  	_ =	swait.ge [sflag:s15], $0x4000  }
0xc6: {  	[sflag:s15] =	ssyncset.done $0x0  }
0xc7: {  	[sflag:s15] =	ssyncadd.s32 $0xFFFFC000  }
0xc8: {  	[tilespmem:s14], [sflag:$0x9] =	stream.linear.gather [spmem:s7], $0x2000, $0x38;
	[tilespmem:$0x1F000] =	vst v63  }
0xc9: {  	s0 =	sadd.s32 $0x1, s0;
	_ =	swait.ge [sflag:s15], $0x2000  }
0xca: {  	p0 =	sne.s32 s0, s13;
	[sflag:s15] =	ssyncset.done $0x0  }
.Ltmp2:
0xcb: {  	[sflag:s15] =	ssyncadd.s32 $0xFFFFE000;
	(pc) =	sbr.rel @p0 .LBB2_1-.Ltmp2, $4  }
0xcc: {  	[hbm4b:s12+s3] =	stream.linear.scatter [tilespmem:s14], [sflag:$0x9], $0x2000, $0x38;
	[tilespmem:$0x1F000] =	vst v63  }
0xcd: {  	_ =	swait.ge [sflag:s15], $0x2000  }
0xce: {  	[sflag:s15] =	ssyncset.done $0x0  }
0xcf: {  	[sflag:s15] =	ssyncadd.s32 $0xFFFFE000  }
0xd0: {  	_ =	sfence.sel $0x180000  }
0xd1: {  	[bflag:$0x0] =	sbarrier.arrive $0xFFFF  }
0xd2: {  	_ =	strace $0x90000047  }
0xd3: {  	s0 =	stileid.u32;
	[bflag:$0x2] =	sbarrier.arrive $0xFFFF  }
0xd4: {  	p0 =	sne.s32 s0, $0x0;
	s0 =	rddreg [dreg:$0x3]  }
0xd5: {  	s0 =	sadd.s32 @!p0 $0x100000, s0  }
0xd6: {  	[sflag:s0] =	ssyncadd.tile.s32 @!p0 $0x1;
	_ =	shalt  }
.Lfunc_end2:
_tile_overlayer_lowered:
.L_overlay_start_2:
0xd7: {  	(tag) =	ssettag $0x2  }
0xd8: {  	s0 =	rddreg [dreg:$0x0];
	s2 =	stileid.u32  }
0xd9: {  	s1 =	rddreg [dreg:$0x1];
	p0 =	sne.s32 s2, $0x0  }
0xda: {  	s3 =	rddreg [dreg:$0x2];
	[bflag:$0x3] =	sbarrier.arrive $0xFFFF;
	s2 =	simm.s32 @!p0 $0x1C09  }
0xdb: {  	[timem:s3], [sflag:s2] =	dma.local @!p0 [hbm:s0], s1  }
0xdc: {  	s0 =	simm.s32 @!p0 $0x9  }
0xdd: {  	_ =	swait.ge @!p0 [sflag:s0], s1  }
0xde: {  	s1 =	ssub.s32 @!p0 $0x0, s1;
	[sflag:s0] =	ssyncset.done @!p0 $0x0  }
0xdf: {  	[sflag:s0] =	ssyncadd.s32 @!p0 s1  }
0xe0: {  	[bflag:$0x3] =	sbarrier.arrive $0xFFFF  }
0xe1: {  	_ =	shalt  }

// kernel: kernel.19.cloned.1.call-start
scs
__scs_entry_jumppad:
0x0: {  	(pc) =	sbr.rel $0x88, $3  }
0x1: {  	(tag) =	ssettag $0x0;
	lr =	simm.s32 $0x1  }
0x2: {  	[smem:$0x3F97] =	sst lr;
	_ =	strace $0xD0000000  }
0x3: {  	_ = 	snop  }
0x4: {  	_ = 	snop  }
0x5: {  	_ = 	snop  }
0x6: {  	_ = 	snop  }
0x7: {  	_ = 	snop  }
__scs_overlays_trampoline_lowered:
0x8: {  	[smem:$0x3FA6] =	sst s0  }
0x9: {  	[smem:$0x3FA7] =	sst s1  }
0xa: {  	[smem:$0x3FA8] =	sst s2  }
0xb: {  	[smem:$0x3FA9] =	sst s3  }
0xc: {  	[smem:$0x3FAA] =	sst s4  }
0xd: {  	[smem:$0x3FAB] =	sst s5  }
0xe: {  	[smem:$0x3FAC] =	sst s6  }
0xf: {  	[smem:$0x3FAD] =	sst s7  }
0x10: {  	[smem:$0x3FAE] =	sst s8  }
0x11: {  	[smem:$0x3FAF] =	sst s9;
	s0 =	simm.s32 @!p0 $0x0  }
0x12: {  	s1 =	sld [smem:$0x3F95];
	s0 =	simm.s32 @p0 $0x1  }
0x13: {  	[smem:$0x3FB0] =	sst s0;
	s0 =	simm.s32 @!p1 $0x0  }
0x14: {  	s2 =	sld [smem:$0x3F94];
	s0 =	simm.s32 @p1 $0x1  }
0x15: {  	[smem:$0x3FB1] =	sst s0;
	s0 =	simm.s32 @!p2 $0x0  }
0x16: {  	s3 =	sld [smem:$0x3FDB];
	s0 =	simm.s32 @p2 $0x1  }
0x17: {  	s4 =	simm.s32 $0x1BF5;
	[smem:$0x3FB3] =	sst s0  }
0x18: {  	s0 =	sld [smem:$0x3F96];
	_ =	swait.ge [sflag:s4], $0x0  }
0x19: {  	s7 =	sld [smem:$0x3F97]  }
0x1a: {  	s8 =	sadd.s32 $0xFFFFE003, lr  }
0x1b: {  	s9 =	sadd.s32 $0xFFFFFEF7, lr;
	s5 =	simm.s32 $0xFFFFFFFF;
	p2 =	slt.u32 s8, $0xFFFFF086  }
0x1c: {  	p1 =	slt.u32 s9, $0xF7A;
	s5 =	simm.s32 @!p2 $0x0  }
0x1d: {  	s5 =	simm.s32 @p1 $0x1;
	p0 =	seq.s32 s7, s2  }
0x1e: {  	s7 =	smul.u32 @!p0 $0xF7A, s2;
	p2 =	seq.s32 @!p0 s5, $0x0  }
0x1f: {  	s9 =	smul.u32 $0xF7A, s1;
	s8 =	simm.s32 @!p0 $0x1BF5;
	p2 =	por !p2, p0  }
0x20: {  	[sflag:s8] =	ssyncset.s32 @!p0 $0xFFFFF086;
	s6 =	sadd.s32 @!p0 s3, s7;
	s7 =	simm.s32 @!p0 $0x108  }
0x21: {  	s3 =	sadd.s32 s3, s9;
	s6 =	sadd.s32 @!p0 $0x88, s6;
	s7 =	simm.s32 @p2 $0x1082  }
0x22: {  	[simem:s7], [sflag:s8] =	dma.local @!p0 [hbm:s6], $0xF7A  }
0x23: {  	s9 =	sor.u32 $0xD0000000, s2;
	s6 =	simm.s32 $0x108;
	_ =	swait.ge @!p0 [sflag:s8], $0x0  }
0x24: {  	s3 =	sadd.s32 $0x88, s3;
	s6 =	simm.s32 @!p1 $0x1082;
	[sflag:s4] =	ssyncset.s32 $0xFFFFF086  }
0x25: {  	[simem:s6], [sflag:s4] =	dma.local [hbm:s3], $0xF7A  }
0x26: {  	[smem:$0x3F97] =	sst s1;
	(tag) =	ssettag s2;
	_ =	strace s9  }
0x27: {  	s1 =	sld [smem:$0x3FA7]  }
0x28: {  	s2 =	sld [smem:$0x3FA8]  }
0x29: {  	s4 =	sld [smem:$0x3FAA]  }
0x2a: {  	p0 =	seq.s32 s5, $0x0;
	s5 =	sld [smem:$0x3FAB]  }
0x2b: {  	s6 =	sld [smem:$0x3FAC]  }
0x2c: {  	s7 =	sld [smem:$0x3FAD]  }
0x2d: {  	s3 =	simm.s32 $0x108;
	s8 =	sld [smem:$0x3FAE]  }
0x2e: {  	s3 =	simm.s32 @!p0 $0x1082;
	s9 =	sld [smem:$0x3FAF]  }
0x2f: {  	lr =	sadd.s32 s0, s3;
	s0 =	sld [smem:$0x3FA6]  }
0x30: {  	s3 =	sld [smem:$0x3FA9]  }
0x31: {  	[smem:$0x3FB2] =	sst s10  }
0x32: {  	s10 =	sld [smem:$0x3FB0];
	_ =	sdelay $0x3  }
0x33: {  	p0 =	seq.s32 s10, $0x1;
	s10 =	sld [smem:$0x3FB2];
	_ =	sdelay $0x3  }
0x34: {  	[smem:$0x3FB2] =	sst s10  }
0x35: {  	s10 =	sld [smem:$0x3FB1];
	_ =	sdelay $0x3  }
0x36: {  	p1 =	seq.s32 s10, $0x1;
	s10 =	sld [smem:$0x3FB2];
	_ =	sdelay $0x3  }
0x37: {  	[smem:$0x3FB2] =	sst s10  }
0x38: {  	s10 =	sld [smem:$0x3FB3]  }
0x39: {  	_ = 	snop;
	(pc) =	sbr.ind lr, $3  }
0x3a: {  	_ = 	snop  }
0x3b: {  	_ = 	snop  }
0x3c: {  	p2 =	seq.s32 s10, $0x1;
	s10 =	sld [smem:$0x3FB2]  }
0x3d: {  	_ =	shalt  }
0x3e: {  	_ =	shalt  }
0x3f: {  	_ =	shalt  }
0x40: {  	_ =	shalt  }
0x41: {  	_ =	shalt  }
0x42: {  	_ =	shalt  }
0x43: {  	_ =	shalt  }
0x44: {  	_ =	shalt  }
0x45: {  	_ =	shalt  }
0x46: {  	_ =	shalt  }
0x47: {  	_ =	shalt  }
0x48: {  	_ =	shalt  }
0x49: {  	_ =	shalt  }
0x4a: {  	_ =	shalt  }
0x4b: {  	_ =	shalt  }
0x4c: {  	_ =	shalt  }
0x4d: {  	_ =	shalt  }
0x4e: {  	_ =	shalt  }
0x4f: {  	_ =	shalt  }
0x50: {  	_ =	shalt  }
0x51: {  	_ =	shalt  }
0x52: {  	_ =	shalt  }
0x53: {  	_ =	shalt  }
0x54: {  	_ =	shalt  }
0x55: {  	_ =	shalt  }
0x56: {  	_ =	shalt  }
0x57: {  	_ =	shalt  }
0x58: {  	_ =	shalt  }
0x59: {  	_ =	shalt  }
0x5a: {  	_ =	shalt  }
0x5b: {  	_ =	shalt  }
0x5c: {  	_ =	shalt  }
0x5d: {  	_ =	shalt  }
0x5e: {  	_ =	shalt  }
0x5f: {  	_ =	shalt  }
0x60: {  	_ =	shalt  }
0x61: {  	_ =	shalt  }
0x62: {  	_ =	shalt  }
0x63: {  	_ =	shalt  }
0x64: {  	_ =	shalt  }
0x65: {  	_ =	shalt  }
0x66: {  	_ =	shalt  }
0x67: {  	_ =	shalt  }
0x68: {  	_ =	shalt  }
0x69: {  	_ =	shalt  }
0x6a: {  	_ =	shalt  }
0x6b: {  	_ =	shalt  }
0x6c: {  	_ =	shalt  }
0x6d: {  	_ =	shalt  }
0x6e: {  	_ =	shalt  }
0x6f: {  	_ =	shalt  }
0x70: {  	_ =	shalt  }
0x71: {  	_ =	shalt  }
0x72: {  	_ =	shalt  }
0x73: {  	_ =	shalt  }
0x74: {  	_ =	shalt  }
0x75: {  	_ =	shalt  }
0x76: {  	_ =	shalt  }
0x77: {  	_ =	shalt  }
0x78: {  	_ =	shalt  }
0x79: {  	_ =	shalt  }
0x7a: {  	_ =	shalt  }
0x7b: {  	_ =	shalt  }
0x7c: {  	_ =	shalt  }
0x7d: {  	_ =	shalt  }
0x7e: {  	_ =	shalt  }
0x7f: {  	_ =	shalt  }
0x80: {  	_ =	shalt  }
0x81: {  	_ =	shalt  }
0x82: {  	_ =	shalt  }
0x83: {  	_ =	shalt  }
0x84: {  	_ =	shalt  }
0x85: {  	_ =	shalt  }
0x86: {  	_ =	shalt  }
0x87: {  	_ =	shalt  }
.Lfunc_end0:
.L_simem_size_0:
called_computation.2_lowered:
.L_overlay_start_0:
0x88: {  	s2 =	sld [smem:$0x3FD9]  }
0x89: {  	s3 =	sld [smem:$0x3FFE];
	_ =	sdelay $0x1  }
0x8a: {  	s1 =	srdreg.scid  }
0x8b: {  	s0 =	sand.u32 $0x1, s1  }
0x8c: {  	s17 =	sshll.u32 s0, $0xA;
	s2 =	sadd.s32 s3, s2  }
0x8d: {  	s2 =	sadd.s32 s2, s17  }
0x8e: {  	[smem:$0x3FBE] =	sst s2  }
0x8f: {  	_ = 	snop  }
0x90: {  	s2 =	sld [smem:$0x3FD0];
	(tm) =	ssettm $0x1  }
0x91: {  	s18 =	sld [smem:$0x3FFB];
	_ =	sdelay $0x3  }
0x92: {  	_ =	strace s18  }
0x93: {  	s3 =	sld [smem:$0x3FFC];
	_ =	sdelay $0x3  }
0x94: {  	_ =	strace s3  }
0x95: {  	s3 =	sld [smem:$0x3FFD];
	_ =	sdelay $0x3  }
0x96: {  	_ =	strace s3  }
0x97: {  	_ =	strace $0x8FFFFFFF  }
0x98: {  	s19 =	sld [smem:$0x3FDB];
	_ =	sdelay $0x1  }
0x99: {  	s4 =	simm.s32 $_scs_section_size  }
0x9a: {  	s5 =	simm.s32 $_size__tile_overlayer_lowered;
	s6 =	simm.s32 $_tile_overlayer_lowered  }
0x9b: {  	s22 =	simm.s32 $0x1BFF;
	s21 =	sshll.u32 s6, $0x1;
	s3 =	sadd.s32 s4, s19  }
0x9c: {  	s7 =	simm.s32 $0x0;
	s20 =	sshll.u32 s5, $0x1;
	s5 =	sadd.s32 s21, s3  }
0x9d: {  	[timem:s7], [sflag:s22] =	dma.local [hbm:s5], s20  }
0x9e: {  	_ =	swait.ge [sflag:s22], s20  }
0x9f: {  	s4 =	ssub.s32 $0x0, s20;
	[sflag:s22] =	ssyncset.done $0x0  }
0xa0: {  	[sflag:s22] =	ssyncadd.s32 s4;
	_ =	sdelay $0x1  }
0xa1: {  	s23 =	simm.s32 $0x1B8B  }
0xa2: {  	_ =	swait.ge [sflag:s23], $0x1  }
0xa3: {  	[sflag:s23] =	ssyncset.done $0x0  }
0xa4: {  	s25 =	simm.s32 $0x1B8E;
	s24 =	sld [smem:$0x3FFE];
	[sflag:s23] =	ssyncadd.s32 $0xFFFFFFFF  }
0xa5: {  	s26 =	simm.s32 $execute0_lowered;
	[smem:$0x3FD2] =	sst s25  }
0xa6: {  	s5 =	sshll.u32 s26, $0x1;
	_ =	strace $0x8000004C;
	[dreg:$0x1] =	wrdreg $0xFFFFFFFF  }
0xa7: {  	s28 =	simm.s32 $_size_execute0_lowered;
	s3 =	sadd.s32 s3, s5;
	[dreg:$0x0] =	wrdreg $0x0  }
0xa8: {  	s5 =	sshll.u32 s28, $0x1;
	[dreg:$0x2] =	wrdreg s3  }
0xa9: {  	[dreg:$0x3] =	wrdreg s5  }
0xaa: {  	[dreg:$0x4] =	wrdreg $0xC0  }
0xab: {  	_ =	task [dreg:s7], $0x5FFFF  }
0xac: {  	[dreg:$0x1] =	wrdreg $0xFFFFFFFF  }
0xad: {  	[dreg:$0x0] =	wrdreg $0x60  }
0xae: {  	[dreg:$0x2] =	wrdreg s24  }
0xaf: {  	[dreg:$0x3] =	wrdreg s2  }
0xb0: {  	[dreg:$0x4] =	wrdreg $0x90000  }
0xb1: {  	[dreg:$0x5] =	wrdreg $0x9  }
0xb2: {  	_ =	task.clear_ibuf [dreg:s7], $0x6FFFF;
	_ =	strace $0x9000004C  }
0xb3: {  	s29 =	simm.s32 $0x9;
	_ =	strace $0x8000004E  }
0xb4: {  	_ =	swait.ge [sflag:s29], $0x1  }
0xb5: {  	[sflag:s29] =	ssyncadd.s32 $0xFFFFFFFF  }
0xb6: {  	_ =	strace $0x9000004E  }
0xb7: {  	_ =	sfence  }
0xb8: {  	s30 =	sld [smem:$0x0];
	_ =	sdelay $0x2  }
0xb9: {  	s31 =	sshll.u32 s1, $0xD;
	s1 =	sshrl.u32 s1, $0x2  }
0xba: {  	s3 =	sand.u32 $0x4000, s31;
	s1 =	sadd.s32 s1, s30  }
0xbb: {  	s0 =	sor.u32 s3, s0;
	s1 =	sshll.u32 s1, $0x11  }
0xbc: {  	s0 =	sor.u32 s1, s0  }
0xbd: {  	s0 =	sadd.s32 $0x8F2B, s0  }
0xbe: {  	[sflag:s0] =	ssyncadd.remote.s32 $0x1  }
0xbf: {  	_ =	sfence.sel $0xFFFF  }
0xc0: {  	[dreg:$0x0] =	wrdreg $0xFFFFFFFF;
	(pc) =	sbr.abs _section_cstart, $3  }
0xc1: {  	[dreg:$0x1] =	wrdreg $0xFFFFFFFF  }
0xc2: {  	_ =	task.clear_ibuf [dreg:s7], $0x2FFFF;
	_ =	strace $0x9FFFFFFF  }
0xc3: {  	(tm) =	ssettm $0x7FFFFFFF  }
tec
execute0_lowered:
.L_overlay_start_1:
0x0: {  	(tag) =	ssettag $0x1  }
0x1: {  	s5 =	rddreg [dreg:$0x0]  }
0x2: {  	s0 =	srdreg.scid;
	s10 =	rddreg [dreg:$0x1]  }
0x3: {  	s2 =	rddreg [dreg:$0x2];
	s1 =	stileid.u32  }
0x4: {  	s3 =	simm.s32 $0x0;
	s21 =	simm.s32 $0x80;
	s22 =	simm.s32 $0x1  }
0x5: {  	s7 =	sand.u32 $0x1, s0;
	s0 =	rddreg [dreg:$0x3];
	s6 =	smul.u32 $0x50000, s1  }
0x6: {  	s23 =	simm.s32 $0x0;
	[smem:$0x7FF] =	sst s3;
	s12 =	smul.u32 $0x14000, s1  }
0x7: {  	s16 =	sadd.s32 $0x86C00, s5;
	s4 =	sshll.u32 s7, $0x4;
	_ =	strace $0x8000004D  }
0x8: {  	s8 =	ssub.s32 $0x2, s7;
	s20 =	smul.u32 $0x140000, s7;
	s4 =	sor.u32 s1, s4  }
0x9: {  	s25 =	sshrl.u32 s8, $0x1;
	s26 =	sshrl.u32 s6, $0x2;
	s14 =	sadd.s32 $0x4000, s12  }
0xa: {  	s15 =	sadd.s32 $0x8000, s12;
	s18 =	sadd.s32 $0xC000, s12;
	s19 =	sadd.s32 $0x10000, s12  }
0xb: {  	s11 =	smul.u32 $0x500, s4;
	s4 =	sadd.s32 $0x36C00, s5;
	s17 =	ssub.s32 s8, s25  }
0xc: {  	s6 =	sadd.s32 s14, s2;
	s7 =	sadd.s32 s15, s2;
	s8 =	sadd.s32 s18, s2  }
0xd: {  	s9 =	sadd.s32 s19, s2;
	s12 =	sadd.s32 s12, s20;
	s14 =	sadd.s32 s20, s14  }
0xe: {  	s29 =	sadd.s32 s20, s15;
	s30 =	sadd.s32 s20, s18;
	s31 =	sadd.s32 s20, s19  }
0xf: {  	s19 =	simm.s32 $0x2;
	s20 =	simm.s32 $0x2800;
	s12 =	sshrl.u32 s12, $0x3  }
0x10: {  	s28 =	sshrl.u32 s14, $0x3;
	s14 =	sshrl.u32 s29, $0x3;
	s15 =	sshrl.u32 s30, $0x3  }
0x11: {  	s18 =	sshrl.u32 s31, $0x3;
	s17 =	smax.u32 s17, $0x1;
	s13 =	sadd.s32 s11, s5  }
0x12: {  	s5 =	sadd.s32 s26, s2;
	s10 =	sadd.s32 s10, s11;
	s12 =	sadd.s32 s16, s12  }
0x13: {  	s14 =	sadd.s32 s16, s14;
	s15 =	sadd.s32 s16, s15;
	s11 =	sadd.s32 $0x4C00, s13  }
0x14: {  	v0 =	vimm.f32 $0.0e+00;
	s13 =	sadd.s32 s16, s28;
	s16 =	sadd.s32 s16, s18;
	s18 =	simm.s32 $0x5000  }
.LBB2_1:
0x15: {  	s24 =	simm.s32 $0x0;
	s25 =	simm.s32 $0x200  }
.LBB2_2:
0x16: {  	p0 =	sne.s32 s25, $0xFE00;
	[tilespmem:s24+$0x5070] =	vst v0  }
0x17: {  	[tilespmem:s24+$0x5000] =	vst v0  }
0x18: {  	[tilespmem:s24+$0x5010] =	vst v0  }
.Ltmp0:
0x19: {  	[tilespmem:s24+$0x5020] =	vst v0;
	(pc) =	sbr.rel @p0 .LBB2_2-.Ltmp0, $4  }
0x1a: {  	[tilespmem:s24+$0x5030] =	vst v0  }
0x1b: {  	[tilespmem:s24+$0x5040] =	vst v0  }
0x1c: {  	[tilespmem:s24+$0x5050] =	vst v0  }
0x1d: {  	[tilespmem:s24+$0x5060] =	vst v0;
	s24 =	sshra.s32 s25, $0x2;
	s25 =	sadd.s32 $0x200, s25  }
0x1e: {  	[tilespmem:s24+$0x5070] =	vst v0  }
0x1f: {  	[tilespmem:s24+$0x5000] =	vst v0  }
0x20: {  	[tilespmem:s24+$0x5010] =	vst v0  }
0x21: {  	[tilespmem:s24+$0x5020] =	vst v0  }
0x22: {  	[tilespmem:s24+$0x5030] =	vst v0  }
0x23: {  	[tilespmem:s24+$0x5040] =	vst v0  }
0x24: {  	[tilespmem:s24+$0x5050] =	vst v0  }
0x25: {  	[tilespmem:s24+$0x5060] =	vst v0  }
0x26: {  	[spmem:s5] =	stream.linear.scatter [tilespmem:s18], [sflag:$0x2], $0x4000, $0x38;
	[tilespmem:$0x1D000] =	vst v63  }
0x27: {  	_ =	swait.ge [sflag:s19], $0x4000  }
0x28: {  	[sflag:s19] =	ssyncset.done $0x0  }
0x29: {  	[sflag:s19] =	ssyncadd.s32 $0xFFFFC000  }
0x2a: {  	[spmem:s6] =	stream.linear.scatter [tilespmem:s18], [sflag:$0x2], $0x4000, $0x38;
	[tilespmem:$0x1D000] =	vst v63  }
0x2b: {  	_ =	swait.ge [sflag:s19], $0x4000  }
0x2c: {  	[sflag:s19] =	ssyncset.done $0x0  }
0x2d: {  	[sflag:s19] =	ssyncadd.s32 $0xFFFFC000  }
0x2e: {  	[spmem:s7] =	stream.linear.scatter [tilespmem:s18], [sflag:$0x2], $0x4000, $0x38;
	[tilespmem:$0x1D000] =	vst v63  }
0x2f: {  	_ =	swait.ge [sflag:s19], $0x4000  }
0x30: {  	[sflag:s19] =	ssyncset.done $0x0  }
0x31: {  	[sflag:s19] =	ssyncadd.s32 $0xFFFFC000  }
0x32: {  	[spmem:s8] =	stream.linear.scatter [tilespmem:s18], [sflag:$0x2], $0x4000, $0x38;
	[tilespmem:$0x1D000] =	vst v63  }
0x33: {  	_ =	swait.ge [sflag:s19], $0x4000  }
0x34: {  	[sflag:s19] =	ssyncset.done $0x0  }
0x35: {  	[sflag:s19] =	ssyncadd.s32 $0xFFFFC000  }
0x36: {  	[spmem:s9] =	stream.linear.scatter [tilespmem:s18], [sflag:$0x2], $0x4000, $0x38;
	[tilespmem:$0x1D000] =	vst v63  }
0x37: {  	_ =	swait.ge [sflag:s19], $0x4000  }
0x38: {  	[sflag:s19] =	ssyncset.done $0x0  }
0x39: {  	s29 =	simm.s32 $0x0;
	[sflag:s19] =	ssyncadd.s32 $0xFFFFC000  }
0x3a: {  	[tilespmem:s29], [sflag:$0x2] =	stream.linear.gather [hbm4b:s10+s29], $0x2780, $0x38;
	[tilespmem:$0x1D000] =	vst v63  }
0x3b: {  	_ =	swait.ge [sflag:s19], $0x2780  }
0x3c: {  	[sflag:s19] =	ssyncset.done $0x0  }
0x3d: {  	[sflag:s19] =	ssyncadd.s32 $0xFFFFD880  }
0x3e: {  	[tilespmem:s20], [sflag:$0x2] =	stream.linear.gather [hbm4b:s11+s29], $0x2780, $0x38;
	[tilespmem:$0x1D000] =	vst v63  }
0x3f: {  	_ =	swait.ge [sflag:s19], $0x2780  }
0x40: {  	[sflag:s19] =	ssyncset.done $0x0  }
0x41: {  	[sflag:s19] =	ssyncadd.s32 $0xFFFFD880  }
0x42: {  	s30 =	simm.s32 $0x2800;
	[bflag:$0x0] =	sbarrier.arrive $0xFFFF  }
0x43: {  	[tilespmem:s18], [sflag:$0x1] =	stream.indirect.gather [hbm4b:s4+s21], $0x80, s30, s21, $0xb8;
	[tilespmem:$0x1D000] =	vst v63  }
0x44: {  	_ =	swait.ge [sflag:s22], $0x4000  }
0x45: {  	[sflag:s22] =	ssyncset.done $0x0  }
0x46: {  	s31 =	simm.s32 $0x0;
	[sflag:s22] =	ssyncadd.s32 $0xFFFFC000  }
0x47: {  	[spmem:s2] =	stream.indirect.scatter.add.f32 [tilespmem:s18], [sflag:$0x2], $0x80, s31, s21, $0xb8;
	[tilespmem:$0x1D000] =	vst v63  }
0x48: {  	_ =	swait.ge [sflag:s19], $0x4000  }
0x49: {  	s25 =	simm.s32 $0x400;
	s24 =	simm.s32 $0x80;
	[sflag:s19] =	ssyncset.done $0x0  }
.LBB2_4:
0x4a: {  	s26 =	sadd.s32 $0x2800, s24  }
0x4b: {  	[sflag:s19] =	ssyncadd.s32 $0xFFFFC000;
	s28 =	smov.u32 s25;
	s29 =	sadd.s32 $0x200, s25  }
0x4c: {  	[tilespmem:s18], [sflag:$0x1] =	stream.indirect.gather [hbm4b:s4+s21], $0x80, s26, s21, $0xb8;
	[tilespmem:$0x1D000] =	vst v63  }
0x4d: {  	p0 =	sne.s32 s25, $0x9C00;
	_ =	swait.ge [sflag:s22], $0x4000  }
.Ltmp1:
0x4e: {  	[sflag:s22] =	ssyncset.done $0x0;
	(pc) =	sbr.rel @p0 .LBB2_4-.Ltmp1, $4  }
0x4f: {  	[sflag:s22] =	ssyncadd.s32 $0xFFFFC000  }
0x50: {  	[spmem:s2] =	stream.indirect.scatter.add.f32 [tilespmem:s18], [sflag:$0x2], $0x80, s24, s21, $0xb8;
	[tilespmem:$0x1D000] =	vst v63  }
0x51: {  	_ =	swait.ge [sflag:s19], $0x4000  }
0x52: {  	s25 =	smov.u32 s29;
	s24 =	sshra.s32 s28, $0x2;
	[sflag:s19] =	ssyncset.done $0x0  }
0x53: {  	s25 =	sadd.s32 $0x2800, s24;
	[sflag:s19] =	ssyncadd.s32 $0xFFFFC000  }
0x54: {  	[tilespmem:s18], [sflag:$0x1] =	stream.indirect.gather [hbm4b:s4+s21], $0x80, s25, s21, $0xb8;
	[tilespmem:$0x1D000] =	vst v63  }
0x55: {  	_ =	swait.ge [sflag:s22], $0x4000  }
0x56: {  	[sflag:s22] =	ssyncset.done $0x0  }
0x57: {  	[sflag:s22] =	ssyncadd.s32 $0xFFFFC000  }
0x58: {  	[spmem:s2] =	stream.indirect.scatter.add.f32 [tilespmem:s18], [sflag:$0x2], $0x80, s24, s21, $0xb8;
	[tilespmem:$0x1D000] =	vst v63  }
0x59: {  	_ =	swait.ge [sflag:s19], $0x4000  }
0x5a: {  	[sflag:s19] =	ssyncset.done $0x0  }
0x5b: {  	[sflag:s19] =	ssyncadd.s32 $0xFFFFC000  }
0x5c: {  	[bflag:$0x0] =	sbarrier.arrive $0xFFFF  }
0x5d: {  	[tilespmem:s18], [sflag:$0x2] =	stream.linear.gather [spmem:s5], $0x4000, $0x38;
	[tilespmem:$0x1D000] =	vst v63  }
0x5e: {  	_ =	swait.ge [sflag:s19], $0x4000  }
0x5f: {  	[sflag:s19] =	ssyncset.done $0x0  }
0x60: {  	[sflag:s19] =	ssyncadd.s32 $0xFFFFC000  }
0x61: {  	[hbm4b:s12+s3] =	stream.linear.scatter [tilespmem:s18], [sflag:$0x2], $0x4000, $0x38;
	[tilespmem:$0x1D000] =	vst v63  }
0x62: {  	_ =	swait.ge [sflag:s19], $0x4000  }
0x63: {  	[sflag:s19] =	ssyncset.done $0x0  }
0x64: {  	[sflag:s19] =	ssyncadd.s32 $0xFFFFC000  }
0x65: {  	[tilespmem:s18], [sflag:$0x2] =	stream.linear.gather [spmem:s6], $0x4000, $0x38;
	[tilespmem:$0x1D000] =	vst v63  }
0x66: {  	_ =	swait.ge [sflag:s19], $0x4000  }
0x67: {  	[sflag:s19] =	ssyncset.done $0x0  }
0x68: {  	[sflag:s19] =	ssyncadd.s32 $0xFFFFC000  }
0x69: {  	[hbm4b:s13+s3] =	stream.linear.scatter [tilespmem:s18], [sflag:$0x2], $0x4000, $0x38;
	[tilespmem:$0x1D000] =	vst v63  }
0x6a: {  	_ =	swait.ge [sflag:s19], $0x4000  }
0x6b: {  	[sflag:s19] =	ssyncset.done $0x0  }
0x6c: {  	[sflag:s19] =	ssyncadd.s32 $0xFFFFC000  }
0x6d: {  	[tilespmem:s18], [sflag:$0x2] =	stream.linear.gather [spmem:s7], $0x4000, $0x38;
	[tilespmem:$0x1D000] =	vst v63  }
0x6e: {  	_ =	swait.ge [sflag:s19], $0x4000  }
0x6f: {  	[sflag:s19] =	ssyncset.done $0x0  }
0x70: {  	[sflag:s19] =	ssyncadd.s32 $0xFFFFC000  }
0x71: {  	[hbm4b:s14+s3] =	stream.linear.scatter [tilespmem:s18], [sflag:$0x2], $0x4000, $0x38;
	[tilespmem:$0x1D000] =	vst v63  }
0x72: {  	_ =	swait.ge [sflag:s19], $0x4000  }
0x73: {  	[sflag:s19] =	ssyncset.done $0x0  }
0x74: {  	[sflag:s19] =	ssyncadd.s32 $0xFFFFC000  }
0x75: {  	[tilespmem:s18], [sflag:$0x2] =	stream.linear.gather [spmem:s8], $0x4000, $0x38;
	[tilespmem:$0x1D000] =	vst v63  }
0x76: {  	_ =	swait.ge [sflag:s19], $0x4000  }
0x77: {  	[sflag:s19] =	ssyncset.done $0x0  }
0x78: {  	[sflag:s19] =	ssyncadd.s32 $0xFFFFC000  }
0x79: {  	[hbm4b:s15+s3] =	stream.linear.scatter [tilespmem:s18], [sflag:$0x2], $0x4000, $0x38;
	[tilespmem:$0x1D000] =	vst v63  }
0x7a: {  	_ =	swait.ge [sflag:s19], $0x4000  }
0x7b: {  	[sflag:s19] =	ssyncset.done $0x0  }
0x7c: {  	[sflag:s19] =	ssyncadd.s32 $0xFFFFC000  }
0x7d: {  	[tilespmem:s18], [sflag:$0x2] =	stream.linear.gather [spmem:s9], $0x4000, $0x38;
	[tilespmem:$0x1D000] =	vst v63  }
0x7e: {  	s23 =	sadd.s32 $0x1, s23;
	_ =	swait.ge [sflag:s19], $0x4000  }
0x7f: {  	p0 =	sne.s32 s23, s17;
	[sflag:s19] =	ssyncset.done $0x0  }
.Ltmp2:
0x80: {  	[sflag:s19] =	ssyncadd.s32 $0xFFFFC000;
	(pc) =	sbr.rel @p0 .LBB2_1-.Ltmp2, $4  }
0x81: {  	[hbm4b:s16+s3] =	stream.linear.scatter [tilespmem:s18], [sflag:$0x2], $0x4000, $0x38;
	[tilespmem:$0x1D000] =	vst v63  }
0x82: {  	_ =	swait.ge [sflag:s19], $0x4000  }
0x83: {  	[sflag:s19] =	ssyncset.done $0x0  }
0x84: {  	[sflag:s19] =	ssyncadd.s32 $0xFFFFC000  }
0x85: {  	_ =	sfence.sel $0x180000  }
0x86: {  	[bflag:$0x0] =	sbarrier.arrive $0xFFFF  }
0x87: {  	p0 =	sne.s32 s1, $0x0;
	_ =	strace $0x9000004D  }
0x88: {  	s0 =	sadd.s32 @!p0 $0x100000, s0;
	[bflag:$0x2] =	sbarrier.arrive $0xFFFF  }
0x89: {  	[sflag:s0] =	ssyncadd.tile.s32 @!p0 $0x1;
	_ =	shalt  }
.Lfunc_end2:
_tile_overlayer_lowered:
.L_overlay_start_2:
0x8a: {  	(tag) =	ssettag $0x2  }
0x8b: {  	s0 =	rddreg [dreg:$0x0];
	s2 =	stileid.u32  }
0x8c: {  	s1 =	rddreg [dreg:$0x1];
	p0 =	sne.s32 s2, $0x0  }
0x8d: {  	s3 =	rddreg [dreg:$0x2];
	[bflag:$0x3] =	sbarrier.arrive $0xFFFF;
	s2 =	simm.s32 @!p0 $0x1C02  }
0x8e: {  	[timem:s3], [sflag:s2] =	dma.local @!p0 [hbm:s0], s1  }
0x8f: {  	s0 =	simm.s32 @!p0 $0x2  }
0x90: {  	_ =	swait.ge @!p0 [sflag:s0], s1  }
0x91: {  	s1 =	ssub.s32 @!p0 $0x0, s1;
	[sflag:s0] =	ssyncset.done @!p0 $0x0  }
0x92: {  	[sflag:s0] =	ssyncadd.s32 @!p0 s1  }
0x93: {  	[bflag:$0x3] =	sbarrier.arrive $0xFFFF  }
0x94: {  	_ =	shalt  }

// kernel: kernel.22.cloned.1.call-start
scs
__scs_entry_jumppad:
0x0: {  	(pc) =	sbr.rel $0x88, $3  }
0x1: {  	(tag) =	ssettag $0x0;
	lr =	simm.s32 $0x1  }
0x2: {  	[smem:$0x3F97] =	sst lr;
	_ =	strace $0xD0000000  }
0x3: {  	_ = 	snop  }
0x4: {  	_ = 	snop  }
0x5: {  	_ = 	snop  }
0x6: {  	_ = 	snop  }
0x7: {  	_ = 	snop  }
__scs_overlays_trampoline_lowered:
0x8: {  	[smem:$0x3FA6] =	sst s0  }
0x9: {  	[smem:$0x3FA7] =	sst s1  }
0xa: {  	[smem:$0x3FA8] =	sst s2  }
0xb: {  	[smem:$0x3FA9] =	sst s3  }
0xc: {  	[smem:$0x3FAA] =	sst s4  }
0xd: {  	[smem:$0x3FAB] =	sst s5  }
0xe: {  	[smem:$0x3FAC] =	sst s6  }
0xf: {  	[smem:$0x3FAD] =	sst s7  }
0x10: {  	[smem:$0x3FAE] =	sst s8  }
0x11: {  	[smem:$0x3FAF] =	sst s9;
	s0 =	simm.s32 @!p0 $0x0  }
0x12: {  	s1 =	sld [smem:$0x3F95];
	s0 =	simm.s32 @p0 $0x1  }
0x13: {  	[smem:$0x3FB0] =	sst s0;
	s0 =	simm.s32 @!p1 $0x0  }
0x14: {  	s2 =	sld [smem:$0x3F94];
	s0 =	simm.s32 @p1 $0x1  }
0x15: {  	[smem:$0x3FB1] =	sst s0;
	s0 =	simm.s32 @!p2 $0x0  }
0x16: {  	s3 =	sld [smem:$0x3FDB];
	s0 =	simm.s32 @p2 $0x1  }
0x17: {  	s4 =	simm.s32 $0x1BF5;
	[smem:$0x3FB3] =	sst s0  }
0x18: {  	s0 =	sld [smem:$0x3F96];
	_ =	swait.ge [sflag:s4], $0x0  }
0x19: {  	s7 =	sld [smem:$0x3F97]  }
0x1a: {  	s8 =	sadd.s32 $0xFFFFE003, lr  }
0x1b: {  	s9 =	sadd.s32 $0xFFFFFEF7, lr;
	s5 =	simm.s32 $0xFFFFFFFF;
	p2 =	slt.u32 s8, $0xFFFFF086  }
0x1c: {  	p1 =	slt.u32 s9, $0xF7A;
	s5 =	simm.s32 @!p2 $0x0  }
0x1d: {  	s5 =	simm.s32 @p1 $0x1;
	p0 =	seq.s32 s7, s2  }
0x1e: {  	s7 =	smul.u32 @!p0 $0xF7A, s2;
	p2 =	seq.s32 @!p0 s5, $0x0  }
0x1f: {  	s9 =	smul.u32 $0xF7A, s1;
	s8 =	simm.s32 @!p0 $0x1BF5;
	p2 =	por !p2, p0  }
0x20: {  	[sflag:s8] =	ssyncset.s32 @!p0 $0xFFFFF086;
	s6 =	sadd.s32 @!p0 s3, s7;
	s7 =	simm.s32 @!p0 $0x108  }
0x21: {  	s3 =	sadd.s32 s3, s9;
	s6 =	sadd.s32 @!p0 $0x88, s6;
	s7 =	simm.s32 @p2 $0x1082  }
0x22: {  	[simem:s7], [sflag:s8] =	dma.local @!p0 [hbm:s6], $0xF7A  }
0x23: {  	s9 =	sor.u32 $0xD0000000, s2;
	s6 =	simm.s32 $0x108;
	_ =	swait.ge @!p0 [sflag:s8], $0x0  }
0x24: {  	s3 =	sadd.s32 $0x88, s3;
	s6 =	simm.s32 @!p1 $0x1082;
	[sflag:s4] =	ssyncset.s32 $0xFFFFF086  }
0x25: {  	[simem:s6], [sflag:s4] =	dma.local [hbm:s3], $0xF7A  }
0x26: {  	[smem:$0x3F97] =	sst s1;
	(tag) =	ssettag s2;
	_ =	strace s9  }
0x27: {  	s1 =	sld [smem:$0x3FA7]  }
0x28: {  	s2 =	sld [smem:$0x3FA8]  }
0x29: {  	s4 =	sld [smem:$0x3FAA]  }
0x2a: {  	p0 =	seq.s32 s5, $0x0;
	s5 =	sld [smem:$0x3FAB]  }
0x2b: {  	s6 =	sld [smem:$0x3FAC]  }
0x2c: {  	s7 =	sld [smem:$0x3FAD]  }
0x2d: {  	s3 =	simm.s32 $0x108;
	s8 =	sld [smem:$0x3FAE]  }
0x2e: {  	s3 =	simm.s32 @!p0 $0x1082;
	s9 =	sld [smem:$0x3FAF]  }
0x2f: {  	lr =	sadd.s32 s0, s3;
	s0 =	sld [smem:$0x3FA6]  }
0x30: {  	s3 =	sld [smem:$0x3FA9]  }
0x31: {  	[smem:$0x3FB2] =	sst s10  }
0x32: {  	s10 =	sld [smem:$0x3FB0];
	_ =	sdelay $0x3  }
0x33: {  	p0 =	seq.s32 s10, $0x1;
	s10 =	sld [smem:$0x3FB2];
	_ =	sdelay $0x3  }
0x34: {  	[smem:$0x3FB2] =	sst s10  }
0x35: {  	s10 =	sld [smem:$0x3FB1];
	_ =	sdelay $0x3  }
0x36: {  	p1 =	seq.s32 s10, $0x1;
	s10 =	sld [smem:$0x3FB2];
	_ =	sdelay $0x3  }
0x37: {  	[smem:$0x3FB2] =	sst s10  }
0x38: {  	s10 =	sld [smem:$0x3FB3]  }
0x39: {  	_ = 	snop;
	(pc) =	sbr.ind lr, $3  }
0x3a: {  	_ = 	snop  }
0x3b: {  	_ = 	snop  }
0x3c: {  	p2 =	seq.s32 s10, $0x1;
	s10 =	sld [smem:$0x3FB2]  }
0x3d: {  	_ =	shalt  }
0x3e: {  	_ =	shalt  }
0x3f: {  	_ =	shalt  }
0x40: {  	_ =	shalt  }
0x41: {  	_ =	shalt  }
0x42: {  	_ =	shalt  }
0x43: {  	_ =	shalt  }
0x44: {  	_ =	shalt  }
0x45: {  	_ =	shalt  }
0x46: {  	_ =	shalt  }
0x47: {  	_ =	shalt  }
0x48: {  	_ =	shalt  }
0x49: {  	_ =	shalt  }
0x4a: {  	_ =	shalt  }
0x4b: {  	_ =	shalt  }
0x4c: {  	_ =	shalt  }
0x4d: {  	_ =	shalt  }
0x4e: {  	_ =	shalt  }
0x4f: {  	_ =	shalt  }
0x50: {  	_ =	shalt  }
0x51: {  	_ =	shalt  }
0x52: {  	_ =	shalt  }
0x53: {  	_ =	shalt  }
0x54: {  	_ =	shalt  }
0x55: {  	_ =	shalt  }
0x56: {  	_ =	shalt  }
0x57: {  	_ =	shalt  }
0x58: {  	_ =	shalt  }
0x59: {  	_ =	shalt  }
0x5a: {  	_ =	shalt  }
0x5b: {  	_ =	shalt  }
0x5c: {  	_ =	shalt  }
0x5d: {  	_ =	shalt  }
0x5e: {  	_ =	shalt  }
0x5f: {  	_ =	shalt  }
0x60: {  	_ =	shalt  }
0x61: {  	_ =	shalt  }
0x62: {  	_ =	shalt  }
0x63: {  	_ =	shalt  }
0x64: {  	_ =	shalt  }
0x65: {  	_ =	shalt  }
0x66: {  	_ =	shalt  }
0x67: {  	_ =	shalt  }
0x68: {  	_ =	shalt  }
0x69: {  	_ =	shalt  }
0x6a: {  	_ =	shalt  }
0x6b: {  	_ =	shalt  }
0x6c: {  	_ =	shalt  }
0x6d: {  	_ =	shalt  }
0x6e: {  	_ =	shalt  }
0x6f: {  	_ =	shalt  }
0x70: {  	_ =	shalt  }
0x71: {  	_ =	shalt  }
0x72: {  	_ =	shalt  }
0x73: {  	_ =	shalt  }
0x74: {  	_ =	shalt  }
0x75: {  	_ =	shalt  }
0x76: {  	_ =	shalt  }
0x77: {  	_ =	shalt  }
0x78: {  	_ =	shalt  }
0x79: {  	_ =	shalt  }
0x7a: {  	_ =	shalt  }
0x7b: {  	_ =	shalt  }
0x7c: {  	_ =	shalt  }
0x7d: {  	_ =	shalt  }
0x7e: {  	_ =	shalt  }
0x7f: {  	_ =	shalt  }
0x80: {  	_ =	shalt  }
0x81: {  	_ =	shalt  }
0x82: {  	_ =	shalt  }
0x83: {  	_ =	shalt  }
0x84: {  	_ =	shalt  }
0x85: {  	_ =	shalt  }
0x86: {  	_ =	shalt  }
0x87: {  	_ =	shalt  }
.Lfunc_end0:
.L_simem_size_0:
called_computation.3_lowered:
.L_overlay_start_0:
0x88: {  	s2 =	sld [smem:$0x3FD9]  }
0x89: {  	s3 =	sld [smem:$0x3FFE];
	_ =	sdelay $0x1  }
0x8a: {  	s1 =	srdreg.scid  }
0x8b: {  	s0 =	sand.u32 $0x1, s1  }
0x8c: {  	s17 =	sshll.u32 s0, $0xA;
	s2 =	sadd.s32 s3, s2  }
0x8d: {  	s2 =	sadd.s32 s2, s17  }
0x8e: {  	[smem:$0x3FBE] =	sst s2  }
0x8f: {  	_ = 	snop  }
0x90: {  	s2 =	sld [smem:$0x3FD0];
	(tm) =	ssettm $0x1  }
0x91: {  	s18 =	sld [smem:$0x3FFB];
	_ =	sdelay $0x3  }
0x92: {  	_ =	strace s18  }
0x93: {  	s3 =	sld [smem:$0x3FFC];
	_ =	sdelay $0x3  }
0x94: {  	_ =	strace s3  }
0x95: {  	s3 =	sld [smem:$0x3FFD];
	_ =	sdelay $0x3  }
0x96: {  	_ =	strace s3  }
0x97: {  	_ =	strace $0x8FFFFFFF  }
0x98: {  	s19 =	sld [smem:$0x3FDB];
	_ =	sdelay $0x1  }
0x99: {  	s4 =	simm.s32 $_scs_section_size  }
0x9a: {  	s5 =	simm.s32 $_size__tile_overlayer_lowered;
	s6 =	simm.s32 $_tile_overlayer_lowered  }
0x9b: {  	s22 =	simm.s32 $0x1BFF;
	s21 =	sshll.u32 s6, $0x1;
	s3 =	sadd.s32 s4, s19  }
0x9c: {  	s7 =	simm.s32 $0x0;
	s20 =	sshll.u32 s5, $0x1;
	s5 =	sadd.s32 s21, s3  }
0x9d: {  	[timem:s7], [sflag:s22] =	dma.local [hbm:s5], s20  }
0x9e: {  	_ =	swait.ge [sflag:s22], s20  }
0x9f: {  	s4 =	ssub.s32 $0x0, s20;
	[sflag:s22] =	ssyncset.done $0x0  }
0xa0: {  	[sflag:s22] =	ssyncadd.s32 s4;
	_ =	sdelay $0x1  }
0xa1: {  	s23 =	simm.s32 $0x1B8B  }
0xa2: {  	_ =	swait.ge [sflag:s23], $0x1  }
0xa3: {  	[sflag:s23] =	ssyncset.done $0x0  }
0xa4: {  	s25 =	simm.s32 $0x1B8E;
	s24 =	sld [smem:$0x3FFE];
	[sflag:s23] =	ssyncadd.s32 $0xFFFFFFFF  }
0xa5: {  	s26 =	simm.s32 $execute0_lowered;
	[smem:$0x3FD2] =	sst s25  }
0xa6: {  	s5 =	sshll.u32 s26, $0x1;
	_ =	strace $0x8000004F;
	[dreg:$0x1] =	wrdreg $0xFFFFFFFF  }
0xa7: {  	s28 =	simm.s32 $_size_execute0_lowered;
	s3 =	sadd.s32 s3, s5;
	[dreg:$0x0] =	wrdreg $0x0  }
0xa8: {  	s5 =	sshll.u32 s28, $0x1;
	[dreg:$0x2] =	wrdreg s3  }
0xa9: {  	[dreg:$0x3] =	wrdreg s5  }
0xaa: {  	[dreg:$0x4] =	wrdreg $0xC0  }
0xab: {  	_ =	task [dreg:s7], $0x5FFFF  }
0xac: {  	[dreg:$0x1] =	wrdreg $0xFFFFFFFF  }
0xad: {  	[dreg:$0x0] =	wrdreg $0x60  }
0xae: {  	[dreg:$0x2] =	wrdreg s24  }
0xaf: {  	[dreg:$0x3] =	wrdreg s2  }
0xb0: {  	[dreg:$0x4] =	wrdreg $0x150000  }
0xb1: {  	[dreg:$0x5] =	wrdreg $0x9  }
0xb2: {  	_ =	task.clear_ibuf [dreg:s7], $0x6FFFF;
	_ =	strace $0x9000004F  }
0xb3: {  	s29 =	simm.s32 $0x9;
	_ =	strace $0x80000051  }
0xb4: {  	_ =	swait.ge [sflag:s29], $0x1  }
0xb5: {  	[sflag:s29] =	ssyncadd.s32 $0xFFFFFFFF  }
0xb6: {  	_ =	strace $0x90000051  }
0xb7: {  	_ =	sfence  }
0xb8: {  	s30 =	sld [smem:$0x0];
	_ =	sdelay $0x2  }
0xb9: {  	s31 =	sshll.u32 s1, $0xD;
	s1 =	sshrl.u32 s1, $0x2  }
0xba: {  	s3 =	sand.u32 $0x4000, s31;
	s1 =	sadd.s32 s1, s30  }
0xbb: {  	s0 =	sor.u32 s3, s0;
	s1 =	sshll.u32 s1, $0x11  }
0xbc: {  	s0 =	sor.u32 s1, s0  }
0xbd: {  	s0 =	sadd.s32 $0x8F2B, s0  }
0xbe: {  	[sflag:s0] =	ssyncadd.remote.s32 $0x1  }
0xbf: {  	_ =	sfence.sel $0xFFFF  }
0xc0: {  	[dreg:$0x0] =	wrdreg $0xFFFFFFFF;
	(pc) =	sbr.abs _section_cstart, $3  }
0xc1: {  	[dreg:$0x1] =	wrdreg $0xFFFFFFFF  }
0xc2: {  	_ =	task.clear_ibuf [dreg:s7], $0x2FFFF;
	_ =	strace $0x9FFFFFFF  }
0xc3: {  	(tm) =	ssettm $0x7FFFFFFF  }
tec
execute0_lowered:
.L_overlay_start_1:
0x0: {  	(tag) =	ssettag $0x1  }
0x1: {  	s0 =	rddreg [dreg:$0x0]  }
0x2: {  	s8 =	rddreg [dreg:$0x1]  }
0x3: {  	s1 =	srdreg.scid;
	s2 =	rddreg [dreg:$0x2]  }
0x4: {  	s11 =	stileid.u32;
	s3 =	simm.s32 $0x0;
	s15 =	simm.s32 $0x9  }
0x5: {  	s17 =	simm.s32 $0x80;
	s18 =	simm.s32 $0x9000;
	s20 =	simm.s32 $0xD000  }
0x6: {  	s22 =	simm.s32 $0x11000;
	s23 =	simm.s32 $0x1;
	s24 =	simm.s32 $0x5  }
0x7: {  	s28 =	simm.s32 $0x3;
	s29 =	simm.s32 $0x7;
	s30 =	simm.s32 $0x4  }
0x8: {  	s31 =	simm.s32 $0x8;
	s21 =	simm.s32 $0x4F00;
	s1 =	sand.u32 $0x1, s1  }
0x9: {  	[smem:$0x7FF] =	sst s3;
	s5 =	smul.u32 $0x28000, s11;
	s4 =	sshll.u32 s1, $0x4  }
0xa: {  	_ =	strace $0x80000050;
	s6 =	ssub.s32 $0x2, s1;
	s1 =	smul.u32 $0xA0000, s1  }
0xb: {  	s4 =	sor.u32 s11, s4;
	s7 =	sshrl.u32 s6, $0x1;
	s11 =	smul.u32 $0xA000, s11  }
0xc: {  	s5 =	sshrl.u32 s5, $0x2;
	s9 =	smul.u32 $0x500, s4;
	s4 =	sadd.s32 $0xEC00, s0  }
0xd: {  	s13 =	ssub.s32 s6, s7;
	s5 =	sadd.s32 s5, s2;
	s12 =	sadd.s32 $0x4000, s11  }
0xe: {  	s14 =	sadd.s32 $0x8000, s11;
	s25 =	sadd.s32 s11, s1;
	s13 =	smax.u32 s13, $0x1  }
0xf: {  	s10 =	sadd.s32 s9, s0;
	s0 =	sadd.s32 $0x36C00, s0;
	s6 =	sadd.s32 s12, s2  }
0x10: {  	s7 =	sadd.s32 s14, s2;
	s8 =	sadd.s32 s8, s9;
	s26 =	sadd.s32 s1, s12  }
0x11: {  	s1 =	sadd.s32 s1, s14;
	s14 =	simm.s32 $0x5000;
	s9 =	sadd.s32 $0x4C00, s10  }
0x12: {  	s10 =	sshrl.u32 s25, $0x3;
	s11 =	sshrl.u32 s26, $0x3;
	s1 =	sshrl.u32 s1, $0x3  }
0x13: {  	s25 =	simm.s32 $0x2;
	s26 =	simm.s32 $0x6;
	s10 =	sadd.s32 s0, s10  }
0x14: {  	v0 =	vimm.f32 $0.0e+00;
	s11 =	sadd.s32 s0, s11;
	s12 =	sadd.s32 s0, s1;
	s0 =	simm.s32 $0x0  }
.LBB2_1:
0x15: {  	s1 =	simm.s32 $0x0;
	s16 =	simm.s32 $0x200  }
.LBB2_2:
0x16: {  	p0 =	sne.s32 s16, $0xFE00;
	[tilespmem:s1+$0x5070] =	vst v0  }
0x17: {  	[tilespmem:s1+$0x5000] =	vst v0  }
0x18: {  	[tilespmem:s1+$0x5010] =	vst v0  }
.Ltmp0:
0x19: {  	[tilespmem:s1+$0x5020] =	vst v0;
	(pc) =	sbr.rel @p0 .LBB2_2-.Ltmp0, $4  }
0x1a: {  	[tilespmem:s1+$0x5030] =	vst v0  }
0x1b: {  	[tilespmem:s1+$0x5040] =	vst v0  }
0x1c: {  	[tilespmem:s1+$0x5050] =	vst v0  }
0x1d: {  	[tilespmem:s1+$0x5060] =	vst v0;
	s1 =	sshra.s32 s16, $0x2;
	s16 =	sadd.s32 $0x200, s16  }
0x1e: {  	[tilespmem:s1+$0x5070] =	vst v0  }
0x1f: {  	[tilespmem:s1+$0x5000] =	vst v0  }
0x20: {  	[tilespmem:s1+$0x5010] =	vst v0  }
0x21: {  	[tilespmem:s1+$0x5020] =	vst v0  }
0x22: {  	[tilespmem:s1+$0x5030] =	vst v0  }
0x23: {  	[tilespmem:s1+$0x5040] =	vst v0  }
0x24: {  	[tilespmem:s1+$0x5050] =	vst v0  }
0x25: {  	[tilespmem:s1+$0x5060] =	vst v0  }
0x26: {  	[spmem:s5] =	stream.linear.scatter [tilespmem:s14], [sflag:$0x9], $0x4000, $0x38;
	[tilespmem:$0x1F000] =	vst v63  }
0x27: {  	_ =	swait.ge [sflag:s15], $0x4000  }
0x28: {  	[sflag:s15] =	ssyncset.done $0x0  }
0x29: {  	[sflag:s15] =	ssyncadd.s32 $0xFFFFC000  }
0x2a: {  	[spmem:s6] =	stream.linear.scatter [tilespmem:s14], [sflag:$0x9], $0x4000, $0x38;
	[tilespmem:$0x1F000] =	vst v63  }
0x2b: {  	_ =	swait.ge [sflag:s15], $0x4000  }
0x2c: {  	[sflag:s15] =	ssyncset.done $0x0  }
0x2d: {  	[sflag:s15] =	ssyncadd.s32 $0xFFFFC000  }
0x2e: {  	[spmem:s7] =	stream.linear.scatter [tilespmem:s14], [sflag:$0x9], $0x2000, $0x38;
	[tilespmem:$0x1F000] =	vst v63  }
0x2f: {  	_ =	swait.ge [sflag:s15], $0x2000  }
0x30: {  	[sflag:s15] =	ssyncset.done $0x0  }
0x31: {  	s19 =	simm.s32 $0x0;
	[sflag:s15] =	ssyncadd.s32 $0xFFFFE000  }
0x32: {  	[tilespmem:s19], [sflag:$0x9] =	stream.linear.gather [hbm4b:s8+s19], $0x2780, $0x38;
	[tilespmem:$0x1F000] =	vst v63  }
0x33: {  	_ =	swait.ge [sflag:s15], $0x2780  }
0x34: {  	[sflag:s15] =	ssyncset.done $0x0  }
0x35: {  	s16 =	simm.s32 $0x2800;
	[sflag:s15] =	ssyncadd.s32 $0xFFFFD880  }
0x36: {  	[tilespmem:s16], [sflag:$0x9] =	stream.linear.gather [hbm4b:s9+s19], $0x2780, $0x38;
	[tilespmem:$0x1F000] =	vst v63  }
0x37: {  	_ =	swait.ge [sflag:s15], $0x2780  }
0x38: {  	[sflag:s15] =	ssyncset.done $0x0  }
0x39: {  	[sflag:s15] =	ssyncadd.s32 $0xFFFFD880  }
0x3a: {  	[bflag:$0x0] =	sbarrier.arrive $0xFFFF  }
0x3b: {  	[tilespmem:s14], [sflag:$0x1] =	stream.indirect.gather [hbm4b:s4+s17], $0x80, s19, s17, $0xb8;
	[tilespmem:$0x1F000] =	vst v63  }
0x3c: {  	_ = 	snop  }
0x3d: {  	[tilespmem:s18], [sflag:$0x2] =	stream.indirect.gather [hbm4b:s4+s17], $0x80, s17, s17, $0xb8;
	[tilespmem:$0x1F000] =	vst v63  }
0x3e: {  	s19 =	simm.s32 $0x100  }
0x3f: {  	[tilespmem:s20], [sflag:$0x3] =	stream.indirect.gather [hbm4b:s4+s17], $0x80, s19, s17, $0xb8;
	[tilespmem:$0x1F000] =	vst v63  }
0x40: {  	s16 =	simm.s32 $0x180  }
0x41: {  	[tilespmem:s22], [sflag:$0x4] =	stream.indirect.gather [hbm4b:s4+s17], $0x80, s16, s17, $0xb8;
	[tilespmem:$0x1F000] =	vst v63  }
0x42: {  	_ =	swait.ge [sflag:s23], $0x4000  }
0x43: {  	[sflag:s23] =	ssyncset.done $0x0  }
0x44: {  	s19 =	simm.s32 $0x2800;
	[sflag:s23] =	ssyncadd.s32 $0xFFFFC000  }
0x45: {  	[spmem:s2] =	stream.indirect.scatter.add.f32 [tilespmem:s14], [sflag:$0x5], $0x80, s19, s17, $0xb8;
	[tilespmem:$0x1F000] =	vst v63  }
0x46: {  	_ =	swait.ge [sflag:s24], $0x4000  }
0x47: {  	[sflag:s24] =	ssyncset.done $0x0  }
0x48: {  	s16 =	simm.s32 $0x200;
	[sflag:s24] =	ssyncadd.s32 $0xFFFFC000  }
0x49: {  	[tilespmem:s14], [sflag:$0x1] =	stream.indirect.gather [hbm4b:s4+s17], $0x80, s16, s17, $0xb8;
	[tilespmem:$0x1F000] =	vst v63  }
0x4a: {  	_ =	swait.ge [sflag:s25], $0x4000  }
0x4b: {  	[sflag:s25] =	ssyncset.done $0x0  }
0x4c: {  	s19 =	simm.s32 $0x2880;
	[sflag:s25] =	ssyncadd.s32 $0xFFFFC000  }
0x4d: {  	[spmem:s2] =	stream.indirect.scatter.add.f32 [tilespmem:s18], [sflag:$0x6], $0x80, s19, s17, $0xb8;
	[tilespmem:$0x1F000] =	vst v63  }
0x4e: {  	_ =	swait.ge [sflag:s26], $0x4000  }
0x4f: {  	[sflag:s26] =	ssyncset.done $0x0  }
0x50: {  	s16 =	simm.s32 $0x280;
	[sflag:s26] =	ssyncadd.s32 $0xFFFFC000  }
0x51: {  	[tilespmem:s18], [sflag:$0x2] =	stream.indirect.gather [hbm4b:s4+s17], $0x80, s16, s17, $0xb8;
	[tilespmem:$0x1F000] =	vst v63  }
0x52: {  	_ =	swait.ge [sflag:s28], $0x4000  }
0x53: {  	[sflag:s28] =	ssyncset.done $0x0  }
0x54: {  	s19 =	simm.s32 $0x2900;
	[sflag:s28] =	ssyncadd.s32 $0xFFFFC000  }
0x55: {  	[spmem:s2] =	stream.indirect.scatter.add.f32 [tilespmem:s20], [sflag:$0x7], $0x80, s19, s17, $0xb8;
	[tilespmem:$0x1F000] =	vst v63  }
0x56: {  	_ =	swait.ge [sflag:s29], $0x4000  }
0x57: {  	[sflag:s29] =	ssyncset.done $0x0  }
0x58: {  	s16 =	simm.s32 $0x300;
	[sflag:s29] =	ssyncadd.s32 $0xFFFFC000  }
0x59: {  	[tilespmem:s20], [sflag:$0x3] =	stream.indirect.gather [hbm4b:s4+s17], $0x80, s16, s17, $0xb8;
	[tilespmem:$0x1F000] =	vst v63  }
0x5a: {  	_ =	swait.ge [sflag:s30], $0x4000  }
0x5b: {  	[sflag:s30] =	ssyncset.done $0x0  }
0x5c: {  	s19 =	simm.s32 $0x2980;
	[sflag:s30] =	ssyncadd.s32 $0xFFFFC000  }
0x5d: {  	[spmem:s2] =	stream.indirect.scatter.add.f32 [tilespmem:s22], [sflag:$0x8], $0x80, s19, s17, $0xb8;
	[tilespmem:$0x1F000] =	vst v63  }
0x5e: {  	_ =	swait.ge [sflag:s31], $0x4000  }
0x5f: {  	[sflag:s31] =	ssyncset.done $0x0  }
0x60: {  	s1 =	simm.s32 $0x800;
	s16 =	simm.s32 $0x380;
	[sflag:s31] =	ssyncadd.s32 $0xFFFFC000  }
.LBB2_4:
0x61: {  	[tilespmem:s22], [sflag:$0x4] =	stream.indirect.gather [hbm4b:s4+s17], $0x80, s16, s17, $0xb8;
	[tilespmem:$0x1F000] =	vst v63  }
0x62: {  	s16 =	smov.u32 s1  }
0x63: {  	p0 =	sne.s32 s1, $0x8800;
	s1 =	sadd.s32 $0x800, s1;
	_ =	swait.ge [sflag:s23], $0x4000  }
0x64: {  	s16 =	sshra.s32 s16, $0x2;
	[sflag:s23] =	ssyncset.done $0x0  }
0x65: {  	s19 =	sadd.s32 $0x2800, s16;
	[sflag:s23] =	ssyncadd.s32 $0xFFFFC000  }
0x66: {  	[spmem:s2] =	stream.indirect.scatter.add.f32 [tilespmem:s14], [sflag:$0x5], $0x80, s19, s17, $0xb8;
	[tilespmem:$0x1F000] =	vst v63  }
0x67: {  	_ =	swait.ge [sflag:s24], $0x4000  }
0x68: {  	[sflag:s24] =	ssyncset.done $0x0  }
0x69: {  	s19 =	sadd.s32 $0x200, s16;
	[sflag:s24] =	ssyncadd.s32 $0xFFFFC000  }
0x6a: {  	[tilespmem:s14], [sflag:$0x1] =	stream.indirect.gather [hbm4b:s4+s17], $0x80, s19, s17, $0xb8;
	[tilespmem:$0x1F000] =	vst v63  }
0x6b: {  	_ =	swait.ge [sflag:s25], $0x4000  }
0x6c: {  	[sflag:s25] =	ssyncset.done $0x0  }
0x6d: {  	s19 =	sadd.s32 $0x2880, s16;
	[sflag:s25] =	ssyncadd.s32 $0xFFFFC000  }
0x6e: {  	[spmem:s2] =	stream.indirect.scatter.add.f32 [tilespmem:s18], [sflag:$0x6], $0x80, s19, s17, $0xb8;
	[tilespmem:$0x1F000] =	vst v63  }
0x6f: {  	_ =	swait.ge [sflag:s26], $0x4000  }
0x70: {  	[sflag:s26] =	ssyncset.done $0x0  }
0x71: {  	s19 =	sadd.s32 $0x280, s16;
	[sflag:s26] =	ssyncadd.s32 $0xFFFFC000  }
0x72: {  	[tilespmem:s18], [sflag:$0x2] =	stream.indirect.gather [hbm4b:s4+s17], $0x80, s19, s17, $0xb8;
	[tilespmem:$0x1F000] =	vst v63  }
0x73: {  	_ =	swait.ge [sflag:s28], $0x4000  }
0x74: {  	[sflag:s28] =	ssyncset.done $0x0  }
0x75: {  	s19 =	sadd.s32 $0x2900, s16;
	[sflag:s28] =	ssyncadd.s32 $0xFFFFC000  }
0x76: {  	[spmem:s2] =	stream.indirect.scatter.add.f32 [tilespmem:s20], [sflag:$0x7], $0x80, s19, s17, $0xb8;
	[tilespmem:$0x1F000] =	vst v63  }
0x77: {  	_ =	swait.ge [sflag:s29], $0x4000  }
0x78: {  	[sflag:s29] =	ssyncset.done $0x0  }
0x79: {  	s19 =	sadd.s32 $0x300, s16;
	[sflag:s29] =	ssyncadd.s32 $0xFFFFC000  }
0x7a: {  	[tilespmem:s20], [sflag:$0x3] =	stream.indirect.gather [hbm4b:s4+s17], $0x80, s19, s17, $0xb8;
	[tilespmem:$0x1F000] =	vst v63  }
0x7b: {  	_ =	swait.ge [sflag:s30], $0x4000  }
0x7c: {  	[sflag:s30] =	ssyncset.done $0x0  }
.Ltmp1:
0x7d: {  	s19 =	sadd.s32 $0x2980, s16;
	[sflag:s30] =	ssyncadd.s32 $0xFFFFC000;
	(pc) =	sbr.rel @p0 .LBB2_4-.Ltmp1, $4  }
0x7e: {  	[spmem:s2] =	stream.indirect.scatter.add.f32 [tilespmem:s22], [sflag:$0x8], $0x80, s19, s17, $0xb8;
	[tilespmem:$0x1F000] =	vst v63  }
0x7f: {  	_ =	swait.ge [sflag:s31], $0x4000  }
0x80: {  	[sflag:s31] =	ssyncset.done $0x0  }
0x81: {  	s16 =	sadd.s32 $0x380, s16;
	[sflag:s31] =	ssyncadd.s32 $0xFFFFC000  }
0x82: {  	[tilespmem:s22], [sflag:$0x4] =	stream.indirect.gather [hbm4b:s4+s17], $0x80, s16, s17, $0xb8;
	[tilespmem:$0x1F000] =	vst v63  }
0x83: {  	_ =	swait.ge [sflag:s23], $0x4000  }
0x84: {  	[sflag:s23] =	ssyncset.done $0x0  }
0x85: {  	s1 =	simm.s32 $0x4C00;
	[sflag:s23] =	ssyncadd.s32 $0xFFFFC000  }
0x86: {  	[spmem:s2] =	stream.indirect.scatter.add.f32 [tilespmem:s14], [sflag:$0x5], $0x80, s1, s17, $0xb8;
	[tilespmem:$0x1F000] =	vst v63  }
0x87: {  	_ =	swait.ge [sflag:s24], $0x4000  }
0x88: {  	[sflag:s24] =	ssyncset.done $0x0  }
0x89: {  	s16 =	simm.s32 $0x2600;
	[sflag:s24] =	ssyncadd.s32 $0xFFFFC000  }
0x8a: {  	[tilespmem:s14], [sflag:$0x1] =	stream.indirect.gather [hbm4b:s4+s17], $0x80, s16, s17, $0xb8;
	[tilespmem:$0x1F000] =	vst v63  }
0x8b: {  	_ =	swait.ge [sflag:s25], $0x4000  }
0x8c: {  	[sflag:s25] =	ssyncset.done $0x0  }
0x8d: {  	s19 =	simm.s32 $0x4C80;
	[sflag:s25] =	ssyncadd.s32 $0xFFFFC000  }
0x8e: {  	[spmem:s2] =	stream.indirect.scatter.add.f32 [tilespmem:s18], [sflag:$0x6], $0x80, s19, s17, $0xb8;
	[tilespmem:$0x1F000] =	vst v63  }
0x8f: {  	_ =	swait.ge [sflag:s26], $0x4000  }
0x90: {  	[sflag:s26] =	ssyncset.done $0x0  }
0x91: {  	s16 =	simm.s32 $0x2680;
	[sflag:s26] =	ssyncadd.s32 $0xFFFFC000  }
0x92: {  	[tilespmem:s18], [sflag:$0x2] =	stream.indirect.gather [hbm4b:s4+s17], $0x80, s16, s17, $0xb8;
	[tilespmem:$0x1F000] =	vst v63  }
0x93: {  	_ =	swait.ge [sflag:s28], $0x4000  }
0x94: {  	[sflag:s28] =	ssyncset.done $0x0  }
0x95: {  	s19 =	simm.s32 $0x4D00;
	[sflag:s28] =	ssyncadd.s32 $0xFFFFC000  }
0x96: {  	[spmem:s2] =	stream.indirect.scatter.add.f32 [tilespmem:s20], [sflag:$0x7], $0x80, s19, s17, $0xb8;
	[tilespmem:$0x1F000] =	vst v63  }
0x97: {  	_ =	swait.ge [sflag:s29], $0x4000  }
0x98: {  	[sflag:s29] =	ssyncset.done $0x0  }
0x99: {  	s16 =	simm.s32 $0x2700;
	[sflag:s29] =	ssyncadd.s32 $0xFFFFC000  }
0x9a: {  	[tilespmem:s20], [sflag:$0x3] =	stream.indirect.gather [hbm4b:s4+s17], $0x80, s16, s17, $0xb8;
	[tilespmem:$0x1F000] =	vst v63  }
0x9b: {  	_ =	swait.ge [sflag:s30], $0x4000  }
0x9c: {  	[sflag:s30] =	ssyncset.done $0x0  }
0x9d: {  	s19 =	simm.s32 $0x4D80;
	[sflag:s30] =	ssyncadd.s32 $0xFFFFC000  }
0x9e: {  	[spmem:s2] =	stream.indirect.scatter.add.f32 [tilespmem:s22], [sflag:$0x8], $0x80, s19, s17, $0xb8;
	[tilespmem:$0x1F000] =	vst v63  }
0x9f: {  	_ =	swait.ge [sflag:s31], $0x4000  }
0xa0: {  	[sflag:s31] =	ssyncset.done $0x0  }
0xa1: {  	[sflag:s31] =	ssyncadd.s32 $0xFFFFC000  }
0xa2: {  	_ =	swait.ge [sflag:s23], $0x4000  }
0xa3: {  	[sflag:s23] =	ssyncset.done $0x0  }
0xa4: {  	s16 =	simm.s32 $0x4E00;
	[sflag:s23] =	ssyncadd.s32 $0xFFFFC000  }
0xa5: {  	[spmem:s2] =	stream.indirect.scatter.add.f32 [tilespmem:s14], [sflag:$0x5], $0x80, s16, s17, $0xb8;
	[tilespmem:$0x1F000] =	vst v63  }
0xa6: {  	_ =	swait.ge [sflag:s24], $0x4000  }
0xa7: {  	[sflag:s24] =	ssyncset.done $0x0  }
0xa8: {  	[sflag:s24] =	ssyncadd.s32 $0xFFFFC000  }
0xa9: {  	_ =	swait.ge [sflag:s25], $0x4000  }
0xaa: {  	[sflag:s25] =	ssyncset.done $0x0  }
0xab: {  	s19 =	simm.s32 $0x4E80;
	[sflag:s25] =	ssyncadd.s32 $0xFFFFC000  }
0xac: {  	[spmem:s2] =	stream.indirect.scatter.add.f32 [tilespmem:s18], [sflag:$0x6], $0x80, s19, s17, $0xb8;
	[tilespmem:$0x1F000] =	vst v63  }
0xad: {  	_ =	swait.ge [sflag:s26], $0x4000  }
0xae: {  	[sflag:s26] =	ssyncset.done $0x0  }
0xaf: {  	[sflag:s26] =	ssyncadd.s32 $0xFFFFC000  }
0xb0: {  	_ =	swait.ge [sflag:s28], $0x4000  }
0xb1: {  	[sflag:s28] =	ssyncset.done $0x0  }
0xb2: {  	[sflag:s28] =	ssyncadd.s32 $0xFFFFC000  }
0xb3: {  	[spmem:s2] =	stream.indirect.scatter.add.f32 [tilespmem:s20], [sflag:$0x7], $0x80, s21, s17, $0xb8;
	[tilespmem:$0x1F000] =	vst v63  }
0xb4: {  	_ =	swait.ge [sflag:s29], $0x4000  }
0xb5: {  	[sflag:s29] =	ssyncset.done $0x0  }
0xb6: {  	[sflag:s29] =	ssyncadd.s32 $0xFFFFC000  }
0xb7: {  	[bflag:$0x0] =	sbarrier.arrive $0xFFFF  }
0xb8: {  	[tilespmem:s14], [sflag:$0x9] =	stream.linear.gather [spmem:s5], $0x4000, $0x38;
	[tilespmem:$0x1F000] =	vst v63  }
0xb9: {  	_ =	swait.ge [sflag:s15], $0x4000  }
0xba: {  	[sflag:s15] =	ssyncset.done $0x0  }
0xbb: {  	[sflag:s15] =	ssyncadd.s32 $0xFFFFC000  }
0xbc: {  	[hbm4b:s10+s3] =	stream.linear.scatter [tilespmem:s14], [sflag:$0x9], $0x4000, $0x38;
	[tilespmem:$0x1F000] =	vst v63  }
0xbd: {  	_ =	swait.ge [sflag:s15], $0x4000  }
0xbe: {  	[sflag:s15] =	ssyncset.done $0x0  }
0xbf: {  	[sflag:s15] =	ssyncadd.s32 $0xFFFFC000  }
0xc0: {  	[tilespmem:s14], [sflag:$0x9] =	stream.linear.gather [spmem:s6], $0x4000, $0x38;
	[tilespmem:$0x1F000] =	vst v63  }
0xc1: {  	_ =	swait.ge [sflag:s15], $0x4000  }
0xc2: {  	[sflag:s15] =	ssyncset.done $0x0  }
0xc3: {  	[sflag:s15] =	ssyncadd.s32 $0xFFFFC000  }
0xc4: {  	[hbm4b:s11+s3] =	stream.linear.scatter [tilespmem:s14], [sflag:$0x9], $0x4000, $0x38;
	[tilespmem:$0x1F000] =	vst v63  }
0xc5: {  	_ =	swait.ge [sflag:s15], $0x4000  }
0xc6: {  	[sflag:s15] =	ssyncset.done $0x0  }
0xc7: {  	[sflag:s15] =	ssyncadd.s32 $0xFFFFC000  }
0xc8: {  	[tilespmem:s14], [sflag:$0x9] =	stream.linear.gather [spmem:s7], $0x2000, $0x38;
	[tilespmem:$0x1F000] =	vst v63  }
0xc9: {  	s0 =	sadd.s32 $0x1, s0;
	_ =	swait.ge [sflag:s15], $0x2000  }
0xca: {  	p0 =	sne.s32 s0, s13;
	[sflag:s15] =	ssyncset.done $0x0  }
.Ltmp2:
0xcb: {  	[sflag:s15] =	ssyncadd.s32 $0xFFFFE000;
	(pc) =	sbr.rel @p0 .LBB2_1-.Ltmp2, $4  }
0xcc: {  	[hbm4b:s12+s3] =	stream.linear.scatter [tilespmem:s14], [sflag:$0x9], $0x2000, $0x38;
	[tilespmem:$0x1F000] =	vst v63  }
0xcd: {  	_ =	swait.ge [sflag:s15], $0x2000  }
0xce: {  	[sflag:s15] =	ssyncset.done $0x0  }
0xcf: {  	[sflag:s15] =	ssyncadd.s32 $0xFFFFE000  }
0xd0: {  	_ =	sfence.sel $0x180000  }
0xd1: {  	[bflag:$0x0] =	sbarrier.arrive $0xFFFF  }
0xd2: {  	_ =	strace $0x90000050  }
0xd3: {  	s0 =	stileid.u32;
	[bflag:$0x2] =	sbarrier.arrive $0xFFFF  }
0xd4: {  	p0 =	sne.s32 s0, $0x0;
	s0 =	rddreg [dreg:$0x3]  }
0xd5: {  	s0 =	sadd.s32 @!p0 $0x100000, s0  }
0xd6: {  	[sflag:s0] =	ssyncadd.tile.s32 @!p0 $0x1;
	_ =	shalt  }
.Lfunc_end2:
_tile_overlayer_lowered:
.L_overlay_start_2:
0xd7: {  	(tag) =	ssettag $0x2  }
0xd8: {  	s0 =	rddreg [dreg:$0x0];
	s2 =	stileid.u32  }
0xd9: {  	s1 =	rddreg [dreg:$0x1];
	p0 =	sne.s32 s2, $0x0  }
0xda: {  	s3 =	rddreg [dreg:$0x2];
	[bflag:$0x3] =	sbarrier.arrive $0xFFFF;
	s2 =	simm.s32 @!p0 $0x1C09  }
0xdb: {  	[timem:s3], [sflag:s2] =	dma.local @!p0 [hbm:s0], s1  }
0xdc: {  	s0 =	simm.s32 @!p0 $0x9  }
0xdd: {  	_ =	swait.ge @!p0 [sflag:s0], s1  }
0xde: {  	s1 =	ssub.s32 @!p0 $0x0, s1;
	[sflag:s0] =	ssyncset.done @!p0 $0x0  }
0xdf: {  	[sflag:s0] =	ssyncadd.s32 @!p0 s1  }
0xe0: {  	[bflag:$0x3] =	sbarrier.arrive $0xFFFF  }
0xe1: {  	_ =	shalt  }

// kernel: kernel.25.cloned.1.call-start
scs
__scs_entry_jumppad:
0x0: {  	(pc) =	sbr.rel $0x88, $3  }
0x1: {  	(tag) =	ssettag $0x0;
	lr =	simm.s32 $0x1  }
0x2: {  	[smem:$0x3F97] =	sst lr;
	_ =	strace $0xD0000000  }
0x3: {  	_ = 	snop  }
0x4: {  	_ = 	snop  }
0x5: {  	_ = 	snop  }
0x6: {  	_ = 	snop  }
0x7: {  	_ = 	snop  }
__scs_overlays_trampoline_lowered:
0x8: {  	[smem:$0x3FA6] =	sst s0  }
0x9: {  	[smem:$0x3FA7] =	sst s1  }
0xa: {  	[smem:$0x3FA8] =	sst s2  }
0xb: {  	[smem:$0x3FA9] =	sst s3  }
0xc: {  	[smem:$0x3FAA] =	sst s4  }
0xd: {  	[smem:$0x3FAB] =	sst s5  }
0xe: {  	[smem:$0x3FAC] =	sst s6  }
0xf: {  	[smem:$0x3FAD] =	sst s7  }
0x10: {  	[smem:$0x3FAE] =	sst s8  }
0x11: {  	[smem:$0x3FAF] =	sst s9;
	s0 =	simm.s32 @!p0 $0x0  }
0x12: {  	s1 =	sld [smem:$0x3F95];
	s0 =	simm.s32 @p0 $0x1  }
0x13: {  	[smem:$0x3FB0] =	sst s0;
	s0 =	simm.s32 @!p1 $0x0  }
0x14: {  	s2 =	sld [smem:$0x3F94];
	s0 =	simm.s32 @p1 $0x1  }
0x15: {  	[smem:$0x3FB1] =	sst s0;
	s0 =	simm.s32 @!p2 $0x0  }
0x16: {  	s3 =	sld [smem:$0x3FDB];
	s0 =	simm.s32 @p2 $0x1  }
0x17: {  	s4 =	simm.s32 $0x1BF5;
	[smem:$0x3FB3] =	sst s0  }
0x18: {  	s0 =	sld [smem:$0x3F96];
	_ =	swait.ge [sflag:s4], $0x0  }
0x19: {  	s7 =	sld [smem:$0x3F97]  }
0x1a: {  	s8 =	sadd.s32 $0xFFFFE003, lr  }
0x1b: {  	s9 =	sadd.s32 $0xFFFFFEF7, lr;
	s5 =	simm.s32 $0xFFFFFFFF;
	p2 =	slt.u32 s8, $0xFFFFF086  }
0x1c: {  	p1 =	slt.u32 s9, $0xF7A;
	s5 =	simm.s32 @!p2 $0x0  }
0x1d: {  	s5 =	simm.s32 @p1 $0x1;
	p0 =	seq.s32 s7, s2  }
0x1e: {  	s7 =	smul.u32 @!p0 $0xF7A, s2;
	p2 =	seq.s32 @!p0 s5, $0x0  }
0x1f: {  	s9 =	smul.u32 $0xF7A, s1;
	s8 =	simm.s32 @!p0 $0x1BF5;
	p2 =	por !p2, p0  }
0x20: {  	[sflag:s8] =	ssyncset.s32 @!p0 $0xFFFFF086;
	s6 =	sadd.s32 @!p0 s3, s7;
	s7 =	simm.s32 @!p0 $0x108  }
0x21: {  	s3 =	sadd.s32 s3, s9;
	s6 =	sadd.s32 @!p0 $0x88, s6;
	s7 =	simm.s32 @p2 $0x1082  }
0x22: {  	[simem:s7], [sflag:s8] =	dma.local @!p0 [hbm:s6], $0xF7A  }
0x23: {  	s9 =	sor.u32 $0xD0000000, s2;
	s6 =	simm.s32 $0x108;
	_ =	swait.ge @!p0 [sflag:s8], $0x0  }
0x24: {  	s3 =	sadd.s32 $0x88, s3;
	s6 =	simm.s32 @!p1 $0x1082;
	[sflag:s4] =	ssyncset.s32 $0xFFFFF086  }
0x25: {  	[simem:s6], [sflag:s4] =	dma.local [hbm:s3], $0xF7A  }
0x26: {  	[smem:$0x3F97] =	sst s1;
	(tag) =	ssettag s2;
	_ =	strace s9  }
0x27: {  	s1 =	sld [smem:$0x3FA7]  }
0x28: {  	s2 =	sld [smem:$0x3FA8]  }
0x29: {  	s4 =	sld [smem:$0x3FAA]  }
0x2a: {  	p0 =	seq.s32 s5, $0x0;
	s5 =	sld [smem:$0x3FAB]  }
0x2b: {  	s6 =	sld [smem:$0x3FAC]  }
0x2c: {  	s7 =	sld [smem:$0x3FAD]  }
0x2d: {  	s3 =	simm.s32 $0x108;
	s8 =	sld [smem:$0x3FAE]  }
0x2e: {  	s3 =	simm.s32 @!p0 $0x1082;
	s9 =	sld [smem:$0x3FAF]  }
0x2f: {  	lr =	sadd.s32 s0, s3;
	s0 =	sld [smem:$0x3FA6]  }
0x30: {  	s3 =	sld [smem:$0x3FA9]  }
0x31: {  	[smem:$0x3FB2] =	sst s10  }
0x32: {  	s10 =	sld [smem:$0x3FB0];
	_ =	sdelay $0x3  }
0x33: {  	p0 =	seq.s32 s10, $0x1;
	s10 =	sld [smem:$0x3FB2];
	_ =	sdelay $0x3  }
0x34: {  	[smem:$0x3FB2] =	sst s10  }
0x35: {  	s10 =	sld [smem:$0x3FB1];
	_ =	sdelay $0x3  }
0x36: {  	p1 =	seq.s32 s10, $0x1;
	s10 =	sld [smem:$0x3FB2];
	_ =	sdelay $0x3  }
0x37: {  	[smem:$0x3FB2] =	sst s10  }
0x38: {  	s10 =	sld [smem:$0x3FB3]  }
0x39: {  	_ = 	snop;
	(pc) =	sbr.ind lr, $3  }
0x3a: {  	_ = 	snop  }
0x3b: {  	_ = 	snop  }
0x3c: {  	p2 =	seq.s32 s10, $0x1;
	s10 =	sld [smem:$0x3FB2]  }
0x3d: {  	_ =	shalt  }
0x3e: {  	_ =	shalt  }
0x3f: {  	_ =	shalt  }
0x40: {  	_ =	shalt  }
0x41: {  	_ =	shalt  }
0x42: {  	_ =	shalt  }
0x43: {  	_ =	shalt  }
0x44: {  	_ =	shalt  }
0x45: {  	_ =	shalt  }
0x46: {  	_ =	shalt  }
0x47: {  	_ =	shalt  }
0x48: {  	_ =	shalt  }
0x49: {  	_ =	shalt  }
0x4a: {  	_ =	shalt  }
0x4b: {  	_ =	shalt  }
0x4c: {  	_ =	shalt  }
0x4d: {  	_ =	shalt  }
0x4e: {  	_ =	shalt  }
0x4f: {  	_ =	shalt  }
0x50: {  	_ =	shalt  }
0x51: {  	_ =	shalt  }
0x52: {  	_ =	shalt  }
0x53: {  	_ =	shalt  }
0x54: {  	_ =	shalt  }
0x55: {  	_ =	shalt  }
0x56: {  	_ =	shalt  }
0x57: {  	_ =	shalt  }
0x58: {  	_ =	shalt  }
0x59: {  	_ =	shalt  }
0x5a: {  	_ =	shalt  }
0x5b: {  	_ =	shalt  }
0x5c: {  	_ =	shalt  }
0x5d: {  	_ =	shalt  }
0x5e: {  	_ =	shalt  }
0x5f: {  	_ =	shalt  }
0x60: {  	_ =	shalt  }
0x61: {  	_ =	shalt  }
0x62: {  	_ =	shalt  }
0x63: {  	_ =	shalt  }
0x64: {  	_ =	shalt  }
0x65: {  	_ =	shalt  }
0x66: {  	_ =	shalt  }
0x67: {  	_ =	shalt  }
0x68: {  	_ =	shalt  }
0x69: {  	_ =	shalt  }
0x6a: {  	_ =	shalt  }
0x6b: {  	_ =	shalt  }
0x6c: {  	_ =	shalt  }
0x6d: {  	_ =	shalt  }
0x6e: {  	_ =	shalt  }
0x6f: {  	_ =	shalt  }
0x70: {  	_ =	shalt  }
0x71: {  	_ =	shalt  }
0x72: {  	_ =	shalt  }
0x73: {  	_ =	shalt  }
0x74: {  	_ =	shalt  }
0x75: {  	_ =	shalt  }
0x76: {  	_ =	shalt  }
0x77: {  	_ =	shalt  }
0x78: {  	_ =	shalt  }
0x79: {  	_ =	shalt  }
0x7a: {  	_ =	shalt  }
0x7b: {  	_ =	shalt  }
0x7c: {  	_ =	shalt  }
0x7d: {  	_ =	shalt  }
0x7e: {  	_ =	shalt  }
0x7f: {  	_ =	shalt  }
0x80: {  	_ =	shalt  }
0x81: {  	_ =	shalt  }
0x82: {  	_ =	shalt  }
0x83: {  	_ =	shalt  }
0x84: {  	_ =	shalt  }
0x85: {  	_ =	shalt  }
0x86: {  	_ =	shalt  }
0x87: {  	_ =	shalt  }
.Lfunc_end0:
.L_simem_size_0:
called_computation.4_lowered:
.L_overlay_start_0:
0x88: {  	s2 =	sld [smem:$0x3FD9]  }
0x89: {  	s3 =	sld [smem:$0x3FFE];
	_ =	sdelay $0x1  }
0x8a: {  	s1 =	srdreg.scid  }
0x8b: {  	s0 =	sand.u32 $0x1, s1  }
0x8c: {  	s17 =	sshll.u32 s0, $0xA;
	s2 =	sadd.s32 s3, s2  }
0x8d: {  	s2 =	sadd.s32 s2, s17  }
0x8e: {  	[smem:$0x3FBE] =	sst s2  }
0x8f: {  	_ = 	snop  }
0x90: {  	s2 =	sld [smem:$0x3FD0];
	(tm) =	ssettm $0x1  }
0x91: {  	s18 =	sld [smem:$0x3FFB];
	_ =	sdelay $0x3  }
0x92: {  	_ =	strace s18  }
0x93: {  	s3 =	sld [smem:$0x3FFC];
	_ =	sdelay $0x3  }
0x94: {  	_ =	strace s3  }
0x95: {  	s3 =	sld [smem:$0x3FFD];
	_ =	sdelay $0x3  }
0x96: {  	_ =	strace s3  }
0x97: {  	_ =	strace $0x8FFFFFFF  }
0x98: {  	s19 =	sld [smem:$0x3FDB];
	_ =	sdelay $0x1  }
0x99: {  	s4 =	simm.s32 $_scs_section_size  }
0x9a: {  	s5 =	simm.s32 $_size__tile_overlayer_lowered;
	s6 =	simm.s32 $_tile_overlayer_lowered  }
0x9b: {  	s22 =	simm.s32 $0x1BFF;
	s21 =	sshll.u32 s6, $0x1;
	s3 =	sadd.s32 s4, s19  }
0x9c: {  	s7 =	simm.s32 $0x0;
	s20 =	sshll.u32 s5, $0x1;
	s5 =	sadd.s32 s21, s3  }
0x9d: {  	[timem:s7], [sflag:s22] =	dma.local [hbm:s5], s20  }
0x9e: {  	_ =	swait.ge [sflag:s22], s20  }
0x9f: {  	s4 =	ssub.s32 $0x0, s20;
	[sflag:s22] =	ssyncset.done $0x0  }
0xa0: {  	[sflag:s22] =	ssyncadd.s32 s4;
	_ =	sdelay $0x1  }
0xa1: {  	s23 =	simm.s32 $0x1B8B  }
0xa2: {  	_ =	swait.ge [sflag:s23], $0x1  }
0xa3: {  	[sflag:s23] =	ssyncset.done $0x0  }
0xa4: {  	s25 =	simm.s32 $0x1B8E;
	s24 =	sld [smem:$0x3FFE];
	[sflag:s23] =	ssyncadd.s32 $0xFFFFFFFF  }
0xa5: {  	s26 =	simm.s32 $execute0_lowered;
	[smem:$0x3FD2] =	sst s25  }
0xa6: {  	s5 =	sshll.u32 s26, $0x1;
	_ =	strace $0x80000052;
	[dreg:$0x1] =	wrdreg $0xFFFFFFFF  }
0xa7: {  	s28 =	simm.s32 $_size_execute0_lowered;
	s3 =	sadd.s32 s3, s5;
	[dreg:$0x0] =	wrdreg $0x0  }
0xa8: {  	s5 =	sshll.u32 s28, $0x1;
	[dreg:$0x2] =	wrdreg s3  }
0xa9: {  	[dreg:$0x3] =	wrdreg s5  }
0xaa: {  	[dreg:$0x4] =	wrdreg $0xC0  }
0xab: {  	_ =	task [dreg:s7], $0x5FFFF  }
0xac: {  	[dreg:$0x1] =	wrdreg $0xFFFFFFFF  }
0xad: {  	[dreg:$0x0] =	wrdreg $0x60  }
0xae: {  	[dreg:$0x2] =	wrdreg s24  }
0xaf: {  	[dreg:$0x3] =	wrdreg s2  }
0xb0: {  	[dreg:$0x4] =	wrdreg $0x90000  }
0xb1: {  	[dreg:$0x5] =	wrdreg $0x9  }
0xb2: {  	_ =	task.clear_ibuf [dreg:s7], $0x6FFFF;
	_ =	strace $0x90000052  }
0xb3: {  	s29 =	simm.s32 $0x9;
	_ =	strace $0x80000054  }
0xb4: {  	_ =	swait.ge [sflag:s29], $0x1  }
0xb5: {  	[sflag:s29] =	ssyncadd.s32 $0xFFFFFFFF  }
0xb6: {  	_ =	strace $0x90000054  }
0xb7: {  	_ =	sfence  }
0xb8: {  	s30 =	sld [smem:$0x0];
	_ =	sdelay $0x2  }
0xb9: {  	s31 =	sshll.u32 s1, $0xD;
	s1 =	sshrl.u32 s1, $0x2  }
0xba: {  	s3 =	sand.u32 $0x4000, s31;
	s1 =	sadd.s32 s1, s30  }
0xbb: {  	s0 =	sor.u32 s3, s0;
	s1 =	sshll.u32 s1, $0x11  }
0xbc: {  	s0 =	sor.u32 s1, s0  }
0xbd: {  	s0 =	sadd.s32 $0x8F2B, s0  }
0xbe: {  	[sflag:s0] =	ssyncadd.remote.s32 $0x1  }
0xbf: {  	_ =	sfence.sel $0xFFFF  }
0xc0: {  	[dreg:$0x0] =	wrdreg $0xFFFFFFFF;
	(pc) =	sbr.abs _section_cstart, $3  }
0xc1: {  	[dreg:$0x1] =	wrdreg $0xFFFFFFFF  }
0xc2: {  	_ =	task.clear_ibuf [dreg:s7], $0x2FFFF;
	_ =	strace $0x9FFFFFFF  }
0xc3: {  	(tm) =	ssettm $0x7FFFFFFF  }
tec
execute0_lowered:
.L_overlay_start_1:
0x0: {  	(tag) =	ssettag $0x1  }
0x1: {  	s5 =	rddreg [dreg:$0x0]  }
0x2: {  	s0 =	srdreg.scid;
	s10 =	rddreg [dreg:$0x1]  }
0x3: {  	s2 =	rddreg [dreg:$0x2];
	s1 =	stileid.u32  }
0x4: {  	s3 =	simm.s32 $0x0;
	s21 =	simm.s32 $0x80;
	s22 =	simm.s32 $0x1  }
0x5: {  	s7 =	sand.u32 $0x1, s0;
	s0 =	rddreg [dreg:$0x3];
	s6 =	smul.u32 $0x50000, s1  }
0x6: {  	s23 =	simm.s32 $0x0;
	[smem:$0x7FF] =	sst s3;
	s12 =	smul.u32 $0x14000, s1  }
0x7: {  	s16 =	sadd.s32 $0x22C00, s5;
	s4 =	sshll.u32 s7, $0x4;
	_ =	strace $0x80000053  }
0x8: {  	s8 =	ssub.s32 $0x2, s7;
	s20 =	smul.u32 $0x140000, s7;
	s4 =	sor.u32 s1, s4  }
0x9: {  	s25 =	sshrl.u32 s8, $0x1;
	s26 =	sshrl.u32 s6, $0x2;
	s14 =	sadd.s32 $0x4000, s12  }
0xa: {  	s15 =	sadd.s32 $0x8000, s12;
	s18 =	sadd.s32 $0xC000, s12;
	s19 =	sadd.s32 $0x10000, s12  }
0xb: {  	s11 =	smul.u32 $0x500, s4;
	s4 =	sadd.s32 $0xEC00, s5;
	s17 =	ssub.s32 s8, s25  }
0xc: {  	s6 =	sadd.s32 s14, s2;
	s7 =	sadd.s32 s15, s2;
	s8 =	sadd.s32 s18, s2  }
0xd: {  	s9 =	sadd.s32 s19, s2;
	s12 =	sadd.s32 s12, s20;
	s14 =	sadd.s32 s20, s14  }
0xe: {  	s29 =	sadd.s32 s20, s15;
	s30 =	sadd.s32 s20, s18;
	s31 =	sadd.s32 s20, s19  }
0xf: {  	s19 =	simm.s32 $0x2;
	s20 =	simm.s32 $0x2800;
	s12 =	sshrl.u32 s12, $0x3  }
0x10: {  	s28 =	sshrl.u32 s14, $0x3;
	s14 =	sshrl.u32 s29, $0x3;
	s15 =	sshrl.u32 s30, $0x3  }
0x11: {  	s18 =	sshrl.u32 s31, $0x3;
	s17 =	smax.u32 s17, $0x1;
	s13 =	sadd.s32 s11, s5  }
0x12: {  	s5 =	sadd.s32 s26, s2;
	s10 =	sadd.s32 s10, s11;
	s12 =	sadd.s32 s16, s12  }
0x13: {  	s14 =	sadd.s32 s16, s14;
	s15 =	sadd.s32 s16, s15;
	s11 =	sadd.s32 $0x4C00, s13  }
0x14: {  	v0 =	vimm.f32 $0.0e+00;
	s13 =	sadd.s32 s16, s28;
	s16 =	sadd.s32 s16, s18;
	s18 =	simm.s32 $0x5000  }
.LBB2_1:
0x15: {  	s24 =	simm.s32 $0x0;
	s25 =	simm.s32 $0x200  }
.LBB2_2:
0x16: {  	p0 =	sne.s32 s25, $0xFE00;
	[tilespmem:s24+$0x5070] =	vst v0  }
0x17: {  	[tilespmem:s24+$0x5000] =	vst v0  }
0x18: {  	[tilespmem:s24+$0x5010] =	vst v0  }
.Ltmp0:
0x19: {  	[tilespmem:s24+$0x5020] =	vst v0;
	(pc) =	sbr.rel @p0 .LBB2_2-.Ltmp0, $4  }
0x1a: {  	[tilespmem:s24+$0x5030] =	vst v0  }
0x1b: {  	[tilespmem:s24+$0x5040] =	vst v0  }
0x1c: {  	[tilespmem:s24+$0x5050] =	vst v0  }
0x1d: {  	[tilespmem:s24+$0x5060] =	vst v0;
	s24 =	sshra.s32 s25, $0x2;
	s25 =	sadd.s32 $0x200, s25  }
0x1e: {  	[tilespmem:s24+$0x5070] =	vst v0  }
0x1f: {  	[tilespmem:s24+$0x5000] =	vst v0  }
0x20: {  	[tilespmem:s24+$0x5010] =	vst v0  }
0x21: {  	[tilespmem:s24+$0x5020] =	vst v0  }
0x22: {  	[tilespmem:s24+$0x5030] =	vst v0  }
0x23: {  	[tilespmem:s24+$0x5040] =	vst v0  }
0x24: {  	[tilespmem:s24+$0x5050] =	vst v0  }
0x25: {  	[tilespmem:s24+$0x5060] =	vst v0  }
0x26: {  	[spmem:s5] =	stream.linear.scatter [tilespmem:s18], [sflag:$0x2], $0x4000, $0x38;
	[tilespmem:$0x1D000] =	vst v63  }
0x27: {  	_ =	swait.ge [sflag:s19], $0x4000  }
0x28: {  	[sflag:s19] =	ssyncset.done $0x0  }
0x29: {  	[sflag:s19] =	ssyncadd.s32 $0xFFFFC000  }
0x2a: {  	[spmem:s6] =	stream.linear.scatter [tilespmem:s18], [sflag:$0x2], $0x4000, $0x38;
	[tilespmem:$0x1D000] =	vst v63  }
0x2b: {  	_ =	swait.ge [sflag:s19], $0x4000  }
0x2c: {  	[sflag:s19] =	ssyncset.done $0x0  }
0x2d: {  	[sflag:s19] =	ssyncadd.s32 $0xFFFFC000  }
0x2e: {  	[spmem:s7] =	stream.linear.scatter [tilespmem:s18], [sflag:$0x2], $0x4000, $0x38;
	[tilespmem:$0x1D000] =	vst v63  }
0x2f: {  	_ =	swait.ge [sflag:s19], $0x4000  }
0x30: {  	[sflag:s19] =	ssyncset.done $0x0  }
0x31: {  	[sflag:s19] =	ssyncadd.s32 $0xFFFFC000  }
0x32: {  	[spmem:s8] =	stream.linear.scatter [tilespmem:s18], [sflag:$0x2], $0x4000, $0x38;
	[tilespmem:$0x1D000] =	vst v63  }
0x33: {  	_ =	swait.ge [sflag:s19], $0x4000  }
0x34: {  	[sflag:s19] =	ssyncset.done $0x0  }
0x35: {  	[sflag:s19] =	ssyncadd.s32 $0xFFFFC000  }
0x36: {  	[spmem:s9] =	stream.linear.scatter [tilespmem:s18], [sflag:$0x2], $0x4000, $0x38;
	[tilespmem:$0x1D000] =	vst v63  }
0x37: {  	_ =	swait.ge [sflag:s19], $0x4000  }
0x38: {  	[sflag:s19] =	ssyncset.done $0x0  }
0x39: {  	s29 =	simm.s32 $0x0;
	[sflag:s19] =	ssyncadd.s32 $0xFFFFC000  }
0x3a: {  	[tilespmem:s29], [sflag:$0x2] =	stream.linear.gather [hbm4b:s10+s29], $0x2780, $0x38;
	[tilespmem:$0x1D000] =	vst v63  }
0x3b: {  	_ =	swait.ge [sflag:s19], $0x2780  }
0x3c: {  	[sflag:s19] =	ssyncset.done $0x0  }
0x3d: {  	[sflag:s19] =	ssyncadd.s32 $0xFFFFD880  }
0x3e: {  	[tilespmem:s20], [sflag:$0x2] =	stream.linear.gather [hbm4b:s11+s29], $0x2780, $0x38;
	[tilespmem:$0x1D000] =	vst v63  }
0x3f: {  	_ =	swait.ge [sflag:s19], $0x2780  }
0x40: {  	[sflag:s19] =	ssyncset.done $0x0  }
0x41: {  	[sflag:s19] =	ssyncadd.s32 $0xFFFFD880  }
0x42: {  	s30 =	simm.s32 $0x2800;
	[bflag:$0x0] =	sbarrier.arrive $0xFFFF  }
0x43: {  	[tilespmem:s18], [sflag:$0x1] =	stream.indirect.gather [hbm4b:s4+s21], $0x80, s30, s21, $0xb8;
	[tilespmem:$0x1D000] =	vst v63  }
0x44: {  	_ =	swait.ge [sflag:s22], $0x4000  }
0x45: {  	[sflag:s22] =	ssyncset.done $0x0  }
0x46: {  	s31 =	simm.s32 $0x0;
	[sflag:s22] =	ssyncadd.s32 $0xFFFFC000  }
0x47: {  	[spmem:s2] =	stream.indirect.scatter.add.f32 [tilespmem:s18], [sflag:$0x2], $0x80, s31, s21, $0xb8;
	[tilespmem:$0x1D000] =	vst v63  }
0x48: {  	_ =	swait.ge [sflag:s19], $0x4000  }
0x49: {  	s25 =	simm.s32 $0x400;
	s24 =	simm.s32 $0x80;
	[sflag:s19] =	ssyncset.done $0x0  }
.LBB2_4:
0x4a: {  	s26 =	sadd.s32 $0x2800, s24  }
0x4b: {  	[sflag:s19] =	ssyncadd.s32 $0xFFFFC000;
	s28 =	smov.u32 s25;
	s29 =	sadd.s32 $0x200, s25  }
0x4c: {  	[tilespmem:s18], [sflag:$0x1] =	stream.indirect.gather [hbm4b:s4+s21], $0x80, s26, s21, $0xb8;
	[tilespmem:$0x1D000] =	vst v63  }
0x4d: {  	p0 =	sne.s32 s25, $0x9C00;
	_ =	swait.ge [sflag:s22], $0x4000  }
.Ltmp1:
0x4e: {  	[sflag:s22] =	ssyncset.done $0x0;
	(pc) =	sbr.rel @p0 .LBB2_4-.Ltmp1, $4  }
0x4f: {  	[sflag:s22] =	ssyncadd.s32 $0xFFFFC000  }
0x50: {  	[spmem:s2] =	stream.indirect.scatter.add.f32 [tilespmem:s18], [sflag:$0x2], $0x80, s24, s21, $0xb8;
	[tilespmem:$0x1D000] =	vst v63  }
0x51: {  	_ =	swait.ge [sflag:s19], $0x4000  }
0x52: {  	s25 =	smov.u32 s29;
	s24 =	sshra.s32 s28, $0x2;
	[sflag:s19] =	ssyncset.done $0x0  }
0x53: {  	s25 =	sadd.s32 $0x2800, s24;
	[sflag:s19] =	ssyncadd.s32 $0xFFFFC000  }
0x54: {  	[tilespmem:s18], [sflag:$0x1] =	stream.indirect.gather [hbm4b:s4+s21], $0x80, s25, s21, $0xb8;
	[tilespmem:$0x1D000] =	vst v63  }
0x55: {  	_ =	swait.ge [sflag:s22], $0x4000  }
0x56: {  	[sflag:s22] =	ssyncset.done $0x0  }
0x57: {  	[sflag:s22] =	ssyncadd.s32 $0xFFFFC000  }
0x58: {  	[spmem:s2] =	stream.indirect.scatter.add.f32 [tilespmem:s18], [sflag:$0x2], $0x80, s24, s21, $0xb8;
	[tilespmem:$0x1D000] =	vst v63  }
0x59: {  	_ =	swait.ge [sflag:s19], $0x4000  }
0x5a: {  	[sflag:s19] =	ssyncset.done $0x0  }
0x5b: {  	[sflag:s19] =	ssyncadd.s32 $0xFFFFC000  }
0x5c: {  	[bflag:$0x0] =	sbarrier.arrive $0xFFFF  }
0x5d: {  	[tilespmem:s18], [sflag:$0x2] =	stream.linear.gather [spmem:s5], $0x4000, $0x38;
	[tilespmem:$0x1D000] =	vst v63  }
0x5e: {  	_ =	swait.ge [sflag:s19], $0x4000  }
0x5f: {  	[sflag:s19] =	ssyncset.done $0x0  }
0x60: {  	[sflag:s19] =	ssyncadd.s32 $0xFFFFC000  }
0x61: {  	[hbm4b:s12+s3] =	stream.linear.scatter [tilespmem:s18], [sflag:$0x2], $0x4000, $0x38;
	[tilespmem:$0x1D000] =	vst v63  }
0x62: {  	_ =	swait.ge [sflag:s19], $0x4000  }
0x63: {  	[sflag:s19] =	ssyncset.done $0x0  }
0x64: {  	[sflag:s19] =	ssyncadd.s32 $0xFFFFC000  }
0x65: {  	[tilespmem:s18], [sflag:$0x2] =	stream.linear.gather [spmem:s6], $0x4000, $0x38;
	[tilespmem:$0x1D000] =	vst v63  }
0x66: {  	_ =	swait.ge [sflag:s19], $0x4000  }
0x67: {  	[sflag:s19] =	ssyncset.done $0x0  }
0x68: {  	[sflag:s19] =	ssyncadd.s32 $0xFFFFC000  }
0x69: {  	[hbm4b:s13+s3] =	stream.linear.scatter [tilespmem:s18], [sflag:$0x2], $0x4000, $0x38;
	[tilespmem:$0x1D000] =	vst v63  }
0x6a: {  	_ =	swait.ge [sflag:s19], $0x4000  }
0x6b: {  	[sflag:s19] =	ssyncset.done $0x0  }
0x6c: {  	[sflag:s19] =	ssyncadd.s32 $0xFFFFC000  }
0x6d: {  	[tilespmem:s18], [sflag:$0x2] =	stream.linear.gather [spmem:s7], $0x4000, $0x38;
	[tilespmem:$0x1D000] =	vst v63  }
0x6e: {  	_ =	swait.ge [sflag:s19], $0x4000  }
0x6f: {  	[sflag:s19] =	ssyncset.done $0x0  }
0x70: {  	[sflag:s19] =	ssyncadd.s32 $0xFFFFC000  }
0x71: {  	[hbm4b:s14+s3] =	stream.linear.scatter [tilespmem:s18], [sflag:$0x2], $0x4000, $0x38;
	[tilespmem:$0x1D000] =	vst v63  }
0x72: {  	_ =	swait.ge [sflag:s19], $0x4000  }
0x73: {  	[sflag:s19] =	ssyncset.done $0x0  }
0x74: {  	[sflag:s19] =	ssyncadd.s32 $0xFFFFC000  }
0x75: {  	[tilespmem:s18], [sflag:$0x2] =	stream.linear.gather [spmem:s8], $0x4000, $0x38;
	[tilespmem:$0x1D000] =	vst v63  }
0x76: {  	_ =	swait.ge [sflag:s19], $0x4000  }
0x77: {  	[sflag:s19] =	ssyncset.done $0x0  }
0x78: {  	[sflag:s19] =	ssyncadd.s32 $0xFFFFC000  }
0x79: {  	[hbm4b:s15+s3] =	stream.linear.scatter [tilespmem:s18], [sflag:$0x2], $0x4000, $0x38;
	[tilespmem:$0x1D000] =	vst v63  }
0x7a: {  	_ =	swait.ge [sflag:s19], $0x4000  }
0x7b: {  	[sflag:s19] =	ssyncset.done $0x0  }
0x7c: {  	[sflag:s19] =	ssyncadd.s32 $0xFFFFC000  }
0x7d: {  	[tilespmem:s18], [sflag:$0x2] =	stream.linear.gather [spmem:s9], $0x4000, $0x38;
	[tilespmem:$0x1D000] =	vst v63  }
0x7e: {  	s23 =	sadd.s32 $0x1, s23;
	_ =	swait.ge [sflag:s19], $0x4000  }
0x7f: {  	p0 =	sne.s32 s23, s17;
	[sflag:s19] =	ssyncset.done $0x0  }
.Ltmp2:
0x80: {  	[sflag:s19] =	ssyncadd.s32 $0xFFFFC000;
	(pc) =	sbr.rel @p0 .LBB2_1-.Ltmp2, $4  }
0x81: {  	[hbm4b:s16+s3] =	stream.linear.scatter [tilespmem:s18], [sflag:$0x2], $0x4000, $0x38;
	[tilespmem:$0x1D000] =	vst v63  }
0x82: {  	_ =	swait.ge [sflag:s19], $0x4000  }
0x83: {  	[sflag:s19] =	ssyncset.done $0x0  }
0x84: {  	[sflag:s19] =	ssyncadd.s32 $0xFFFFC000  }
0x85: {  	_ =	sfence.sel $0x180000  }
0x86: {  	[bflag:$0x0] =	sbarrier.arrive $0xFFFF  }
0x87: {  	p0 =	sne.s32 s1, $0x0;
	_ =	strace $0x90000053  }
0x88: {  	s0 =	sadd.s32 @!p0 $0x100000, s0;
	[bflag:$0x2] =	sbarrier.arrive $0xFFFF  }
0x89: {  	[sflag:s0] =	ssyncadd.tile.s32 @!p0 $0x1;
	_ =	shalt  }
.Lfunc_end2:
_tile_overlayer_lowered:
.L_overlay_start_2:
0x8a: {  	(tag) =	ssettag $0x2  }
0x8b: {  	s0 =	rddreg [dreg:$0x0];
	s2 =	stileid.u32  }
0x8c: {  	s1 =	rddreg [dreg:$0x1];
	p0 =	sne.s32 s2, $0x0  }
0x8d: {  	s3 =	rddreg [dreg:$0x2];
	[bflag:$0x3] =	sbarrier.arrive $0xFFFF;
	s2 =	simm.s32 @!p0 $0x1C02  }
0x8e: {  	[timem:s3], [sflag:s2] =	dma.local @!p0 [hbm:s0], s1  }
0x8f: {  	s0 =	simm.s32 @!p0 $0x2  }
0x90: {  	_ =	swait.ge @!p0 [sflag:s0], s1  }
0x91: {  	s1 =	ssub.s32 @!p0 $0x0, s1;
	[sflag:s0] =	ssyncset.done @!p0 $0x0  }
0x92: {  	[sflag:s0] =	ssyncadd.s32 @!p0 s1  }
0x93: {  	[bflag:$0x3] =	sbarrier.arrive $0xFFFF  }
0x94: {  	_ =	shalt  }

</sc_bundles>
